<compile_context>
chip_gen: v7x
topology: tpu7x:2x2x1
jax: 0.10.2.dev20260603
libtpu: 0.0.44.dev20260713+nightly
codegen_flags: <defaults>
</compile_context>

<pallas_src>
import functools

import jax
import jax.numpy as jnp
from jax import lax
from jax.experimental import pallas as pl
from jax.experimental.pallas import tpu as pltpu
from jax.experimental.pallas import tpu_sc as plsc

N = 10000
E = 320000
D = 128
H = 128
C = 2
G = 128

NC = 2
NS = 16
DH = D // NC
K = 128
CH = 160
SEG = 32
NSEG = CH // SEG
EP = NS * CH * K
NP = 10240
RPT = NP // NS
R = 512
NBLK = NP // R

_SPMEM_SLOT = (
    (True, False),
    (True, False),
    (False, False),
    (True, False),
    (True, False),
)


def _sc_body(xs_hbm, src_hbm, dst_hbm, agg_hbm, deg_hbm,
             srcv, dstv, msg, dsrc, xtab, agg_s, deg_s,
             semg0, semg1, semi, semj):
    c = lax.axis_index("c")
    s = lax.axis_index("s")
    base = s * RPT

    for k in range(RPT // K):
        pltpu.sync_copy(xs_hbm.at[pl.ds(c * NP + base + k * K, K)], msg.at[0])
        pltpu.sync_copy(msg.at[0], xtab.at[pl.ds(base + k * K, K)])

    zero16 = jnp.zeros((16,), jnp.float32)
    sixteenth16 = jnp.full((16,), 1.0 / 16.0, jnp.float32)

    def _zero_msg_row(r, carry):
        for k in range(DH // 16):
            msg[0, r, pl.ds(k * 16, 16)] = zero16
        return carry
    lax.fori_loop(0, K, _zero_msg_row, 0)

    def _zero_dsrc(r, carry):
        dsrc[r, pl.ds(0, 16)] = zero16
        return carry
    lax.fori_loop(0, K, _zero_dsrc, 0)

    for k in range(RPT // K):
        pltpu.sync_copy(msg.at[0], agg_s.at[pl.ds(base + k * K, K)])
        pltpu.sync_copy(dsrc, deg_s.at[pl.ds(base + k * K, K)])

    def _fill_dsrc(r, carry):
        dsrc[r, pl.ds(0, 16)] = sixteenth16
        return carry
    lax.fori_loop(0, K, _fill_dsrc, 0)

    pltpu.sync_copy(src_hbm.at[c, s, pl.ds(0, SEG)], srcv.at[0])
    pltpu.sync_copy(dst_hbm.at[s, pl.ds(0, SEG)], dstv.at[0])

    plsc.subcore_barrier()

    semg = (semg0, semg1)

    def _pair(tabs, qb, jj, issue_next):
        for b in range(2):
            j = jj * 2 + b
            tab = tabs[b]
            pltpu.make_async_copy(
                tab.at[srcv.at[qb, j]], msg.at[b], semg[b]).wait()
            pltpu.sync_copy(msg.at[b], agg_s.at[dstv.at[qb, j]], add=True)
            if issue_next:
                pltpu.async_copy(tab.at[srcv.at[qb, j + 2]], msg.at[b],
                                 semg[b])

            @pl.when(c == b)
            def _():
                pltpu.sync_copy(dsrc, deg_s.at[dstv.at[qb, j]], add=True)

    for q in range(NSEG):
        qb = q % 2
        tabs = tuple(xtab if sp else xs_hbm for sp in _SPMEM_SLOT[q])
        pltpu.async_copy(tabs[0].at[srcv.at[qb, 0]], msg.at[0], semg0)
        pltpu.async_copy(tabs[1].at[srcv.at[qb, 1]], msg.at[1], semg1)
        if q + 1 < NSEG:
            pltpu.async_copy(src_hbm.at[c, s, pl.ds((q + 1) * SEG, SEG)],
                             srcv.at[1 - qb], semi)
            pltpu.async_copy(dst_hbm.at[s, pl.ds((q + 1) * SEG, SEG)],
                             dstv.at[1 - qb], semj)

        def _lp(jj, carry, tabs=tabs, qb=qb):
            _pair(tabs, qb, jj, True)
            return carry
        lax.fori_loop(0, SEG // 2 - 1, _lp, 0)
        _pair(tabs, qb, SEG // 2 - 1, False)

        if q + 1 < NSEG:
            pltpu.make_async_copy(
                src_hbm.at[c, s, pl.ds((q + 1) * SEG, SEG)],
                srcv.at[1 - qb], semi).wait()
            pltpu.make_async_copy(
                dst_hbm.at[s, pl.ds((q + 1) * SEG, SEG)],
                dstv.at[1 - qb], semj).wait()

    plsc.subcore_barrier()

    pltpu.sync_copy(agg_s.at[pl.ds(base, RPT)],
                    agg_hbm.at[c, pl.ds(base, RPT)])
    pltpu.sync_copy(deg_s.at[pl.ds(base, RPT)],
                    deg_hbm.at[c, pl.ds(base, RPT)])


@functools.cache
def _sc_edge_agg():
    return pl.kernel(
        _sc_body,
        mesh=plsc.VectorSubcoreMesh(core_axis_name="c", subcore_axis_name="s"),
        compiler_params=pltpu.CompilerParams(use_tc_tiling_on_sc=False),
        out_type=(
            jax.ShapeDtypeStruct((NC, NP, DH), jnp.float32),
            jax.ShapeDtypeStruct((NC, NP, 16), jnp.float32),
        ),
        scratch_types=(
            pltpu.VMEM((2, SEG, K), jnp.int32),
            pltpu.VMEM((2, SEG, K), jnp.int32),
            pltpu.VMEM((2, K, DH), jnp.float32),
            pltpu.VMEM((K, 16), jnp.float32),
            pltpu.VMEM_SHARED((NP, DH), jnp.float32),
            pltpu.VMEM_SHARED((NP, DH), jnp.float32),
            pltpu.VMEM_SHARED((NP, 16), jnp.float32),
            pltpu.SemaphoreType.DMA,
            pltpu.SemaphoreType.DMA,
            pltpu.SemaphoreType.DMA,
            pltpu.SemaphoreType.DMA,
        ),
    )


def _tc_body(agg_ref, deg_ref, x_ref, batch_ref, wl_ref, wr_ref, bl_ref,
             w2_ref, b2_ref, out_ref, acc_ref):
    i = pl.program_id(0)

    @pl.when(i == 0)
    def _():
        acc_ref[...] = jnp.full((G, H), -jnp.inf, jnp.float32)

    deg = jnp.sum(deg_ref[0] + deg_ref[1], axis=1, keepdims=True)
    inv = 1.0 / jnp.maximum(deg, 1.0)
    mean0 = agg_ref[0] * inv
    mean1 = agg_ref[1] * inv
    hpre = (
        jnp.dot(mean0, wl_ref[pl.ds(0, DH), :],
                preferred_element_type=jnp.float32,
                precision=lax.Precision.HIGHEST)
        + jnp.dot(mean1, wl_ref[pl.ds(DH, DH), :],
                  preferred_element_type=jnp.float32,
                  precision=lax.Precision.HIGHEST)
        + jnp.dot(x_ref[...], wr_ref[...], preferred_element_type=jnp.float32,
                  precision=lax.Precision.HIGHEST)
        + bl_ref[...]
    )
    h = jnp.maximum(hpre, 0.0)

    b = batch_ref[0]
    rows = i * R + lax.broadcasted_iota(jnp.int32, (R, 1), 0)
    valid = rows < N
    neg = jnp.float32(-jnp.inf)
    glo = jnp.min(b)
    ghi = jnp.max(b)

    def _seg(g, carry):
        m = jnp.logical_and(b == g, valid)
        part = jnp.max(jnp.where(m, h, neg), axis=0, keepdims=True)
        acc_ref[pl.ds(g, 1), :] = jnp.maximum(acc_ref[pl.ds(g, 1), :], part)
        return carry
    lax.fori_loop(glo, ghi + 1, _seg, 0)

    @pl.when(i == NBLK - 1)
    def _():
        pooled = acc_ref[...]
        logits = lax.dot_general(
            pooled, w2_ref[...], (((1,), (1,)), ((), ())),
            preferred_element_type=jnp.float32,
            precision=lax.Precision.HIGHEST,
        ) + b2_ref[...]
        mx = jnp.max(logits, axis=1, keepdims=True)
        lse = jnp.log(jnp.sum(jnp.exp(logits - mx), axis=1, keepdims=True)) + mx
        out_ref[...] = logits - lse


_tc_head = pl.pallas_call(
    _tc_body,
    grid=(NBLK,),
    in_specs=[
        pl.BlockSpec((NC, R, DH), lambda i: (0, i, 0)),
        pl.BlockSpec((NC, R, 16), lambda i: (0, i, 0)),
        pl.BlockSpec((R, D), lambda i: (i, 0)),
        pl.BlockSpec((1, R, 1), lambda i: (i, 0, 0)),
        pl.BlockSpec((D, H), lambda i: (0, 0)),
        pl.BlockSpec((D, H), lambda i: (0, 0)),
        pl.BlockSpec((1, H), lambda i: (0, 0)),
        pl.BlockSpec((C, H), lambda i: (0, 0)),
        pl.BlockSpec((1, C), lambda i: (0, 0)),
    ],
    out_specs=pl.BlockSpec((G, C), lambda i: (0, 0)),
    out_shape=jax.ShapeDtypeStruct((G, C), jnp.float32),
    scratch_shapes=[pltpu.VMEM((G, H), jnp.float32)],
)


def kernel(x, edge_index, batch, W_l, b_l, W_r, W2, b2):
    src = edge_index[0]
    dst = edge_index[1]
    pad = EP - E
    src1 = jnp.concatenate(
        [src, jnp.zeros((pad,), jnp.int32)]).reshape(NS, CH, K)
    hbm_chunk = jnp.asarray(
        [0 if _SPMEM_SLOT[j // SEG][j % 2] else 1 for j in range(CH)],
        dtype=jnp.int32)[None, None, :, None]
    coff = NP * jnp.arange(NC, dtype=jnp.int32)[:, None, None, None]
    srcp = src1[None] + hbm_chunk * coff
    dstp = jnp.concatenate(
        [dst, jnp.full((pad,), N, jnp.int32)]).reshape(NS, CH, K)
    xp = jnp.pad(x, ((0, NP - N), (0, 0)))
    xs = jnp.concatenate([xp[:, :DH], xp[:, DH:]], axis=0)
    agg, deg = _sc_edge_agg()(xs, srcp, dstp)
    batch3 = jnp.concatenate(
        [batch, jnp.full((NP - N,), G - 1, jnp.int32)]).reshape(NBLK, R, 1)
    return _tc_head(agg, deg, xp, batch3, W_l.T, W_r.T,
                    b_l.reshape(1, H), W2, b2.reshape(1, C))

# --- scband reference (transcript-rebuilt; emitter-appended) ---
"""Pipeline reference for scband-upfd-gnn-43542378447076 (READ-ONLY COPY).

The authoritative reference and input builder live on the scoring server;
editing this copy changes nothing except your own understanding.
"""

import jax, jax.numpy as jnp
import numpy as np

N = 10000
E = 320000
D = 128
H = 128
C = 2
G = 128


def setup_inputs(seed: int = 0) -> dict:
    key = jax.random.key(seed)
    ks = jax.random.split(key, 9)
    x = jax.random.normal(ks[0], (N, D), dtype=jnp.float32)
    edge_index = jax.random.randint(ks[1], (2, E), 0, N, dtype=jnp.int32)
    batch = jnp.sort(jax.random.randint(ks[2], (N,), 0, G, dtype=jnp.int32))
    # SAGEConv params: lin_l applied to mean-aggregated neighbors (with bias),
    # lin_r applied to root features (no bias) -- PyG SAGEConv defaults.
    W_l = jax.random.normal(ks[3], (H, D), dtype=jnp.float32) * 0.05
    b_l = jnp.zeros((H,), dtype=jnp.float32)
    W_r = jax.random.normal(ks[4], (H, D), dtype=jnp.float32) * 0.05
    # final classifier lin2
    W2 = jax.random.normal(ks[5], (C, H), dtype=jnp.float32) * 0.05
    b2 = jnp.zeros((C,), dtype=jnp.float32)
    return {"x": x, "edge_index": edge_index, "batch": batch,
            "W_l": W_l, "b_l": b_l, "W_r": W_r, "W2": W2, "b2": b2}


def reference(x, edge_index, batch, W_l, b_l, W_r, W2, b2):
    src = edge_index[0]
    dst = edge_index[1]
    # SAGEConv with mean aggregation: gather source features, scatter-mean to dst
    msg = jnp.take(x, src, axis=0)
    agg = jax.ops.segment_sum(msg, dst, num_segments=N)
    deg = jax.ops.segment_sum(jnp.ones((E,), dtype=x.dtype), dst, num_segments=N)
    mean = agg / jnp.clip(deg, 1.0, None)[:, None]
    h = mean @ W_l.T + b_l + x @ W_r.T
    h = jax.nn.relu(h)
    # global max pool over graphs in batch
    pooled = jax.ops.segment_max(h, batch, num_segments=G)
    logits = pooled @ W2.T + b2
    return jax.nn.log_softmax(logits, axis=-1)

if __name__ == "__main__":
    import jax
    _d = setup_inputs()
    print(jax.jit(kernel)(*tuple(_d.values())))

</pallas_src>

<mosaic_0001>
#map = affine_map<(d0, d1) -> (0, 0)>
#map1 = affine_map<(d0, d1) -> (0, 0, 0, 0)>
#map2 = affine_map<(d0, d1) -> (0, 0, 0)>
module attributes {stable_mosaic.version = 14 : i64} {
  func.func @_sc_body(%arg0: i32, %arg1: i32, %arg2: memref<20480x64xf32, #tpu.memory_space<hbm>>, %arg3: memref<2x16x160x128xi32, #tpu.memory_space<hbm>>, %arg4: memref<16x160x128xi32, #tpu.memory_space<hbm>>, %arg5: memref<2x10240x64xf32, #tpu.memory_space<hbm>>, %arg6: memref<2x10240x16xf32, #tpu.memory_space<hbm>>, %arg7: memref<2x32x128xi32, #tpu.memory_space<vmem>>, %arg8: memref<2x32x128xi32, #tpu.memory_space<vmem>>, %arg9: memref<2x128x64xf32, #tpu.memory_space<vmem>>, %arg10: memref<128x16xf32, #tpu.memory_space<vmem>>, %arg11: memref<10240x64xf32, #tpu.memory_space<vmem_shared>>, %arg12: memref<10240x64xf32, #tpu.memory_space<vmem_shared>>, %arg13: memref<10240x16xf32, #tpu.memory_space<vmem_shared>>, %arg14: memref<!tpu.dma_semaphore, #tpu.memory_space<semaphore_mem>>, %arg15: memref<!tpu.dma_semaphore, #tpu.memory_space<semaphore_mem>>, %arg16: memref<!tpu.dma_semaphore, #tpu.memory_space<semaphore_mem>>, %arg17: memref<!tpu.dma_semaphore, #tpu.memory_space<semaphore_mem>>) attributes {dimension_semantics = [#tpu.dimension_semantics<core_parallel>, #tpu.dimension_semantics<subcore_parallel>], iteration_bounds = array<i64: 2, 16>, scalar_prefetch = 0 : i64, scratch_operands = 11 : i64, tpu.core_type = #tpu.core_type<sc_vector_subcore>, window_params = [{transform_indices = #map}, {transform_indices = #map1}, {transform_indices = #map2}, {transform_indices = #map2}, {transform_indices = #map2}]} {
    %mul3A = arith.constant 640 : i32
    %mul3A_0 = arith.muli %arg1, %mul3A : i32
    %mul3A_1 = arith.constant 10240 : i32
    %mul3A_2 = arith.muli %arg0, %mul3A_1 : i32
    %add3A = arith.addi %mul3A_2, %mul3A_0 : i32
    %add3A_3 = arith.constant 0 : i32
    %add3A_4 = arith.addi %add3A, %add3A_3 : i32
    %run_scoped3A = arith.constant 0 : i32
    "tpu.region"() ({
      %run_scoped3A_729 = tpu.sem_alloc : memref<!tpu.dma_semaphore, #tpu.memory_space<semaphore_mem>>
      %dma_start3A_730 = arith.constant 0 : i32
      %dma_start3A_731 = arith.constant 0 : i32
      %dma_start3A_732 = tpu.memref_slice %arg9[%run_scoped3A, %dma_start3A_730, %dma_start3A_731] : memref<2x128x64xf32, #tpu.memory_space<vmem>> -> memref<1x128x64xf32, #tpu.memory_space<vmem>>
      %dma_start3A_733 = tpu.memref_squeeze %dma_start3A_732 : memref<1x128x64xf32, #tpu.memory_space<vmem>> -> memref<128x64xf32, #tpu.memory_space<vmem>>
      %dma_start3A_734 = arith.constant 0 : i32
      %dma_start3A_735 = tpu.memref_slice %arg2[%add3A_4, %dma_start3A_734] : memref<20480x64xf32, #tpu.memory_space<hbm>> -> memref<128x64xf32, #tpu.memory_space<hbm>>
      %dma_start3A_736 = arith.constant 0 : i32
      %dma_start3A_737 = arith.constant 0 : i32
      %dma_start3A_738 = tpu.memref_slice %arg9[%run_scoped3A, %dma_start3A_736, %dma_start3A_737] : memref<2x128x64xf32, #tpu.memory_space<vmem>> -> memref<1x128x64xf32, #tpu.memory_space<vmem>>
      %dma_start3A_739 = tpu.memref_squeeze %dma_start3A_738 : memref<1x128x64xf32, #tpu.memory_space<vmem>> -> memref<128x64xf32, #tpu.memory_space<vmem>>
      %dma_start3A_740 = arith.constant 0 : i32
      %dma_start3A_741 = tpu.memref_slice %arg2[%add3A_4, %dma_start3A_740] : memref<20480x64xf32, #tpu.memory_space<hbm>> -> memref<128x64xf32, #tpu.memory_space<hbm>>
      tpu.enqueue_dma source(%dma_start3A_741 : memref<128x64xf32, #tpu.memory_space<hbm>>) target(%dma_start3A_739 : memref<128x64xf32, #tpu.memory_space<vmem>>) target_semaphore(%run_scoped3A_729 : memref<!tpu.dma_semaphore, #tpu.memory_space<semaphore_mem>>)
      %dma_wait3A_742 = arith.constant 0 : i32
      %dma_wait3A_743 = arith.constant 0 : i32
      %dma_wait3A_744 = tpu.memref_slice %arg9[%run_scoped3A, %dma_wait3A_742, %dma_wait3A_743] : memref<2x128x64xf32, #tpu.memory_space<vmem>> -> memref<1x128x64xf32, #tpu.memory_space<vmem>>
      %dma_wait3A_745 = tpu.memref_squeeze %dma_wait3A_744 : memref<1x128x64xf32, #tpu.memory_space<vmem>> -> memref<128x64xf32, #tpu.memory_space<vmem>>
      %dma_wait3A_746 = arith.constant 0 : i32
      %dma_wait3A_747 = tpu.memref_slice %arg2[%add3A_4, %dma_wait3A_746] : memref<20480x64xf32, #tpu.memory_space<hbm>> -> memref<128x64xf32, #tpu.memory_space<hbm>>
      %dma_wait3A_748 = arith.constant 0 : i32
      %dma_wait3A_749 = arith.constant 0 : i32
      %dma_wait3A_750 = tpu.memref_slice %arg9[%run_scoped3A, %dma_wait3A_748, %dma_wait3A_749] : memref<2x128x64xf32, #tpu.memory_space<vmem>> -> memref<1x128x64xf32, #tpu.memory_space<vmem>>
      %dma_wait3A_751 = tpu.memref_squeeze %dma_wait3A_750 : memref<1x128x64xf32, #tpu.memory_space<vmem>> -> memref<128x64xf32, #tpu.memory_space<vmem>>
      %dma_wait3A_752 = arith.constant 0 : i32
      %dma_wait3A_753 = tpu.memref_slice %arg2[%add3A_4, %dma_wait3A_752] : memref<20480x64xf32, #tpu.memory_space<hbm>> -> memref<128x64xf32, #tpu.memory_space<hbm>>
      tpu.wait_dma2 semaphore(%run_scoped3A_729 : memref<!tpu.dma_semaphore, #tpu.memory_space<semaphore_mem>>) src(%dma_wait3A_753 : memref<128x64xf32, #tpu.memory_space<hbm>>) dst(%dma_wait3A_751 : memref<128x64xf32, #tpu.memory_space<vmem>>)
      tpu.yield
    }) : () -> ()
    %add3A_5 = arith.constant 0 : i32
    %add3A_6 = arith.addi %mul3A_0, %add3A_5 : i32
    %run_scoped3A_7 = arith.constant 0 : i32
    "tpu.region"() ({
      %run_scoped3A_729 = tpu.sem_alloc : memref<!tpu.dma_semaphore, #tpu.memory_space<semaphore_mem>>
      %dma_start3A_730 = arith.constant 0 : i32
      %dma_start3A_731 = arith.constant 0 : i32
      %dma_start3A_732 = tpu.memref_slice %arg9[%run_scoped3A_7, %dma_start3A_730, %dma_start3A_731] : memref<2x128x64xf32, #tpu.memory_space<vmem>> -> memref<1x128x64xf32, #tpu.memory_space<vmem>>
      %dma_start3A_733 = tpu.memref_squeeze %dma_start3A_732 : memref<1x128x64xf32, #tpu.memory_space<vmem>> -> memref<128x64xf32, #tpu.memory_space<vmem>>
      %dma_start3A_734 = arith.constant 0 : i32
      %dma_start3A_735 = tpu.memref_slice %arg11[%add3A_6, %dma_start3A_734] : memref<10240x64xf32, #tpu.memory_space<vmem_shared>> -> memref<128x64xf32, #tpu.memory_space<vmem_shared>>
      %dma_start3A_736 = arith.constant 0 : i32
      %dma_start3A_737 = tpu.memref_slice %arg11[%add3A_6, %dma_start3A_736] : memref<10240x64xf32, #tpu.memory_space<vmem_shared>> -> memref<128x64xf32, #tpu.memory_space<vmem_shared>>
      %dma_start3A_738 = arith.constant 0 : i32
      %dma_start3A_739 = arith.constant 0 : i32
      %dma_start3A_740 = tpu.memref_slice %arg9[%run_scoped3A_7, %dma_start3A_738, %dma_start3A_739] : memref<2x128x64xf32, #tpu.memory_space<vmem>> -> memref<1x128x64xf32, #tpu.memory_space<vmem>>
      %dma_start3A_741 = tpu.memref_squeeze %dma_start3A_740 : memref<1x128x64xf32, #tpu.memory_space<vmem>> -> memref<128x64xf32, #tpu.memory_space<vmem>>
      tpu.enqueue_dma source(%dma_start3A_741 : memref<128x64xf32, #tpu.memory_space<vmem>>) target(%dma_start3A_737 : memref<128x64xf32, #tpu.memory_space<vmem_shared>>) target_semaphore(%run_scoped3A_729 : memref<!tpu.dma_semaphore, #tpu.memory_space<semaphore_mem>>)
      %dma_wait3A_742 = arith.constant 0 : i32
      %dma_wait3A_743 = arith.constant 0 : i32
      %dma_wait3A_744 = tpu.memref_slice %arg9[%run_scoped3A_7, %dma_wait3A_742, %dma_wait3A_743] : memref<2x128x64xf32, #tpu.memory_space<vmem>> -> memref<1x128x64xf32, #tpu.memory_space<vmem>>
      %dma_wait3A_745 = tpu.memref_squeeze %dma_wait3A_744 : memref<1x128x64xf32, #tpu.memory_space<vmem>> -> memref<128x64xf32, #tpu.memory_space<vmem>>
      %dma_wait3A_746 = arith.constant 0 : i32
      %dma_wait3A_747 = tpu.memref_slice %arg11[%add3A_6, %dma_wait3A_746] : memref<10240x64xf32, #tpu.memory_space<vmem_shared>> -> memref<128x64xf32, #tpu.memory_space<vmem_shared>>
      %dma_wait3A_748 = arith.constant 0 : i32
      %dma_wait3A_749 = tpu.memref_slice %arg11[%add3A_6, %dma_wait3A_748] : memref<10240x64xf32, #tpu.memory_space<vmem_shared>> -> memref<128x64xf32, #tpu.memory_space<vmem_shared>>
      %dma_wait3A_750 = arith.constant 0 : i32
      %dma_wait3A_751 = arith.constant 0 : i32
      %dma_wait3A_752 = tpu.memref_slice %arg9[%run_scoped3A_7, %dma_wait3A_750, %dma_wait3A_751] : memref<2x128x64xf32, #tpu.memory_space<vmem>> -> memref<1x128x64xf32, #tpu.memory_space<vmem>>
      %dma_wait3A_753 = tpu.memref_squeeze %dma_wait3A_752 : memref<1x128x64xf32, #tpu.memory_space<vmem>> -> memref<128x64xf32, #tpu.memory_space<vmem>>
      tpu.wait_dma2 semaphore(%run_scoped3A_729 : memref<!tpu.dma_semaphore, #tpu.memory_space<semaphore_mem>>) src(%dma_wait3A_753 : memref<128x64xf32, #tpu.memory_space<vmem>>) dst(%dma_wait3A_749 : memref<128x64xf32, #tpu.memory_space<vmem_shared>>)
      tpu.yield
    }) : () -> ()
    %mul3A_8 = arith.constant 10240 : i32
    %mul3A_9 = arith.muli %arg0, %mul3A_8 : i32
    %add3A_10 = arith.addi %mul3A_9, %mul3A_0 : i32
    %add3A_11 = arith.constant 128 : i32
    %add3A_12 = arith.addi %add3A_10, %add3A_11 : i32
    %run_scoped3A_13 = arith.constant 0 : i32
    "tpu.region"() ({
      %run_scoped3A_729 = tpu.sem_alloc : memref<!tpu.dma_semaphore, #tpu.memory_space<semaphore_mem>>
      %dma_start3A_730 = arith.constant 0 : i32
      %dma_start3A_731 = arith.constant 0 : i32
      %dma_start3A_732 = tpu.memref_slice %arg9[%run_scoped3A_13, %dma_start3A_730, %dma_start3A_731] : memref<2x128x64xf32, #tpu.memory_space<vmem>> -> memref<1x128x64xf32, #tpu.memory_space<vmem>>
      %dma_start3A_733 = tpu.memref_squeeze %dma_start3A_732 : memref<1x128x64xf32, #tpu.memory_space<vmem>> -> memref<128x64xf32, #tpu.memory_space<vmem>>
      %dma_start3A_734 = arith.constant 0 : i32
      %dma_start3A_735 = tpu.memref_slice %arg2[%add3A_12, %dma_start3A_734] : memref<20480x64xf32, #tpu.memory_space<hbm>> -> memref<128x64xf32, #tpu.memory_space<hbm>>
      %dma_start3A_736 = arith.constant 0 : i32
      %dma_start3A_737 = arith.constant 0 : i32
      %dma_start3A_738 = tpu.memref_slice %arg9[%run_scoped3A_13, %dma_start3A_736, %dma_start3A_737] : memref<2x128x64xf32, #tpu.memory_space<vmem>> -> memref<1x128x64xf32, #tpu.memory_space<vmem>>
      %dma_start3A_739 = tpu.memref_squeeze %dma_start3A_738 : memref<1x128x64xf32, #tpu.memory_space<vmem>> -> memref<128x64xf32, #tpu.memory_space<vmem>>
      %dma_start3A_740 = arith.constant 0 : i32
      %dma_start3A_741 = tpu.memref_slice %arg2[%add3A_12, %dma_start3A_740] : memref<20480x64xf32, #tpu.memory_space<hbm>> -> memref<128x64xf32, #tpu.memory_space<hbm>>
      tpu.enqueue_dma source(%dma_start3A_741 : memref<128x64xf32, #tpu.memory_space<hbm>>) target(%dma_start3A_739 : memref<128x64xf32, #tpu.memory_space<vmem>>) target_semaphore(%run_scoped3A_729 : memref<!tpu.dma_semaphore, #tpu.memory_space<semaphore_mem>>)
      %dma_wait3A_742 = arith.constant 0 : i32
      %dma_wait3A_743 = arith.constant 0 : i32
      %dma_wait3A_744 = tpu.memref_slice %arg9[%run_scoped3A_13, %dma_wait3A_742, %dma_wait3A_743] : memref<2x128x64xf32, #tpu.memory_space<vmem>> -> memref<1x128x64xf32, #tpu.memory_space<vmem>>
      %dma_wait3A_745 = tpu.memref_squeeze %dma_wait3A_744 : memref<1x128x64xf32, #tpu.memory_space<vmem>> -> memref<128x64xf32, #tpu.memory_space<vmem>>
      %dma_wait3A_746 = arith.constant 0 : i32
      %dma_wait3A_747 = tpu.memref_slice %arg2[%add3A_12, %dma_wait3A_746] : memref<20480x64xf32, #tpu.memory_space<hbm>> -> memref<128x64xf32, #tpu.memory_space<hbm>>
      %dma_wait3A_748 = arith.constant 0 : i32
      %dma_wait3A_749 = arith.constant 0 : i32
      %dma_wait3A_750 = tpu.memref_slice %arg9[%run_scoped3A_13, %dma_wait3A_748, %dma_wait3A_749] : memref<2x128x64xf32, #tpu.memory_space<vmem>> -> memref<1x128x64xf32, #tpu.memory_space<vmem>>
      %dma_wait3A_751 = tpu.memref_squeeze %dma_wait3A_750 : memref<1x128x64xf32, #tpu.memory_space<vmem>> -> memref<128x64xf32, #tpu.memory_space<vmem>>
      %dma_wait3A_752 = arith.constant 0 : i32
      %dma_wait3A_753 = tpu.memref_slice %arg2[%add3A_12, %dma_wait3A_752] : memref<20480x64xf32, #tpu.memory_space<hbm>> -> memref<128x64xf32, #tpu.memory_space<hbm>>
      tpu.wait_dma2 semaphore(%run_scoped3A_729 : memref<!tpu.dma_semaphore, #tpu.memory_space<semaphore_mem>>) src(%dma_wait3A_753 : memref<128x64xf32, #tpu.memory_space<hbm>>) dst(%dma_wait3A_751 : memref<128x64xf32, #tpu.memory_space<vmem>>)
      tpu.yield
    }) : () -> ()
    %add3A_14 = arith.constant 128 : i32
    %add3A_15 = arith.addi %mul3A_0, %add3A_14 : i32
    %run_scoped3A_16 = arith.constant 0 : i32
    "tpu.region"() ({
      %run_scoped3A_729 = tpu.sem_alloc : memref<!tpu.dma_semaphore, #tpu.memory_space<semaphore_mem>>
      %dma_start3A_730 = arith.constant 0 : i32
      %dma_start3A_731 = arith.constant 0 : i32
      %dma_start3A_732 = tpu.memref_slice %arg9[%run_scoped3A_16, %dma_start3A_730, %dma_start3A_731] : memref<2x128x64xf32, #tpu.memory_space<vmem>> -> memref<1x128x64xf32, #tpu.memory_space<vmem>>
      %dma_start3A_733 = tpu.memref_squeeze %dma_start3A_732 : memref<1x128x64xf32, #tpu.memory_space<vmem>> -> memref<128x64xf32, #tpu.memory_space<vmem>>
      %dma_start3A_734 = arith.constant 0 : i32
      %dma_start3A_735 = tpu.memref_slice %arg11[%add3A_15, %dma_start3A_734] : memref<10240x64xf32, #tpu.memory_space<vmem_shared>> -> memref<128x64xf32, #tpu.memory_space<vmem_shared>>
      %dma_start3A_736 = arith.constant 0 : i32
      %dma_start3A_737 = tpu.memref_slice %arg11[%add3A_15, %dma_start3A_736] : memref<10240x64xf32, #tpu.memory_space<vmem_shared>> -> memref<128x64xf32, #tpu.memory_space<vmem_shared>>
      %dma_start3A_738 = arith.constant 0 : i32
      %dma_start3A_739 = arith.constant 0 : i32
      %dma_start3A_740 = tpu.memref_slice %arg9[%run_scoped3A_16, %dma_start3A_738, %dma_start3A_739] : memref<2x128x64xf32, #tpu.memory_space<vmem>> -> memref<1x128x64xf32, #tpu.memory_space<vmem>>
      %dma_start3A_741 = tpu.memref_squeeze %dma_start3A_740 : memref<1x128x64xf32, #tpu.memory_space<vmem>> -> memref<128x64xf32, #tpu.memory_space<vmem>>
      tpu.enqueue_dma source(%dma_start3A_741 : memref<128x64xf32, #tpu.memory_space<vmem>>) target(%dma_start3A_737 : memref<128x64xf32, #tpu.memory_space<vmem_shared>>) target_semaphore(%run_scoped3A_729 : memref<!tpu.dma_semaphore, #tpu.memory_space<semaphore_mem>>)
      %dma_wait3A_742 = arith.constant 0 : i32
      %dma_wait3A_743 = arith.constant 0 : i32
      %dma_wait3A_744 = tpu.memref_slice %arg9[%run_scoped3A_16, %dma_wait3A_742, %dma_wait3A_743] : memref<2x128x64xf32, #tpu.memory_space<vmem>> -> memref<1x128x64xf32, #tpu.memory_space<vmem>>
      %dma_wait3A_745 = tpu.memref_squeeze %dma_wait3A_744 : memref<1x128x64xf32, #tpu.memory_space<vmem>> -> memref<128x64xf32, #tpu.memory_space<vmem>>
      %dma_wait3A_746 = arith.constant 0 : i32
      %dma_wait3A_747 = tpu.memref_slice %arg11[%add3A_15, %dma_wait3A_746] : memref<10240x64xf32, #tpu.memory_space<vmem_shared>> -> memref<128x64xf32, #tpu.memory_space<vmem_shared>>
      %dma_wait3A_748 = arith.constant 0 : i32
      %dma_wait3A_749 = tpu.memref_slice %arg11[%add3A_15, %dma_wait3A_748] : memref<10240x64xf32, #tpu.memory_space<vmem_shared>> -> memref<128x64xf32, #tpu.memory_space<vmem_shared>>
      %dma_wait3A_750 = arith.constant 0 : i32
      %dma_wait3A_751 = arith.constant 0 : i32
      %dma_wait3A_752 = tpu.memref_slice %arg9[%run_scoped3A_16, %dma_wait3A_750, %dma_wait3A_751] : memref<2x128x64xf32, #tpu.memory_space<vmem>> -> memref<1x128x64xf32, #tpu.memory_space<vmem>>
      %dma_wait3A_753 = tpu.memref_squeeze %dma_wait3A_752 : memref<1x128x64xf32, #tpu.memory_space<vmem>> -> memref<128x64xf32, #tpu.memory_space<vmem>>
      tpu.wait_dma2 semaphore(%run_scoped3A_729 : memref<!tpu.dma_semaphore, #tpu.memory_space<semaphore_mem>>) src(%dma_wait3A_753 : memref<128x64xf32, #tpu.memory_space<vmem>>) dst(%dma_wait3A_749 : memref<128x64xf32, #tpu.memory_space<vmem_shared>>)
      tpu.yield
    }) : () -> ()
    %mul3A_17 = arith.constant 10240 : i32
    %mul3A_18 = arith.muli %arg0, %mul3A_17 : i32
    %add3A_19 = arith.addi %mul3A_18, %mul3A_0 : i32
    %add3A_20 = arith.constant 256 : i32
    %add3A_21 = arith.addi %add3A_19, %add3A_20 : i32
    %run_scoped3A_22 = arith.constant 0 : i32
    "tpu.region"() ({
      %run_scoped3A_729 = tpu.sem_alloc : memref<!tpu.dma_semaphore, #tpu.memory_space<semaphore_mem>>
      %dma_start3A_730 = arith.constant 0 : i32
      %dma_start3A_731 = arith.constant 0 : i32
      %dma_start3A_732 = tpu.memref_slice %arg9[%run_scoped3A_22, %dma_start3A_730, %dma_start3A_731] : memref<2x128x64xf32, #tpu.memory_space<vmem>> -> memref<1x128x64xf32, #tpu.memory_space<vmem>>
      %dma_start3A_733 = tpu.memref_squeeze %dma_start3A_732 : memref<1x128x64xf32, #tpu.memory_space<vmem>> -> memref<128x64xf32, #tpu.memory_space<vmem>>
      %dma_start3A_734 = arith.constant 0 : i32
      %dma_start3A_735 = tpu.memref_slice %arg2[%add3A_21, %dma_start3A_734] : memref<20480x64xf32, #tpu.memory_space<hbm>> -> memref<128x64xf32, #tpu.memory_space<hbm>>
      %dma_start3A_736 = arith.constant 0 : i32
      %dma_start3A_737 = arith.constant 0 : i32
      %dma_start3A_738 = tpu.memref_slice %arg9[%run_scoped3A_22, %dma_start3A_736, %dma_start3A_737] : memref<2x128x64xf32, #tpu.memory_space<vmem>> -> memref<1x128x64xf32, #tpu.memory_space<vmem>>
      %dma_start3A_739 = tpu.memref_squeeze %dma_start3A_738 : memref<1x128x64xf32, #tpu.memory_space<vmem>> -> memref<128x64xf32, #tpu.memory_space<vmem>>
      %dma_start3A_740 = arith.constant 0 : i32
      %dma_start3A_741 = tpu.memref_slice %arg2[%add3A_21, %dma_start3A_740] : memref<20480x64xf32, #tpu.memory_space<hbm>> -> memref<128x64xf32, #tpu.memory_space<hbm>>
      tpu.enqueue_dma source(%dma_start3A_741 : memref<128x64xf32, #tpu.memory_space<hbm>>) target(%dma_start3A_739 : memref<128x64xf32, #tpu.memory_space<vmem>>) target_semaphore(%run_scoped3A_729 : memref<!tpu.dma_semaphore, #tpu.memory_space<semaphore_mem>>)
      %dma_wait3A_742 = arith.constant 0 : i32
      %dma_wait3A_743 = arith.constant 0 : i32
      %dma_wait3A_744 = tpu.memref_slice %arg9[%run_scoped3A_22, %dma_wait3A_742, %dma_wait3A_743] : memref<2x128x64xf32, #tpu.memory_space<vmem>> -> memref<1x128x64xf32, #tpu.memory_space<vmem>>
      %dma_wait3A_745 = tpu.memref_squeeze %dma_wait3A_744 : memref<1x128x64xf32, #tpu.memory_space<vmem>> -> memref<128x64xf32, #tpu.memory_space<vmem>>
      %dma_wait3A_746 = arith.constant 0 : i32
      %dma_wait3A_747 = tpu.memref_slice %arg2[%add3A_21, %dma_wait3A_746] : memref<20480x64xf32, #tpu.memory_space<hbm>> -> memref<128x64xf32, #tpu.memory_space<hbm>>
      %dma_wait3A_748 = arith.constant 0 : i32
      %dma_wait3A_749 = arith.constant 0 : i32
      %dma_wait3A_750 = tpu.memref_slice %arg9[%run_scoped3A_22, %dma_wait3A_748, %dma_wait3A_749] : memref<2x128x64xf32, #tpu.memory_space<vmem>> -> memref<1x128x64xf32, #tpu.memory_space<vmem>>
      %dma_wait3A_751 = tpu.memref_squeeze %dma_wait3A_750 : memref<1x128x64xf32, #tpu.memory_space<vmem>> -> memref<128x64xf32, #tpu.memory_space<vmem>>
      %dma_wait3A_752 = arith.constant 0 : i32
      %dma_wait3A_753 = tpu.memref_slice %arg2[%add3A_21, %dma_wait3A_752] : memref<20480x64xf32, #tpu.memory_space<hbm>> -> memref<128x64xf32, #tpu.memory_space<hbm>>
      tpu.wait_dma2 semaphore(%run_scoped3A_729 : memref<!tpu.dma_semaphore, #tpu.memory_space<semaphore_mem>>) src(%dma_wait3A_753 : memref<128x64xf32, #tpu.memory_space<hbm>>) dst(%dma_wait3A_751 : memref<128x64xf32, #tpu.memory_space<vmem>>)
      tpu.yield
    }) : () -> ()
    %add3A_23 = arith.constant 256 : i32
    %add3A_24 = arith.addi %mul3A_0, %add3A_23 : i32
    %run_scoped3A_25 = arith.constant 0 : i32
    "tpu.region"() ({
      %run_scoped3A_729 = tpu.sem_alloc : memref<!tpu.dma_semaphore, #tpu.memory_space<semaphore_mem>>
      %dma_start3A_730 = arith.constant 0 : i32
      %dma_start3A_731 = arith.constant 0 : i32
      %dma_start3A_732 = tpu.memref_slice %arg9[%run_scoped3A_25, %dma_start3A_730, %dma_start3A_731] : memref<2x128x64xf32, #tpu.memory_space<vmem>> -> memref<1x128x64xf32, #tpu.memory_space<vmem>>
      %dma_start3A_733 = tpu.memref_squeeze %dma_start3A_732 : memref<1x128x64xf32, #tpu.memory_space<vmem>> -> memref<128x64xf32, #tpu.memory_space<vmem>>
      %dma_start3A_734 = arith.constant 0 : i32
      %dma_start3A_735 = tpu.memref_slice %arg11[%add3A_24, %dma_start3A_734] : memref<10240x64xf32, #tpu.memory_space<vmem_shared>> -> memref<128x64xf32, #tpu.memory_space<vmem_shared>>
      %dma_start3A_736 = arith.constant 0 : i32
      %dma_start3A_737 = tpu.memref_slice %arg11[%add3A_24, %dma_start3A_736] : memref<10240x64xf32, #tpu.memory_space<vmem_shared>> -> memref<128x64xf32, #tpu.memory_space<vmem_shared>>
      %dma_start3A_738 = arith.constant 0 : i32
      %dma_start3A_739 = arith.constant 0 : i32
      %dma_start3A_740 = tpu.memref_slice %arg9[%run_scoped3A_25, %dma_start3A_738, %dma_start3A_739] : memref<2x128x64xf32, #tpu.memory_space<vmem>> -> memref<1x128x64xf32, #tpu.memory_space<vmem>>
      %dma_start3A_741 = tpu.memref_squeeze %dma_start3A_740 : memref<1x128x64xf32, #tpu.memory_space<vmem>> -> memref<128x64xf32, #tpu.memory_space<vmem>>
      tpu.enqueue_dma source(%dma_start3A_741 : memref<128x64xf32, #tpu.memory_space<vmem>>) target(%dma_start3A_737 : memref<128x64xf32, #tpu.memory_space<vmem_shared>>) target_semaphore(%run_scoped3A_729 : memref<!tpu.dma_semaphore, #tpu.memory_space<semaphore_mem>>)
      %dma_wait3A_742 = arith.constant 0 : i32
      %dma_wait3A_743 = arith.constant 0 : i32
      %dma_wait3A_744 = tpu.memref_slice %arg9[%run_scoped3A_25, %dma_wait3A_742, %dma_wait3A_743] : memref<2x128x64xf32, #tpu.memory_space<vmem>> -> memref<1x128x64xf32, #tpu.memory_space<vmem>>
      %dma_wait3A_745 = tpu.memref_squeeze %dma_wait3A_744 : memref<1x128x64xf32, #tpu.memory_space<vmem>> -> memref<128x64xf32, #tpu.memory_space<vmem>>
      %dma_wait3A_746 = arith.constant 0 : i32
      %dma_wait3A_747 = tpu.memref_slice %arg11[%add3A_24, %dma_wait3A_746] : memref<10240x64xf32, #tpu.memory_space<vmem_shared>> -> memref<128x64xf32, #tpu.memory_space<vmem_shared>>
      %dma_wait3A_748 = arith.constant 0 : i32
      %dma_wait3A_749 = tpu.memref_slice %arg11[%add3A_24, %dma_wait3A_748] : memref<10240x64xf32, #tpu.memory_space<vmem_shared>> -> memref<128x64xf32, #tpu.memory_space<vmem_shared>>
      %dma_wait3A_750 = arith.constant 0 : i32
      %dma_wait3A_751 = arith.constant 0 : i32
      %dma_wait3A_752 = tpu.memref_slice %arg9[%run_scoped3A_25, %dma_wait3A_750, %dma_wait3A_751] : memref<2x128x64xf32, #tpu.memory_space<vmem>> -> memref<1x128x64xf32, #tpu.memory_space<vmem>>
      %dma_wait3A_753 = tpu.memref_squeeze %dma_wait3A_752 : memref<1x128x64xf32, #tpu.memory_space<vmem>> -> memref<128x64xf32, #tpu.memory_space<vmem>>
      tpu.wait_dma2 semaphore(%run_scoped3A_729 : memref<!tpu.dma_semaphore, #tpu.memory_space<semaphore_mem>>) src(%dma_wait3A_753 : memref<128x64xf32, #tpu.memory_space<vmem>>) dst(%dma_wait3A_749 : memref<128x64xf32, #tpu.memory_space<vmem_shared>>)
      tpu.yield
    }) : () -> ()
    %mul3A_26 = arith.constant 10240 : i32
    %mul3A_27 = arith.muli %arg0, %mul3A_26 : i32
    %add3A_28 = arith.addi %mul3A_27, %mul3A_0 : i32
    %add3A_29 = arith.constant 384 : i32
    %add3A_30 = arith.addi %add3A_28, %add3A_29 : i32
    %run_scoped3A_31 = arith.constant 0 : i32
    "tpu.region"() ({
      %run_scoped3A_729 = tpu.sem_alloc : memref<!tpu.dma_semaphore, #tpu.memory_space<semaphore_mem>>
      %dma_start3A_730 = arith.constant 0 : i32
      %dma_start3A_731 = arith.constant 0 : i32
      %dma_start3A_732 = tpu.memref_slice %arg9[%run_scoped3A_31, %dma_start3A_730, %dma_start3A_731] : memref<2x128x64xf32, #tpu.memory_space<vmem>> -> memref<1x128x64xf32, #tpu.memory_space<vmem>>
      %dma_start3A_733 = tpu.memref_squeeze %dma_start3A_732 : memref<1x128x64xf32, #tpu.memory_space<vmem>> -> memref<128x64xf32, #tpu.memory_space<vmem>>
      %dma_start3A_734 = arith.constant 0 : i32
      %dma_start3A_735 = tpu.memref_slice %arg2[%add3A_30, %dma_start3A_734] : memref<20480x64xf32, #tpu.memory_space<hbm>> -> memref<128x64xf32, #tpu.memory_space<hbm>>
      %dma_start3A_736 = arith.constant 0 : i32
      %dma_start3A_737 = arith.constant 0 : i32
      %dma_start3A_738 = tpu.memref_slice %arg9[%run_scoped3A_31, %dma_start3A_736, %dma_start3A_737] : memref<2x128x64xf32, #tpu.memory_space<vmem>> -> memref<1x128x64xf32, #tpu.memory_space<vmem>>
      %dma_start3A_739 = tpu.memref_squeeze %dma_start3A_738 : memref<1x128x64xf32, #tpu.memory_space<vmem>> -> memref<128x64xf32, #tpu.memory_space<vmem>>
      %dma_start3A_740 = arith.constant 0 : i32
      %dma_start3A_741 = tpu.memref_slice %arg2[%add3A_30, %dma_start3A_740] : memref<20480x64xf32, #tpu.memory_space<hbm>> -> memref<128x64xf32, #tpu.memory_space<hbm>>
      tpu.enqueue_dma source(%dma_start3A_741 : memref<128x64xf32, #tpu.memory_space<hbm>>) target(%dma_start3A_739 : memref<128x64xf32, #tpu.memory_space<vmem>>) target_semaphore(%run_scoped3A_729 : memref<!tpu.dma_semaphore, #tpu.memory_space<semaphore_mem>>)
      %dma_wait3A_742 = arith.constant 0 : i32
      %dma_wait3A_743 = arith.constant 0 : i32
      %dma_wait3A_744 = tpu.memref_slice %arg9[%run_scoped3A_31, %dma_wait3A_742, %dma_wait3A_743] : memref<2x128x64xf32, #tpu.memory_space<vmem>> -> memref<1x128x64xf32, #tpu.memory_space<vmem>>
      %dma_wait3A_745 = tpu.memref_squeeze %dma_wait3A_744 : memref<1x128x64xf32, #tpu.memory_space<vmem>> -> memref<128x64xf32, #tpu.memory_space<vmem>>
      %dma_wait3A_746 = arith.constant 0 : i32
      %dma_wait3A_747 = tpu.memref_slice %arg2[%add3A_30, %dma_wait3A_746] : memref<20480x64xf32, #tpu.memory_space<hbm>> -> memref<128x64xf32, #tpu.memory_space<hbm>>
      %dma_wait3A_748 = arith.constant 0 : i32
      %dma_wait3A_749 = arith.constant 0 : i32
      %dma_wait3A_750 = tpu.memref_slice %arg9[%run_scoped3A_31, %dma_wait3A_748, %dma_wait3A_749] : memref<2x128x64xf32, #tpu.memory_space<vmem>> -> memref<1x128x64xf32, #tpu.memory_space<vmem>>
      %dma_wait3A_751 = tpu.memref_squeeze %dma_wait3A_750 : memref<1x128x64xf32, #tpu.memory_space<vmem>> -> memref<128x64xf32, #tpu.memory_space<vmem>>
      %dma_wait3A_752 = arith.constant 0 : i32
      %dma_wait3A_753 = tpu.memref_slice %arg2[%add3A_30, %dma_wait3A_752] : memref<20480x64xf32, #tpu.memory_space<hbm>> -> memref<128x64xf32, #tpu.memory_space<hbm>>
      tpu.wait_dma2 semaphore(%run_scoped3A_729 : memref<!tpu.dma_semaphore, #tpu.memory_space<semaphore_mem>>) src(%dma_wait3A_753 : memref<128x64xf32, #tpu.memory_space<hbm>>) dst(%dma_wait3A_751 : memref<128x64xf32, #tpu.memory_space<vmem>>)
      tpu.yield
    }) : () -> ()
    %add3A_32 = arith.constant 384 : i32
    %add3A_33 = arith.addi %mul3A_0, %add3A_32 : i32
    %run_scoped3A_34 = arith.constant 0 : i32
    "tpu.region"() ({
      %run_scoped3A_729 = tpu.sem_alloc : memref<!tpu.dma_semaphore, #tpu.memory_space<semaphore_mem>>
      %dma_start3A_730 = arith.constant 0 : i32
      %dma_start3A_731 = arith.constant 0 : i32
      %dma_start3A_732 = tpu.memref_slice %arg9[%run_scoped3A_34, %dma_start3A_730, %dma_start3A_731] : memref<2x128x64xf32, #tpu.memory_space<vmem>> -> memref<1x128x64xf32, #tpu.memory_space<vmem>>
      %dma_start3A_733 = tpu.memref_squeeze %dma_start3A_732 : memref<1x128x64xf32, #tpu.memory_space<vmem>> -> memref<128x64xf32, #tpu.memory_space<vmem>>
      %dma_start3A_734 = arith.constant 0 : i32
      %dma_start3A_735 = tpu.memref_slice %arg11[%add3A_33, %dma_start3A_734] : memref<10240x64xf32, #tpu.memory_space<vmem_shared>> -> memref<128x64xf32, #tpu.memory_space<vmem_shared>>
      %dma_start3A_736 = arith.constant 0 : i32
      %dma_start3A_737 = tpu.memref_slice %arg11[%add3A_33, %dma_start3A_736] : memref<10240x64xf32, #tpu.memory_space<vmem_shared>> -> memref<128x64xf32, #tpu.memory_space<vmem_shared>>
      %dma_start3A_738 = arith.constant 0 : i32
      %dma_start3A_739 = arith.constant 0 : i32
      %dma_start3A_740 = tpu.memref_slice %arg9[%run_scoped3A_34, %dma_start3A_738, %dma_start3A_739] : memref<2x128x64xf32, #tpu.memory_space<vmem>> -> memref<1x128x64xf32, #tpu.memory_space<vmem>>
      %dma_start3A_741 = tpu.memref_squeeze %dma_start3A_740 : memref<1x128x64xf32, #tpu.memory_space<vmem>> -> memref<128x64xf32, #tpu.memory_space<vmem>>
      tpu.enqueue_dma source(%dma_start3A_741 : memref<128x64xf32, #tpu.memory_space<vmem>>) target(%dma_start3A_737 : memref<128x64xf32, #tpu.memory_space<vmem_shared>>) target_semaphore(%run_scoped3A_729 : memref<!tpu.dma_semaphore, #tpu.memory_space<semaphore_mem>>)
      %dma_wait3A_742 = arith.constant 0 : i32
      %dma_wait3A_743 = arith.constant 0 : i32
      %dma_wait3A_744 = tpu.memref_slice %arg9[%run_scoped3A_34, %dma_wait3A_742, %dma_wait3A_743] : memref<2x128x64xf32, #tpu.memory_space<vmem>> -> memref<1x128x64xf32, #tpu.memory_space<vmem>>
      %dma_wait3A_745 = tpu.memref_squeeze %dma_wait3A_744 : memref<1x128x64xf32, #tpu.memory_space<vmem>> -> memref<128x64xf32, #tpu.memory_space<vmem>>
      %dma_wait3A_746 = arith.constant 0 : i32
      %dma_wait3A_747 = tpu.memref_slice %arg11[%add3A_33, %dma_wait3A_746] : memref<10240x64xf32, #tpu.memory_space<vmem_shared>> -> memref<128x64xf32, #tpu.memory_space<vmem_shared>>
      %dma_wait3A_748 = arith.constant 0 : i32
      %dma_wait3A_749 = tpu.memref_slice %arg11[%add3A_33, %dma_wait3A_748] : memref<10240x64xf32, #tpu.memory_space<vmem_shared>> -> memref<128x64xf32, #tpu.memory_space<vmem_shared>>
      %dma_wait3A_750 = arith.constant 0 : i32
      %dma_wait3A_751 = arith.constant 0 : i32
      %dma_wait3A_752 = tpu.memref_slice %arg9[%run_scoped3A_34, %dma_wait3A_750, %dma_wait3A_751] : memref<2x128x64xf32, #tpu.memory_space<vmem>> -> memref<1x128x64xf32, #tpu.memory_space<vmem>>
      %dma_wait3A_753 = tpu.memref_squeeze %dma_wait3A_752 : memref<1x128x64xf32, #tpu.memory_space<vmem>> -> memref<128x64xf32, #tpu.memory_space<vmem>>
      tpu.wait_dma2 semaphore(%run_scoped3A_729 : memref<!tpu.dma_semaphore, #tpu.memory_space<semaphore_mem>>) src(%dma_wait3A_753 : memref<128x64xf32, #tpu.memory_space<vmem>>) dst(%dma_wait3A_749 : memref<128x64xf32, #tpu.memory_space<vmem_shared>>)
      tpu.yield
    }) : () -> ()
    %mul3A_35 = arith.constant 10240 : i32
    %mul3A_36 = arith.muli %arg0, %mul3A_35 : i32
    %add3A_37 = arith.addi %mul3A_36, %mul3A_0 : i32
    %add3A_38 = arith.constant 512 : i32
    %add3A_39 = arith.addi %add3A_37, %add3A_38 : i32
    %run_scoped3A_40 = arith.constant 0 : i32
    "tpu.region"() ({
      %run_scoped3A_729 = tpu.sem_alloc : memref<!tpu.dma_semaphore, #tpu.memory_space<semaphore_mem>>
      %dma_start3A_730 = arith.constant 0 : i32
      %dma_start3A_731 = arith.constant 0 : i32
      %dma_start3A_732 = tpu.memref_slice %arg9[%run_scoped3A_40, %dma_start3A_730, %dma_start3A_731] : memref<2x128x64xf32, #tpu.memory_space<vmem>> -> memref<1x128x64xf32, #tpu.memory_space<vmem>>
      %dma_start3A_733 = tpu.memref_squeeze %dma_start3A_732 : memref<1x128x64xf32, #tpu.memory_space<vmem>> -> memref<128x64xf32, #tpu.memory_space<vmem>>
      %dma_start3A_734 = arith.constant 0 : i32
      %dma_start3A_735 = tpu.memref_slice %arg2[%add3A_39, %dma_start3A_734] : memref<20480x64xf32, #tpu.memory_space<hbm>> -> memref<128x64xf32, #tpu.memory_space<hbm>>
      %dma_start3A_736 = arith.constant 0 : i32
      %dma_start3A_737 = arith.constant 0 : i32
      %dma_start3A_738 = tpu.memref_slice %arg9[%run_scoped3A_40, %dma_start3A_736, %dma_start3A_737] : memref<2x128x64xf32, #tpu.memory_space<vmem>> -> memref<1x128x64xf32, #tpu.memory_space<vmem>>
      %dma_start3A_739 = tpu.memref_squeeze %dma_start3A_738 : memref<1x128x64xf32, #tpu.memory_space<vmem>> -> memref<128x64xf32, #tpu.memory_space<vmem>>
      %dma_start3A_740 = arith.constant 0 : i32
      %dma_start3A_741 = tpu.memref_slice %arg2[%add3A_39, %dma_start3A_740] : memref<20480x64xf32, #tpu.memory_space<hbm>> -> memref<128x64xf32, #tpu.memory_space<hbm>>
      tpu.enqueue_dma source(%dma_start3A_741 : memref<128x64xf32, #tpu.memory_space<hbm>>) target(%dma_start3A_739 : memref<128x64xf32, #tpu.memory_space<vmem>>) target_semaphore(%run_scoped3A_729 : memref<!tpu.dma_semaphore, #tpu.memory_space<semaphore_mem>>)
      %dma_wait3A_742 = arith.constant 0 : i32
      %dma_wait3A_743 = arith.constant 0 : i32
      %dma_wait3A_744 = tpu.memref_slice %arg9[%run_scoped3A_40, %dma_wait3A_742, %dma_wait3A_743] : memref<2x128x64xf32, #tpu.memory_space<vmem>> -> memref<1x128x64xf32, #tpu.memory_space<vmem>>
      %dma_wait3A_745 = tpu.memref_squeeze %dma_wait3A_744 : memref<1x128x64xf32, #tpu.memory_space<vmem>> -> memref<128x64xf32, #tpu.memory_space<vmem>>
      %dma_wait3A_746 = arith.constant 0 : i32
      %dma_wait3A_747 = tpu.memref_slice %arg2[%add3A_39, %dma_wait3A_746] : memref<20480x64xf32, #tpu.memory_space<hbm>> -> memref<128x64xf32, #tpu.memory_space<hbm>>
      %dma_wait3A_748 = arith.constant 0 : i32
      %dma_wait3A_749 = arith.constant 0 : i32
      %dma_wait3A_750 = tpu.memref_slice %arg9[%run_scoped3A_40, %dma_wait3A_748, %dma_wait3A_749] : memref<2x128x64xf32, #tpu.memory_space<vmem>> -> memref<1x128x64xf32, #tpu.memory_space<vmem>>
      %dma_wait3A_751 = tpu.memref_squeeze %dma_wait3A_750 : memref<1x128x64xf32, #tpu.memory_space<vmem>> -> memref<128x64xf32, #tpu.memory_space<vmem>>
      %dma_wait3A_752 = arith.constant 0 : i32
      %dma_wait3A_753 = tpu.memref_slice %arg2[%add3A_39, %dma_wait3A_752] : memref<20480x64xf32, #tpu.memory_space<hbm>> -> memref<128x64xf32, #tpu.memory_space<hbm>>
      tpu.wait_dma2 semaphore(%run_scoped3A_729 : memref<!tpu.dma_semaphore, #tpu.memory_space<semaphore_mem>>) src(%dma_wait3A_753 : memref<128x64xf32, #tpu.memory_space<hbm>>) dst(%dma_wait3A_751 : memref<128x64xf32, #tpu.memory_space<vmem>>)
      tpu.yield
    }) : () -> ()
    %add3A_41 = arith.constant 512 : i32
    %add3A_42 = arith.addi %mul3A_0, %add3A_41 : i32
    %run_scoped3A_43 = arith.constant 0 : i32
    "tpu.region"() ({
      %run_scoped3A_729 = tpu.sem_alloc : memref<!tpu.dma_semaphore, #tpu.memory_space<semaphore_mem>>
      %dma_start3A_730 = arith.constant 0 : i32
      %dma_start3A_731 = arith.constant 0 : i32
      %dma_start3A_732 = tpu.memref_slice %arg9[%run_scoped3A_43, %dma_start3A_730, %dma_start3A_731] : memref<2x128x64xf32, #tpu.memory_space<vmem>> -> memref<1x128x64xf32, #tpu.memory_space<vmem>>
      %dma_start3A_733 = tpu.memref_squeeze %dma_start3A_732 : memref<1x128x64xf32, #tpu.memory_space<vmem>> -> memref<128x64xf32, #tpu.memory_space<vmem>>
      %dma_start3A_734 = arith.constant 0 : i32
      %dma_start3A_735 = tpu.memref_slice %arg11[%add3A_42, %dma_start3A_734] : memref<10240x64xf32, #tpu.memory_space<vmem_shared>> -> memref<128x64xf32, #tpu.memory_space<vmem_shared>>
      %dma_start3A_736 = arith.constant 0 : i32
      %dma_start3A_737 = tpu.memref_slice %arg11[%add3A_42, %dma_start3A_736] : memref<10240x64xf32, #tpu.memory_space<vmem_shared>> -> memref<128x64xf32, #tpu.memory_space<vmem_shared>>
      %dma_start3A_738 = arith.constant 0 : i32
      %dma_start3A_739 = arith.constant 0 : i32
      %dma_start3A_740 = tpu.memref_slice %arg9[%run_scoped3A_43, %dma_start3A_738, %dma_start3A_739] : memref<2x128x64xf32, #tpu.memory_space<vmem>> -> memref<1x128x64xf32, #tpu.memory_space<vmem>>
      %dma_start3A_741 = tpu.memref_squeeze %dma_start3A_740 : memref<1x128x64xf32, #tpu.memory_space<vmem>> -> memref<128x64xf32, #tpu.memory_space<vmem>>
      tpu.enqueue_dma source(%dma_start3A_741 : memref<128x64xf32, #tpu.memory_space<vmem>>) target(%dma_start3A_737 : memref<128x64xf32, #tpu.memory_space<vmem_shared>>) target_semaphore(%run_scoped3A_729 : memref<!tpu.dma_semaphore, #tpu.memory_space<semaphore_mem>>)
      %dma_wait3A_742 = arith.constant 0 : i32
      %dma_wait3A_743 = arith.constant 0 : i32
      %dma_wait3A_744 = tpu.memref_slice %arg9[%run_scoped3A_43, %dma_wait3A_742, %dma_wait3A_743] : memref<2x128x64xf32, #tpu.memory_space<vmem>> -> memref<1x128x64xf32, #tpu.memory_space<vmem>>
      %dma_wait3A_745 = tpu.memref_squeeze %dma_wait3A_744 : memref<1x128x64xf32, #tpu.memory_space<vmem>> -> memref<128x64xf32, #tpu.memory_space<vmem>>
      %dma_wait3A_746 = arith.constant 0 : i32
      %dma_wait3A_747 = tpu.memref_slice %arg11[%add3A_42, %dma_wait3A_746] : memref<10240x64xf32, #tpu.memory_space<vmem_shared>> -> memref<128x64xf32, #tpu.memory_space<vmem_shared>>
      %dma_wait3A_748 = arith.constant 0 : i32
      %dma_wait3A_749 = tpu.memref_slice %arg11[%add3A_42, %dma_wait3A_748] : memref<10240x64xf32, #tpu.memory_space<vmem_shared>> -> memref<128x64xf32, #tpu.memory_space<vmem_shared>>
      %dma_wait3A_750 = arith.constant 0 : i32
      %dma_wait3A_751 = arith.constant 0 : i32
      %dma_wait3A_752 = tpu.memref_slice %arg9[%run_scoped3A_43, %dma_wait3A_750, %dma_wait3A_751] : memref<2x128x64xf32, #tpu.memory_space<vmem>> -> memref<1x128x64xf32, #tpu.memory_space<vmem>>
      %dma_wait3A_753 = tpu.memref_squeeze %dma_wait3A_752 : memref<1x128x64xf32, #tpu.memory_space<vmem>> -> memref<128x64xf32, #tpu.memory_space<vmem>>
      tpu.wait_dma2 semaphore(%run_scoped3A_729 : memref<!tpu.dma_semaphore, #tpu.memory_space<semaphore_mem>>) src(%dma_wait3A_753 : memref<128x64xf32, #tpu.memory_space<vmem>>) dst(%dma_wait3A_749 : memref<128x64xf32, #tpu.memory_space<vmem_shared>>)
      tpu.yield
    }) : () -> ()
    %broadcast_in_dim3A = arith.constant 0.000000e+00 : f32
    %broadcast_in_dim3A_44 = vector.broadcast %broadcast_in_dim3A : f32 to vector<16xf32>
    %broadcast_in_dim3A_45 = arith.constant 6.250000e-02 : f32
    %broadcast_in_dim3A_46 = vector.broadcast %broadcast_in_dim3A_45 : f32 to vector<16xf32>
    %scan3A = arith.constant 0 : i32
    %scan3A_47 = arith.constant 0 : i32
    %scan3A_48 = arith.constant 128 : i32
    %scan3A_49 = arith.addi %scan3A_47, %scan3A_48 : i32
    %scan3A_50 = arith.constant 1 : i32
    scf.for %scan3A_729 = %scan3A_47 to %scan3A_49 step %scan3A_50  : i32 {
      %swap3A = arith.constant 0 : i32
      %swap3A_730 = arith.index_cast %swap3A : i32 to index
      %swap3A_731 = arith.index_cast %scan3A_729 : i32 to index
      %swap3A_732 = arith.constant 0 : index
      %swap3A_733 = tpu.vector_load %arg9[%swap3A_730, %swap3A_731, %swap3A_732] {strides = array<i32>} : memref<2x128x64xf32, #tpu.memory_space<vmem>>, vector<1x1x16xf32>,
      %swap3A_734 = vector.shape_cast %swap3A_733 : vector<1x1x16xf32> to vector<16xf32>
      %swap3A_735 = vector.shape_cast %broadcast_in_dim3A_44 : vector<16xf32> to vector<1x1x16xf32>
      tpu.vector_store %arg9[%swap3A_730, %swap3A_731, %swap3A_732], %swap3A_735 {strides = array<i32>} : memref<2x128x64xf32, #tpu.memory_space<vmem>>, vector<1x1x16xf32>,
      %swap3A_736 = arith.constant 0 : i32
      %swap3A_737 = arith.index_cast %swap3A_736 : i32 to index
      %swap3A_738 = arith.index_cast %scan3A_729 : i32 to index
      %swap3A_739 = arith.constant 16 : index
      %swap3A_740 = tpu.vector_load %arg9[%swap3A_737, %swap3A_738, %swap3A_739] {strides = array<i32>} : memref<2x128x64xf32, #tpu.memory_space<vmem>>, vector<1x1x16xf32>,
      %swap3A_741 = vector.shape_cast %swap3A_740 : vector<1x1x16xf32> to vector<16xf32>
      %swap3A_742 = vector.shape_cast %broadcast_in_dim3A_44 : vector<16xf32> to vector<1x1x16xf32>
      tpu.vector_store %arg9[%swap3A_737, %swap3A_738, %swap3A_739], %swap3A_742 {strides = array<i32>} : memref<2x128x64xf32, #tpu.memory_space<vmem>>, vector<1x1x16xf32>,
      %swap3A_743 = arith.constant 0 : i32
      %swap3A_744 = arith.index_cast %swap3A_743 : i32 to index
      %swap3A_745 = arith.index_cast %scan3A_729 : i32 to index
      %swap3A_746 = arith.constant 32 : index
      %swap3A_747 = tpu.vector_load %arg9[%swap3A_744, %swap3A_745, %swap3A_746] {strides = array<i32>} : memref<2x128x64xf32, #tpu.memory_space<vmem>>, vector<1x1x16xf32>,
      %swap3A_748 = vector.shape_cast %swap3A_747 : vector<1x1x16xf32> to vector<16xf32>
      %swap3A_749 = vector.shape_cast %broadcast_in_dim3A_44 : vector<16xf32> to vector<1x1x16xf32>
      tpu.vector_store %arg9[%swap3A_744, %swap3A_745, %swap3A_746], %swap3A_749 {strides = array<i32>} : memref<2x128x64xf32, #tpu.memory_space<vmem>>, vector<1x1x16xf32>,
      %swap3A_750 = arith.constant 0 : i32
      %swap3A_751 = arith.index_cast %swap3A_750 : i32 to index
      %swap3A_752 = arith.index_cast %scan3A_729 : i32 to index
      %swap3A_753 = arith.constant 48 : index
      %swap3A_754 = tpu.vector_load %arg9[%swap3A_751, %swap3A_752, %swap3A_753] {strides = array<i32>} : memref<2x128x64xf32, #tpu.memory_space<vmem>>, vector<1x1x16xf32>,
      %swap3A_755 = vector.shape_cast %swap3A_754 : vector<1x1x16xf32> to vector<16xf32>
      %swap3A_756 = vector.shape_cast %broadcast_in_dim3A_44 : vector<16xf32> to vector<1x1x16xf32>
      tpu.vector_store %arg9[%swap3A_751, %swap3A_752, %swap3A_753], %swap3A_756 {strides = array<i32>} : memref<2x128x64xf32, #tpu.memory_space<vmem>>, vector<1x1x16xf32>,
    }
    %scan3A_51 = arith.constant 128 : i32
    %scan3A_52 = arith.constant 0 : i32
    %scan3A_53 = arith.constant 0 : i32
    %scan3A_54 = arith.constant 128 : i32
    %scan3A_55 = arith.addi %scan3A_53, %scan3A_54 : i32
    %scan3A_56 = arith.constant 1 : i32
    scf.for %scan3A_729 = %scan3A_53 to %scan3A_55 step %scan3A_56  : i32 {
      %swap3A = arith.index_cast %scan3A_729 : i32 to index
      %swap3A_730 = arith.constant 0 : index
      %swap3A_731 = tpu.vector_load %arg10[%swap3A, %swap3A_730] {strides = array<i32>} : memref<128x16xf32, #tpu.memory_space<vmem>>, vector<1x16xf32>,
      %swap3A_732 = vector.shape_cast %swap3A_731 : vector<1x16xf32> to vector<16xf32>
      %swap3A_733 = vector.shape_cast %broadcast_in_dim3A_44 : vector<16xf32> to vector<1x16xf32>
      tpu.vector_store %arg10[%swap3A, %swap3A_730], %swap3A_733 {strides = array<i32>} : memref<128x16xf32, #tpu.memory_space<vmem>>, vector<1x16xf32>,
    }
    %scan3A_57 = arith.constant 128 : i32
    %add3A_58 = arith.constant 0 : i32
    %add3A_59 = arith.addi %mul3A_0, %add3A_58 : i32
    %run_scoped3A_60 = arith.constant 0 : i32
    "tpu.region"() ({
      %run_scoped3A_729 = tpu.sem_alloc : memref<!tpu.dma_semaphore, #tpu.memory_space<semaphore_mem>>
      %dma_start3A_730 = arith.constant 0 : i32
      %dma_start3A_731 = arith.constant 0 : i32
      %dma_start3A_732 = tpu.memref_slice %arg9[%run_scoped3A_60, %dma_start3A_730, %dma_start3A_731] : memref<2x128x64xf32, #tpu.memory_space<vmem>> -> memref<1x128x64xf32, #tpu.memory_space<vmem>>
      %dma_start3A_733 = tpu.memref_squeeze %dma_start3A_732 : memref<1x128x64xf32, #tpu.memory_space<vmem>> -> memref<128x64xf32, #tpu.memory_space<vmem>>
      %dma_start3A_734 = arith.constant 0 : i32
      %dma_start3A_735 = tpu.memref_slice %arg12[%add3A_59, %dma_start3A_734] : memref<10240x64xf32, #tpu.memory_space<vmem_shared>> -> memref<128x64xf32, #tpu.memory_space<vmem_shared>>
      %dma_start3A_736 = arith.constant 0 : i32
      %dma_start3A_737 = tpu.memref_slice %arg12[%add3A_59, %dma_start3A_736] : memref<10240x64xf32, #tpu.memory_space<vmem_shared>> -> memref<128x64xf32, #tpu.memory_space<vmem_shared>>
      %dma_start3A_738 = arith.constant 0 : i32
      %dma_start3A_739 = arith.constant 0 : i32
      %dma_start3A_740 = tpu.memref_slice %arg9[%run_scoped3A_60, %dma_start3A_738, %dma_start3A_739] : memref<2x128x64xf32, #tpu.memory_space<vmem>> -> memref<1x128x64xf32, #tpu.memory_space<vmem>>
      %dma_start3A_741 = tpu.memref_squeeze %dma_start3A_740 : memref<1x128x64xf32, #tpu.memory_space<vmem>> -> memref<128x64xf32, #tpu.memory_space<vmem>>
      tpu.enqueue_dma source(%dma_start3A_741 : memref<128x64xf32, #tpu.memory_space<vmem>>) target(%dma_start3A_737 : memref<128x64xf32, #tpu.memory_space<vmem_shared>>) target_semaphore(%run_scoped3A_729 : memref<!tpu.dma_semaphore, #tpu.memory_space<semaphore_mem>>)
      %dma_wait3A_742 = arith.constant 0 : i32
      %dma_wait3A_743 = arith.constant 0 : i32
      %dma_wait3A_744 = tpu.memref_slice %arg9[%run_scoped3A_60, %dma_wait3A_742, %dma_wait3A_743] : memref<2x128x64xf32, #tpu.memory_space<vmem>> -> memref<1x128x64xf32, #tpu.memory_space<vmem>>
      %dma_wait3A_745 = tpu.memref_squeeze %dma_wait3A_744 : memref<1x128x64xf32, #tpu.memory_space<vmem>> -> memref<128x64xf32, #tpu.memory_space<vmem>>
      %dma_wait3A_746 = arith.constant 0 : i32
      %dma_wait3A_747 = tpu.memref_slice %arg12[%add3A_59, %dma_wait3A_746] : memref<10240x64xf32, #tpu.memory_space<vmem_shared>> -> memref<128x64xf32, #tpu.memory_space<vmem_shared>>
      %dma_wait3A_748 = arith.constant 0 : i32
      %dma_wait3A_749 = tpu.memref_slice %arg12[%add3A_59, %dma_wait3A_748] : memref<10240x64xf32, #tpu.memory_space<vmem_shared>> -> memref<128x64xf32, #tpu.memory_space<vmem_shared>>
      %dma_wait3A_750 = arith.constant 0 : i32
      %dma_wait3A_751 = arith.constant 0 : i32
      %dma_wait3A_752 = tpu.memref_slice %arg9[%run_scoped3A_60, %dma_wait3A_750, %dma_wait3A_751] : memref<2x128x64xf32, #tpu.memory_space<vmem>> -> memref<1x128x64xf32, #tpu.memory_space<vmem>>
      %dma_wait3A_753 = tpu.memref_squeeze %dma_wait3A_752 : memref<1x128x64xf32, #tpu.memory_space<vmem>> -> memref<128x64xf32, #tpu.memory_space<vmem>>
      tpu.wait_dma2 semaphore(%run_scoped3A_729 : memref<!tpu.dma_semaphore, #tpu.memory_space<semaphore_mem>>) src(%dma_wait3A_753 : memref<128x64xf32, #tpu.memory_space<vmem>>) dst(%dma_wait3A_749 : memref<128x64xf32, #tpu.memory_space<vmem_shared>>)
      tpu.yield
    }) : () -> ()
    %add3A_61 = arith.constant 0 : i32
    %add3A_62 = arith.addi %mul3A_0, %add3A_61 : i32
    "tpu.region"() ({
      %run_scoped3A_729 = tpu.sem_alloc : memref<!tpu.dma_semaphore, #tpu.memory_space<semaphore_mem>>
      %dma_start3A_730 = arith.constant 0 : i32
      %dma_start3A_731 = tpu.memref_slice %arg13[%add3A_62, %dma_start3A_730] : memref<10240x16xf32, #tpu.memory_space<vmem_shared>> -> memref<128x16xf32, #tpu.memory_space<vmem_shared>>
      %dma_start3A_732 = arith.constant 0 : i32
      %dma_start3A_733 = tpu.memref_slice %arg13[%add3A_62, %dma_start3A_732] : memref<10240x16xf32, #tpu.memory_space<vmem_shared>> -> memref<128x16xf32, #tpu.memory_space<vmem_shared>>
      tpu.enqueue_dma source(%arg10 : memref<128x16xf32, #tpu.memory_space<vmem>>) target(%dma_start3A_733 : memref<128x16xf32, #tpu.memory_space<vmem_shared>>) target_semaphore(%run_scoped3A_729 : memref<!tpu.dma_semaphore, #tpu.memory_space<semaphore_mem>>)
      %dma_wait3A_734 = arith.constant 0 : i32
      %dma_wait3A_735 = tpu.memref_slice %arg13[%add3A_62, %dma_wait3A_734] : memref<10240x16xf32, #tpu.memory_space<vmem_shared>> -> memref<128x16xf32, #tpu.memory_space<vmem_shared>>
      %dma_wait3A_736 = arith.constant 0 : i32
      %dma_wait3A_737 = tpu.memref_slice %arg13[%add3A_62, %dma_wait3A_736] : memref<10240x16xf32, #tpu.memory_space<vmem_shared>> -> memref<128x16xf32, #tpu.memory_space<vmem_shared>>
      tpu.wait_dma2 semaphore(%run_scoped3A_729 : memref<!tpu.dma_semaphore, #tpu.memory_space<semaphore_mem>>) src(%arg10 : memref<128x16xf32, #tpu.memory_space<vmem>>) dst(%dma_wait3A_737 : memref<128x16xf32, #tpu.memory_space<vmem_shared>>)
      tpu.yield
    }) : () -> ()
    %add3A_63 = arith.constant 128 : i32
    %add3A_64 = arith.addi %mul3A_0, %add3A_63 : i32
    %run_scoped3A_65 = arith.constant 0 : i32
    "tpu.region"() ({
      %run_scoped3A_729 = tpu.sem_alloc : memref<!tpu.dma_semaphore, #tpu.memory_space<semaphore_mem>>
      %dma_start3A_730 = arith.constant 0 : i32
      %dma_start3A_731 = arith.constant 0 : i32
      %dma_start3A_732 = tpu.memref_slice %arg9[%run_scoped3A_65, %dma_start3A_730, %dma_start3A_731] : memref<2x128x64xf32, #tpu.memory_space<vmem>> -> memref<1x128x64xf32, #tpu.memory_space<vmem>>
      %dma_start3A_733 = tpu.memref_squeeze %dma_start3A_732 : memref<1x128x64xf32, #tpu.memory_space<vmem>> -> memref<128x64xf32, #tpu.memory_space<vmem>>
      %dma_start3A_734 = arith.constant 0 : i32
      %dma_start3A_735 = tpu.memref_slice %arg12[%add3A_64, %dma_start3A_734] : memref<10240x64xf32, #tpu.memory_space<vmem_shared>> -> memref<128x64xf32, #tpu.memory_space<vmem_shared>>
      %dma_start3A_736 = arith.constant 0 : i32
      %dma_start3A_737 = tpu.memref_slice %arg12[%add3A_64, %dma_start3A_736] : memref<10240x64xf32, #tpu.memory_space<vmem_shared>> -> memref<128x64xf32, #tpu.memory_space<vmem_shared>>
      %dma_start3A_738 = arith.constant 0 : i32
      %dma_start3A_739 = arith.constant 0 : i32
      %dma_start3A_740 = tpu.memref_slice %arg9[%run_scoped3A_65, %dma_start3A_738, %dma_start3A_739] : memref<2x128x64xf32, #tpu.memory_space<vmem>> -> memref<1x128x64xf32, #tpu.memory_space<vmem>>
      %dma_start3A_741 = tpu.memref_squeeze %dma_start3A_740 : memref<1x128x64xf32, #tpu.memory_space<vmem>> -> memref<128x64xf32, #tpu.memory_space<vmem>>
      tpu.enqueue_dma source(%dma_start3A_741 : memref<128x64xf32, #tpu.memory_space<vmem>>) target(%dma_start3A_737 : memref<128x64xf32, #tpu.memory_space<vmem_shared>>) target_semaphore(%run_scoped3A_729 : memref<!tpu.dma_semaphore, #tpu.memory_space<semaphore_mem>>)
      %dma_wait3A_742 = arith.constant 0 : i32
      %dma_wait3A_743 = arith.constant 0 : i32
      %dma_wait3A_744 = tpu.memref_slice %arg9[%run_scoped3A_65, %dma_wait3A_742, %dma_wait3A_743] : memref<2x128x64xf32, #tpu.memory_space<vmem>> -> memref<1x128x64xf32, #tpu.memory_space<vmem>>
      %dma_wait3A_745 = tpu.memref_squeeze %dma_wait3A_744 : memref<1x128x64xf32, #tpu.memory_space<vmem>> -> memref<128x64xf32, #tpu.memory_space<vmem>>
      %dma_wait3A_746 = arith.constant 0 : i32
      %dma_wait3A_747 = tpu.memref_slice %arg12[%add3A_64, %dma_wait3A_746] : memref<10240x64xf32, #tpu.memory_space<vmem_shared>> -> memref<128x64xf32, #tpu.memory_space<vmem_shared>>
      %dma_wait3A_748 = arith.constant 0 : i32
      %dma_wait3A_749 = tpu.memref_slice %arg12[%add3A_64, %dma_wait3A_748] : memref<10240x64xf32, #tpu.memory_space<vmem_shared>> -> memref<128x64xf32, #tpu.memory_space<vmem_shared>>
      %dma_wait3A_750 = arith.constant 0 : i32
      %dma_wait3A_751 = arith.constant 0 : i32
      %dma_wait3A_752 = tpu.memref_slice %arg9[%run_scoped3A_65, %dma_wait3A_750, %dma_wait3A_751] : memref<2x128x64xf32, #tpu.memory_space<vmem>> -> memref<1x128x64xf32, #tpu.memory_space<vmem>>
      %dma_wait3A_753 = tpu.memref_squeeze %dma_wait3A_752 : memref<1x128x64xf32, #tpu.memory_space<vmem>> -> memref<128x64xf32, #tpu.memory_space<vmem>>
      tpu.wait_dma2 semaphore(%run_scoped3A_729 : memref<!tpu.dma_semaphore, #tpu.memory_space<semaphore_mem>>) src(%dma_wait3A_753 : memref<128x64xf32, #tpu.memory_space<vmem>>) dst(%dma_wait3A_749 : memref<128x64xf32, #tpu.memory_space<vmem_shared>>)
      tpu.yield
    }) : () -> ()
    %add3A_66 = arith.constant 128 : i32
    %add3A_67 = arith.addi %mul3A_0, %add3A_66 : i32
    "tpu.region"() ({
      %run_scoped3A_729 = tpu.sem_alloc : memref<!tpu.dma_semaphore, #tpu.memory_space<semaphore_mem>>
      %dma_start3A_730 = arith.constant 0 : i32
      %dma_start3A_731 = tpu.memref_slice %arg13[%add3A_67, %dma_start3A_730] : memref<10240x16xf32, #tpu.memory_space<vmem_shared>> -> memref<128x16xf32, #tpu.memory_space<vmem_shared>>
      %dma_start3A_732 = arith.constant 0 : i32
      %dma_start3A_733 = tpu.memref_slice %arg13[%add3A_67, %dma_start3A_732] : memref<10240x16xf32, #tpu.memory_space<vmem_shared>> -> memref<128x16xf32, #tpu.memory_space<vmem_shared>>
      tpu.enqueue_dma source(%arg10 : memref<128x16xf32, #tpu.memory_space<vmem>>) target(%dma_start3A_733 : memref<128x16xf32, #tpu.memory_space<vmem_shared>>) target_semaphore(%run_scoped3A_729 : memref<!tpu.dma_semaphore, #tpu.memory_space<semaphore_mem>>)
      %dma_wait3A_734 = arith.constant 0 : i32
      %dma_wait3A_735 = tpu.memref_slice %arg13[%add3A_67, %dma_wait3A_734] : memref<10240x16xf32, #tpu.memory_space<vmem_shared>> -> memref<128x16xf32, #tpu.memory_space<vmem_shared>>
      %dma_wait3A_736 = arith.constant 0 : i32
      %dma_wait3A_737 = tpu.memref_slice %arg13[%add3A_67, %dma_wait3A_736] : memref<10240x16xf32, #tpu.memory_space<vmem_shared>> -> memref<128x16xf32, #tpu.memory_space<vmem_shared>>
      tpu.wait_dma2 semaphore(%run_scoped3A_729 : memref<!tpu.dma_semaphore, #tpu.memory_space<semaphore_mem>>) src(%arg10 : memref<128x16xf32, #tpu.memory_space<vmem>>) dst(%dma_wait3A_737 : memref<128x16xf32, #tpu.memory_space<vmem_shared>>)
      tpu.yield
    }) : () -> ()
    %add3A_68 = arith.constant 256 : i32
    %add3A_69 = arith.addi %mul3A_0, %add3A_68 : i32
    %run_scoped3A_70 = arith.constant 0 : i32
    "tpu.region"() ({
      %run_scoped3A_729 = tpu.sem_alloc : memref<!tpu.dma_semaphore, #tpu.memory_space<semaphore_mem>>
      %dma_start3A_730 = arith.constant 0 : i32
      %dma_start3A_731 = arith.constant 0 : i32
      %dma_start3A_732 = tpu.memref_slice %arg9[%run_scoped3A_70, %dma_start3A_730, %dma_start3A_731] : memref<2x128x64xf32, #tpu.memory_space<vmem>> -> memref<1x128x64xf32, #tpu.memory_space<vmem>>
      %dma_start3A_733 = tpu.memref_squeeze %dma_start3A_732 : memref<1x128x64xf32, #tpu.memory_space<vmem>> -> memref<128x64xf32, #tpu.memory_space<vmem>>
      %dma_start3A_734 = arith.constant 0 : i32
      %dma_start3A_735 = tpu.memref_slice %arg12[%add3A_69, %dma_start3A_734] : memref<10240x64xf32, #tpu.memory_space<vmem_shared>> -> memref<128x64xf32, #tpu.memory_space<vmem_shared>>
      %dma_start3A_736 = arith.constant 0 : i32
      %dma_start3A_737 = tpu.memref_slice %arg12[%add3A_69, %dma_start3A_736] : memref<10240x64xf32, #tpu.memory_space<vmem_shared>> -> memref<128x64xf32, #tpu.memory_space<vmem_shared>>
      %dma_start3A_738 = arith.constant 0 : i32
      %dma_start3A_739 = arith.constant 0 : i32
      %dma_start3A_740 = tpu.memref_slice %arg9[%run_scoped3A_70, %dma_start3A_738, %dma_start3A_739] : memref<2x128x64xf32, #tpu.memory_space<vmem>> -> memref<1x128x64xf32, #tpu.memory_space<vmem>>
      %dma_start3A_741 = tpu.memref_squeeze %dma_start3A_740 : memref<1x128x64xf32, #tpu.memory_space<vmem>> -> memref<128x64xf32, #tpu.memory_space<vmem>>
      tpu.enqueue_dma source(%dma_start3A_741 : memref<128x64xf32, #tpu.memory_space<vmem>>) target(%dma_start3A_737 : memref<128x64xf32, #tpu.memory_space<vmem_shared>>) target_semaphore(%run_scoped3A_729 : memref<!tpu.dma_semaphore, #tpu.memory_space<semaphore_mem>>)
      %dma_wait3A_742 = arith.constant 0 : i32
      %dma_wait3A_743 = arith.constant 0 : i32
      %dma_wait3A_744 = tpu.memref_slice %arg9[%run_scoped3A_70, %dma_wait3A_742, %dma_wait3A_743] : memref<2x128x64xf32, #tpu.memory_space<vmem>> -> memref<1x128x64xf32, #tpu.memory_space<vmem>>
      %dma_wait3A_745 = tpu.memref_squeeze %dma_wait3A_744 : memref<1x128x64xf32, #tpu.memory_space<vmem>> -> memref<128x64xf32, #tpu.memory_space<vmem>>
      %dma_wait3A_746 = arith.constant 0 : i32
      %dma_wait3A_747 = tpu.memref_slice %arg12[%add3A_69, %dma_wait3A_746] : memref<10240x64xf32, #tpu.memory_space<vmem_shared>> -> memref<128x64xf32, #tpu.memory_space<vmem_shared>>
      %dma_wait3A_748 = arith.constant 0 : i32
      %dma_wait3A_749 = tpu.memref_slice %arg12[%add3A_69, %dma_wait3A_748] : memref<10240x64xf32, #tpu.memory_space<vmem_shared>> -> memref<128x64xf32, #tpu.memory_space<vmem_shared>>
      %dma_wait3A_750 = arith.constant 0 : i32
      %dma_wait3A_751 = arith.constant 0 : i32
      %dma_wait3A_752 = tpu.memref_slice %arg9[%run_scoped3A_70, %dma_wait3A_750, %dma_wait3A_751] : memref<2x128x64xf32, #tpu.memory_space<vmem>> -> memref<1x128x64xf32, #tpu.memory_space<vmem>>
      %dma_wait3A_753 = tpu.memref_squeeze %dma_wait3A_752 : memref<1x128x64xf32, #tpu.memory_space<vmem>> -> memref<128x64xf32, #tpu.memory_space<vmem>>
      tpu.wait_dma2 semaphore(%run_scoped3A_729 : memref<!tpu.dma_semaphore, #tpu.memory_space<semaphore_mem>>) src(%dma_wait3A_753 : memref<128x64xf32, #tpu.memory_space<vmem>>) dst(%dma_wait3A_749 : memref<128x64xf32, #tpu.memory_space<vmem_shared>>)
      tpu.yield
    }) : () -> ()
    %add3A_71 = arith.constant 256 : i32
    %add3A_72 = arith.addi %mul3A_0, %add3A_71 : i32
    "tpu.region"() ({
      %run_scoped3A_729 = tpu.sem_alloc : memref<!tpu.dma_semaphore, #tpu.memory_space<semaphore_mem>>
      %dma_start3A_730 = arith.constant 0 : i32
      %dma_start3A_731 = tpu.memref_slice %arg13[%add3A_72, %dma_start3A_730] : memref<10240x16xf32, #tpu.memory_space<vmem_shared>> -> memref<128x16xf32, #tpu.memory_space<vmem_shared>>
      %dma_start3A_732 = arith.constant 0 : i32
      %dma_start3A_733 = tpu.memref_slice %arg13[%add3A_72, %dma_start3A_732] : memref<10240x16xf32, #tpu.memory_space<vmem_shared>> -> memref<128x16xf32, #tpu.memory_space<vmem_shared>>
      tpu.enqueue_dma source(%arg10 : memref<128x16xf32, #tpu.memory_space<vmem>>) target(%dma_start3A_733 : memref<128x16xf32, #tpu.memory_space<vmem_shared>>) target_semaphore(%run_scoped3A_729 : memref<!tpu.dma_semaphore, #tpu.memory_space<semaphore_mem>>)
      %dma_wait3A_734 = arith.constant 0 : i32
      %dma_wait3A_735 = tpu.memref_slice %arg13[%add3A_72, %dma_wait3A_734] : memref<10240x16xf32, #tpu.memory_space<vmem_shared>> -> memref<128x16xf32, #tpu.memory_space<vmem_shared>>
      %dma_wait3A_736 = arith.constant 0 : i32
      %dma_wait3A_737 = tpu.memref_slice %arg13[%add3A_72, %dma_wait3A_736] : memref<10240x16xf32, #tpu.memory_space<vmem_shared>> -> memref<128x16xf32, #tpu.memory_space<vmem_shared>>
      tpu.wait_dma2 semaphore(%run_scoped3A_729 : memref<!tpu.dma_semaphore, #tpu.memory_space<semaphore_mem>>) src(%arg10 : memref<128x16xf32, #tpu.memory_space<vmem>>) dst(%dma_wait3A_737 : memref<128x16xf32, #tpu.memory_space<vmem_shared>>)
      tpu.yield
    }) : () -> ()
    %add3A_73 = arith.constant 384 : i32
    %add3A_74 = arith.addi %mul3A_0, %add3A_73 : i32
    %run_scoped3A_75 = arith.constant 0 : i32
    "tpu.region"() ({
      %run_scoped3A_729 = tpu.sem_alloc : memref<!tpu.dma_semaphore, #tpu.memory_space<semaphore_mem>>
      %dma_start3A_730 = arith.constant 0 : i32
      %dma_start3A_731 = arith.constant 0 : i32
      %dma_start3A_732 = tpu.memref_slice %arg9[%run_scoped3A_75, %dma_start3A_730, %dma_start3A_731] : memref<2x128x64xf32, #tpu.memory_space<vmem>> -> memref<1x128x64xf32, #tpu.memory_space<vmem>>
      %dma_start3A_733 = tpu.memref_squeeze %dma_start3A_732 : memref<1x128x64xf32, #tpu.memory_space<vmem>> -> memref<128x64xf32, #tpu.memory_space<vmem>>
      %dma_start3A_734 = arith.constant 0 : i32
      %dma_start3A_735 = tpu.memref_slice %arg12[%add3A_74, %dma_start3A_734] : memref<10240x64xf32, #tpu.memory_space<vmem_shared>> -> memref<128x64xf32, #tpu.memory_space<vmem_shared>>
      %dma_start3A_736 = arith.constant 0 : i32
      %dma_start3A_737 = tpu.memref_slice %arg12[%add3A_74, %dma_start3A_736] : memref<10240x64xf32, #tpu.memory_space<vmem_shared>> -> memref<128x64xf32, #tpu.memory_space<vmem_shared>>
      %dma_start3A_738 = arith.constant 0 : i32
      %dma_start3A_739 = arith.constant 0 : i32
      %dma_start3A_740 = tpu.memref_slice %arg9[%run_scoped3A_75, %dma_start3A_738, %dma_start3A_739] : memref<2x128x64xf32, #tpu.memory_space<vmem>> -> memref<1x128x64xf32, #tpu.memory_space<vmem>>
      %dma_start3A_741 = tpu.memref_squeeze %dma_start3A_740 : memref<1x128x64xf32, #tpu.memory_space<vmem>> -> memref<128x64xf32, #tpu.memory_space<vmem>>
      tpu.enqueue_dma source(%dma_start3A_741 : memref<128x64xf32, #tpu.memory_space<vmem>>) target(%dma_start3A_737 : memref<128x64xf32, #tpu.memory_space<vmem_shared>>) target_semaphore(%run_scoped3A_729 : memref<!tpu.dma_semaphore, #tpu.memory_space<semaphore_mem>>)
      %dma_wait3A_742 = arith.constant 0 : i32
      %dma_wait3A_743 = arith.constant 0 : i32
      %dma_wait3A_744 = tpu.memref_slice %arg9[%run_scoped3A_75, %dma_wait3A_742, %dma_wait3A_743] : memref<2x128x64xf32, #tpu.memory_space<vmem>> -> memref<1x128x64xf32, #tpu.memory_space<vmem>>
      %dma_wait3A_745 = tpu.memref_squeeze %dma_wait3A_744 : memref<1x128x64xf32, #tpu.memory_space<vmem>> -> memref<128x64xf32, #tpu.memory_space<vmem>>
      %dma_wait3A_746 = arith.constant 0 : i32
      %dma_wait3A_747 = tpu.memref_slice %arg12[%add3A_74, %dma_wait3A_746] : memref<10240x64xf32, #tpu.memory_space<vmem_shared>> -> memref<128x64xf32, #tpu.memory_space<vmem_shared>>
      %dma_wait3A_748 = arith.constant 0 : i32
      %dma_wait3A_749 = tpu.memref_slice %arg12[%add3A_74, %dma_wait3A_748] : memref<10240x64xf32, #tpu.memory_space<vmem_shared>> -> memref<128x64xf32, #tpu.memory_space<vmem_shared>>
      %dma_wait3A_750 = arith.constant 0 : i32
      %dma_wait3A_751 = arith.constant 0 : i32
      %dma_wait3A_752 = tpu.memref_slice %arg9[%run_scoped3A_75, %dma_wait3A_750, %dma_wait3A_751] : memref<2x128x64xf32, #tpu.memory_space<vmem>> -> memref<1x128x64xf32, #tpu.memory_space<vmem>>
      %dma_wait3A_753 = tpu.memref_squeeze %dma_wait3A_752 : memref<1x128x64xf32, #tpu.memory_space<vmem>> -> memref<128x64xf32, #tpu.memory_space<vmem>>
      tpu.wait_dma2 semaphore(%run_scoped3A_729 : memref<!tpu.dma_semaphore, #tpu.memory_space<semaphore_mem>>) src(%dma_wait3A_753 : memref<128x64xf32, #tpu.memory_space<vmem>>) dst(%dma_wait3A_749 : memref<128x64xf32, #tpu.memory_space<vmem_shared>>)
      tpu.yield
    }) : () -> ()
    %add3A_76 = arith.constant 384 : i32
    %add3A_77 = arith.addi %mul3A_0, %add3A_76 : i32
    "tpu.region"() ({
      %run_scoped3A_729 = tpu.sem_alloc : memref<!tpu.dma_semaphore, #tpu.memory_space<semaphore_mem>>
      %dma_start3A_730 = arith.constant 0 : i32
      %dma_start3A_731 = tpu.memref_slice %arg13[%add3A_77, %dma_start3A_730] : memref<10240x16xf32, #tpu.memory_space<vmem_shared>> -> memref<128x16xf32, #tpu.memory_space<vmem_shared>>
      %dma_start3A_732 = arith.constant 0 : i32
      %dma_start3A_733 = tpu.memref_slice %arg13[%add3A_77, %dma_start3A_732] : memref<10240x16xf32, #tpu.memory_space<vmem_shared>> -> memref<128x16xf32, #tpu.memory_space<vmem_shared>>
      tpu.enqueue_dma source(%arg10 : memref<128x16xf32, #tpu.memory_space<vmem>>) target(%dma_start3A_733 : memref<128x16xf32, #tpu.memory_space<vmem_shared>>) target_semaphore(%run_scoped3A_729 : memref<!tpu.dma_semaphore, #tpu.memory_space<semaphore_mem>>)
      %dma_wait3A_734 = arith.constant 0 : i32
      %dma_wait3A_735 = tpu.memref_slice %arg13[%add3A_77, %dma_wait3A_734] : memref<10240x16xf32, #tpu.memory_space<vmem_shared>> -> memref<128x16xf32, #tpu.memory_space<vmem_shared>>
      %dma_wait3A_736 = arith.constant 0 : i32
      %dma_wait3A_737 = tpu.memref_slice %arg13[%add3A_77, %dma_wait3A_736] : memref<10240x16xf32, #tpu.memory_space<vmem_shared>> -> memref<128x16xf32, #tpu.memory_space<vmem_shared>>
      tpu.wait_dma2 semaphore(%run_scoped3A_729 : memref<!tpu.dma_semaphore, #tpu.memory_space<semaphore_mem>>) src(%arg10 : memref<128x16xf32, #tpu.memory_space<vmem>>) dst(%dma_wait3A_737 : memref<128x16xf32, #tpu.memory_space<vmem_shared>>)
      tpu.yield
    }) : () -> ()
    %add3A_78 = arith.constant 512 : i32
    %add3A_79 = arith.addi %mul3A_0, %add3A_78 : i32
    %run_scoped3A_80 = arith.constant 0 : i32
    "tpu.region"() ({
      %run_scoped3A_729 = tpu.sem_alloc : memref<!tpu.dma_semaphore, #tpu.memory_space<semaphore_mem>>
      %dma_start3A_730 = arith.constant 0 : i32
      %dma_start3A_731 = arith.constant 0 : i32
      %dma_start3A_732 = tpu.memref_slice %arg9[%run_scoped3A_80, %dma_start3A_730, %dma_start3A_731] : memref<2x128x64xf32, #tpu.memory_space<vmem>> -> memref<1x128x64xf32, #tpu.memory_space<vmem>>
      %dma_start3A_733 = tpu.memref_squeeze %dma_start3A_732 : memref<1x128x64xf32, #tpu.memory_space<vmem>> -> memref<128x64xf32, #tpu.memory_space<vmem>>
      %dma_start3A_734 = arith.constant 0 : i32
      %dma_start3A_735 = tpu.memref_slice %arg12[%add3A_79, %dma_start3A_734] : memref<10240x64xf32, #tpu.memory_space<vmem_shared>> -> memref<128x64xf32, #tpu.memory_space<vmem_shared>>
      %dma_start3A_736 = arith.constant 0 : i32
      %dma_start3A_737 = tpu.memref_slice %arg12[%add3A_79, %dma_start3A_736] : memref<10240x64xf32, #tpu.memory_space<vmem_shared>> -> memref<128x64xf32, #tpu.memory_space<vmem_shared>>
      %dma_start3A_738 = arith.constant 0 : i32
      %dma_start3A_739 = arith.constant 0 : i32
      %dma_start3A_740 = tpu.memref_slice %arg9[%run_scoped3A_80, %dma_start3A_738, %dma_start3A_739] : memref<2x128x64xf32, #tpu.memory_space<vmem>> -> memref<1x128x64xf32, #tpu.memory_space<vmem>>
      %dma_start3A_741 = tpu.memref_squeeze %dma_start3A_740 : memref<1x128x64xf32, #tpu.memory_space<vmem>> -> memref<128x64xf32, #tpu.memory_space<vmem>>
      tpu.enqueue_dma source(%dma_start3A_741 : memref<128x64xf32, #tpu.memory_space<vmem>>) target(%dma_start3A_737 : memref<128x64xf32, #tpu.memory_space<vmem_shared>>) target_semaphore(%run_scoped3A_729 : memref<!tpu.dma_semaphore, #tpu.memory_space<semaphore_mem>>)
      %dma_wait3A_742 = arith.constant 0 : i32
      %dma_wait3A_743 = arith.constant 0 : i32
      %dma_wait3A_744 = tpu.memref_slice %arg9[%run_scoped3A_80, %dma_wait3A_742, %dma_wait3A_743] : memref<2x128x64xf32, #tpu.memory_space<vmem>> -> memref<1x128x64xf32, #tpu.memory_space<vmem>>
      %dma_wait3A_745 = tpu.memref_squeeze %dma_wait3A_744 : memref<1x128x64xf32, #tpu.memory_space<vmem>> -> memref<128x64xf32, #tpu.memory_space<vmem>>
      %dma_wait3A_746 = arith.constant 0 : i32
      %dma_wait3A_747 = tpu.memref_slice %arg12[%add3A_79, %dma_wait3A_746] : memref<10240x64xf32, #tpu.memory_space<vmem_shared>> -> memref<128x64xf32, #tpu.memory_space<vmem_shared>>
      %dma_wait3A_748 = arith.constant 0 : i32
      %dma_wait3A_749 = tpu.memref_slice %arg12[%add3A_79, %dma_wait3A_748] : memref<10240x64xf32, #tpu.memory_space<vmem_shared>> -> memref<128x64xf32, #tpu.memory_space<vmem_shared>>
      %dma_wait3A_750 = arith.constant 0 : i32
      %dma_wait3A_751 = arith.constant 0 : i32
      %dma_wait3A_752 = tpu.memref_slice %arg9[%run_scoped3A_80, %dma_wait3A_750, %dma_wait3A_751] : memref<2x128x64xf32, #tpu.memory_space<vmem>> -> memref<1x128x64xf32, #tpu.memory_space<vmem>>
      %dma_wait3A_753 = tpu.memref_squeeze %dma_wait3A_752 : memref<1x128x64xf32, #tpu.memory_space<vmem>> -> memref<128x64xf32, #tpu.memory_space<vmem>>
      tpu.wait_dma2 semaphore(%run_scoped3A_729 : memref<!tpu.dma_semaphore, #tpu.memory_space<semaphore_mem>>) src(%dma_wait3A_753 : memref<128x64xf32, #tpu.memory_space<vmem>>) dst(%dma_wait3A_749 : memref<128x64xf32, #tpu.memory_space<vmem_shared>>)
      tpu.yield
    }) : () -> ()
    %add3A_81 = arith.constant 512 : i32
    %add3A_82 = arith.addi %mul3A_0, %add3A_81 : i32
    "tpu.region"() ({
      %run_scoped3A_729 = tpu.sem_alloc : memref<!tpu.dma_semaphore, #tpu.memory_space<semaphore_mem>>
      %dma_start3A_730 = arith.constant 0 : i32
      %dma_start3A_731 = tpu.memref_slice %arg13[%add3A_82, %dma_start3A_730] : memref<10240x16xf32, #tpu.memory_space<vmem_shared>> -> memref<128x16xf32, #tpu.memory_space<vmem_shared>>
      %dma_start3A_732 = arith.constant 0 : i32
      %dma_start3A_733 = tpu.memref_slice %arg13[%add3A_82, %dma_start3A_732] : memref<10240x16xf32, #tpu.memory_space<vmem_shared>> -> memref<128x16xf32, #tpu.memory_space<vmem_shared>>
      tpu.enqueue_dma source(%arg10 : memref<128x16xf32, #tpu.memory_space<vmem>>) target(%dma_start3A_733 : memref<128x16xf32, #tpu.memory_space<vmem_shared>>) target_semaphore(%run_scoped3A_729 : memref<!tpu.dma_semaphore, #tpu.memory_space<semaphore_mem>>)
      %dma_wait3A_734 = arith.constant 0 : i32
      %dma_wait3A_735 = tpu.memref_slice %arg13[%add3A_82, %dma_wait3A_734] : memref<10240x16xf32, #tpu.memory_space<vmem_shared>> -> memref<128x16xf32, #tpu.memory_space<vmem_shared>>
      %dma_wait3A_736 = arith.constant 0 : i32
      %dma_wait3A_737 = tpu.memref_slice %arg13[%add3A_82, %dma_wait3A_736] : memref<10240x16xf32, #tpu.memory_space<vmem_shared>> -> memref<128x16xf32, #tpu.memory_space<vmem_shared>>
      tpu.wait_dma2 semaphore(%run_scoped3A_729 : memref<!tpu.dma_semaphore, #tpu.memory_space<semaphore_mem>>) src(%arg10 : memref<128x16xf32, #tpu.memory_space<vmem>>) dst(%dma_wait3A_737 : memref<128x16xf32, #tpu.memory_space<vmem_shared>>)
      tpu.yield
    }) : () -> ()
    %scan3A_83 = arith.constant 0 : i32
    %scan3A_84 = arith.constant 0 : i32
    %scan3A_85 = arith.constant 128 : i32
    %scan3A_86 = arith.addi %scan3A_84, %scan3A_85 : i32
    %scan3A_87 = arith.constant 1 : i32
    scf.for %scan3A_729 = %scan3A_84 to %scan3A_86 step %scan3A_87  : i32 {
      %swap3A = arith.index_cast %scan3A_729 : i32 to index
      %swap3A_730 = arith.constant 0 : index
      %swap3A_731 = tpu.vector_load %arg10[%swap3A, %swap3A_730] {strides = array<i32>} : memref<128x16xf32, #tpu.memory_space<vmem>>, vector<1x16xf32>,
      %swap3A_732 = vector.shape_cast %swap3A_731 : vector<1x16xf32> to vector<16xf32>
      %swap3A_733 = vector.shape_cast %broadcast_in_dim3A_46 : vector<16xf32> to vector<1x16xf32>
      tpu.vector_store %arg10[%swap3A, %swap3A_730], %swap3A_733 {strides = array<i32>} : memref<128x16xf32, #tpu.memory_space<vmem>>, vector<1x16xf32>,
    }
    %scan3A_88 = arith.constant 128 : i32
    %run_scoped3A_89 = arith.constant 0 : i32
    "tpu.region"() ({
      %run_scoped3A_729 = tpu.sem_alloc : memref<!tpu.dma_semaphore, #tpu.memory_space<semaphore_mem>>
      %dma_start3A_730 = arith.constant 0 : i32
      %dma_start3A_731 = arith.constant 0 : i32
      %dma_start3A_732 = tpu.memref_slice %arg7[%run_scoped3A_89, %dma_start3A_730, %dma_start3A_731] : memref<2x32x128xi32, #tpu.memory_space<vmem>> -> memref<1x32x128xi32, #tpu.memory_space<vmem>>
      %dma_start3A_733 = tpu.memref_squeeze %dma_start3A_732 : memref<1x32x128xi32, #tpu.memory_space<vmem>> -> memref<32x128xi32, #tpu.memory_space<vmem>>
      %dma_start3A_734 = arith.constant 0 : i32
      %dma_start3A_735 = arith.constant 0 : i32
      %dma_start3A_736 = tpu.memref_slice %arg3[%arg0, %arg1, %dma_start3A_734, %dma_start3A_735] : memref<2x16x160x128xi32, #tpu.memory_space<hbm>> -> memref<1x1x32x128xi32, #tpu.memory_space<hbm>>
      %dma_start3A_737 = tpu.memref_squeeze %dma_start3A_736 : memref<1x1x32x128xi32, #tpu.memory_space<hbm>> -> memref<32x128xi32, #tpu.memory_space<hbm>>
      %dma_start3A_738 = arith.constant 0 : i32
      %dma_start3A_739 = arith.constant 0 : i32
      %dma_start3A_740 = tpu.memref_slice %arg7[%run_scoped3A_89, %dma_start3A_738, %dma_start3A_739] : memref<2x32x128xi32, #tpu.memory_space<vmem>> -> memref<1x32x128xi32, #tpu.memory_space<vmem>>
      %dma_start3A_741 = tpu.memref_squeeze %dma_start3A_740 : memref<1x32x128xi32, #tpu.memory_space<vmem>> -> memref<32x128xi32, #tpu.memory_space<vmem>>
      %dma_start3A_742 = arith.constant 0 : i32
      %dma_start3A_743 = arith.constant 0 : i32
      %dma_start3A_744 = tpu.memref_slice %arg3[%arg0, %arg1, %dma_start3A_742, %dma_start3A_743] : memref<2x16x160x128xi32, #tpu.memory_space<hbm>> -> memref<1x1x32x128xi32, #tpu.memory_space<hbm>>
      %dma_start3A_745 = tpu.memref_squeeze %dma_start3A_744 : memref<1x1x32x128xi32, #tpu.memory_space<hbm>> -> memref<32x128xi32, #tpu.memory_space<hbm>>
      tpu.enqueue_dma source(%dma_start3A_745 : memref<32x128xi32, #tpu.memory_space<hbm>>) target(%dma_start3A_741 : memref<32x128xi32, #tpu.memory_space<vmem>>) target_semaphore(%run_scoped3A_729 : memref<!tpu.dma_semaphore, #tpu.memory_space<semaphore_mem>>)
      %dma_wait3A_746 = arith.constant 0 : i32
      %dma_wait3A_747 = arith.constant 0 : i32
      %dma_wait3A_748 = tpu.memref_slice %arg7[%run_scoped3A_89, %dma_wait3A_746, %dma_wait3A_747] : memref<2x32x128xi32, #tpu.memory_space<vmem>> -> memref<1x32x128xi32, #tpu.memory_space<vmem>>
      %dma_wait3A_749 = tpu.memref_squeeze %dma_wait3A_748 : memref<1x32x128xi32, #tpu.memory_space<vmem>> -> memref<32x128xi32, #tpu.memory_space<vmem>>
      %dma_wait3A_750 = arith.constant 0 : i32
      %dma_wait3A_751 = arith.constant 0 : i32
      %dma_wait3A_752 = tpu.memref_slice %arg3[%arg0, %arg1, %dma_wait3A_750, %dma_wait3A_751] : memref<2x16x160x128xi32, #tpu.memory_space<hbm>> -> memref<1x1x32x128xi32, #tpu.memory_space<hbm>>
      %dma_wait3A_753 = tpu.memref_squeeze %dma_wait3A_752 : memref<1x1x32x128xi32, #tpu.memory_space<hbm>> -> memref<32x128xi32, #tpu.memory_space<hbm>>
      %dma_wait3A_754 = arith.constant 0 : i32
      %dma_wait3A_755 = arith.constant 0 : i32
      %dma_wait3A_756 = tpu.memref_slice %arg7[%run_scoped3A_89, %dma_wait3A_754, %dma_wait3A_755] : memref<2x32x128xi32, #tpu.memory_space<vmem>> -> memref<1x32x128xi32, #tpu.memory_space<vmem>>
      %dma_wait3A_757 = tpu.memref_squeeze %dma_wait3A_756 : memref<1x32x128xi32, #tpu.memory_space<vmem>> -> memref<32x128xi32, #tpu.memory_space<vmem>>
      %dma_wait3A_758 = arith.constant 0 : i32
      %dma_wait3A_759 = arith.constant 0 : i32
      %dma_wait3A_760 = tpu.memref_slice %arg3[%arg0, %arg1, %dma_wait3A_758, %dma_wait3A_759] : memref<2x16x160x128xi32, #tpu.memory_space<hbm>> -> memref<1x1x32x128xi32, #tpu.memory_space<hbm>>
      %dma_wait3A_761 = tpu.memref_squeeze %dma_wait3A_760 : memref<1x1x32x128xi32, #tpu.memory_space<hbm>> -> memref<32x128xi32, #tpu.memory_space<hbm>>
      tpu.wait_dma2 semaphore(%run_scoped3A_729 : memref<!tpu.dma_semaphore, #tpu.memory_space<semaphore_mem>>) src(%dma_wait3A_761 : memref<32x128xi32, #tpu.memory_space<hbm>>) dst(%dma_wait3A_757 : memref<32x128xi32, #tpu.memory_space<vmem>>)
      tpu.yield
    }) : () -> ()
    %run_scoped3A_90 = arith.constant 0 : i32
    "tpu.region"() ({
      %run_scoped3A_729 = tpu.sem_alloc : memref<!tpu.dma_semaphore, #tpu.memory_space<semaphore_mem>>
      %dma_start3A_730 = arith.constant 0 : i32
      %dma_start3A_731 = arith.constant 0 : i32
      %dma_start3A_732 = tpu.memref_slice %arg8[%run_scoped3A_90, %dma_start3A_730, %dma_start3A_731] : memref<2x32x128xi32, #tpu.memory_space<vmem>> -> memref<1x32x128xi32, #tpu.memory_space<vmem>>
      %dma_start3A_733 = tpu.memref_squeeze %dma_start3A_732 : memref<1x32x128xi32, #tpu.memory_space<vmem>> -> memref<32x128xi32, #tpu.memory_space<vmem>>
      %dma_start3A_734 = arith.constant 0 : i32
      %dma_start3A_735 = arith.constant 0 : i32
      %dma_start3A_736 = tpu.memref_slice %arg4[%arg1, %dma_start3A_734, %dma_start3A_735] : memref<16x160x128xi32, #tpu.memory_space<hbm>> -> memref<1x32x128xi32, #tpu.memory_space<hbm>>
      %dma_start3A_737 = tpu.memref_squeeze %dma_start3A_736 : memref<1x32x128xi32, #tpu.memory_space<hbm>> -> memref<32x128xi32, #tpu.memory_space<hbm>>
      %dma_start3A_738 = arith.constant 0 : i32
      %dma_start3A_739 = arith.constant 0 : i32
      %dma_start3A_740 = tpu.memref_slice %arg8[%run_scoped3A_90, %dma_start3A_738, %dma_start3A_739] : memref<2x32x128xi32, #tpu.memory_space<vmem>> -> memref<1x32x128xi32, #tpu.memory_space<vmem>>
      %dma_start3A_741 = tpu.memref_squeeze %dma_start3A_740 : memref<1x32x128xi32, #tpu.memory_space<vmem>> -> memref<32x128xi32, #tpu.memory_space<vmem>>
      %dma_start3A_742 = arith.constant 0 : i32
      %dma_start3A_743 = arith.constant 0 : i32
      %dma_start3A_744 = tpu.memref_slice %arg4[%arg1, %dma_start3A_742, %dma_start3A_743] : memref<16x160x128xi32, #tpu.memory_space<hbm>> -> memref<1x32x128xi32, #tpu.memory_space<hbm>>
      %dma_start3A_745 = tpu.memref_squeeze %dma_start3A_744 : memref<1x32x128xi32, #tpu.memory_space<hbm>> -> memref<32x128xi32, #tpu.memory_space<hbm>>
      tpu.enqueue_dma source(%dma_start3A_745 : memref<32x128xi32, #tpu.memory_space<hbm>>) target(%dma_start3A_741 : memref<32x128xi32, #tpu.memory_space<vmem>>) target_semaphore(%run_scoped3A_729 : memref<!tpu.dma_semaphore, #tpu.memory_space<semaphore_mem>>)
      %dma_wait3A_746 = arith.constant 0 : i32
      %dma_wait3A_747 = arith.constant 0 : i32
      %dma_wait3A_748 = tpu.memref_slice %arg8[%run_scoped3A_90, %dma_wait3A_746, %dma_wait3A_747] : memref<2x32x128xi32, #tpu.memory_space<vmem>> -> memref<1x32x128xi32, #tpu.memory_space<vmem>>
      %dma_wait3A_749 = tpu.memref_squeeze %dma_wait3A_748 : memref<1x32x128xi32, #tpu.memory_space<vmem>> -> memref<32x128xi32, #tpu.memory_space<vmem>>
      %dma_wait3A_750 = arith.constant 0 : i32
      %dma_wait3A_751 = arith.constant 0 : i32
      %dma_wait3A_752 = tpu.memref_slice %arg4[%arg1, %dma_wait3A_750, %dma_wait3A_751] : memref<16x160x128xi32, #tpu.memory_space<hbm>> -> memref<1x32x128xi32, #tpu.memory_space<hbm>>
      %dma_wait3A_753 = tpu.memref_squeeze %dma_wait3A_752 : memref<1x32x128xi32, #tpu.memory_space<hbm>> -> memref<32x128xi32, #tpu.memory_space<hbm>>
      %dma_wait3A_754 = arith.constant 0 : i32
      %dma_wait3A_755 = arith.constant 0 : i32
      %dma_wait3A_756 = tpu.memref_slice %arg8[%run_scoped3A_90, %dma_wait3A_754, %dma_wait3A_755] : memref<2x32x128xi32, #tpu.memory_space<vmem>> -> memref<1x32x128xi32, #tpu.memory_space<vmem>>
      %dma_wait3A_757 = tpu.memref_squeeze %dma_wait3A_756 : memref<1x32x128xi32, #tpu.memory_space<vmem>> -> memref<32x128xi32, #tpu.memory_space<vmem>>
      %dma_wait3A_758 = arith.constant 0 : i32
      %dma_wait3A_759 = arith.constant 0 : i32
      %dma_wait3A_760 = tpu.memref_slice %arg4[%arg1, %dma_wait3A_758, %dma_wait3A_759] : memref<16x160x128xi32, #tpu.memory_space<hbm>> -> memref<1x32x128xi32, #tpu.memory_space<hbm>>
      %dma_wait3A_761 = tpu.memref_squeeze %dma_wait3A_760 : memref<1x32x128xi32, #tpu.memory_space<hbm>> -> memref<32x128xi32, #tpu.memory_space<hbm>>
      tpu.wait_dma2 semaphore(%run_scoped3A_729 : memref<!tpu.dma_semaphore, #tpu.memory_space<semaphore_mem>>) src(%dma_wait3A_761 : memref<32x128xi32, #tpu.memory_space<hbm>>) dst(%dma_wait3A_757 : memref<32x128xi32, #tpu.memory_space<vmem>>)
      tpu.yield
    }) : () -> ()
    %barrier3A = arith.constant 0 : index
    tpu.barrier barrier_id(%barrier3A)
    %dma_start3A = arith.constant 0 : i32
    %dma_start3A_91 = arith.constant 0 : i32
    %dma_start3A_92 = arith.constant 0 : i32
    %dma_start3A_93 = arith.constant 0 : i32
    %dma_start3A_94 = arith.constant 0 : i32
    %dma_start3A_95 = tpu.memref_slice %arg9[%dma_start3A_92, %dma_start3A_93, %dma_start3A_94] : memref<2x128x64xf32, #tpu.memory_space<vmem>> -> memref<1x128x64xf32, #tpu.memory_space<vmem>>
    %dma_start3A_96 = tpu.memref_squeeze %dma_start3A_95 : memref<1x128x64xf32, #tpu.memory_space<vmem>> -> memref<128x64xf32, #tpu.memory_space<vmem>>
    %dma_start3A_97 = arith.constant 0 : i32
    %dma_start3A_98 = tpu.memref_slice %arg7[%dma_start3A, %dma_start3A_91, %dma_start3A_97] : memref<2x32x128xi32, #tpu.memory_space<vmem>> -> memref<1x1x128xi32, #tpu.memory_space<vmem>>
    %dma_start3A_99 = tpu.memref_squeeze %dma_start3A_98 : memref<1x1x128xi32, #tpu.memory_space<vmem>> -> memref<128xi32, #tpu.memory_space<vmem>>
    %dma_start3A_100 = arith.constant 0 : i32
    %dma_start3A_101 = arith.constant 0 : i32
    %dma_start3A_102 = tpu.memref_slice %arg11[%dma_start3A_100, %dma_start3A_101] : memref<10240x64xf32, #tpu.memory_space<vmem_shared>> -> memref<10240x64xf32, #tpu.memory_space<vmem_shared>>
    tpu.enqueue_indirect_dma source(%dma_start3A_102 : memref<10240x64xf32, #tpu.memory_space<vmem_shared>>) target(%dma_start3A_96 : memref<128x64xf32, #tpu.memory_space<vmem>>) offsets(%dma_start3A_99 : memref<128xi32, #tpu.memory_space<vmem>>) semaphore(%arg14 : memref<!tpu.dma_semaphore, #tpu.memory_space<semaphore_mem>>)
    %dma_start3A_103 = arith.constant 0 : i32
    %dma_start3A_104 = arith.constant 1 : i32
    %dma_start3A_105 = arith.constant 1 : i32
    %dma_start3A_106 = arith.constant 0 : i32
    %dma_start3A_107 = arith.constant 0 : i32
    %dma_start3A_108 = tpu.memref_slice %arg9[%dma_start3A_105, %dma_start3A_106, %dma_start3A_107] : memref<2x128x64xf32, #tpu.memory_space<vmem>> -> memref<1x128x64xf32, #tpu.memory_space<vmem>>
    %dma_start3A_109 = tpu.memref_squeeze %dma_start3A_108 : memref<1x128x64xf32, #tpu.memory_space<vmem>> -> memref<128x64xf32, #tpu.memory_space<vmem>>
    %dma_start3A_110 = arith.constant 0 : i32
    %dma_start3A_111 = tpu.memref_slice %arg7[%dma_start3A_103, %dma_start3A_104, %dma_start3A_110] : memref<2x32x128xi32, #tpu.memory_space<vmem>> -> memref<1x1x128xi32, #tpu.memory_space<vmem>>
    %dma_start3A_112 = tpu.memref_squeeze %dma_start3A_111 : memref<1x1x128xi32, #tpu.memory_space<vmem>> -> memref<128xi32, #tpu.memory_space<vmem>>
    %dma_start3A_113 = arith.constant 0 : i32
    %dma_start3A_114 = arith.constant 0 : i32
    %dma_start3A_115 = tpu.memref_slice %arg2[%dma_start3A_113, %dma_start3A_114] : memref<20480x64xf32, #tpu.memory_space<hbm>> -> memref<20480x64xf32, #tpu.memory_space<hbm>>
    tpu.enqueue_indirect_dma source(%dma_start3A_115 : memref<20480x64xf32, #tpu.memory_space<hbm>>) target(%dma_start3A_109 : memref<128x64xf32, #tpu.memory_space<vmem>>) offsets(%dma_start3A_112 : memref<128xi32, #tpu.memory_space<vmem>>) semaphore(%arg15 : memref<!tpu.dma_semaphore, #tpu.memory_space<semaphore_mem>>)
    %dma_start3A_116 = arith.constant 1 : i32
    %dma_start3A_117 = arith.constant 0 : i32
    %dma_start3A_118 = arith.constant 0 : i32
    %dma_start3A_119 = tpu.memref_slice %arg7[%dma_start3A_116, %dma_start3A_117, %dma_start3A_118] : memref<2x32x128xi32, #tpu.memory_space<vmem>> -> memref<1x32x128xi32, #tpu.memory_space<vmem>>
    %dma_start3A_120 = tpu.memref_squeeze %dma_start3A_119 : memref<1x32x128xi32, #tpu.memory_space<vmem>> -> memref<32x128xi32, #tpu.memory_space<vmem>>
    %dma_start3A_121 = arith.constant 32 : i32
    %dma_start3A_122 = arith.constant 0 : i32
    %dma_start3A_123 = tpu.memref_slice %arg3[%arg0, %arg1, %dma_start3A_121, %dma_start3A_122] : memref<2x16x160x128xi32, #tpu.memory_space<hbm>> -> memref<1x1x32x128xi32, #tpu.memory_space<hbm>>
    %dma_start3A_124 = tpu.memref_squeeze %dma_start3A_123 : memref<1x1x32x128xi32, #tpu.memory_space<hbm>> -> memref<32x128xi32, #tpu.memory_space<hbm>>
    %dma_start3A_125 = arith.constant 0 : i32
    %dma_start3A_126 = arith.constant 0 : i32
    %dma_start3A_127 = tpu.memref_slice %arg7[%dma_start3A_116, %dma_start3A_125, %dma_start3A_126] : memref<2x32x128xi32, #tpu.memory_space<vmem>> -> memref<1x32x128xi32, #tpu.memory_space<vmem>>
    %dma_start3A_128 = tpu.memref_squeeze %dma_start3A_127 : memref<1x32x128xi32, #tpu.memory_space<vmem>> -> memref<32x128xi32, #tpu.memory_space<vmem>>
    %dma_start3A_129 = arith.constant 32 : i32
    %dma_start3A_130 = arith.constant 0 : i32
    %dma_start3A_131 = tpu.memref_slice %arg3[%arg0, %arg1, %dma_start3A_129, %dma_start3A_130] : memref<2x16x160x128xi32, #tpu.memory_space<hbm>> -> memref<1x1x32x128xi32, #tpu.memory_space<hbm>>
    %dma_start3A_132 = tpu.memref_squeeze %dma_start3A_131 : memref<1x1x32x128xi32, #tpu.memory_space<hbm>> -> memref<32x128xi32, #tpu.memory_space<hbm>>
    tpu.enqueue_dma source(%dma_start3A_132 : memref<32x128xi32, #tpu.memory_space<hbm>>) target(%dma_start3A_128 : memref<32x128xi32, #tpu.memory_space<vmem>>) target_semaphore(%arg16 : memref<!tpu.dma_semaphore, #tpu.memory_space<semaphore_mem>>)
    %dma_start3A_133 = arith.constant 1 : i32
    %dma_start3A_134 = arith.constant 0 : i32
    %dma_start3A_135 = arith.constant 0 : i32
    %dma_start3A_136 = tpu.memref_slice %arg8[%dma_start3A_133, %dma_start3A_134, %dma_start3A_135] : memref<2x32x128xi32, #tpu.memory_space<vmem>> -> memref<1x32x128xi32, #tpu.memory_space<vmem>>
    %dma_start3A_137 = tpu.memref_squeeze %dma_start3A_136 : memref<1x32x128xi32, #tpu.memory_space<vmem>> -> memref<32x128xi32, #tpu.memory_space<vmem>>
    %dma_start3A_138 = arith.constant 32 : i32
    %dma_start3A_139 = arith.constant 0 : i32
    %dma_start3A_140 = tpu.memref_slice %arg4[%arg1, %dma_start3A_138, %dma_start3A_139] : memref<16x160x128xi32, #tpu.memory_space<hbm>> -> memref<1x32x128xi32, #tpu.memory_space<hbm>>
    %dma_start3A_141 = tpu.memref_squeeze %dma_start3A_140 : memref<1x32x128xi32, #tpu.memory_space<hbm>> -> memref<32x128xi32, #tpu.memory_space<hbm>>
    %dma_start3A_142 = arith.constant 0 : i32
    %dma_start3A_143 = arith.constant 0 : i32
    %dma_start3A_144 = tpu.memref_slice %arg8[%dma_start3A_133, %dma_start3A_142, %dma_start3A_143] : memref<2x32x128xi32, #tpu.memory_space<vmem>> -> memref<1x32x128xi32, #tpu.memory_space<vmem>>
    %dma_start3A_145 = tpu.memref_squeeze %dma_start3A_144 : memref<1x32x128xi32, #tpu.memory_space<vmem>> -> memref<32x128xi32, #tpu.memory_space<vmem>>
    %dma_start3A_146 = arith.constant 32 : i32
    %dma_start3A_147 = arith.constant 0 : i32
    %dma_start3A_148 = tpu.memref_slice %arg4[%arg1, %dma_start3A_146, %dma_start3A_147] : memref<16x160x128xi32, #tpu.memory_space<hbm>> -> memref<1x32x128xi32, #tpu.memory_space<hbm>>
    %dma_start3A_149 = tpu.memref_squeeze %dma_start3A_148 : memref<1x32x128xi32, #tpu.memory_space<hbm>> -> memref<32x128xi32, #tpu.memory_space<hbm>>
    tpu.enqueue_dma source(%dma_start3A_149 : memref<32x128xi32, #tpu.memory_space<hbm>>) target(%dma_start3A_145 : memref<32x128xi32, #tpu.memory_space<vmem>>) target_semaphore(%arg17 : memref<!tpu.dma_semaphore, #tpu.memory_space<semaphore_mem>>)
    %scan3A_150 = arith.constant 0 : i32
    %scan3A_151 = arith.constant 0 : i32
    %scan3A_152 = arith.constant 15 : i32
    %scan3A_153 = arith.addi %scan3A_151, %scan3A_152 : i32
    %scan3A_154 = arith.constant 1 : i32
    scf.for %scan3A_729 = %scan3A_151 to %scan3A_153 step %scan3A_154  : i32 {
      %mul3A_730 = arith.constant 2 : i32
      %mul3A_731 = arith.muli %scan3A_729, %mul3A_730 : i32
      %add3A_732 = arith.constant 0 : i32
      %add3A_733 = arith.addi %mul3A_731, %add3A_732 : i32
      %dma_wait3A_734 = arith.constant 0 : i32
      %dma_wait3A_735 = arith.constant 0 : i32
      %dma_wait3A_736 = arith.constant 0 : i32
      %dma_wait3A_737 = arith.constant 0 : i32
      %dma_wait3A_738 = tpu.memref_slice %arg9[%dma_wait3A_735, %dma_wait3A_736, %dma_wait3A_737] : memref<2x128x64xf32, #tpu.memory_space<vmem>> -> memref<1x128x64xf32, #tpu.memory_space<vmem>>
      %dma_wait3A_739 = tpu.memref_squeeze %dma_wait3A_738 : memref<1x128x64xf32, #tpu.memory_space<vmem>> -> memref<128x64xf32, #tpu.memory_space<vmem>>
      %dma_wait3A_740 = arith.constant 0 : i32
      %dma_wait3A_741 = tpu.memref_slice %arg7[%dma_wait3A_734, %add3A_733, %dma_wait3A_740] : memref<2x32x128xi32, #tpu.memory_space<vmem>> -> memref<1x1x128xi32, #tpu.memory_space<vmem>>
      %dma_wait3A_742 = tpu.memref_squeeze %dma_wait3A_741 : memref<1x1x128xi32, #tpu.memory_space<vmem>> -> memref<128xi32, #tpu.memory_space<vmem>>
      %dma_wait3A_743 = arith.constant 0 : i32
      %dma_wait3A_744 = arith.constant 0 : i32
      %dma_wait3A_745 = tpu.memref_slice %arg11[%dma_wait3A_743, %dma_wait3A_744] : memref<10240x64xf32, #tpu.memory_space<vmem_shared>> -> memref<10240x64xf32, #tpu.memory_space<vmem_shared>>
      tpu.wait_indirect_dma semaphore(%arg14 : memref<!tpu.dma_semaphore, #tpu.memory_space<semaphore_mem>>) src(%dma_wait3A_745 : memref<10240x64xf32, #tpu.memory_space<vmem_shared>>) dst(%dma_wait3A_739 : memref<128x64xf32, #tpu.memory_space<vmem>>)
      %run_scoped3A_746 = arith.constant 0 : i32
      %run_scoped3A_747 = arith.constant 0 : i32
      "tpu.region"() ({
        %run_scoped3A_804 = tpu.sem_alloc : memref<!tpu.dma_semaphore, #tpu.memory_space<semaphore_mem>>
        %dma_start3A_805 = arith.constant 0 : i32
        %dma_start3A_806 = arith.constant 0 : i32
        %dma_start3A_807 = tpu.memref_slice %arg9[%run_scoped3A_746, %dma_start3A_805, %dma_start3A_806] : memref<2x128x64xf32, #tpu.memory_space<vmem>> -> memref<1x128x64xf32, #tpu.memory_space<vmem>>
        %dma_start3A_808 = tpu.memref_squeeze %dma_start3A_807 : memref<1x128x64xf32, #tpu.memory_space<vmem>> -> memref<128x64xf32, #tpu.memory_space<vmem>>
        %dma_start3A_809 = arith.constant 0 : i32
        %dma_start3A_810 = tpu.memref_slice %arg8[%run_scoped3A_747, %add3A_733, %dma_start3A_809] : memref<2x32x128xi32, #tpu.memory_space<vmem>> -> memref<1x1x128xi32, #tpu.memory_space<vmem>>
        %dma_start3A_811 = tpu.memref_squeeze %dma_start3A_810 : memref<1x1x128xi32, #tpu.memory_space<vmem>> -> memref<128xi32, #tpu.memory_space<vmem>>
        %dma_start3A_812 = arith.constant 0 : i32
        %dma_start3A_813 = arith.constant 0 : i32
        %dma_start3A_814 = tpu.memref_slice %arg12[%dma_start3A_812, %dma_start3A_813] : memref<10240x64xf32, #tpu.memory_space<vmem_shared>> -> memref<10240x64xf32, #tpu.memory_space<vmem_shared>>
        tpu.enqueue_indirect_dma source(%dma_start3A_808 : memref<128x64xf32, #tpu.memory_space<vmem>>) target(%dma_start3A_814 : memref<10240x64xf32, #tpu.memory_space<vmem_shared>>) offsets(%dma_start3A_811 : memref<128xi32, #tpu.memory_space<vmem>>) semaphore(%run_scoped3A_804 : memref<!tpu.dma_semaphore, #tpu.memory_space<semaphore_mem>>) {add = true}
        %dma_wait3A_815 = arith.constant 0 : i32
        %dma_wait3A_816 = arith.constant 0 : i32
        %dma_wait3A_817 = tpu.memref_slice %arg9[%run_scoped3A_746, %dma_wait3A_815, %dma_wait3A_816] : memref<2x128x64xf32, #tpu.memory_space<vmem>> -> memref<1x128x64xf32, #tpu.memory_space<vmem>>
        %dma_wait3A_818 = tpu.memref_squeeze %dma_wait3A_817 : memref<1x128x64xf32, #tpu.memory_space<vmem>> -> memref<128x64xf32, #tpu.memory_space<vmem>>
        %dma_wait3A_819 = arith.constant 0 : i32
        %dma_wait3A_820 = tpu.memref_slice %arg8[%run_scoped3A_747, %add3A_733, %dma_wait3A_819] : memref<2x32x128xi32, #tpu.memory_space<vmem>> -> memref<1x1x128xi32, #tpu.memory_space<vmem>>
        %dma_wait3A_821 = tpu.memref_squeeze %dma_wait3A_820 : memref<1x1x128xi32, #tpu.memory_space<vmem>> -> memref<128xi32, #tpu.memory_space<vmem>>
        %dma_wait3A_822 = arith.constant 0 : i32
        %dma_wait3A_823 = arith.constant 0 : i32
        %dma_wait3A_824 = tpu.memref_slice %arg12[%dma_wait3A_822, %dma_wait3A_823] : memref<10240x64xf32, #tpu.memory_space<vmem_shared>> -> memref<10240x64xf32, #tpu.memory_space<vmem_shared>>
        tpu.wait_indirect_dma semaphore(%run_scoped3A_804 : memref<!tpu.dma_semaphore, #tpu.memory_space<semaphore_mem>>) src(%dma_wait3A_818 : memref<128x64xf32, #tpu.memory_space<vmem>>) dst(%dma_wait3A_824 : memref<10240x64xf32, #tpu.memory_space<vmem_shared>>)
        tpu.yield
      }) : () -> ()
      %add3A_748 = arith.constant 2 : i32
      %add3A_749 = arith.addi %add3A_733, %add3A_748 : i32
      %dma_start3A_750 = arith.constant 0 : i32
      %dma_start3A_751 = arith.constant 0 : i32
      %dma_start3A_752 = arith.constant 0 : i32
      %dma_start3A_753 = arith.constant 0 : i32
      %dma_start3A_754 = tpu.memref_slice %arg9[%dma_start3A_751, %dma_start3A_752, %dma_start3A_753] : memref<2x128x64xf32, #tpu.memory_space<vmem>> -> memref<1x128x64xf32, #tpu.memory_space<vmem>>
      %dma_start3A_755 = tpu.memref_squeeze %dma_start3A_754 : memref<1x128x64xf32, #tpu.memory_space<vmem>> -> memref<128x64xf32, #tpu.memory_space<vmem>>
      %dma_start3A_756 = arith.constant 0 : i32
      %dma_start3A_757 = tpu.memref_slice %arg7[%dma_start3A_750, %add3A_749, %dma_start3A_756] : memref<2x32x128xi32, #tpu.memory_space<vmem>> -> memref<1x1x128xi32, #tpu.memory_space<vmem>>
      %dma_start3A_758 = tpu.memref_squeeze %dma_start3A_757 : memref<1x1x128xi32, #tpu.memory_space<vmem>> -> memref<128xi32, #tpu.memory_space<vmem>>
      %dma_start3A_759 = arith.constant 0 : i32
      %dma_start3A_760 = arith.constant 0 : i32
      %dma_start3A_761 = tpu.memref_slice %arg11[%dma_start3A_759, %dma_start3A_760] : memref<10240x64xf32, #tpu.memory_space<vmem_shared>> -> memref<10240x64xf32, #tpu.memory_space<vmem_shared>>
      tpu.enqueue_indirect_dma source(%dma_start3A_761 : memref<10240x64xf32, #tpu.memory_space<vmem_shared>>) target(%dma_start3A_755 : memref<128x64xf32, #tpu.memory_space<vmem>>) offsets(%dma_start3A_758 : memref<128xi32, #tpu.memory_space<vmem>>) semaphore(%arg14 : memref<!tpu.dma_semaphore, #tpu.memory_space<semaphore_mem>>)
      %eq3A_762 = arith.constant 0 : i32
      %eq3A_763 = arith.cmpi eq, %arg0, %eq3A_762 : i32
      %convert_element_type3A_764 = arith.extui %eq3A_763 : i1 to i32
      %cond3A_765 = arith.constant 0 : i32
      %cond3A_766 = arith.cmpi ne, %convert_element_type3A_764, %cond3A_765 : i32
      scf.if %cond3A_766 {
        %run_scoped3A_804 = arith.constant 0 : i32
        "tpu.region"() ({
          %run_scoped3A_805 = tpu.sem_alloc : memref<!tpu.dma_semaphore, #tpu.memory_space<semaphore_mem>>
          %dma_start3A_806 = arith.constant 0 : i32
          %dma_start3A_807 = tpu.memref_slice %arg8[%run_scoped3A_804, %add3A_733, %dma_start3A_806] : memref<2x32x128xi32, #tpu.memory_space<vmem>> -> memref<1x1x128xi32, #tpu.memory_space<vmem>>
          %dma_start3A_808 = tpu.memref_squeeze %dma_start3A_807 : memref<1x1x128xi32, #tpu.memory_space<vmem>> -> memref<128xi32, #tpu.memory_space<vmem>>
          %dma_start3A_809 = arith.constant 0 : i32
          %dma_start3A_810 = arith.constant 0 : i32
          %dma_start3A_811 = tpu.memref_slice %arg13[%dma_start3A_809, %dma_start3A_810] : memref<10240x16xf32, #tpu.memory_space<vmem_shared>> -> memref<10240x16xf32, #tpu.memory_space<vmem_shared>>
          tpu.enqueue_indirect_dma source(%arg10 : memref<128x16xf32, #tpu.memory_space<vmem>>) target(%dma_start3A_811 : memref<10240x16xf32, #tpu.memory_space<vmem_shared>>) offsets(%dma_start3A_808 : memref<128xi32, #tpu.memory_space<vmem>>) semaphore(%run_scoped3A_805 : memref<!tpu.dma_semaphore, #tpu.memory_space<semaphore_mem>>) {add = true}
          %dma_wait3A_812 = arith.constant 0 : i32
          %dma_wait3A_813 = tpu.memref_slice %arg8[%run_scoped3A_804, %add3A_733, %dma_wait3A_812] : memref<2x32x128xi32, #tpu.memory_space<vmem>> -> memref<1x1x128xi32, #tpu.memory_space<vmem>>
          %dma_wait3A_814 = tpu.memref_squeeze %dma_wait3A_813 : memref<1x1x128xi32, #tpu.memory_space<vmem>> -> memref<128xi32, #tpu.memory_space<vmem>>
          %dma_wait3A_815 = arith.constant 0 : i32
          %dma_wait3A_816 = arith.constant 0 : i32
          %dma_wait3A_817 = tpu.memref_slice %arg13[%dma_wait3A_815, %dma_wait3A_816] : memref<10240x16xf32, #tpu.memory_space<vmem_shared>> -> memref<10240x16xf32, #tpu.memory_space<vmem_shared>>
          tpu.wait_indirect_dma semaphore(%run_scoped3A_805 : memref<!tpu.dma_semaphore, #tpu.memory_space<semaphore_mem>>) src(%arg10 : memref<128x16xf32, #tpu.memory_space<vmem>>) dst(%dma_wait3A_817 : memref<10240x16xf32, #tpu.memory_space<vmem_shared>>)
          tpu.yield
        }) : () -> ()
      } else {
      }
      %mul3A_767 = arith.constant 2 : i32
      %mul3A_768 = arith.muli %scan3A_729, %mul3A_767 : i32
      %add3A_769 = arith.constant 1 : i32
      %add3A_770 = arith.addi %mul3A_768, %add3A_769 : i32
      %dma_wait3A_771 = arith.constant 0 : i32
      %dma_wait3A_772 = arith.constant 1 : i32
      %dma_wait3A_773 = arith.constant 0 : i32
      %dma_wait3A_774 = arith.constant 0 : i32
      %dma_wait3A_775 = tpu.memref_slice %arg9[%dma_wait3A_772, %dma_wait3A_773, %dma_wait3A_774] : memref<2x128x64xf32, #tpu.memory_space<vmem>> -> memref<1x128x64xf32, #tpu.memory_space<vmem>>
      %dma_wait3A_776 = tpu.memref_squeeze %dma_wait3A_775 : memref<1x128x64xf32, #tpu.memory_space<vmem>> -> memref<128x64xf32, #tpu.memory_space<vmem>>
      %dma_wait3A_777 = arith.constant 0 : i32
      %dma_wait3A_778 = tpu.memref_slice %arg7[%dma_wait3A_771, %add3A_770, %dma_wait3A_777] : memref<2x32x128xi32, #tpu.memory_space<vmem>> -> memref<1x1x128xi32, #tpu.memory_space<vmem>>
      %dma_wait3A_779 = tpu.memref_squeeze %dma_wait3A_778 : memref<1x1x128xi32, #tpu.memory_space<vmem>> -> memref<128xi32, #tpu.memory_space<vmem>>
      %dma_wait3A_780 = arith.constant 0 : i32
      %dma_wait3A_781 = arith.constant 0 : i32
      %dma_wait3A_782 = tpu.memref_slice %arg2[%dma_wait3A_780, %dma_wait3A_781] : memref<20480x64xf32, #tpu.memory_space<hbm>> -> memref<20480x64xf32, #tpu.memory_space<hbm>>
      tpu.wait_indirect_dma semaphore(%arg15 : memref<!tpu.dma_semaphore, #tpu.memory_space<semaphore_mem>>) src(%dma_wait3A_782 : memref<20480x64xf32, #tpu.memory_space<hbm>>) dst(%dma_wait3A_776 : memref<128x64xf32, #tpu.memory_space<vmem>>)
      %run_scoped3A_783 = arith.constant 1 : i32
      %run_scoped3A_784 = arith.constant 0 : i32
      "tpu.region"() ({
        %run_scoped3A_804 = tpu.sem_alloc : memref<!tpu.dma_semaphore, #tpu.memory_space<semaphore_mem>>
        %dma_start3A_805 = arith.constant 0 : i32
        %dma_start3A_806 = arith.constant 0 : i32
        %dma_start3A_807 = tpu.memref_slice %arg9[%run_scoped3A_783, %dma_start3A_805, %dma_start3A_806] : memref<2x128x64xf32, #tpu.memory_space<vmem>> -> memref<1x128x64xf32, #tpu.memory_space<vmem>>
        %dma_start3A_808 = tpu.memref_squeeze %dma_start3A_807 : memref<1x128x64xf32, #tpu.memory_space<vmem>> -> memref<128x64xf32, #tpu.memory_space<vmem>>
        %dma_start3A_809 = arith.constant 0 : i32
        %dma_start3A_810 = tpu.memref_slice %arg8[%run_scoped3A_784, %add3A_770, %dma_start3A_809] : memref<2x32x128xi32, #tpu.memory_space<vmem>> -> memref<1x1x128xi32, #tpu.memory_space<vmem>>
        %dma_start3A_811 = tpu.memref_squeeze %dma_start3A_810 : memref<1x1x128xi32, #tpu.memory_space<vmem>> -> memref<128xi32, #tpu.memory_space<vmem>>
        %dma_start3A_812 = arith.constant 0 : i32
        %dma_start3A_813 = arith.constant 0 : i32
        %dma_start3A_814 = tpu.memref_slice %arg12[%dma_start3A_812, %dma_start3A_813] : memref<10240x64xf32, #tpu.memory_space<vmem_shared>> -> memref<10240x64xf32, #tpu.memory_space<vmem_shared>>
        tpu.enqueue_indirect_dma source(%dma_start3A_808 : memref<128x64xf32, #tpu.memory_space<vmem>>) target(%dma_start3A_814 : memref<10240x64xf32, #tpu.memory_space<vmem_shared>>) offsets(%dma_start3A_811 : memref<128xi32, #tpu.memory_space<vmem>>) semaphore(%run_scoped3A_804 : memref<!tpu.dma_semaphore, #tpu.memory_space<semaphore_mem>>) {add = true}
        %dma_wait3A_815 = arith.constant 0 : i32
        %dma_wait3A_816 = arith.constant 0 : i32
        %dma_wait3A_817 = tpu.memref_slice %arg9[%run_scoped3A_783, %dma_wait3A_815, %dma_wait3A_816] : memref<2x128x64xf32, #tpu.memory_space<vmem>> -> memref<1x128x64xf32, #tpu.memory_space<vmem>>
        %dma_wait3A_818 = tpu.memref_squeeze %dma_wait3A_817 : memref<1x128x64xf32, #tpu.memory_space<vmem>> -> memref<128x64xf32, #tpu.memory_space<vmem>>
        %dma_wait3A_819 = arith.constant 0 : i32
        %dma_wait3A_820 = tpu.memref_slice %arg8[%run_scoped3A_784, %add3A_770, %dma_wait3A_819] : memref<2x32x128xi32, #tpu.memory_space<vmem>> -> memref<1x1x128xi32, #tpu.memory_space<vmem>>
        %dma_wait3A_821 = tpu.memref_squeeze %dma_wait3A_820 : memref<1x1x128xi32, #tpu.memory_space<vmem>> -> memref<128xi32, #tpu.memory_space<vmem>>
        %dma_wait3A_822 = arith.constant 0 : i32
        %dma_wait3A_823 = arith.constant 0 : i32
        %dma_wait3A_824 = tpu.memref_slice %arg12[%dma_wait3A_822, %dma_wait3A_823] : memref<10240x64xf32, #tpu.memory_space<vmem_shared>> -> memref<10240x64xf32, #tpu.memory_space<vmem_shared>>
        tpu.wait_indirect_dma semaphore(%run_scoped3A_804 : memref<!tpu.dma_semaphore, #tpu.memory_space<semaphore_mem>>) src(%dma_wait3A_818 : memref<128x64xf32, #tpu.memory_space<vmem>>) dst(%dma_wait3A_824 : memref<10240x64xf32, #tpu.memory_space<vmem_shared>>)
        tpu.yield
      }) : () -> ()
      %add3A_785 = arith.constant 2 : i32
      %add3A_786 = arith.addi %add3A_770, %add3A_785 : i32
      %dma_start3A_787 = arith.constant 0 : i32
      %dma_start3A_788 = arith.constant 1 : i32
      %dma_start3A_789 = arith.constant 0 : i32
      %dma_start3A_790 = arith.constant 0 : i32
      %dma_start3A_791 = tpu.memref_slice %arg9[%dma_start3A_788, %dma_start3A_789, %dma_start3A_790] : memref<2x128x64xf32, #tpu.memory_space<vmem>> -> memref<1x128x64xf32, #tpu.memory_space<vmem>>
      %dma_start3A_792 = tpu.memref_squeeze %dma_start3A_791 : memref<1x128x64xf32, #tpu.memory_space<vmem>> -> memref<128x64xf32, #tpu.memory_space<vmem>>
      %dma_start3A_793 = arith.constant 0 : i32
      %dma_start3A_794 = tpu.memref_slice %arg7[%dma_start3A_787, %add3A_786, %dma_start3A_793] : memref<2x32x128xi32, #tpu.memory_space<vmem>> -> memref<1x1x128xi32, #tpu.memory_space<vmem>>
      %dma_start3A_795 = tpu.memref_squeeze %dma_start3A_794 : memref<1x1x128xi32, #tpu.memory_space<vmem>> -> memref<128xi32, #tpu.memory_space<vmem>>
      %dma_start3A_796 = arith.constant 0 : i32
      %dma_start3A_797 = arith.constant 0 : i32
      %dma_start3A_798 = tpu.memref_slice %arg2[%dma_start3A_796, %dma_start3A_797] : memref<20480x64xf32, #tpu.memory_space<hbm>> -> memref<20480x64xf32, #tpu.memory_space<hbm>>
      tpu.enqueue_indirect_dma source(%dma_start3A_798 : memref<20480x64xf32, #tpu.memory_space<hbm>>) target(%dma_start3A_792 : memref<128x64xf32, #tpu.memory_space<vmem>>) offsets(%dma_start3A_795 : memref<128xi32, #tpu.memory_space<vmem>>) semaphore(%arg15 : memref<!tpu.dma_semaphore, #tpu.memory_space<semaphore_mem>>)
      %eq3A_799 = arith.constant 1 : i32
      %eq3A_800 = arith.cmpi eq, %arg0, %eq3A_799 : i32
      %convert_element_type3A_801 = arith.extui %eq3A_800 : i1 to i32
      %cond3A_802 = arith.constant 0 : i32
      %cond3A_803 = arith.cmpi ne, %convert_element_type3A_801, %cond3A_802 : i32
      scf.if %cond3A_803 {
        %run_scoped3A_804 = arith.constant 0 : i32
        "tpu.region"() ({
          %run_scoped3A_805 = tpu.sem_alloc : memref<!tpu.dma_semaphore, #tpu.memory_space<semaphore_mem>>
          %dma_start3A_806 = arith.constant 0 : i32
          %dma_start3A_807 = tpu.memref_slice %arg8[%run_scoped3A_804, %add3A_770, %dma_start3A_806] : memref<2x32x128xi32, #tpu.memory_space<vmem>> -> memref<1x1x128xi32, #tpu.memory_space<vmem>>
          %dma_start3A_808 = tpu.memref_squeeze %dma_start3A_807 : memref<1x1x128xi32, #tpu.memory_space<vmem>> -> memref<128xi32, #tpu.memory_space<vmem>>
          %dma_start3A_809 = arith.constant 0 : i32
          %dma_start3A_810 = arith.constant 0 : i32
          %dma_start3A_811 = tpu.memref_slice %arg13[%dma_start3A_809, %dma_start3A_810] : memref<10240x16xf32, #tpu.memory_space<vmem_shared>> -> memref<10240x16xf32, #tpu.memory_space<vmem_shared>>
          tpu.enqueue_indirect_dma source(%arg10 : memref<128x16xf32, #tpu.memory_space<vmem>>) target(%dma_start3A_811 : memref<10240x16xf32, #tpu.memory_space<vmem_shared>>) offsets(%dma_start3A_808 : memref<128xi32, #tpu.memory_space<vmem>>) semaphore(%run_scoped3A_805 : memref<!tpu.dma_semaphore, #tpu.memory_space<semaphore_mem>>) {add = true}
          %dma_wait3A_812 = arith.constant 0 : i32
          %dma_wait3A_813 = tpu.memref_slice %arg8[%run_scoped3A_804, %add3A_770, %dma_wait3A_812] : memref<2x32x128xi32, #tpu.memory_space<vmem>> -> memref<1x1x128xi32, #tpu.memory_space<vmem>>
          %dma_wait3A_814 = tpu.memref_squeeze %dma_wait3A_813 : memref<1x1x128xi32, #tpu.memory_space<vmem>> -> memref<128xi32, #tpu.memory_space<vmem>>
          %dma_wait3A_815 = arith.constant 0 : i32
          %dma_wait3A_816 = arith.constant 0 : i32
          %dma_wait3A_817 = tpu.memref_slice %arg13[%dma_wait3A_815, %dma_wait3A_816] : memref<10240x16xf32, #tpu.memory_space<vmem_shared>> -> memref<10240x16xf32, #tpu.memory_space<vmem_shared>>
          tpu.wait_indirect_dma semaphore(%run_scoped3A_805 : memref<!tpu.dma_semaphore, #tpu.memory_space<semaphore_mem>>) src(%arg10 : memref<128x16xf32, #tpu.memory_space<vmem>>) dst(%dma_wait3A_817 : memref<10240x16xf32, #tpu.memory_space<vmem_shared>>)
          tpu.yield
        }) : () -> ()
      } else {
      }
    }
    %scan3A_155 = arith.constant 15 : i32
    %dma_wait3A = arith.constant 0 : i32
    %dma_wait3A_156 = arith.constant 30 : i32
    %dma_wait3A_157 = arith.constant 0 : i32
    %dma_wait3A_158 = arith.constant 0 : i32
    %dma_wait3A_159 = arith.constant 0 : i32
    %dma_wait3A_160 = tpu.memref_slice %arg9[%dma_wait3A_157, %dma_wait3A_158, %dma_wait3A_159] : memref<2x128x64xf32, #tpu.memory_space<vmem>> -> memref<1x128x64xf32, #tpu.memory_space<vmem>>
    %dma_wait3A_161 = tpu.memref_squeeze %dma_wait3A_160 : memref<1x128x64xf32, #tpu.memory_space<vmem>> -> memref<128x64xf32, #tpu.memory_space<vmem>>
    %dma_wait3A_162 = arith.constant 0 : i32
    %dma_wait3A_163 = tpu.memref_slice %arg7[%dma_wait3A, %dma_wait3A_156, %dma_wait3A_162] : memref<2x32x128xi32, #tpu.memory_space<vmem>> -> memref<1x1x128xi32, #tpu.memory_space<vmem>>
    %dma_wait3A_164 = tpu.memref_squeeze %dma_wait3A_163 : memref<1x1x128xi32, #tpu.memory_space<vmem>> -> memref<128xi32, #tpu.memory_space<vmem>>
    %dma_wait3A_165 = arith.constant 0 : i32
    %dma_wait3A_166 = arith.constant 0 : i32
    %dma_wait3A_167 = tpu.memref_slice %arg11[%dma_wait3A_165, %dma_wait3A_166] : memref<10240x64xf32, #tpu.memory_space<vmem_shared>> -> memref<10240x64xf32, #tpu.memory_space<vmem_shared>>
    tpu.wait_indirect_dma semaphore(%arg14 : memref<!tpu.dma_semaphore, #tpu.memory_space<semaphore_mem>>) src(%dma_wait3A_167 : memref<10240x64xf32, #tpu.memory_space<vmem_shared>>) dst(%dma_wait3A_161 : memref<128x64xf32, #tpu.memory_space<vmem>>)
    %run_scoped3A_168 = arith.constant 0 : i32
    %run_scoped3A_169 = arith.constant 0 : i32
    %run_scoped3A_170 = arith.constant 30 : i32
    "tpu.region"() ({
      %run_scoped3A_729 = tpu.sem_alloc : memref<!tpu.dma_semaphore, #tpu.memory_space<semaphore_mem>>
      %dma_start3A_730 = arith.constant 0 : i32
      %dma_start3A_731 = arith.constant 0 : i32
      %dma_start3A_732 = tpu.memref_slice %arg9[%run_scoped3A_168, %dma_start3A_730, %dma_start3A_731] : memref<2x128x64xf32, #tpu.memory_space<vmem>> -> memref<1x128x64xf32, #tpu.memory_space<vmem>>
      %dma_start3A_733 = tpu.memref_squeeze %dma_start3A_732 : memref<1x128x64xf32, #tpu.memory_space<vmem>> -> memref<128x64xf32, #tpu.memory_space<vmem>>
      %dma_start3A_734 = arith.constant 0 : i32
      %dma_start3A_735 = tpu.memref_slice %arg8[%run_scoped3A_169, %run_scoped3A_170, %dma_start3A_734] : memref<2x32x128xi32, #tpu.memory_space<vmem>> -> memref<1x1x128xi32, #tpu.memory_space<vmem>>
      %dma_start3A_736 = tpu.memref_squeeze %dma_start3A_735 : memref<1x1x128xi32, #tpu.memory_space<vmem>> -> memref<128xi32, #tpu.memory_space<vmem>>
      %dma_start3A_737 = arith.constant 0 : i32
      %dma_start3A_738 = arith.constant 0 : i32
      %dma_start3A_739 = tpu.memref_slice %arg12[%dma_start3A_737, %dma_start3A_738] : memref<10240x64xf32, #tpu.memory_space<vmem_shared>> -> memref<10240x64xf32, #tpu.memory_space<vmem_shared>>
      tpu.enqueue_indirect_dma source(%dma_start3A_733 : memref<128x64xf32, #tpu.memory_space<vmem>>) target(%dma_start3A_739 : memref<10240x64xf32, #tpu.memory_space<vmem_shared>>) offsets(%dma_start3A_736 : memref<128xi32, #tpu.memory_space<vmem>>) semaphore(%run_scoped3A_729 : memref<!tpu.dma_semaphore, #tpu.memory_space<semaphore_mem>>) {add = true}
      %dma_wait3A_740 = arith.constant 0 : i32
      %dma_wait3A_741 = arith.constant 0 : i32
      %dma_wait3A_742 = tpu.memref_slice %arg9[%run_scoped3A_168, %dma_wait3A_740, %dma_wait3A_741] : memref<2x128x64xf32, #tpu.memory_space<vmem>> -> memref<1x128x64xf32, #tpu.memory_space<vmem>>
      %dma_wait3A_743 = tpu.memref_squeeze %dma_wait3A_742 : memref<1x128x64xf32, #tpu.memory_space<vmem>> -> memref<128x64xf32, #tpu.memory_space<vmem>>
      %dma_wait3A_744 = arith.constant 0 : i32
      %dma_wait3A_745 = tpu.memref_slice %arg8[%run_scoped3A_169, %run_scoped3A_170, %dma_wait3A_744] : memref<2x32x128xi32, #tpu.memory_space<vmem>> -> memref<1x1x128xi32, #tpu.memory_space<vmem>>
      %dma_wait3A_746 = tpu.memref_squeeze %dma_wait3A_745 : memref<1x1x128xi32, #tpu.memory_space<vmem>> -> memref<128xi32, #tpu.memory_space<vmem>>
      %dma_wait3A_747 = arith.constant 0 : i32
      %dma_wait3A_748 = arith.constant 0 : i32
      %dma_wait3A_749 = tpu.memref_slice %arg12[%dma_wait3A_747, %dma_wait3A_748] : memref<10240x64xf32, #tpu.memory_space<vmem_shared>> -> memref<10240x64xf32, #tpu.memory_space<vmem_shared>>
      tpu.wait_indirect_dma semaphore(%run_scoped3A_729 : memref<!tpu.dma_semaphore, #tpu.memory_space<semaphore_mem>>) src(%dma_wait3A_743 : memref<128x64xf32, #tpu.memory_space<vmem>>) dst(%dma_wait3A_749 : memref<10240x64xf32, #tpu.memory_space<vmem_shared>>)
      tpu.yield
    }) : () -> ()
    %eq3A = arith.constant 0 : i32
    %eq3A_171 = arith.cmpi eq, %arg0, %eq3A : i32
    %convert_element_type3A = arith.extui %eq3A_171 : i1 to i32
    %cond3A = arith.constant 0 : i32
    %cond3A_172 = arith.cmpi ne, %convert_element_type3A, %cond3A : i32
    scf.if %cond3A_172 {
      %run_scoped3A_729 = arith.constant 0 : i32
      %run_scoped3A_730 = arith.constant 30 : i32
      "tpu.region"() ({
        %run_scoped3A_731 = tpu.sem_alloc : memref<!tpu.dma_semaphore, #tpu.memory_space<semaphore_mem>>
        %dma_start3A_732 = arith.constant 0 : i32
        %dma_start3A_733 = tpu.memref_slice %arg8[%run_scoped3A_729, %run_scoped3A_730, %dma_start3A_732] : memref<2x32x128xi32, #tpu.memory_space<vmem>> -> memref<1x1x128xi32, #tpu.memory_space<vmem>>
        %dma_start3A_734 = tpu.memref_squeeze %dma_start3A_733 : memref<1x1x128xi32, #tpu.memory_space<vmem>> -> memref<128xi32, #tpu.memory_space<vmem>>
        %dma_start3A_735 = arith.constant 0 : i32
        %dma_start3A_736 = arith.constant 0 : i32
        %dma_start3A_737 = tpu.memref_slice %arg13[%dma_start3A_735, %dma_start3A_736] : memref<10240x16xf32, #tpu.memory_space<vmem_shared>> -> memref<10240x16xf32, #tpu.memory_space<vmem_shared>>
        tpu.enqueue_indirect_dma source(%arg10 : memref<128x16xf32, #tpu.memory_space<vmem>>) target(%dma_start3A_737 : memref<10240x16xf32, #tpu.memory_space<vmem_shared>>) offsets(%dma_start3A_734 : memref<128xi32, #tpu.memory_space<vmem>>) semaphore(%run_scoped3A_731 : memref<!tpu.dma_semaphore, #tpu.memory_space<semaphore_mem>>) {add = true}
        %dma_wait3A_738 = arith.constant 0 : i32
        %dma_wait3A_739 = tpu.memref_slice %arg8[%run_scoped3A_729, %run_scoped3A_730, %dma_wait3A_738] : memref<2x32x128xi32, #tpu.memory_space<vmem>> -> memref<1x1x128xi32, #tpu.memory_space<vmem>>
        %dma_wait3A_740 = tpu.memref_squeeze %dma_wait3A_739 : memref<1x1x128xi32, #tpu.memory_space<vmem>> -> memref<128xi32, #tpu.memory_space<vmem>>
        %dma_wait3A_741 = arith.constant 0 : i32
        %dma_wait3A_742 = arith.constant 0 : i32
        %dma_wait3A_743 = tpu.memref_slice %arg13[%dma_wait3A_741, %dma_wait3A_742] : memref<10240x16xf32, #tpu.memory_space<vmem_shared>> -> memref<10240x16xf32, #tpu.memory_space<vmem_shared>>
        tpu.wait_indirect_dma semaphore(%run_scoped3A_731 : memref<!tpu.dma_semaphore, #tpu.memory_space<semaphore_mem>>) src(%arg10 : memref<128x16xf32, #tpu.memory_space<vmem>>) dst(%dma_wait3A_743 : memref<10240x16xf32, #tpu.memory_space<vmem_shared>>)
        tpu.yield
      }) : () -> ()
    } else {
    }
    %dma_wait3A_173 = arith.constant 0 : i32
    %dma_wait3A_174 = arith.constant 31 : i32
    %dma_wait3A_175 = arith.constant 1 : i32
    %dma_wait3A_176 = arith.constant 0 : i32
    %dma_wait3A_177 = arith.constant 0 : i32
    %dma_wait3A_178 = tpu.memref_slice %arg9[%dma_wait3A_175, %dma_wait3A_176, %dma_wait3A_177] : memref<2x128x64xf32, #tpu.memory_space<vmem>> -> memref<1x128x64xf32, #tpu.memory_space<vmem>>
    %dma_wait3A_179 = tpu.memref_squeeze %dma_wait3A_178 : memref<1x128x64xf32, #tpu.memory_space<vmem>> -> memref<128x64xf32, #tpu.memory_space<vmem>>
    %dma_wait3A_180 = arith.constant 0 : i32
    %dma_wait3A_181 = tpu.memref_slice %arg7[%dma_wait3A_173, %dma_wait3A_174, %dma_wait3A_180] : memref<2x32x128xi32, #tpu.memory_space<vmem>> -> memref<1x1x128xi32, #tpu.memory_space<vmem>>
    %dma_wait3A_182 = tpu.memref_squeeze %dma_wait3A_181 : memref<1x1x128xi32, #tpu.memory_space<vmem>> -> memref<128xi32, #tpu.memory_space<vmem>>
    %dma_wait3A_183 = arith.constant 0 : i32
    %dma_wait3A_184 = arith.constant 0 : i32
    %dma_wait3A_185 = tpu.memref_slice %arg2[%dma_wait3A_183, %dma_wait3A_184] : memref<20480x64xf32, #tpu.memory_space<hbm>> -> memref<20480x64xf32, #tpu.memory_space<hbm>>
    tpu.wait_indirect_dma semaphore(%arg15 : memref<!tpu.dma_semaphore, #tpu.memory_space<semaphore_mem>>) src(%dma_wait3A_185 : memref<20480x64xf32, #tpu.memory_space<hbm>>) dst(%dma_wait3A_179 : memref<128x64xf32, #tpu.memory_space<vmem>>)
    %run_scoped3A_186 = arith.constant 1 : i32
    %run_scoped3A_187 = arith.constant 0 : i32
    %run_scoped3A_188 = arith.constant 31 : i32
    "tpu.region"() ({
      %run_scoped3A_729 = tpu.sem_alloc : memref<!tpu.dma_semaphore, #tpu.memory_space<semaphore_mem>>
      %dma_start3A_730 = arith.constant 0 : i32
      %dma_start3A_731 = arith.constant 0 : i32
      %dma_start3A_732 = tpu.memref_slice %arg9[%run_scoped3A_186, %dma_start3A_730, %dma_start3A_731] : memref<2x128x64xf32, #tpu.memory_space<vmem>> -> memref<1x128x64xf32, #tpu.memory_space<vmem>>
      %dma_start3A_733 = tpu.memref_squeeze %dma_start3A_732 : memref<1x128x64xf32, #tpu.memory_space<vmem>> -> memref<128x64xf32, #tpu.memory_space<vmem>>
      %dma_start3A_734 = arith.constant 0 : i32
      %dma_start3A_735 = tpu.memref_slice %arg8[%run_scoped3A_187, %run_scoped3A_188, %dma_start3A_734] : memref<2x32x128xi32, #tpu.memory_space<vmem>> -> memref<1x1x128xi32, #tpu.memory_space<vmem>>
      %dma_start3A_736 = tpu.memref_squeeze %dma_start3A_735 : memref<1x1x128xi32, #tpu.memory_space<vmem>> -> memref<128xi32, #tpu.memory_space<vmem>>
      %dma_start3A_737 = arith.constant 0 : i32
      %dma_start3A_738 = arith.constant 0 : i32
      %dma_start3A_739 = tpu.memref_slice %arg12[%dma_start3A_737, %dma_start3A_738] : memref<10240x64xf32, #tpu.memory_space<vmem_shared>> -> memref<10240x64xf32, #tpu.memory_space<vmem_shared>>
      tpu.enqueue_indirect_dma source(%dma_start3A_733 : memref<128x64xf32, #tpu.memory_space<vmem>>) target(%dma_start3A_739 : memref<10240x64xf32, #tpu.memory_space<vmem_shared>>) offsets(%dma_start3A_736 : memref<128xi32, #tpu.memory_space<vmem>>) semaphore(%run_scoped3A_729 : memref<!tpu.dma_semaphore, #tpu.memory_space<semaphore_mem>>) {add = true}
      %dma_wait3A_740 = arith.constant 0 : i32
      %dma_wait3A_741 = arith.constant 0 : i32
      %dma_wait3A_742 = tpu.memref_slice %arg9[%run_scoped3A_186, %dma_wait3A_740, %dma_wait3A_741] : memref<2x128x64xf32, #tpu.memory_space<vmem>> -> memref<1x128x64xf32, #tpu.memory_space<vmem>>
      %dma_wait3A_743 = tpu.memref_squeeze %dma_wait3A_742 : memref<1x128x64xf32, #tpu.memory_space<vmem>> -> memref<128x64xf32, #tpu.memory_space<vmem>>
      %dma_wait3A_744 = arith.constant 0 : i32
      %dma_wait3A_745 = tpu.memref_slice %arg8[%run_scoped3A_187, %run_scoped3A_188, %dma_wait3A_744] : memref<2x32x128xi32, #tpu.memory_space<vmem>> -> memref<1x1x128xi32, #tpu.memory_space<vmem>>
      %dma_wait3A_746 = tpu.memref_squeeze %dma_wait3A_745 : memref<1x1x128xi32, #tpu.memory_space<vmem>> -> memref<128xi32, #tpu.memory_space<vmem>>
      %dma_wait3A_747 = arith.constant 0 : i32
      %dma_wait3A_748 = arith.constant 0 : i32
      %dma_wait3A_749 = tpu.memref_slice %arg12[%dma_wait3A_747, %dma_wait3A_748] : memref<10240x64xf32, #tpu.memory_space<vmem_shared>> -> memref<10240x64xf32, #tpu.memory_space<vmem_shared>>
      tpu.wait_indirect_dma semaphore(%run_scoped3A_729 : memref<!tpu.dma_semaphore, #tpu.memory_space<semaphore_mem>>) src(%dma_wait3A_743 : memref<128x64xf32, #tpu.memory_space<vmem>>) dst(%dma_wait3A_749 : memref<10240x64xf32, #tpu.memory_space<vmem_shared>>)
      tpu.yield
    }) : () -> ()
    %eq3A_189 = arith.constant 1 : i32
    %eq3A_190 = arith.cmpi eq, %arg0, %eq3A_189 : i32
    %convert_element_type3A_191 = arith.extui %eq3A_190 : i1 to i32
    %cond3A_192 = arith.constant 0 : i32
    %cond3A_193 = arith.cmpi ne, %convert_element_type3A_191, %cond3A_192 : i32
    scf.if %cond3A_193 {
      %run_scoped3A_729 = arith.constant 0 : i32
      %run_scoped3A_730 = arith.constant 31 : i32
      "tpu.region"() ({
        %run_scoped3A_731 = tpu.sem_alloc : memref<!tpu.dma_semaphore, #tpu.memory_space<semaphore_mem>>
        %dma_start3A_732 = arith.constant 0 : i32
        %dma_start3A_733 = tpu.memref_slice %arg8[%run_scoped3A_729, %run_scoped3A_730, %dma_start3A_732] : memref<2x32x128xi32, #tpu.memory_space<vmem>> -> memref<1x1x128xi32, #tpu.memory_space<vmem>>
        %dma_start3A_734 = tpu.memref_squeeze %dma_start3A_733 : memref<1x1x128xi32, #tpu.memory_space<vmem>> -> memref<128xi32, #tpu.memory_space<vmem>>
        %dma_start3A_735 = arith.constant 0 : i32
        %dma_start3A_736 = arith.constant 0 : i32
        %dma_start3A_737 = tpu.memref_slice %arg13[%dma_start3A_735, %dma_start3A_736] : memref<10240x16xf32, #tpu.memory_space<vmem_shared>> -> memref<10240x16xf32, #tpu.memory_space<vmem_shared>>
        tpu.enqueue_indirect_dma source(%arg10 : memref<128x16xf32, #tpu.memory_space<vmem>>) target(%dma_start3A_737 : memref<10240x16xf32, #tpu.memory_space<vmem_shared>>) offsets(%dma_start3A_734 : memref<128xi32, #tpu.memory_space<vmem>>) semaphore(%run_scoped3A_731 : memref<!tpu.dma_semaphore, #tpu.memory_space<semaphore_mem>>) {add = true}
        %dma_wait3A_738 = arith.constant 0 : i32
        %dma_wait3A_739 = tpu.memref_slice %arg8[%run_scoped3A_729, %run_scoped3A_730, %dma_wait3A_738] : memref<2x32x128xi32, #tpu.memory_space<vmem>> -> memref<1x1x128xi32, #tpu.memory_space<vmem>>
        %dma_wait3A_740 = tpu.memref_squeeze %dma_wait3A_739 : memref<1x1x128xi32, #tpu.memory_space<vmem>> -> memref<128xi32, #tpu.memory_space<vmem>>
        %dma_wait3A_741 = arith.constant 0 : i32
        %dma_wait3A_742 = arith.constant 0 : i32
        %dma_wait3A_743 = tpu.memref_slice %arg13[%dma_wait3A_741, %dma_wait3A_742] : memref<10240x16xf32, #tpu.memory_space<vmem_shared>> -> memref<10240x16xf32, #tpu.memory_space<vmem_shared>>
        tpu.wait_indirect_dma semaphore(%run_scoped3A_731 : memref<!tpu.dma_semaphore, #tpu.memory_space<semaphore_mem>>) src(%arg10 : memref<128x16xf32, #tpu.memory_space<vmem>>) dst(%dma_wait3A_743 : memref<10240x16xf32, #tpu.memory_space<vmem_shared>>)
        tpu.yield
      }) : () -> ()
    } else {
    }
    %dma_wait3A_194 = arith.constant 1 : i32
    %dma_wait3A_195 = arith.constant 0 : i32
    %dma_wait3A_196 = arith.constant 0 : i32
    %dma_wait3A_197 = tpu.memref_slice %arg7[%dma_wait3A_194, %dma_wait3A_195, %dma_wait3A_196] : memref<2x32x128xi32, #tpu.memory_space<vmem>> -> memref<1x32x128xi32, #tpu.memory_space<vmem>>
    %dma_wait3A_198 = tpu.memref_squeeze %dma_wait3A_197 : memref<1x32x128xi32, #tpu.memory_space<vmem>> -> memref<32x128xi32, #tpu.memory_space<vmem>>
    %dma_wait3A_199 = arith.constant 32 : i32
    %dma_wait3A_200 = arith.constant 0 : i32
    %dma_wait3A_201 = tpu.memref_slice %arg3[%arg0, %arg1, %dma_wait3A_199, %dma_wait3A_200] : memref<2x16x160x128xi32, #tpu.memory_space<hbm>> -> memref<1x1x32x128xi32, #tpu.memory_space<hbm>>
    %dma_wait3A_202 = tpu.memref_squeeze %dma_wait3A_201 : memref<1x1x32x128xi32, #tpu.memory_space<hbm>> -> memref<32x128xi32, #tpu.memory_space<hbm>>
    %dma_wait3A_203 = arith.constant 0 : i32
    %dma_wait3A_204 = arith.constant 0 : i32
    %dma_wait3A_205 = tpu.memref_slice %arg7[%dma_wait3A_194, %dma_wait3A_203, %dma_wait3A_204] : memref<2x32x128xi32, #tpu.memory_space<vmem>> -> memref<1x32x128xi32, #tpu.memory_space<vmem>>
    %dma_wait3A_206 = tpu.memref_squeeze %dma_wait3A_205 : memref<1x32x128xi32, #tpu.memory_space<vmem>> -> memref<32x128xi32, #tpu.memory_space<vmem>>
    %dma_wait3A_207 = arith.constant 32 : i32
    %dma_wait3A_208 = arith.constant 0 : i32
    %dma_wait3A_209 = tpu.memref_slice %arg3[%arg0, %arg1, %dma_wait3A_207, %dma_wait3A_208] : memref<2x16x160x128xi32, #tpu.memory_space<hbm>> -> memref<1x1x32x128xi32, #tpu.memory_space<hbm>>
    %dma_wait3A_210 = tpu.memref_squeeze %dma_wait3A_209 : memref<1x1x32x128xi32, #tpu.memory_space<hbm>> -> memref<32x128xi32, #tpu.memory_space<hbm>>
    tpu.wait_dma2 semaphore(%arg16 : memref<!tpu.dma_semaphore, #tpu.memory_space<semaphore_mem>>) src(%dma_wait3A_210 : memref<32x128xi32, #tpu.memory_space<hbm>>) dst(%dma_wait3A_206 : memref<32x128xi32, #tpu.memory_space<vmem>>)
    %dma_wait3A_211 = arith.constant 1 : i32
    %dma_wait3A_212 = arith.constant 0 : i32
    %dma_wait3A_213 = arith.constant 0 : i32
    %dma_wait3A_214 = tpu.memref_slice %arg8[%dma_wait3A_211, %dma_wait3A_212, %dma_wait3A_213] : memref<2x32x128xi32, #tpu.memory_space<vmem>> -> memref<1x32x128xi32, #tpu.memory_space<vmem>>
    %dma_wait3A_215 = tpu.memref_squeeze %dma_wait3A_214 : memref<1x32x128xi32, #tpu.memory_space<vmem>> -> memref<32x128xi32, #tpu.memory_space<vmem>>
    %dma_wait3A_216 = arith.constant 32 : i32
    %dma_wait3A_217 = arith.constant 0 : i32
    %dma_wait3A_218 = tpu.memref_slice %arg4[%arg1, %dma_wait3A_216, %dma_wait3A_217] : memref<16x160x128xi32, #tpu.memory_space<hbm>> -> memref<1x32x128xi32, #tpu.memory_space<hbm>>
    %dma_wait3A_219 = tpu.memref_squeeze %dma_wait3A_218 : memref<1x32x128xi32, #tpu.memory_space<hbm>> -> memref<32x128xi32, #tpu.memory_space<hbm>>
    %dma_wait3A_220 = arith.constant 0 : i32
    %dma_wait3A_221 = arith.constant 0 : i32
    %dma_wait3A_222 = tpu.memref_slice %arg8[%dma_wait3A_211, %dma_wait3A_220, %dma_wait3A_221] : memref<2x32x128xi32, #tpu.memory_space<vmem>> -> memref<1x32x128xi32, #tpu.memory_space<vmem>>
    %dma_wait3A_223 = tpu.memref_squeeze %dma_wait3A_222 : memref<1x32x128xi32, #tpu.memory_space<vmem>> -> memref<32x128xi32, #tpu.memory_space<vmem>>
    %dma_wait3A_224 = arith.constant 32 : i32
    %dma_wait3A_225 = arith.constant 0 : i32
    %dma_wait3A_226 = tpu.memref_slice %arg4[%arg1, %dma_wait3A_224, %dma_wait3A_225] : memref<16x160x128xi32, #tpu.memory_space<hbm>> -> memref<1x32x128xi32, #tpu.memory_space<hbm>>
    %dma_wait3A_227 = tpu.memref_squeeze %dma_wait3A_226 : memref<1x32x128xi32, #tpu.memory_space<hbm>> -> memref<32x128xi32, #tpu.memory_space<hbm>>
    tpu.wait_dma2 semaphore(%arg17 : memref<!tpu.dma_semaphore, #tpu.memory_space<semaphore_mem>>) src(%dma_wait3A_227 : memref<32x128xi32, #tpu.memory_space<hbm>>) dst(%dma_wait3A_223 : memref<32x128xi32, #tpu.memory_space<vmem>>)
    %dma_start3A_228 = arith.constant 1 : i32
    %dma_start3A_229 = arith.constant 0 : i32
    %dma_start3A_230 = arith.constant 0 : i32
    %dma_start3A_231 = arith.constant 0 : i32
    %dma_start3A_232 = arith.constant 0 : i32
    %dma_start3A_233 = tpu.memref_slice %arg9[%dma_start3A_230, %dma_start3A_231, %dma_start3A_232] : memref<2x128x64xf32, #tpu.memory_space<vmem>> -> memref<1x128x64xf32, #tpu.memory_space<vmem>>
    %dma_start3A_234 = tpu.memref_squeeze %dma_start3A_233 : memref<1x128x64xf32, #tpu.memory_space<vmem>> -> memref<128x64xf32, #tpu.memory_space<vmem>>
    %dma_start3A_235 = arith.constant 0 : i32
    %dma_start3A_236 = tpu.memref_slice %arg7[%dma_start3A_228, %dma_start3A_229, %dma_start3A_235] : memref<2x32x128xi32, #tpu.memory_space<vmem>> -> memref<1x1x128xi32, #tpu.memory_space<vmem>>
    %dma_start3A_237 = tpu.memref_squeeze %dma_start3A_236 : memref<1x1x128xi32, #tpu.memory_space<vmem>> -> memref<128xi32, #tpu.memory_space<vmem>>
    %dma_start3A_238 = arith.constant 0 : i32
    %dma_start3A_239 = arith.constant 0 : i32
    %dma_start3A_240 = tpu.memref_slice %arg11[%dma_start3A_238, %dma_start3A_239] : memref<10240x64xf32, #tpu.memory_space<vmem_shared>> -> memref<10240x64xf32, #tpu.memory_space<vmem_shared>>
    tpu.enqueue_indirect_dma source(%dma_start3A_240 : memref<10240x64xf32, #tpu.memory_space<vmem_shared>>) target(%dma_start3A_234 : memref<128x64xf32, #tpu.memory_space<vmem>>) offsets(%dma_start3A_237 : memref<128xi32, #tpu.memory_space<vmem>>) semaphore(%arg14 : memref<!tpu.dma_semaphore, #tpu.memory_space<semaphore_mem>>)
    %dma_start3A_241 = arith.constant 1 : i32
    %dma_start3A_242 = arith.constant 1 : i32
    %dma_start3A_243 = arith.constant 1 : i32
    %dma_start3A_244 = arith.constant 0 : i32
    %dma_start3A_245 = arith.constant 0 : i32
    %dma_start3A_246 = tpu.memref_slice %arg9[%dma_start3A_243, %dma_start3A_244, %dma_start3A_245] : memref<2x128x64xf32, #tpu.memory_space<vmem>> -> memref<1x128x64xf32, #tpu.memory_space<vmem>>
    %dma_start3A_247 = tpu.memref_squeeze %dma_start3A_246 : memref<1x128x64xf32, #tpu.memory_space<vmem>> -> memref<128x64xf32, #tpu.memory_space<vmem>>
    %dma_start3A_248 = arith.constant 0 : i32
    %dma_start3A_249 = tpu.memref_slice %arg7[%dma_start3A_241, %dma_start3A_242, %dma_start3A_248] : memref<2x32x128xi32, #tpu.memory_space<vmem>> -> memref<1x1x128xi32, #tpu.memory_space<vmem>>
    %dma_start3A_250 = tpu.memref_squeeze %dma_start3A_249 : memref<1x1x128xi32, #tpu.memory_space<vmem>> -> memref<128xi32, #tpu.memory_space<vmem>>
    %dma_start3A_251 = arith.constant 0 : i32
    %dma_start3A_252 = arith.constant 0 : i32
    %dma_start3A_253 = tpu.memref_slice %arg2[%dma_start3A_251, %dma_start3A_252] : memref<20480x64xf32, #tpu.memory_space<hbm>> -> memref<20480x64xf32, #tpu.memory_space<hbm>>
    tpu.enqueue_indirect_dma source(%dma_start3A_253 : memref<20480x64xf32, #tpu.memory_space<hbm>>) target(%dma_start3A_247 : memref<128x64xf32, #tpu.memory_space<vmem>>) offsets(%dma_start3A_250 : memref<128xi32, #tpu.memory_space<vmem>>) semaphore(%arg15 : memref<!tpu.dma_semaphore, #tpu.memory_space<semaphore_mem>>)
    %dma_start3A_254 = arith.constant 0 : i32
    %dma_start3A_255 = arith.constant 0 : i32
    %dma_start3A_256 = arith.constant 0 : i32
    %dma_start3A_257 = tpu.memref_slice %arg7[%dma_start3A_254, %dma_start3A_255, %dma_start3A_256] : memref<2x32x128xi32, #tpu.memory_space<vmem>> -> memref<1x32x128xi32, #tpu.memory_space<vmem>>
    %dma_start3A_258 = tpu.memref_squeeze %dma_start3A_257 : memref<1x32x128xi32, #tpu.memory_space<vmem>> -> memref<32x128xi32, #tpu.memory_space<vmem>>
    %dma_start3A_259 = arith.constant 64 : i32
    %dma_start3A_260 = arith.constant 0 : i32
    %dma_start3A_261 = tpu.memref_slice %arg3[%arg0, %arg1, %dma_start3A_259, %dma_start3A_260] : memref<2x16x160x128xi32, #tpu.memory_space<hbm>> -> memref<1x1x32x128xi32, #tpu.memory_space<hbm>>
    %dma_start3A_262 = tpu.memref_squeeze %dma_start3A_261 : memref<1x1x32x128xi32, #tpu.memory_space<hbm>> -> memref<32x128xi32, #tpu.memory_space<hbm>>
    %dma_start3A_263 = arith.constant 0 : i32
    %dma_start3A_264 = arith.constant 0 : i32
    %dma_start3A_265 = tpu.memref_slice %arg7[%dma_start3A_254, %dma_start3A_263, %dma_start3A_264] : memref<2x32x128xi32, #tpu.memory_space<vmem>> -> memref<1x32x128xi32, #tpu.memory_space<vmem>>
    %dma_start3A_266 = tpu.memref_squeeze %dma_start3A_265 : memref<1x32x128xi32, #tpu.memory_space<vmem>> -> memref<32x128xi32, #tpu.memory_space<vmem>>
    %dma_start3A_267 = arith.constant 64 : i32
    %dma_start3A_268 = arith.constant 0 : i32
    %dma_start3A_269 = tpu.memref_slice %arg3[%arg0, %arg1, %dma_start3A_267, %dma_start3A_268] : memref<2x16x160x128xi32, #tpu.memory_space<hbm>> -> memref<1x1x32x128xi32, #tpu.memory_space<hbm>>
    %dma_start3A_270 = tpu.memref_squeeze %dma_start3A_269 : memref<1x1x32x128xi32, #tpu.memory_space<hbm>> -> memref<32x128xi32, #tpu.memory_space<hbm>>
    tpu.enqueue_dma source(%dma_start3A_270 : memref<32x128xi32, #tpu.memory_space<hbm>>) target(%dma_start3A_266 : memref<32x128xi32, #tpu.memory_space<vmem>>) target_semaphore(%arg16 : memref<!tpu.dma_semaphore, #tpu.memory_space<semaphore_mem>>)
    %dma_start3A_271 = arith.constant 0 : i32
    %dma_start3A_272 = arith.constant 0 : i32
    %dma_start3A_273 = arith.constant 0 : i32
    %dma_start3A_274 = tpu.memref_slice %arg8[%dma_start3A_271, %dma_start3A_272, %dma_start3A_273] : memref<2x32x128xi32, #tpu.memory_space<vmem>> -> memref<1x32x128xi32, #tpu.memory_space<vmem>>
    %dma_start3A_275 = tpu.memref_squeeze %dma_start3A_274 : memref<1x32x128xi32, #tpu.memory_space<vmem>> -> memref<32x128xi32, #tpu.memory_space<vmem>>
    %dma_start3A_276 = arith.constant 64 : i32
    %dma_start3A_277 = arith.constant 0 : i32
    %dma_start3A_278 = tpu.memref_slice %arg4[%arg1, %dma_start3A_276, %dma_start3A_277] : memref<16x160x128xi32, #tpu.memory_space<hbm>> -> memref<1x32x128xi32, #tpu.memory_space<hbm>>
    %dma_start3A_279 = tpu.memref_squeeze %dma_start3A_278 : memref<1x32x128xi32, #tpu.memory_space<hbm>> -> memref<32x128xi32, #tpu.memory_space<hbm>>
    %dma_start3A_280 = arith.constant 0 : i32
    %dma_start3A_281 = arith.constant 0 : i32
    %dma_start3A_282 = tpu.memref_slice %arg8[%dma_start3A_271, %dma_start3A_280, %dma_start3A_281] : memref<2x32x128xi32, #tpu.memory_space<vmem>> -> memref<1x32x128xi32, #tpu.memory_space<vmem>>
    %dma_start3A_283 = tpu.memref_squeeze %dma_start3A_282 : memref<1x32x128xi32, #tpu.memory_space<vmem>> -> memref<32x128xi32, #tpu.memory_space<vmem>>
    %dma_start3A_284 = arith.constant 64 : i32
    %dma_start3A_285 = arith.constant 0 : i32
    %dma_start3A_286 = tpu.memref_slice %arg4[%arg1, %dma_start3A_284, %dma_start3A_285] : memref<16x160x128xi32, #tpu.memory_space<hbm>> -> memref<1x32x128xi32, #tpu.memory_space<hbm>>
    %dma_start3A_287 = tpu.memref_squeeze %dma_start3A_286 : memref<1x32x128xi32, #tpu.memory_space<hbm>> -> memref<32x128xi32, #tpu.memory_space<hbm>>
    tpu.enqueue_dma source(%dma_start3A_287 : memref<32x128xi32, #tpu.memory_space<hbm>>) target(%dma_start3A_283 : memref<32x128xi32, #tpu.memory_space<vmem>>) target_semaphore(%arg17 : memref<!tpu.dma_semaphore, #tpu.memory_space<semaphore_mem>>)
    %scan3A_288 = arith.constant 0 : i32
    %scan3A_289 = arith.constant 0 : i32
    %scan3A_290 = arith.constant 15 : i32
    %scan3A_291 = arith.addi %scan3A_289, %scan3A_290 : i32
    %scan3A_292 = arith.constant 1 : i32
    scf.for %scan3A_729 = %scan3A_289 to %scan3A_291 step %scan3A_292  : i32 {
      %mul3A_730 = arith.constant 2 : i32
      %mul3A_731 = arith.muli %scan3A_729, %mul3A_730 : i32
      %add3A_732 = arith.constant 0 : i32
      %add3A_733 = arith.addi %mul3A_731, %add3A_732 : i32
      %dma_wait3A_734 = arith.constant 1 : i32
      %dma_wait3A_735 = arith.constant 0 : i32
      %dma_wait3A_736 = arith.constant 0 : i32
      %dma_wait3A_737 = arith.constant 0 : i32
      %dma_wait3A_738 = tpu.memref_slice %arg9[%dma_wait3A_735, %dma_wait3A_736, %dma_wait3A_737] : memref<2x128x64xf32, #tpu.memory_space<vmem>> -> memref<1x128x64xf32, #tpu.memory_space<vmem>>
      %dma_wait3A_739 = tpu.memref_squeeze %dma_wait3A_738 : memref<1x128x64xf32, #tpu.memory_space<vmem>> -> memref<128x64xf32, #tpu.memory_space<vmem>>
      %dma_wait3A_740 = arith.constant 0 : i32
      %dma_wait3A_741 = tpu.memref_slice %arg7[%dma_wait3A_734, %add3A_733, %dma_wait3A_740] : memref<2x32x128xi32, #tpu.memory_space<vmem>> -> memref<1x1x128xi32, #tpu.memory_space<vmem>>
      %dma_wait3A_742 = tpu.memref_squeeze %dma_wait3A_741 : memref<1x1x128xi32, #tpu.memory_space<vmem>> -> memref<128xi32, #tpu.memory_space<vmem>>
      %dma_wait3A_743 = arith.constant 0 : i32
      %dma_wait3A_744 = arith.constant 0 : i32
      %dma_wait3A_745 = tpu.memref_slice %arg11[%dma_wait3A_743, %dma_wait3A_744] : memref<10240x64xf32, #tpu.memory_space<vmem_shared>> -> memref<10240x64xf32, #tpu.memory_space<vmem_shared>>
      tpu.wait_indirect_dma semaphore(%arg14 : memref<!tpu.dma_semaphore, #tpu.memory_space<semaphore_mem>>) src(%dma_wait3A_745 : memref<10240x64xf32, #tpu.memory_space<vmem_shared>>) dst(%dma_wait3A_739 : memref<128x64xf32, #tpu.memory_space<vmem>>)
      %run_scoped3A_746 = arith.constant 0 : i32
      %run_scoped3A_747 = arith.constant 1 : i32
      "tpu.region"() ({
        %run_scoped3A_804 = tpu.sem_alloc : memref<!tpu.dma_semaphore, #tpu.memory_space<semaphore_mem>>
        %dma_start3A_805 = arith.constant 0 : i32
        %dma_start3A_806 = arith.constant 0 : i32
        %dma_start3A_807 = tpu.memref_slice %arg9[%run_scoped3A_746, %dma_start3A_805, %dma_start3A_806] : memref<2x128x64xf32, #tpu.memory_space<vmem>> -> memref<1x128x64xf32, #tpu.memory_space<vmem>>
        %dma_start3A_808 = tpu.memref_squeeze %dma_start3A_807 : memref<1x128x64xf32, #tpu.memory_space<vmem>> -> memref<128x64xf32, #tpu.memory_space<vmem>>
        %dma_start3A_809 = arith.constant 0 : i32
        %dma_start3A_810 = tpu.memref_slice %arg8[%run_scoped3A_747, %add3A_733, %dma_start3A_809] : memref<2x32x128xi32, #tpu.memory_space<vmem>> -> memref<1x1x128xi32, #tpu.memory_space<vmem>>
        %dma_start3A_811 = tpu.memref_squeeze %dma_start3A_810 : memref<1x1x128xi32, #tpu.memory_space<vmem>> -> memref<128xi32, #tpu.memory_space<vmem>>
        %dma_start3A_812 = arith.constant 0 : i32
        %dma_start3A_813 = arith.constant 0 : i32
        %dma_start3A_814 = tpu.memref_slice %arg12[%dma_start3A_812, %dma_start3A_813] : memref<10240x64xf32, #tpu.memory_space<vmem_shared>> -> memref<10240x64xf32, #tpu.memory_space<vmem_shared>>
        tpu.enqueue_indirect_dma source(%dma_start3A_808 : memref<128x64xf32, #tpu.memory_space<vmem>>) target(%dma_start3A_814 : memref<10240x64xf32, #tpu.memory_space<vmem_shared>>) offsets(%dma_start3A_811 : memref<128xi32, #tpu.memory_space<vmem>>) semaphore(%run_scoped3A_804 : memref<!tpu.dma_semaphore, #tpu.memory_space<semaphore_mem>>) {add = true}
        %dma_wait3A_815 = arith.constant 0 : i32
        %dma_wait3A_816 = arith.constant 0 : i32
        %dma_wait3A_817 = tpu.memref_slice %arg9[%run_scoped3A_746, %dma_wait3A_815, %dma_wait3A_816] : memref<2x128x64xf32, #tpu.memory_space<vmem>> -> memref<1x128x64xf32, #tpu.memory_space<vmem>>
        %dma_wait3A_818 = tpu.memref_squeeze %dma_wait3A_817 : memref<1x128x64xf32, #tpu.memory_space<vmem>> -> memref<128x64xf32, #tpu.memory_space<vmem>>
        %dma_wait3A_819 = arith.constant 0 : i32
        %dma_wait3A_820 = tpu.memref_slice %arg8[%run_scoped3A_747, %add3A_733, %dma_wait3A_819] : memref<2x32x128xi32, #tpu.memory_space<vmem>> -> memref<1x1x128xi32, #tpu.memory_space<vmem>>
        %dma_wait3A_821 = tpu.memref_squeeze %dma_wait3A_820 : memref<1x1x128xi32, #tpu.memory_space<vmem>> -> memref<128xi32, #tpu.memory_space<vmem>>
        %dma_wait3A_822 = arith.constant 0 : i32
        %dma_wait3A_823 = arith.constant 0 : i32
        %dma_wait3A_824 = tpu.memref_slice %arg12[%dma_wait3A_822, %dma_wait3A_823] : memref<10240x64xf32, #tpu.memory_space<vmem_shared>> -> memref<10240x64xf32, #tpu.memory_space<vmem_shared>>
        tpu.wait_indirect_dma semaphore(%run_scoped3A_804 : memref<!tpu.dma_semaphore, #tpu.memory_space<semaphore_mem>>) src(%dma_wait3A_818 : memref<128x64xf32, #tpu.memory_space<vmem>>) dst(%dma_wait3A_824 : memref<10240x64xf32, #tpu.memory_space<vmem_shared>>)
        tpu.yield
      }) : () -> ()
      %add3A_748 = arith.constant 2 : i32
      %add3A_749 = arith.addi %add3A_733, %add3A_748 : i32
      %dma_start3A_750 = arith.constant 1 : i32
      %dma_start3A_751 = arith.constant 0 : i32
      %dma_start3A_752 = arith.constant 0 : i32
      %dma_start3A_753 = arith.constant 0 : i32
      %dma_start3A_754 = tpu.memref_slice %arg9[%dma_start3A_751, %dma_start3A_752, %dma_start3A_753] : memref<2x128x64xf32, #tpu.memory_space<vmem>> -> memref<1x128x64xf32, #tpu.memory_space<vmem>>
      %dma_start3A_755 = tpu.memref_squeeze %dma_start3A_754 : memref<1x128x64xf32, #tpu.memory_space<vmem>> -> memref<128x64xf32, #tpu.memory_space<vmem>>
      %dma_start3A_756 = arith.constant 0 : i32
      %dma_start3A_757 = tpu.memref_slice %arg7[%dma_start3A_750, %add3A_749, %dma_start3A_756] : memref<2x32x128xi32, #tpu.memory_space<vmem>> -> memref<1x1x128xi32, #tpu.memory_space<vmem>>
      %dma_start3A_758 = tpu.memref_squeeze %dma_start3A_757 : memref<1x1x128xi32, #tpu.memory_space<vmem>> -> memref<128xi32, #tpu.memory_space<vmem>>
      %dma_start3A_759 = arith.constant 0 : i32
      %dma_start3A_760 = arith.constant 0 : i32
      %dma_start3A_761 = tpu.memref_slice %arg11[%dma_start3A_759, %dma_start3A_760] : memref<10240x64xf32, #tpu.memory_space<vmem_shared>> -> memref<10240x64xf32, #tpu.memory_space<vmem_shared>>
      tpu.enqueue_indirect_dma source(%dma_start3A_761 : memref<10240x64xf32, #tpu.memory_space<vmem_shared>>) target(%dma_start3A_755 : memref<128x64xf32, #tpu.memory_space<vmem>>) offsets(%dma_start3A_758 : memref<128xi32, #tpu.memory_space<vmem>>) semaphore(%arg14 : memref<!tpu.dma_semaphore, #tpu.memory_space<semaphore_mem>>)
      %eq3A_762 = arith.constant 0 : i32
      %eq3A_763 = arith.cmpi eq, %arg0, %eq3A_762 : i32
      %convert_element_type3A_764 = arith.extui %eq3A_763 : i1 to i32
      %cond3A_765 = arith.constant 0 : i32
      %cond3A_766 = arith.cmpi ne, %convert_element_type3A_764, %cond3A_765 : i32
      scf.if %cond3A_766 {
        %run_scoped3A_804 = arith.constant 1 : i32
        "tpu.region"() ({
          %run_scoped3A_805 = tpu.sem_alloc : memref<!tpu.dma_semaphore, #tpu.memory_space<semaphore_mem>>
          %dma_start3A_806 = arith.constant 0 : i32
          %dma_start3A_807 = tpu.memref_slice %arg8[%run_scoped3A_804, %add3A_733, %dma_start3A_806] : memref<2x32x128xi32, #tpu.memory_space<vmem>> -> memref<1x1x128xi32, #tpu.memory_space<vmem>>
          %dma_start3A_808 = tpu.memref_squeeze %dma_start3A_807 : memref<1x1x128xi32, #tpu.memory_space<vmem>> -> memref<128xi32, #tpu.memory_space<vmem>>
          %dma_start3A_809 = arith.constant 0 : i32
          %dma_start3A_810 = arith.constant 0 : i32
          %dma_start3A_811 = tpu.memref_slice %arg13[%dma_start3A_809, %dma_start3A_810] : memref<10240x16xf32, #tpu.memory_space<vmem_shared>> -> memref<10240x16xf32, #tpu.memory_space<vmem_shared>>
          tpu.enqueue_indirect_dma source(%arg10 : memref<128x16xf32, #tpu.memory_space<vmem>>) target(%dma_start3A_811 : memref<10240x16xf32, #tpu.memory_space<vmem_shared>>) offsets(%dma_start3A_808 : memref<128xi32, #tpu.memory_space<vmem>>) semaphore(%run_scoped3A_805 : memref<!tpu.dma_semaphore, #tpu.memory_space<semaphore_mem>>) {add = true}
          %dma_wait3A_812 = arith.constant 0 : i32
          %dma_wait3A_813 = tpu.memref_slice %arg8[%run_scoped3A_804, %add3A_733, %dma_wait3A_812] : memref<2x32x128xi32, #tpu.memory_space<vmem>> -> memref<1x1x128xi32, #tpu.memory_space<vmem>>
          %dma_wait3A_814 = tpu.memref_squeeze %dma_wait3A_813 : memref<1x1x128xi32, #tpu.memory_space<vmem>> -> memref<128xi32, #tpu.memory_space<vmem>>
          %dma_wait3A_815 = arith.constant 0 : i32
          %dma_wait3A_816 = arith.constant 0 : i32
          %dma_wait3A_817 = tpu.memref_slice %arg13[%dma_wait3A_815, %dma_wait3A_816] : memref<10240x16xf32, #tpu.memory_space<vmem_shared>> -> memref<10240x16xf32, #tpu.memory_space<vmem_shared>>
          tpu.wait_indirect_dma semaphore(%run_scoped3A_805 : memref<!tpu.dma_semaphore, #tpu.memory_space<semaphore_mem>>) src(%arg10 : memref<128x16xf32, #tpu.memory_space<vmem>>) dst(%dma_wait3A_817 : memref<10240x16xf32, #tpu.memory_space<vmem_shared>>)
          tpu.yield
        }) : () -> ()
      } else {
      }
      %mul3A_767 = arith.constant 2 : i32
      %mul3A_768 = arith.muli %scan3A_729, %mul3A_767 : i32
      %add3A_769 = arith.constant 1 : i32
      %add3A_770 = arith.addi %mul3A_768, %add3A_769 : i32
      %dma_wait3A_771 = arith.constant 1 : i32
      %dma_wait3A_772 = arith.constant 1 : i32
      %dma_wait3A_773 = arith.constant 0 : i32
      %dma_wait3A_774 = arith.constant 0 : i32
      %dma_wait3A_775 = tpu.memref_slice %arg9[%dma_wait3A_772, %dma_wait3A_773, %dma_wait3A_774] : memref<2x128x64xf32, #tpu.memory_space<vmem>> -> memref<1x128x64xf32, #tpu.memory_space<vmem>>
      %dma_wait3A_776 = tpu.memref_squeeze %dma_wait3A_775 : memref<1x128x64xf32, #tpu.memory_space<vmem>> -> memref<128x64xf32, #tpu.memory_space<vmem>>
      %dma_wait3A_777 = arith.constant 0 : i32
      %dma_wait3A_778 = tpu.memref_slice %arg7[%dma_wait3A_771, %add3A_770, %dma_wait3A_777] : memref<2x32x128xi32, #tpu.memory_space<vmem>> -> memref<1x1x128xi32, #tpu.memory_space<vmem>>
      %dma_wait3A_779 = tpu.memref_squeeze %dma_wait3A_778 : memref<1x1x128xi32, #tpu.memory_space<vmem>> -> memref<128xi32, #tpu.memory_space<vmem>>
      %dma_wait3A_780 = arith.constant 0 : i32
      %dma_wait3A_781 = arith.constant 0 : i32
      %dma_wait3A_782 = tpu.memref_slice %arg2[%dma_wait3A_780, %dma_wait3A_781] : memref<20480x64xf32, #tpu.memory_space<hbm>> -> memref<20480x64xf32, #tpu.memory_space<hbm>>
      tpu.wait_indirect_dma semaphore(%arg15 : memref<!tpu.dma_semaphore, #tpu.memory_space<semaphore_mem>>) src(%dma_wait3A_782 : memref<20480x64xf32, #tpu.memory_space<hbm>>) dst(%dma_wait3A_776 : memref<128x64xf32, #tpu.memory_space<vmem>>)
      %run_scoped3A_783 = arith.constant 1 : i32
      %run_scoped3A_784 = arith.constant 1 : i32
      "tpu.region"() ({
        %run_scoped3A_804 = tpu.sem_alloc : memref<!tpu.dma_semaphore, #tpu.memory_space<semaphore_mem>>
        %dma_start3A_805 = arith.constant 0 : i32
        %dma_start3A_806 = arith.constant 0 : i32
        %dma_start3A_807 = tpu.memref_slice %arg9[%run_scoped3A_783, %dma_start3A_805, %dma_start3A_806] : memref<2x128x64xf32, #tpu.memory_space<vmem>> -> memref<1x128x64xf32, #tpu.memory_space<vmem>>
        %dma_start3A_808 = tpu.memref_squeeze %dma_start3A_807 : memref<1x128x64xf32, #tpu.memory_space<vmem>> -> memref<128x64xf32, #tpu.memory_space<vmem>>
        %dma_start3A_809 = arith.constant 0 : i32
        %dma_start3A_810 = tpu.memref_slice %arg8[%run_scoped3A_784, %add3A_770, %dma_start3A_809] : memref<2x32x128xi32, #tpu.memory_space<vmem>> -> memref<1x1x128xi32, #tpu.memory_space<vmem>>
        %dma_start3A_811 = tpu.memref_squeeze %dma_start3A_810 : memref<1x1x128xi32, #tpu.memory_space<vmem>> -> memref<128xi32, #tpu.memory_space<vmem>>
        %dma_start3A_812 = arith.constant 0 : i32
        %dma_start3A_813 = arith.constant 0 : i32
        %dma_start3A_814 = tpu.memref_slice %arg12[%dma_start3A_812, %dma_start3A_813] : memref<10240x64xf32, #tpu.memory_space<vmem_shared>> -> memref<10240x64xf32, #tpu.memory_space<vmem_shared>>
        tpu.enqueue_indirect_dma source(%dma_start3A_808 : memref<128x64xf32, #tpu.memory_space<vmem>>) target(%dma_start3A_814 : memref<10240x64xf32, #tpu.memory_space<vmem_shared>>) offsets(%dma_start3A_811 : memref<128xi32, #tpu.memory_space<vmem>>) semaphore(%run_scoped3A_804 : memref<!tpu.dma_semaphore, #tpu.memory_space<semaphore_mem>>) {add = true}
        %dma_wait3A_815 = arith.constant 0 : i32
        %dma_wait3A_816 = arith.constant 0 : i32
        %dma_wait3A_817 = tpu.memref_slice %arg9[%run_scoped3A_783, %dma_wait3A_815, %dma_wait3A_816] : memref<2x128x64xf32, #tpu.memory_space<vmem>> -> memref<1x128x64xf32, #tpu.memory_space<vmem>>
        %dma_wait3A_818 = tpu.memref_squeeze %dma_wait3A_817 : memref<1x128x64xf32, #tpu.memory_space<vmem>> -> memref<128x64xf32, #tpu.memory_space<vmem>>
        %dma_wait3A_819 = arith.constant 0 : i32
        %dma_wait3A_820 = tpu.memref_slice %arg8[%run_scoped3A_784, %add3A_770, %dma_wait3A_819] : memref<2x32x128xi32, #tpu.memory_space<vmem>> -> memref<1x1x128xi32, #tpu.memory_space<vmem>>
        %dma_wait3A_821 = tpu.memref_squeeze %dma_wait3A_820 : memref<1x1x128xi32, #tpu.memory_space<vmem>> -> memref<128xi32, #tpu.memory_space<vmem>>
        %dma_wait3A_822 = arith.constant 0 : i32
        %dma_wait3A_823 = arith.constant 0 : i32
        %dma_wait3A_824 = tpu.memref_slice %arg12[%dma_wait3A_822, %dma_wait3A_823] : memref<10240x64xf32, #tpu.memory_space<vmem_shared>> -> memref<10240x64xf32, #tpu.memory_space<vmem_shared>>
        tpu.wait_indirect_dma semaphore(%run_scoped3A_804 : memref<!tpu.dma_semaphore, #tpu.memory_space<semaphore_mem>>) src(%dma_wait3A_818 : memref<128x64xf32, #tpu.memory_space<vmem>>) dst(%dma_wait3A_824 : memref<10240x64xf32, #tpu.memory_space<vmem_shared>>)
        tpu.yield
      }) : () -> ()
      %add3A_785 = arith.constant 2 : i32
      %add3A_786 = arith.addi %add3A_770, %add3A_785 : i32
      %dma_start3A_787 = arith.constant 1 : i32
      %dma_start3A_788 = arith.constant 1 : i32
      %dma_start3A_789 = arith.constant 0 : i32
      %dma_start3A_790 = arith.constant 0 : i32
      %dma_start3A_791 = tpu.memref_slice %arg9[%dma_start3A_788, %dma_start3A_789, %dma_start3A_790] : memref<2x128x64xf32, #tpu.memory_space<vmem>> -> memref<1x128x64xf32, #tpu.memory_space<vmem>>
      %dma_start3A_792 = tpu.memref_squeeze %dma_start3A_791 : memref<1x128x64xf32, #tpu.memory_space<vmem>> -> memref<128x64xf32, #tpu.memory_space<vmem>>
      %dma_start3A_793 = arith.constant 0 : i32
      %dma_start3A_794 = tpu.memref_slice %arg7[%dma_start3A_787, %add3A_786, %dma_start3A_793] : memref<2x32x128xi32, #tpu.memory_space<vmem>> -> memref<1x1x128xi32, #tpu.memory_space<vmem>>
      %dma_start3A_795 = tpu.memref_squeeze %dma_start3A_794 : memref<1x1x128xi32, #tpu.memory_space<vmem>> -> memref<128xi32, #tpu.memory_space<vmem>>
      %dma_start3A_796 = arith.constant 0 : i32
      %dma_start3A_797 = arith.constant 0 : i32
      %dma_start3A_798 = tpu.memref_slice %arg2[%dma_start3A_796, %dma_start3A_797] : memref<20480x64xf32, #tpu.memory_space<hbm>> -> memref<20480x64xf32, #tpu.memory_space<hbm>>
      tpu.enqueue_indirect_dma source(%dma_start3A_798 : memref<20480x64xf32, #tpu.memory_space<hbm>>) target(%dma_start3A_792 : memref<128x64xf32, #tpu.memory_space<vmem>>) offsets(%dma_start3A_795 : memref<128xi32, #tpu.memory_space<vmem>>) semaphore(%arg15 : memref<!tpu.dma_semaphore, #tpu.memory_space<semaphore_mem>>)
      %eq3A_799 = arith.constant 1 : i32
      %eq3A_800 = arith.cmpi eq, %arg0, %eq3A_799 : i32
      %convert_element_type3A_801 = arith.extui %eq3A_800 : i1 to i32
      %cond3A_802 = arith.constant 0 : i32
      %cond3A_803 = arith.cmpi ne, %convert_element_type3A_801, %cond3A_802 : i32
      scf.if %cond3A_803 {
        %run_scoped3A_804 = arith.constant 1 : i32
        "tpu.region"() ({
          %run_scoped3A_805 = tpu.sem_alloc : memref<!tpu.dma_semaphore, #tpu.memory_space<semaphore_mem>>
          %dma_start3A_806 = arith.constant 0 : i32
          %dma_start3A_807 = tpu.memref_slice %arg8[%run_scoped3A_804, %add3A_770, %dma_start3A_806] : memref<2x32x128xi32, #tpu.memory_space<vmem>> -> memref<1x1x128xi32, #tpu.memory_space<vmem>>
          %dma_start3A_808 = tpu.memref_squeeze %dma_start3A_807 : memref<1x1x128xi32, #tpu.memory_space<vmem>> -> memref<128xi32, #tpu.memory_space<vmem>>
          %dma_start3A_809 = arith.constant 0 : i32
          %dma_start3A_810 = arith.constant 0 : i32
          %dma_start3A_811 = tpu.memref_slice %arg13[%dma_start3A_809, %dma_start3A_810] : memref<10240x16xf32, #tpu.memory_space<vmem_shared>> -> memref<10240x16xf32, #tpu.memory_space<vmem_shared>>
          tpu.enqueue_indirect_dma source(%arg10 : memref<128x16xf32, #tpu.memory_space<vmem>>) target(%dma_start3A_811 : memref<10240x16xf32, #tpu.memory_space<vmem_shared>>) offsets(%dma_start3A_808 : memref<128xi32, #tpu.memory_space<vmem>>) semaphore(%run_scoped3A_805 : memref<!tpu.dma_semaphore, #tpu.memory_space<semaphore_mem>>) {add = true}
          %dma_wait3A_812 = arith.constant 0 : i32
          %dma_wait3A_813 = tpu.memref_slice %arg8[%run_scoped3A_804, %add3A_770, %dma_wait3A_812] : memref<2x32x128xi32, #tpu.memory_space<vmem>> -> memref<1x1x128xi32, #tpu.memory_space<vmem>>
          %dma_wait3A_814 = tpu.memref_squeeze %dma_wait3A_813 : memref<1x1x128xi32, #tpu.memory_space<vmem>> -> memref<128xi32, #tpu.memory_space<vmem>>
          %dma_wait3A_815 = arith.constant 0 : i32
          %dma_wait3A_816 = arith.constant 0 : i32
          %dma_wait3A_817 = tpu.memref_slice %arg13[%dma_wait3A_815, %dma_wait3A_816] : memref<10240x16xf32, #tpu.memory_space<vmem_shared>> -> memref<10240x16xf32, #tpu.memory_space<vmem_shared>>
          tpu.wait_indirect_dma semaphore(%run_scoped3A_805 : memref<!tpu.dma_semaphore, #tpu.memory_space<semaphore_mem>>) src(%arg10 : memref<128x16xf32, #tpu.memory_space<vmem>>) dst(%dma_wait3A_817 : memref<10240x16xf32, #tpu.memory_space<vmem_shared>>)
          tpu.yield
        }) : () -> ()
      } else {
      }
    }
    %scan3A_293 = arith.constant 15 : i32
    %dma_wait3A_294 = arith.constant 1 : i32
    %dma_wait3A_295 = arith.constant 30 : i32
    %dma_wait3A_296 = arith.constant 0 : i32
    %dma_wait3A_297 = arith.constant 0 : i32
    %dma_wait3A_298 = arith.constant 0 : i32
    %dma_wait3A_299 = tpu.memref_slice %arg9[%dma_wait3A_296, %dma_wait3A_297, %dma_wait3A_298] : memref<2x128x64xf32, #tpu.memory_space<vmem>> -> memref<1x128x64xf32, #tpu.memory_space<vmem>>
    %dma_wait3A_300 = tpu.memref_squeeze %dma_wait3A_299 : memref<1x128x64xf32, #tpu.memory_space<vmem>> -> memref<128x64xf32, #tpu.memory_space<vmem>>
    %dma_wait3A_301 = arith.constant 0 : i32
    %dma_wait3A_302 = tpu.memref_slice %arg7[%dma_wait3A_294, %dma_wait3A_295, %dma_wait3A_301] : memref<2x32x128xi32, #tpu.memory_space<vmem>> -> memref<1x1x128xi32, #tpu.memory_space<vmem>>
    %dma_wait3A_303 = tpu.memref_squeeze %dma_wait3A_302 : memref<1x1x128xi32, #tpu.memory_space<vmem>> -> memref<128xi32, #tpu.memory_space<vmem>>
    %dma_wait3A_304 = arith.constant 0 : i32
    %dma_wait3A_305 = arith.constant 0 : i32
    %dma_wait3A_306 = tpu.memref_slice %arg11[%dma_wait3A_304, %dma_wait3A_305] : memref<10240x64xf32, #tpu.memory_space<vmem_shared>> -> memref<10240x64xf32, #tpu.memory_space<vmem_shared>>
    tpu.wait_indirect_dma semaphore(%arg14 : memref<!tpu.dma_semaphore, #tpu.memory_space<semaphore_mem>>) src(%dma_wait3A_306 : memref<10240x64xf32, #tpu.memory_space<vmem_shared>>) dst(%dma_wait3A_300 : memref<128x64xf32, #tpu.memory_space<vmem>>)
    %run_scoped3A_307 = arith.constant 0 : i32
    %run_scoped3A_308 = arith.constant 1 : i32
    %run_scoped3A_309 = arith.constant 30 : i32
    "tpu.region"() ({
      %run_scoped3A_729 = tpu.sem_alloc : memref<!tpu.dma_semaphore, #tpu.memory_space<semaphore_mem>>
      %dma_start3A_730 = arith.constant 0 : i32
      %dma_start3A_731 = arith.constant 0 : i32
      %dma_start3A_732 = tpu.memref_slice %arg9[%run_scoped3A_307, %dma_start3A_730, %dma_start3A_731] : memref<2x128x64xf32, #tpu.memory_space<vmem>> -> memref<1x128x64xf32, #tpu.memory_space<vmem>>
      %dma_start3A_733 = tpu.memref_squeeze %dma_start3A_732 : memref<1x128x64xf32, #tpu.memory_space<vmem>> -> memref<128x64xf32, #tpu.memory_space<vmem>>
      %dma_start3A_734 = arith.constant 0 : i32
      %dma_start3A_735 = tpu.memref_slice %arg8[%run_scoped3A_308, %run_scoped3A_309, %dma_start3A_734] : memref<2x32x128xi32, #tpu.memory_space<vmem>> -> memref<1x1x128xi32, #tpu.memory_space<vmem>>
      %dma_start3A_736 = tpu.memref_squeeze %dma_start3A_735 : memref<1x1x128xi32, #tpu.memory_space<vmem>> -> memref<128xi32, #tpu.memory_space<vmem>>
      %dma_start3A_737 = arith.constant 0 : i32
      %dma_start3A_738 = arith.constant 0 : i32
      %dma_start3A_739 = tpu.memref_slice %arg12[%dma_start3A_737, %dma_start3A_738] : memref<10240x64xf32, #tpu.memory_space<vmem_shared>> -> memref<10240x64xf32, #tpu.memory_space<vmem_shared>>
      tpu.enqueue_indirect_dma source(%dma_start3A_733 : memref<128x64xf32, #tpu.memory_space<vmem>>) target(%dma_start3A_739 : memref<10240x64xf32, #tpu.memory_space<vmem_shared>>) offsets(%dma_start3A_736 : memref<128xi32, #tpu.memory_space<vmem>>) semaphore(%run_scoped3A_729 : memref<!tpu.dma_semaphore, #tpu.memory_space<semaphore_mem>>) {add = true}
      %dma_wait3A_740 = arith.constant 0 : i32
      %dma_wait3A_741 = arith.constant 0 : i32
      %dma_wait3A_742 = tpu.memref_slice %arg9[%run_scoped3A_307, %dma_wait3A_740, %dma_wait3A_741] : memref<2x128x64xf32, #tpu.memory_space<vmem>> -> memref<1x128x64xf32, #tpu.memory_space<vmem>>
      %dma_wait3A_743 = tpu.memref_squeeze %dma_wait3A_742 : memref<1x128x64xf32, #tpu.memory_space<vmem>> -> memref<128x64xf32, #tpu.memory_space<vmem>>
      %dma_wait3A_744 = arith.constant 0 : i32
      %dma_wait3A_745 = tpu.memref_slice %arg8[%run_scoped3A_308, %run_scoped3A_309, %dma_wait3A_744] : memref<2x32x128xi32, #tpu.memory_space<vmem>> -> memref<1x1x128xi32, #tpu.memory_space<vmem>>
      %dma_wait3A_746 = tpu.memref_squeeze %dma_wait3A_745 : memref<1x1x128xi32, #tpu.memory_space<vmem>> -> memref<128xi32, #tpu.memory_space<vmem>>
      %dma_wait3A_747 = arith.constant 0 : i32
      %dma_wait3A_748 = arith.constant 0 : i32
      %dma_wait3A_749 = tpu.memref_slice %arg12[%dma_wait3A_747, %dma_wait3A_748] : memref<10240x64xf32, #tpu.memory_space<vmem_shared>> -> memref<10240x64xf32, #tpu.memory_space<vmem_shared>>
      tpu.wait_indirect_dma semaphore(%run_scoped3A_729 : memref<!tpu.dma_semaphore, #tpu.memory_space<semaphore_mem>>) src(%dma_wait3A_743 : memref<128x64xf32, #tpu.memory_space<vmem>>) dst(%dma_wait3A_749 : memref<10240x64xf32, #tpu.memory_space<vmem_shared>>)
      tpu.yield
    }) : () -> ()
    %eq3A_310 = arith.constant 0 : i32
    %eq3A_311 = arith.cmpi eq, %arg0, %eq3A_310 : i32
    %convert_element_type3A_312 = arith.extui %eq3A_311 : i1 to i32
    %cond3A_313 = arith.constant 0 : i32
    %cond3A_314 = arith.cmpi ne, %convert_element_type3A_312, %cond3A_313 : i32
    scf.if %cond3A_314 {
      %run_scoped3A_729 = arith.constant 1 : i32
      %run_scoped3A_730 = arith.constant 30 : i32
      "tpu.region"() ({
        %run_scoped3A_731 = tpu.sem_alloc : memref<!tpu.dma_semaphore, #tpu.memory_space<semaphore_mem>>
        %dma_start3A_732 = arith.constant 0 : i32
        %dma_start3A_733 = tpu.memref_slice %arg8[%run_scoped3A_729, %run_scoped3A_730, %dma_start3A_732] : memref<2x32x128xi32, #tpu.memory_space<vmem>> -> memref<1x1x128xi32, #tpu.memory_space<vmem>>
        %dma_start3A_734 = tpu.memref_squeeze %dma_start3A_733 : memref<1x1x128xi32, #tpu.memory_space<vmem>> -> memref<128xi32, #tpu.memory_space<vmem>>
        %dma_start3A_735 = arith.constant 0 : i32
        %dma_start3A_736 = arith.constant 0 : i32
        %dma_start3A_737 = tpu.memref_slice %arg13[%dma_start3A_735, %dma_start3A_736] : memref<10240x16xf32, #tpu.memory_space<vmem_shared>> -> memref<10240x16xf32, #tpu.memory_space<vmem_shared>>
        tpu.enqueue_indirect_dma source(%arg10 : memref<128x16xf32, #tpu.memory_space<vmem>>) target(%dma_start3A_737 : memref<10240x16xf32, #tpu.memory_space<vmem_shared>>) offsets(%dma_start3A_734 : memref<128xi32, #tpu.memory_space<vmem>>) semaphore(%run_scoped3A_731 : memref<!tpu.dma_semaphore, #tpu.memory_space<semaphore_mem>>) {add = true}
        %dma_wait3A_738 = arith.constant 0 : i32
        %dma_wait3A_739 = tpu.memref_slice %arg8[%run_scoped3A_729, %run_scoped3A_730, %dma_wait3A_738] : memref<2x32x128xi32, #tpu.memory_space<vmem>> -> memref<1x1x128xi32, #tpu.memory_space<vmem>>
        %dma_wait3A_740 = tpu.memref_squeeze %dma_wait3A_739 : memref<1x1x128xi32, #tpu.memory_space<vmem>> -> memref<128xi32, #tpu.memory_space<vmem>>
        %dma_wait3A_741 = arith.constant 0 : i32
        %dma_wait3A_742 = arith.constant 0 : i32
        %dma_wait3A_743 = tpu.memref_slice %arg13[%dma_wait3A_741, %dma_wait3A_742] : memref<10240x16xf32, #tpu.memory_space<vmem_shared>> -> memref<10240x16xf32, #tpu.memory_space<vmem_shared>>
        tpu.wait_indirect_dma semaphore(%run_scoped3A_731 : memref<!tpu.dma_semaphore, #tpu.memory_space<semaphore_mem>>) src(%arg10 : memref<128x16xf32, #tpu.memory_space<vmem>>) dst(%dma_wait3A_743 : memref<10240x16xf32, #tpu.memory_space<vmem_shared>>)
        tpu.yield
      }) : () -> ()
    } else {
    }
    %dma_wait3A_315 = arith.constant 1 : i32
    %dma_wait3A_316 = arith.constant 31 : i32
    %dma_wait3A_317 = arith.constant 1 : i32
    %dma_wait3A_318 = arith.constant 0 : i32
    %dma_wait3A_319 = arith.constant 0 : i32
    %dma_wait3A_320 = tpu.memref_slice %arg9[%dma_wait3A_317, %dma_wait3A_318, %dma_wait3A_319] : memref<2x128x64xf32, #tpu.memory_space<vmem>> -> memref<1x128x64xf32, #tpu.memory_space<vmem>>
    %dma_wait3A_321 = tpu.memref_squeeze %dma_wait3A_320 : memref<1x128x64xf32, #tpu.memory_space<vmem>> -> memref<128x64xf32, #tpu.memory_space<vmem>>
    %dma_wait3A_322 = arith.constant 0 : i32
    %dma_wait3A_323 = tpu.memref_slice %arg7[%dma_wait3A_315, %dma_wait3A_316, %dma_wait3A_322] : memref<2x32x128xi32, #tpu.memory_space<vmem>> -> memref<1x1x128xi32, #tpu.memory_space<vmem>>
    %dma_wait3A_324 = tpu.memref_squeeze %dma_wait3A_323 : memref<1x1x128xi32, #tpu.memory_space<vmem>> -> memref<128xi32, #tpu.memory_space<vmem>>
    %dma_wait3A_325 = arith.constant 0 : i32
    %dma_wait3A_326 = arith.constant 0 : i32
    %dma_wait3A_327 = tpu.memref_slice %arg2[%dma_wait3A_325, %dma_wait3A_326] : memref<20480x64xf32, #tpu.memory_space<hbm>> -> memref<20480x64xf32, #tpu.memory_space<hbm>>
    tpu.wait_indirect_dma semaphore(%arg15 : memref<!tpu.dma_semaphore, #tpu.memory_space<semaphore_mem>>) src(%dma_wait3A_327 : memref<20480x64xf32, #tpu.memory_space<hbm>>) dst(%dma_wait3A_321 : memref<128x64xf32, #tpu.memory_space<vmem>>)
    %run_scoped3A_328 = arith.constant 1 : i32
    %run_scoped3A_329 = arith.constant 1 : i32
    %run_scoped3A_330 = arith.constant 31 : i32
    "tpu.region"() ({
      %run_scoped3A_729 = tpu.sem_alloc : memref<!tpu.dma_semaphore, #tpu.memory_space<semaphore_mem>>
      %dma_start3A_730 = arith.constant 0 : i32
      %dma_start3A_731 = arith.constant 0 : i32
      %dma_start3A_732 = tpu.memref_slice %arg9[%run_scoped3A_328, %dma_start3A_730, %dma_start3A_731] : memref<2x128x64xf32, #tpu.memory_space<vmem>> -> memref<1x128x64xf32, #tpu.memory_space<vmem>>
      %dma_start3A_733 = tpu.memref_squeeze %dma_start3A_732 : memref<1x128x64xf32, #tpu.memory_space<vmem>> -> memref<128x64xf32, #tpu.memory_space<vmem>>
      %dma_start3A_734 = arith.constant 0 : i32
      %dma_start3A_735 = tpu.memref_slice %arg8[%run_scoped3A_329, %run_scoped3A_330, %dma_start3A_734] : memref<2x32x128xi32, #tpu.memory_space<vmem>> -> memref<1x1x128xi32, #tpu.memory_space<vmem>>
      %dma_start3A_736 = tpu.memref_squeeze %dma_start3A_735 : memref<1x1x128xi32, #tpu.memory_space<vmem>> -> memref<128xi32, #tpu.memory_space<vmem>>
      %dma_start3A_737 = arith.constant 0 : i32
      %dma_start3A_738 = arith.constant 0 : i32
      %dma_start3A_739 = tpu.memref_slice %arg12[%dma_start3A_737, %dma_start3A_738] : memref<10240x64xf32, #tpu.memory_space<vmem_shared>> -> memref<10240x64xf32, #tpu.memory_space<vmem_shared>>
      tpu.enqueue_indirect_dma source(%dma_start3A_733 : memref<128x64xf32, #tpu.memory_space<vmem>>) target(%dma_start3A_739 : memref<10240x64xf32, #tpu.memory_space<vmem_shared>>) offsets(%dma_start3A_736 : memref<128xi32, #tpu.memory_space<vmem>>) semaphore(%run_scoped3A_729 : memref<!tpu.dma_semaphore, #tpu.memory_space<semaphore_mem>>) {add = true}
      %dma_wait3A_740 = arith.constant 0 : i32
      %dma_wait3A_741 = arith.constant 0 : i32
      %dma_wait3A_742 = tpu.memref_slice %arg9[%run_scoped3A_328, %dma_wait3A_740, %dma_wait3A_741] : memref<2x128x64xf32, #tpu.memory_space<vmem>> -> memref<1x128x64xf32, #tpu.memory_space<vmem>>
      %dma_wait3A_743 = tpu.memref_squeeze %dma_wait3A_742 : memref<1x128x64xf32, #tpu.memory_space<vmem>> -> memref<128x64xf32, #tpu.memory_space<vmem>>
      %dma_wait3A_744 = arith.constant 0 : i32
      %dma_wait3A_745 = tpu.memref_slice %arg8[%run_scoped3A_329, %run_scoped3A_330, %dma_wait3A_744] : memref<2x32x128xi32, #tpu.memory_space<vmem>> -> memref<1x1x128xi32, #tpu.memory_space<vmem>>
      %dma_wait3A_746 = tpu.memref_squeeze %dma_wait3A_745 : memref<1x1x128xi32, #tpu.memory_space<vmem>> -> memref<128xi32, #tpu.memory_space<vmem>>
      %dma_wait3A_747 = arith.constant 0 : i32
      %dma_wait3A_748 = arith.constant 0 : i32
      %dma_wait3A_749 = tpu.memref_slice %arg12[%dma_wait3A_747, %dma_wait3A_748] : memref<10240x64xf32, #tpu.memory_space<vmem_shared>> -> memref<10240x64xf32, #tpu.memory_space<vmem_shared>>
      tpu.wait_indirect_dma semaphore(%run_scoped3A_729 : memref<!tpu.dma_semaphore, #tpu.memory_space<semaphore_mem>>) src(%dma_wait3A_743 : memref<128x64xf32, #tpu.memory_space<vmem>>) dst(%dma_wait3A_749 : memref<10240x64xf32, #tpu.memory_space<vmem_shared>>)
      tpu.yield
    }) : () -> ()
    %eq3A_331 = arith.constant 1 : i32
    %eq3A_332 = arith.cmpi eq, %arg0, %eq3A_331 : i32
    %convert_element_type3A_333 = arith.extui %eq3A_332 : i1 to i32
    %cond3A_334 = arith.constant 0 : i32
    %cond3A_335 = arith.cmpi ne, %convert_element_type3A_333, %cond3A_334 : i32
    scf.if %cond3A_335 {
      %run_scoped3A_729 = arith.constant 1 : i32
      %run_scoped3A_730 = arith.constant 31 : i32
      "tpu.region"() ({
        %run_scoped3A_731 = tpu.sem_alloc : memref<!tpu.dma_semaphore, #tpu.memory_space<semaphore_mem>>
        %dma_start3A_732 = arith.constant 0 : i32
        %dma_start3A_733 = tpu.memref_slice %arg8[%run_scoped3A_729, %run_scoped3A_730, %dma_start3A_732] : memref<2x32x128xi32, #tpu.memory_space<vmem>> -> memref<1x1x128xi32, #tpu.memory_space<vmem>>
        %dma_start3A_734 = tpu.memref_squeeze %dma_start3A_733 : memref<1x1x128xi32, #tpu.memory_space<vmem>> -> memref<128xi32, #tpu.memory_space<vmem>>
        %dma_start3A_735 = arith.constant 0 : i32
        %dma_start3A_736 = arith.constant 0 : i32
        %dma_start3A_737 = tpu.memref_slice %arg13[%dma_start3A_735, %dma_start3A_736] : memref<10240x16xf32, #tpu.memory_space<vmem_shared>> -> memref<10240x16xf32, #tpu.memory_space<vmem_shared>>
        tpu.enqueue_indirect_dma source(%arg10 : memref<128x16xf32, #tpu.memory_space<vmem>>) target(%dma_start3A_737 : memref<10240x16xf32, #tpu.memory_space<vmem_shared>>) offsets(%dma_start3A_734 : memref<128xi32, #tpu.memory_space<vmem>>) semaphore(%run_scoped3A_731 : memref<!tpu.dma_semaphore, #tpu.memory_space<semaphore_mem>>) {add = true}
        %dma_wait3A_738 = arith.constant 0 : i32
        %dma_wait3A_739 = tpu.memref_slice %arg8[%run_scoped3A_729, %run_scoped3A_730, %dma_wait3A_738] : memref<2x32x128xi32, #tpu.memory_space<vmem>> -> memref<1x1x128xi32, #tpu.memory_space<vmem>>
        %dma_wait3A_740 = tpu.memref_squeeze %dma_wait3A_739 : memref<1x1x128xi32, #tpu.memory_space<vmem>> -> memref<128xi32, #tpu.memory_space<vmem>>
        %dma_wait3A_741 = arith.constant 0 : i32
        %dma_wait3A_742 = arith.constant 0 : i32
        %dma_wait3A_743 = tpu.memref_slice %arg13[%dma_wait3A_741, %dma_wait3A_742] : memref<10240x16xf32, #tpu.memory_space<vmem_shared>> -> memref<10240x16xf32, #tpu.memory_space<vmem_shared>>
        tpu.wait_indirect_dma semaphore(%run_scoped3A_731 : memref<!tpu.dma_semaphore, #tpu.memory_space<semaphore_mem>>) src(%arg10 : memref<128x16xf32, #tpu.memory_space<vmem>>) dst(%dma_wait3A_743 : memref<10240x16xf32, #tpu.memory_space<vmem_shared>>)
        tpu.yield
      }) : () -> ()
    } else {
    }
    %dma_wait3A_336 = arith.constant 0 : i32
    %dma_wait3A_337 = arith.constant 0 : i32
    %dma_wait3A_338 = arith.constant 0 : i32
    %dma_wait3A_339 = tpu.memref_slice %arg7[%dma_wait3A_336, %dma_wait3A_337, %dma_wait3A_338] : memref<2x32x128xi32, #tpu.memory_space<vmem>> -> memref<1x32x128xi32, #tpu.memory_space<vmem>>
    %dma_wait3A_340 = tpu.memref_squeeze %dma_wait3A_339 : memref<1x32x128xi32, #tpu.memory_space<vmem>> -> memref<32x128xi32, #tpu.memory_space<vmem>>
    %dma_wait3A_341 = arith.constant 64 : i32
    %dma_wait3A_342 = arith.constant 0 : i32
    %dma_wait3A_343 = tpu.memref_slice %arg3[%arg0, %arg1, %dma_wait3A_341, %dma_wait3A_342] : memref<2x16x160x128xi32, #tpu.memory_space<hbm>> -> memref<1x1x32x128xi32, #tpu.memory_space<hbm>>
    %dma_wait3A_344 = tpu.memref_squeeze %dma_wait3A_343 : memref<1x1x32x128xi32, #tpu.memory_space<hbm>> -> memref<32x128xi32, #tpu.memory_space<hbm>>
    %dma_wait3A_345 = arith.constant 0 : i32
    %dma_wait3A_346 = arith.constant 0 : i32
    %dma_wait3A_347 = tpu.memref_slice %arg7[%dma_wait3A_336, %dma_wait3A_345, %dma_wait3A_346] : memref<2x32x128xi32, #tpu.memory_space<vmem>> -> memref<1x32x128xi32, #tpu.memory_space<vmem>>
    %dma_wait3A_348 = tpu.memref_squeeze %dma_wait3A_347 : memref<1x32x128xi32, #tpu.memory_space<vmem>> -> memref<32x128xi32, #tpu.memory_space<vmem>>
    %dma_wait3A_349 = arith.constant 64 : i32
    %dma_wait3A_350 = arith.constant 0 : i32
    %dma_wait3A_351 = tpu.memref_slice %arg3[%arg0, %arg1, %dma_wait3A_349, %dma_wait3A_350] : memref<2x16x160x128xi32, #tpu.memory_space<hbm>> -> memref<1x1x32x128xi32, #tpu.memory_space<hbm>>
    %dma_wait3A_352 = tpu.memref_squeeze %dma_wait3A_351 : memref<1x1x32x128xi32, #tpu.memory_space<hbm>> -> memref<32x128xi32, #tpu.memory_space<hbm>>
    tpu.wait_dma2 semaphore(%arg16 : memref<!tpu.dma_semaphore, #tpu.memory_space<semaphore_mem>>) src(%dma_wait3A_352 : memref<32x128xi32, #tpu.memory_space<hbm>>) dst(%dma_wait3A_348 : memref<32x128xi32, #tpu.memory_space<vmem>>)
    %dma_wait3A_353 = arith.constant 0 : i32
    %dma_wait3A_354 = arith.constant 0 : i32
    %dma_wait3A_355 = arith.constant 0 : i32
    %dma_wait3A_356 = tpu.memref_slice %arg8[%dma_wait3A_353, %dma_wait3A_354, %dma_wait3A_355] : memref<2x32x128xi32, #tpu.memory_space<vmem>> -> memref<1x32x128xi32, #tpu.memory_space<vmem>>
    %dma_wait3A_357 = tpu.memref_squeeze %dma_wait3A_356 : memref<1x32x128xi32, #tpu.memory_space<vmem>> -> memref<32x128xi32, #tpu.memory_space<vmem>>
    %dma_wait3A_358 = arith.constant 64 : i32
    %dma_wait3A_359 = arith.constant 0 : i32
    %dma_wait3A_360 = tpu.memref_slice %arg4[%arg1, %dma_wait3A_358, %dma_wait3A_359] : memref<16x160x128xi32, #tpu.memory_space<hbm>> -> memref<1x32x128xi32, #tpu.memory_space<hbm>>
    %dma_wait3A_361 = tpu.memref_squeeze %dma_wait3A_360 : memref<1x32x128xi32, #tpu.memory_space<hbm>> -> memref<32x128xi32, #tpu.memory_space<hbm>>
    %dma_wait3A_362 = arith.constant 0 : i32
    %dma_wait3A_363 = arith.constant 0 : i32
    %dma_wait3A_364 = tpu.memref_slice %arg8[%dma_wait3A_353, %dma_wait3A_362, %dma_wait3A_363] : memref<2x32x128xi32, #tpu.memory_space<vmem>> -> memref<1x32x128xi32, #tpu.memory_space<vmem>>
    %dma_wait3A_365 = tpu.memref_squeeze %dma_wait3A_364 : memref<1x32x128xi32, #tpu.memory_space<vmem>> -> memref<32x128xi32, #tpu.memory_space<vmem>>
    %dma_wait3A_366 = arith.constant 64 : i32
    %dma_wait3A_367 = arith.constant 0 : i32
    %dma_wait3A_368 = tpu.memref_slice %arg4[%arg1, %dma_wait3A_366, %dma_wait3A_367] : memref<16x160x128xi32, #tpu.memory_space<hbm>> -> memref<1x32x128xi32, #tpu.memory_space<hbm>>
    %dma_wait3A_369 = tpu.memref_squeeze %dma_wait3A_368 : memref<1x32x128xi32, #tpu.memory_space<hbm>> -> memref<32x128xi32, #tpu.memory_space<hbm>>
    tpu.wait_dma2 semaphore(%arg17 : memref<!tpu.dma_semaphore, #tpu.memory_space<semaphore_mem>>) src(%dma_wait3A_369 : memref<32x128xi32, #tpu.memory_space<hbm>>) dst(%dma_wait3A_365 : memref<32x128xi32, #tpu.memory_space<vmem>>)
    %dma_start3A_370 = arith.constant 0 : i32
    %dma_start3A_371 = arith.constant 0 : i32
    %dma_start3A_372 = arith.constant 0 : i32
    %dma_start3A_373 = arith.constant 0 : i32
    %dma_start3A_374 = arith.constant 0 : i32
    %dma_start3A_375 = tpu.memref_slice %arg9[%dma_start3A_372, %dma_start3A_373, %dma_start3A_374] : memref<2x128x64xf32, #tpu.memory_space<vmem>> -> memref<1x128x64xf32, #tpu.memory_space<vmem>>
    %dma_start3A_376 = tpu.memref_squeeze %dma_start3A_375 : memref<1x128x64xf32, #tpu.memory_space<vmem>> -> memref<128x64xf32, #tpu.memory_space<vmem>>
    %dma_start3A_377 = arith.constant 0 : i32
    %dma_start3A_378 = tpu.memref_slice %arg7[%dma_start3A_370, %dma_start3A_371, %dma_start3A_377] : memref<2x32x128xi32, #tpu.memory_space<vmem>> -> memref<1x1x128xi32, #tpu.memory_space<vmem>>
    %dma_start3A_379 = tpu.memref_squeeze %dma_start3A_378 : memref<1x1x128xi32, #tpu.memory_space<vmem>> -> memref<128xi32, #tpu.memory_space<vmem>>
    %dma_start3A_380 = arith.constant 0 : i32
    %dma_start3A_381 = arith.constant 0 : i32
    %dma_start3A_382 = tpu.memref_slice %arg2[%dma_start3A_380, %dma_start3A_381] : memref<20480x64xf32, #tpu.memory_space<hbm>> -> memref<20480x64xf32, #tpu.memory_space<hbm>>
    tpu.enqueue_indirect_dma source(%dma_start3A_382 : memref<20480x64xf32, #tpu.memory_space<hbm>>) target(%dma_start3A_376 : memref<128x64xf32, #tpu.memory_space<vmem>>) offsets(%dma_start3A_379 : memref<128xi32, #tpu.memory_space<vmem>>) semaphore(%arg14 : memref<!tpu.dma_semaphore, #tpu.memory_space<semaphore_mem>>)
    %dma_start3A_383 = arith.constant 0 : i32
    %dma_start3A_384 = arith.constant 1 : i32
    %dma_start3A_385 = arith.constant 1 : i32
    %dma_start3A_386 = arith.constant 0 : i32
    %dma_start3A_387 = arith.constant 0 : i32
    %dma_start3A_388 = tpu.memref_slice %arg9[%dma_start3A_385, %dma_start3A_386, %dma_start3A_387] : memref<2x128x64xf32, #tpu.memory_space<vmem>> -> memref<1x128x64xf32, #tpu.memory_space<vmem>>
    %dma_start3A_389 = tpu.memref_squeeze %dma_start3A_388 : memref<1x128x64xf32, #tpu.memory_space<vmem>> -> memref<128x64xf32, #tpu.memory_space<vmem>>
    %dma_start3A_390 = arith.constant 0 : i32
    %dma_start3A_391 = tpu.memref_slice %arg7[%dma_start3A_383, %dma_start3A_384, %dma_start3A_390] : memref<2x32x128xi32, #tpu.memory_space<vmem>> -> memref<1x1x128xi32, #tpu.memory_space<vmem>>
    %dma_start3A_392 = tpu.memref_squeeze %dma_start3A_391 : memref<1x1x128xi32, #tpu.memory_space<vmem>> -> memref<128xi32, #tpu.memory_space<vmem>>
    %dma_start3A_393 = arith.constant 0 : i32
    %dma_start3A_394 = arith.constant 0 : i32
    %dma_start3A_395 = tpu.memref_slice %arg2[%dma_start3A_393, %dma_start3A_394] : memref<20480x64xf32, #tpu.memory_space<hbm>> -> memref<20480x64xf32, #tpu.memory_space<hbm>>
    tpu.enqueue_indirect_dma source(%dma_start3A_395 : memref<20480x64xf32, #tpu.memory_space<hbm>>) target(%dma_start3A_389 : memref<128x64xf32, #tpu.memory_space<vmem>>) offsets(%dma_start3A_392 : memref<128xi32, #tpu.memory_space<vmem>>) semaphore(%arg15 : memref<!tpu.dma_semaphore, #tpu.memory_space<semaphore_mem>>)
    %dma_start3A_396 = arith.constant 1 : i32
    %dma_start3A_397 = arith.constant 0 : i32
    %dma_start3A_398 = arith.constant 0 : i32
    %dma_start3A_399 = tpu.memref_slice %arg7[%dma_start3A_396, %dma_start3A_397, %dma_start3A_398] : memref<2x32x128xi32, #tpu.memory_space<vmem>> -> memref<1x32x128xi32, #tpu.memory_space<vmem>>
    %dma_start3A_400 = tpu.memref_squeeze %dma_start3A_399 : memref<1x32x128xi32, #tpu.memory_space<vmem>> -> memref<32x128xi32, #tpu.memory_space<vmem>>
    %dma_start3A_401 = arith.constant 96 : i32
    %dma_start3A_402 = arith.constant 0 : i32
    %dma_start3A_403 = tpu.memref_slice %arg3[%arg0, %arg1, %dma_start3A_401, %dma_start3A_402] : memref<2x16x160x128xi32, #tpu.memory_space<hbm>> -> memref<1x1x32x128xi32, #tpu.memory_space<hbm>>
    %dma_start3A_404 = tpu.memref_squeeze %dma_start3A_403 : memref<1x1x32x128xi32, #tpu.memory_space<hbm>> -> memref<32x128xi32, #tpu.memory_space<hbm>>
    %dma_start3A_405 = arith.constant 0 : i32
    %dma_start3A_406 = arith.constant 0 : i32
    %dma_start3A_407 = tpu.memref_slice %arg7[%dma_start3A_396, %dma_start3A_405, %dma_start3A_406] : memref<2x32x128xi32, #tpu.memory_space<vmem>> -> memref<1x32x128xi32, #tpu.memory_space<vmem>>
    %dma_start3A_408 = tpu.memref_squeeze %dma_start3A_407 : memref<1x32x128xi32, #tpu.memory_space<vmem>> -> memref<32x128xi32, #tpu.memory_space<vmem>>
    %dma_start3A_409 = arith.constant 96 : i32
    %dma_start3A_410 = arith.constant 0 : i32
    %dma_start3A_411 = tpu.memref_slice %arg3[%arg0, %arg1, %dma_start3A_409, %dma_start3A_410] : memref<2x16x160x128xi32, #tpu.memory_space<hbm>> -> memref<1x1x32x128xi32, #tpu.memory_space<hbm>>
    %dma_start3A_412 = tpu.memref_squeeze %dma_start3A_411 : memref<1x1x32x128xi32, #tpu.memory_space<hbm>> -> memref<32x128xi32, #tpu.memory_space<hbm>>
    tpu.enqueue_dma source(%dma_start3A_412 : memref<32x128xi32, #tpu.memory_space<hbm>>) target(%dma_start3A_408 : memref<32x128xi32, #tpu.memory_space<vmem>>) target_semaphore(%arg16 : memref<!tpu.dma_semaphore, #tpu.memory_space<semaphore_mem>>)
    %dma_start3A_413 = arith.constant 1 : i32
    %dma_start3A_414 = arith.constant 0 : i32
    %dma_start3A_415 = arith.constant 0 : i32
    %dma_start3A_416 = tpu.memref_slice %arg8[%dma_start3A_413, %dma_start3A_414, %dma_start3A_415] : memref<2x32x128xi32, #tpu.memory_space<vmem>> -> memref<1x32x128xi32, #tpu.memory_space<vmem>>
    %dma_start3A_417 = tpu.memref_squeeze %dma_start3A_416 : memref<1x32x128xi32, #tpu.memory_space<vmem>> -> memref<32x128xi32, #tpu.memory_space<vmem>>
    %dma_start3A_418 = arith.constant 96 : i32
    %dma_start3A_419 = arith.constant 0 : i32
    %dma_start3A_420 = tpu.memref_slice %arg4[%arg1, %dma_start3A_418, %dma_start3A_419] : memref<16x160x128xi32, #tpu.memory_space<hbm>> -> memref<1x32x128xi32, #tpu.memory_space<hbm>>
    %dma_start3A_421 = tpu.memref_squeeze %dma_start3A_420 : memref<1x32x128xi32, #tpu.memory_space<hbm>> -> memref<32x128xi32, #tpu.memory_space<hbm>>
    %dma_start3A_422 = arith.constant 0 : i32
    %dma_start3A_423 = arith.constant 0 : i32
    %dma_start3A_424 = tpu.memref_slice %arg8[%dma_start3A_413, %dma_start3A_422, %dma_start3A_423] : memref<2x32x128xi32, #tpu.memory_space<vmem>> -> memref<1x32x128xi32, #tpu.memory_space<vmem>>
    %dma_start3A_425 = tpu.memref_squeeze %dma_start3A_424 : memref<1x32x128xi32, #tpu.memory_space<vmem>> -> memref<32x128xi32, #tpu.memory_space<vmem>>
    %dma_start3A_426 = arith.constant 96 : i32
    %dma_start3A_427 = arith.constant 0 : i32
    %dma_start3A_428 = tpu.memref_slice %arg4[%arg1, %dma_start3A_426, %dma_start3A_427] : memref<16x160x128xi32, #tpu.memory_space<hbm>> -> memref<1x32x128xi32, #tpu.memory_space<hbm>>
    %dma_start3A_429 = tpu.memref_squeeze %dma_start3A_428 : memref<1x32x128xi32, #tpu.memory_space<hbm>> -> memref<32x128xi32, #tpu.memory_space<hbm>>
    tpu.enqueue_dma source(%dma_start3A_429 : memref<32x128xi32, #tpu.memory_space<hbm>>) target(%dma_start3A_425 : memref<32x128xi32, #tpu.memory_space<vmem>>) target_semaphore(%arg17 : memref<!tpu.dma_semaphore, #tpu.memory_space<semaphore_mem>>)
    %scan3A_430 = arith.constant 0 : i32
    %scan3A_431 = arith.constant 0 : i32
    %scan3A_432 = arith.constant 15 : i32
    %scan3A_433 = arith.addi %scan3A_431, %scan3A_432 : i32
    %scan3A_434 = arith.constant 1 : i32
    scf.for %scan3A_729 = %scan3A_431 to %scan3A_433 step %scan3A_434  : i32 {
      %mul3A_730 = arith.constant 2 : i32
      %mul3A_731 = arith.muli %scan3A_729, %mul3A_730 : i32
      %add3A_732 = arith.constant 0 : i32
      %add3A_733 = arith.addi %mul3A_731, %add3A_732 : i32
      %dma_wait3A_734 = arith.constant 0 : i32
      %dma_wait3A_735 = arith.constant 0 : i32
      %dma_wait3A_736 = arith.constant 0 : i32
      %dma_wait3A_737 = arith.constant 0 : i32
      %dma_wait3A_738 = tpu.memref_slice %arg9[%dma_wait3A_735, %dma_wait3A_736, %dma_wait3A_737] : memref<2x128x64xf32, #tpu.memory_space<vmem>> -> memref<1x128x64xf32, #tpu.memory_space<vmem>>
      %dma_wait3A_739 = tpu.memref_squeeze %dma_wait3A_738 : memref<1x128x64xf32, #tpu.memory_space<vmem>> -> memref<128x64xf32, #tpu.memory_space<vmem>>
      %dma_wait3A_740 = arith.constant 0 : i32
      %dma_wait3A_741 = tpu.memref_slice %arg7[%dma_wait3A_734, %add3A_733, %dma_wait3A_740] : memref<2x32x128xi32, #tpu.memory_space<vmem>> -> memref<1x1x128xi32, #tpu.memory_space<vmem>>
      %dma_wait3A_742 = tpu.memref_squeeze %dma_wait3A_741 : memref<1x1x128xi32, #tpu.memory_space<vmem>> -> memref<128xi32, #tpu.memory_space<vmem>>
      %dma_wait3A_743 = arith.constant 0 : i32
      %dma_wait3A_744 = arith.constant 0 : i32
      %dma_wait3A_745 = tpu.memref_slice %arg2[%dma_wait3A_743, %dma_wait3A_744] : memref<20480x64xf32, #tpu.memory_space<hbm>> -> memref<20480x64xf32, #tpu.memory_space<hbm>>
      tpu.wait_indirect_dma semaphore(%arg14 : memref<!tpu.dma_semaphore, #tpu.memory_space<semaphore_mem>>) src(%dma_wait3A_745 : memref<20480x64xf32, #tpu.memory_space<hbm>>) dst(%dma_wait3A_739 : memref<128x64xf32, #tpu.memory_space<vmem>>)
      %run_scoped3A_746 = arith.constant 0 : i32
      %run_scoped3A_747 = arith.constant 0 : i32
      "tpu.region"() ({
        %run_scoped3A_804 = tpu.sem_alloc : memref<!tpu.dma_semaphore, #tpu.memory_space<semaphore_mem>>
        %dma_start3A_805 = arith.constant 0 : i32
        %dma_start3A_806 = arith.constant 0 : i32
        %dma_start3A_807 = tpu.memref_slice %arg9[%run_scoped3A_746, %dma_start3A_805, %dma_start3A_806] : memref<2x128x64xf32, #tpu.memory_space<vmem>> -> memref<1x128x64xf32, #tpu.memory_space<vmem>>
        %dma_start3A_808 = tpu.memref_squeeze %dma_start3A_807 : memref<1x128x64xf32, #tpu.memory_space<vmem>> -> memref<128x64xf32, #tpu.memory_space<vmem>>
        %dma_start3A_809 = arith.constant 0 : i32
        %dma_start3A_810 = tpu.memref_slice %arg8[%run_scoped3A_747, %add3A_733, %dma_start3A_809] : memref<2x32x128xi32, #tpu.memory_space<vmem>> -> memref<1x1x128xi32, #tpu.memory_space<vmem>>
        %dma_start3A_811 = tpu.memref_squeeze %dma_start3A_810 : memref<1x1x128xi32, #tpu.memory_space<vmem>> -> memref<128xi32, #tpu.memory_space<vmem>>
        %dma_start3A_812 = arith.constant 0 : i32
        %dma_start3A_813 = arith.constant 0 : i32
        %dma_start3A_814 = tpu.memref_slice %arg12[%dma_start3A_812, %dma_start3A_813] : memref<10240x64xf32, #tpu.memory_space<vmem_shared>> -> memref<10240x64xf32, #tpu.memory_space<vmem_shared>>
        tpu.enqueue_indirect_dma source(%dma_start3A_808 : memref<128x64xf32, #tpu.memory_space<vmem>>) target(%dma_start3A_814 : memref<10240x64xf32, #tpu.memory_space<vmem_shared>>) offsets(%dma_start3A_811 : memref<128xi32, #tpu.memory_space<vmem>>) semaphore(%run_scoped3A_804 : memref<!tpu.dma_semaphore, #tpu.memory_space<semaphore_mem>>) {add = true}
        %dma_wait3A_815 = arith.constant 0 : i32
        %dma_wait3A_816 = arith.constant 0 : i32
        %dma_wait3A_817 = tpu.memref_slice %arg9[%run_scoped3A_746, %dma_wait3A_815, %dma_wait3A_816] : memref<2x128x64xf32, #tpu.memory_space<vmem>> -> memref<1x128x64xf32, #tpu.memory_space<vmem>>
        %dma_wait3A_818 = tpu.memref_squeeze %dma_wait3A_817 : memref<1x128x64xf32, #tpu.memory_space<vmem>> -> memref<128x64xf32, #tpu.memory_space<vmem>>
        %dma_wait3A_819 = arith.constant 0 : i32
        %dma_wait3A_820 = tpu.memref_slice %arg8[%run_scoped3A_747, %add3A_733, %dma_wait3A_819] : memref<2x32x128xi32, #tpu.memory_space<vmem>> -> memref<1x1x128xi32, #tpu.memory_space<vmem>>
        %dma_wait3A_821 = tpu.memref_squeeze %dma_wait3A_820 : memref<1x1x128xi32, #tpu.memory_space<vmem>> -> memref<128xi32, #tpu.memory_space<vmem>>
        %dma_wait3A_822 = arith.constant 0 : i32
        %dma_wait3A_823 = arith.constant 0 : i32
        %dma_wait3A_824 = tpu.memref_slice %arg12[%dma_wait3A_822, %dma_wait3A_823] : memref<10240x64xf32, #tpu.memory_space<vmem_shared>> -> memref<10240x64xf32, #tpu.memory_space<vmem_shared>>
        tpu.wait_indirect_dma semaphore(%run_scoped3A_804 : memref<!tpu.dma_semaphore, #tpu.memory_space<semaphore_mem>>) src(%dma_wait3A_818 : memref<128x64xf32, #tpu.memory_space<vmem>>) dst(%dma_wait3A_824 : memref<10240x64xf32, #tpu.memory_space<vmem_shared>>)
        tpu.yield
      }) : () -> ()
      %add3A_748 = arith.constant 2 : i32
      %add3A_749 = arith.addi %add3A_733, %add3A_748 : i32
      %dma_start3A_750 = arith.constant 0 : i32
      %dma_start3A_751 = arith.constant 0 : i32
      %dma_start3A_752 = arith.constant 0 : i32
      %dma_start3A_753 = arith.constant 0 : i32
      %dma_start3A_754 = tpu.memref_slice %arg9[%dma_start3A_751, %dma_start3A_752, %dma_start3A_753] : memref<2x128x64xf32, #tpu.memory_space<vmem>> -> memref<1x128x64xf32, #tpu.memory_space<vmem>>
      %dma_start3A_755 = tpu.memref_squeeze %dma_start3A_754 : memref<1x128x64xf32, #tpu.memory_space<vmem>> -> memref<128x64xf32, #tpu.memory_space<vmem>>
      %dma_start3A_756 = arith.constant 0 : i32
      %dma_start3A_757 = tpu.memref_slice %arg7[%dma_start3A_750, %add3A_749, %dma_start3A_756] : memref<2x32x128xi32, #tpu.memory_space<vmem>> -> memref<1x1x128xi32, #tpu.memory_space<vmem>>
      %dma_start3A_758 = tpu.memref_squeeze %dma_start3A_757 : memref<1x1x128xi32, #tpu.memory_space<vmem>> -> memref<128xi32, #tpu.memory_space<vmem>>
      %dma_start3A_759 = arith.constant 0 : i32
      %dma_start3A_760 = arith.constant 0 : i32
      %dma_start3A_761 = tpu.memref_slice %arg2[%dma_start3A_759, %dma_start3A_760] : memref<20480x64xf32, #tpu.memory_space<hbm>> -> memref<20480x64xf32, #tpu.memory_space<hbm>>
      tpu.enqueue_indirect_dma source(%dma_start3A_761 : memref<20480x64xf32, #tpu.memory_space<hbm>>) target(%dma_start3A_755 : memref<128x64xf32, #tpu.memory_space<vmem>>) offsets(%dma_start3A_758 : memref<128xi32, #tpu.memory_space<vmem>>) semaphore(%arg14 : memref<!tpu.dma_semaphore, #tpu.memory_space<semaphore_mem>>)
      %eq3A_762 = arith.constant 0 : i32
      %eq3A_763 = arith.cmpi eq, %arg0, %eq3A_762 : i32
      %convert_element_type3A_764 = arith.extui %eq3A_763 : i1 to i32
      %cond3A_765 = arith.constant 0 : i32
      %cond3A_766 = arith.cmpi ne, %convert_element_type3A_764, %cond3A_765 : i32
      scf.if %cond3A_766 {
        %run_scoped3A_804 = arith.constant 0 : i32
        "tpu.region"() ({
          %run_scoped3A_805 = tpu.sem_alloc : memref<!tpu.dma_semaphore, #tpu.memory_space<semaphore_mem>>
          %dma_start3A_806 = arith.constant 0 : i32
          %dma_start3A_807 = tpu.memref_slice %arg8[%run_scoped3A_804, %add3A_733, %dma_start3A_806] : memref<2x32x128xi32, #tpu.memory_space<vmem>> -> memref<1x1x128xi32, #tpu.memory_space<vmem>>
          %dma_start3A_808 = tpu.memref_squeeze %dma_start3A_807 : memref<1x1x128xi32, #tpu.memory_space<vmem>> -> memref<128xi32, #tpu.memory_space<vmem>>
          %dma_start3A_809 = arith.constant 0 : i32
          %dma_start3A_810 = arith.constant 0 : i32
          %dma_start3A_811 = tpu.memref_slice %arg13[%dma_start3A_809, %dma_start3A_810] : memref<10240x16xf32, #tpu.memory_space<vmem_shared>> -> memref<10240x16xf32, #tpu.memory_space<vmem_shared>>
          tpu.enqueue_indirect_dma source(%arg10 : memref<128x16xf32, #tpu.memory_space<vmem>>) target(%dma_start3A_811 : memref<10240x16xf32, #tpu.memory_space<vmem_shared>>) offsets(%dma_start3A_808 : memref<128xi32, #tpu.memory_space<vmem>>) semaphore(%run_scoped3A_805 : memref<!tpu.dma_semaphore, #tpu.memory_space<semaphore_mem>>) {add = true}
          %dma_wait3A_812 = arith.constant 0 : i32
          %dma_wait3A_813 = tpu.memref_slice %arg8[%run_scoped3A_804, %add3A_733, %dma_wait3A_812] : memref<2x32x128xi32, #tpu.memory_space<vmem>> -> memref<1x1x128xi32, #tpu.memory_space<vmem>>
          %dma_wait3A_814 = tpu.memref_squeeze %dma_wait3A_813 : memref<1x1x128xi32, #tpu.memory_space<vmem>> -> memref<128xi32, #tpu.memory_space<vmem>>
          %dma_wait3A_815 = arith.constant 0 : i32
          %dma_wait3A_816 = arith.constant 0 : i32
          %dma_wait3A_817 = tpu.memref_slice %arg13[%dma_wait3A_815, %dma_wait3A_816] : memref<10240x16xf32, #tpu.memory_space<vmem_shared>> -> memref<10240x16xf32, #tpu.memory_space<vmem_shared>>
          tpu.wait_indirect_dma semaphore(%run_scoped3A_805 : memref<!tpu.dma_semaphore, #tpu.memory_space<semaphore_mem>>) src(%arg10 : memref<128x16xf32, #tpu.memory_space<vmem>>) dst(%dma_wait3A_817 : memref<10240x16xf32, #tpu.memory_space<vmem_shared>>)
          tpu.yield
        }) : () -> ()
      } else {
      }
      %mul3A_767 = arith.constant 2 : i32
      %mul3A_768 = arith.muli %scan3A_729, %mul3A_767 : i32
      %add3A_769 = arith.constant 1 : i32
      %add3A_770 = arith.addi %mul3A_768, %add3A_769 : i32
      %dma_wait3A_771 = arith.constant 0 : i32
      %dma_wait3A_772 = arith.constant 1 : i32
      %dma_wait3A_773 = arith.constant 0 : i32
      %dma_wait3A_774 = arith.constant 0 : i32
      %dma_wait3A_775 = tpu.memref_slice %arg9[%dma_wait3A_772, %dma_wait3A_773, %dma_wait3A_774] : memref<2x128x64xf32, #tpu.memory_space<vmem>> -> memref<1x128x64xf32, #tpu.memory_space<vmem>>
      %dma_wait3A_776 = tpu.memref_squeeze %dma_wait3A_775 : memref<1x128x64xf32, #tpu.memory_space<vmem>> -> memref<128x64xf32, #tpu.memory_space<vmem>>
      %dma_wait3A_777 = arith.constant 0 : i32
      %dma_wait3A_778 = tpu.memref_slice %arg7[%dma_wait3A_771, %add3A_770, %dma_wait3A_777] : memref<2x32x128xi32, #tpu.memory_space<vmem>> -> memref<1x1x128xi32, #tpu.memory_space<vmem>>
      %dma_wait3A_779 = tpu.memref_squeeze %dma_wait3A_778 : memref<1x1x128xi32, #tpu.memory_space<vmem>> -> memref<128xi32, #tpu.memory_space<vmem>>
      %dma_wait3A_780 = arith.constant 0 : i32
      %dma_wait3A_781 = arith.constant 0 : i32
      %dma_wait3A_782 = tpu.memref_slice %arg2[%dma_wait3A_780, %dma_wait3A_781] : memref<20480x64xf32, #tpu.memory_space<hbm>> -> memref<20480x64xf32, #tpu.memory_space<hbm>>
      tpu.wait_indirect_dma semaphore(%arg15 : memref<!tpu.dma_semaphore, #tpu.memory_space<semaphore_mem>>) src(%dma_wait3A_782 : memref<20480x64xf32, #tpu.memory_space<hbm>>) dst(%dma_wait3A_776 : memref<128x64xf32, #tpu.memory_space<vmem>>)
      %run_scoped3A_783 = arith.constant 1 : i32
      %run_scoped3A_784 = arith.constant 0 : i32
      "tpu.region"() ({
        %run_scoped3A_804 = tpu.sem_alloc : memref<!tpu.dma_semaphore, #tpu.memory_space<semaphore_mem>>
        %dma_start3A_805 = arith.constant 0 : i32
        %dma_start3A_806 = arith.constant 0 : i32
        %dma_start3A_807 = tpu.memref_slice %arg9[%run_scoped3A_783, %dma_start3A_805, %dma_start3A_806] : memref<2x128x64xf32, #tpu.memory_space<vmem>> -> memref<1x128x64xf32, #tpu.memory_space<vmem>>
        %dma_start3A_808 = tpu.memref_squeeze %dma_start3A_807 : memref<1x128x64xf32, #tpu.memory_space<vmem>> -> memref<128x64xf32, #tpu.memory_space<vmem>>
        %dma_start3A_809 = arith.constant 0 : i32
        %dma_start3A_810 = tpu.memref_slice %arg8[%run_scoped3A_784, %add3A_770, %dma_start3A_809] : memref<2x32x128xi32, #tpu.memory_space<vmem>> -> memref<1x1x128xi32, #tpu.memory_space<vmem>>
        %dma_start3A_811 = tpu.memref_squeeze %dma_start3A_810 : memref<1x1x128xi32, #tpu.memory_space<vmem>> -> memref<128xi32, #tpu.memory_space<vmem>>
        %dma_start3A_812 = arith.constant 0 : i32
        %dma_start3A_813 = arith.constant 0 : i32
        %dma_start3A_814 = tpu.memref_slice %arg12[%dma_start3A_812, %dma_start3A_813] : memref<10240x64xf32, #tpu.memory_space<vmem_shared>> -> memref<10240x64xf32, #tpu.memory_space<vmem_shared>>
        tpu.enqueue_indirect_dma source(%dma_start3A_808 : memref<128x64xf32, #tpu.memory_space<vmem>>) target(%dma_start3A_814 : memref<10240x64xf32, #tpu.memory_space<vmem_shared>>) offsets(%dma_start3A_811 : memref<128xi32, #tpu.memory_space<vmem>>) semaphore(%run_scoped3A_804 : memref<!tpu.dma_semaphore, #tpu.memory_space<semaphore_mem>>) {add = true}
        %dma_wait3A_815 = arith.constant 0 : i32
        %dma_wait3A_816 = arith.constant 0 : i32
        %dma_wait3A_817 = tpu.memref_slice %arg9[%run_scoped3A_783, %dma_wait3A_815, %dma_wait3A_816] : memref<2x128x64xf32, #tpu.memory_space<vmem>> -> memref<1x128x64xf32, #tpu.memory_space<vmem>>
        %dma_wait3A_818 = tpu.memref_squeeze %dma_wait3A_817 : memref<1x128x64xf32, #tpu.memory_space<vmem>> -> memref<128x64xf32, #tpu.memory_space<vmem>>
        %dma_wait3A_819 = arith.constant 0 : i32
        %dma_wait3A_820 = tpu.memref_slice %arg8[%run_scoped3A_784, %add3A_770, %dma_wait3A_819] : memref<2x32x128xi32, #tpu.memory_space<vmem>> -> memref<1x1x128xi32, #tpu.memory_space<vmem>>
        %dma_wait3A_821 = tpu.memref_squeeze %dma_wait3A_820 : memref<1x1x128xi32, #tpu.memory_space<vmem>> -> memref<128xi32, #tpu.memory_space<vmem>>
        %dma_wait3A_822 = arith.constant 0 : i32
        %dma_wait3A_823 = arith.constant 0 : i32
        %dma_wait3A_824 = tpu.memref_slice %arg12[%dma_wait3A_822, %dma_wait3A_823] : memref<10240x64xf32, #tpu.memory_space<vmem_shared>> -> memref<10240x64xf32, #tpu.memory_space<vmem_shared>>
        tpu.wait_indirect_dma semaphore(%run_scoped3A_804 : memref<!tpu.dma_semaphore, #tpu.memory_space<semaphore_mem>>) src(%dma_wait3A_818 : memref<128x64xf32, #tpu.memory_space<vmem>>) dst(%dma_wait3A_824 : memref<10240x64xf32, #tpu.memory_space<vmem_shared>>)
        tpu.yield
      }) : () -> ()
      %add3A_785 = arith.constant 2 : i32
      %add3A_786 = arith.addi %add3A_770, %add3A_785 : i32
      %dma_start3A_787 = arith.constant 0 : i32
      %dma_start3A_788 = arith.constant 1 : i32
      %dma_start3A_789 = arith.constant 0 : i32
      %dma_start3A_790 = arith.constant 0 : i32
      %dma_start3A_791 = tpu.memref_slice %arg9[%dma_start3A_788, %dma_start3A_789, %dma_start3A_790] : memref<2x128x64xf32, #tpu.memory_space<vmem>> -> memref<1x128x64xf32, #tpu.memory_space<vmem>>
      %dma_start3A_792 = tpu.memref_squeeze %dma_start3A_791 : memref<1x128x64xf32, #tpu.memory_space<vmem>> -> memref<128x64xf32, #tpu.memory_space<vmem>>
      %dma_start3A_793 = arith.constant 0 : i32
      %dma_start3A_794 = tpu.memref_slice %arg7[%dma_start3A_787, %add3A_786, %dma_start3A_793] : memref<2x32x128xi32, #tpu.memory_space<vmem>> -> memref<1x1x128xi32, #tpu.memory_space<vmem>>
      %dma_start3A_795 = tpu.memref_squeeze %dma_start3A_794 : memref<1x1x128xi32, #tpu.memory_space<vmem>> -> memref<128xi32, #tpu.memory_space<vmem>>
      %dma_start3A_796 = arith.constant 0 : i32
      %dma_start3A_797 = arith.constant 0 : i32
      %dma_start3A_798 = tpu.memref_slice %arg2[%dma_start3A_796, %dma_start3A_797] : memref<20480x64xf32, #tpu.memory_space<hbm>> -> memref<20480x64xf32, #tpu.memory_space<hbm>>
      tpu.enqueue_indirect_dma source(%dma_start3A_798 : memref<20480x64xf32, #tpu.memory_space<hbm>>) target(%dma_start3A_792 : memref<128x64xf32, #tpu.memory_space<vmem>>) offsets(%dma_start3A_795 : memref<128xi32, #tpu.memory_space<vmem>>) semaphore(%arg15 : memref<!tpu.dma_semaphore, #tpu.memory_space<semaphore_mem>>)
      %eq3A_799 = arith.constant 1 : i32
      %eq3A_800 = arith.cmpi eq, %arg0, %eq3A_799 : i32
      %convert_element_type3A_801 = arith.extui %eq3A_800 : i1 to i32
      %cond3A_802 = arith.constant 0 : i32
      %cond3A_803 = arith.cmpi ne, %convert_element_type3A_801, %cond3A_802 : i32
      scf.if %cond3A_803 {
        %run_scoped3A_804 = arith.constant 0 : i32
        "tpu.region"() ({
          %run_scoped3A_805 = tpu.sem_alloc : memref<!tpu.dma_semaphore, #tpu.memory_space<semaphore_mem>>
          %dma_start3A_806 = arith.constant 0 : i32
          %dma_start3A_807 = tpu.memref_slice %arg8[%run_scoped3A_804, %add3A_770, %dma_start3A_806] : memref<2x32x128xi32, #tpu.memory_space<vmem>> -> memref<1x1x128xi32, #tpu.memory_space<vmem>>
          %dma_start3A_808 = tpu.memref_squeeze %dma_start3A_807 : memref<1x1x128xi32, #tpu.memory_space<vmem>> -> memref<128xi32, #tpu.memory_space<vmem>>
          %dma_start3A_809 = arith.constant 0 : i32
          %dma_start3A_810 = arith.constant 0 : i32
          %dma_start3A_811 = tpu.memref_slice %arg13[%dma_start3A_809, %dma_start3A_810] : memref<10240x16xf32, #tpu.memory_space<vmem_shared>> -> memref<10240x16xf32, #tpu.memory_space<vmem_shared>>
          tpu.enqueue_indirect_dma source(%arg10 : memref<128x16xf32, #tpu.memory_space<vmem>>) target(%dma_start3A_811 : memref<10240x16xf32, #tpu.memory_space<vmem_shared>>) offsets(%dma_start3A_808 : memref<128xi32, #tpu.memory_space<vmem>>) semaphore(%run_scoped3A_805 : memref<!tpu.dma_semaphore, #tpu.memory_space<semaphore_mem>>) {add = true}
          %dma_wait3A_812 = arith.constant 0 : i32
          %dma_wait3A_813 = tpu.memref_slice %arg8[%run_scoped3A_804, %add3A_770, %dma_wait3A_812] : memref<2x32x128xi32, #tpu.memory_space<vmem>> -> memref<1x1x128xi32, #tpu.memory_space<vmem>>
          %dma_wait3A_814 = tpu.memref_squeeze %dma_wait3A_813 : memref<1x1x128xi32, #tpu.memory_space<vmem>> -> memref<128xi32, #tpu.memory_space<vmem>>
          %dma_wait3A_815 = arith.constant 0 : i32
          %dma_wait3A_816 = arith.constant 0 : i32
          %dma_wait3A_817 = tpu.memref_slice %arg13[%dma_wait3A_815, %dma_wait3A_816] : memref<10240x16xf32, #tpu.memory_space<vmem_shared>> -> memref<10240x16xf32, #tpu.memory_space<vmem_shared>>
          tpu.wait_indirect_dma semaphore(%run_scoped3A_805 : memref<!tpu.dma_semaphore, #tpu.memory_space<semaphore_mem>>) src(%arg10 : memref<128x16xf32, #tpu.memory_space<vmem>>) dst(%dma_wait3A_817 : memref<10240x16xf32, #tpu.memory_space<vmem_shared>>)
          tpu.yield
        }) : () -> ()
      } else {
      }
    }
    %scan3A_435 = arith.constant 15 : i32
    %dma_wait3A_436 = arith.constant 0 : i32
    %dma_wait3A_437 = arith.constant 30 : i32
    %dma_wait3A_438 = arith.constant 0 : i32
    %dma_wait3A_439 = arith.constant 0 : i32
    %dma_wait3A_440 = arith.constant 0 : i32
    %dma_wait3A_441 = tpu.memref_slice %arg9[%dma_wait3A_438, %dma_wait3A_439, %dma_wait3A_440] : memref<2x128x64xf32, #tpu.memory_space<vmem>> -> memref<1x128x64xf32, #tpu.memory_space<vmem>>
    %dma_wait3A_442 = tpu.memref_squeeze %dma_wait3A_441 : memref<1x128x64xf32, #tpu.memory_space<vmem>> -> memref<128x64xf32, #tpu.memory_space<vmem>>
    %dma_wait3A_443 = arith.constant 0 : i32
    %dma_wait3A_444 = tpu.memref_slice %arg7[%dma_wait3A_436, %dma_wait3A_437, %dma_wait3A_443] : memref<2x32x128xi32, #tpu.memory_space<vmem>> -> memref<1x1x128xi32, #tpu.memory_space<vmem>>
    %dma_wait3A_445 = tpu.memref_squeeze %dma_wait3A_444 : memref<1x1x128xi32, #tpu.memory_space<vmem>> -> memref<128xi32, #tpu.memory_space<vmem>>
    %dma_wait3A_446 = arith.constant 0 : i32
    %dma_wait3A_447 = arith.constant 0 : i32
    %dma_wait3A_448 = tpu.memref_slice %arg2[%dma_wait3A_446, %dma_wait3A_447] : memref<20480x64xf32, #tpu.memory_space<hbm>> -> memref<20480x64xf32, #tpu.memory_space<hbm>>
    tpu.wait_indirect_dma semaphore(%arg14 : memref<!tpu.dma_semaphore, #tpu.memory_space<semaphore_mem>>) src(%dma_wait3A_448 : memref<20480x64xf32, #tpu.memory_space<hbm>>) dst(%dma_wait3A_442 : memref<128x64xf32, #tpu.memory_space<vmem>>)
    %run_scoped3A_449 = arith.constant 0 : i32
    %run_scoped3A_450 = arith.constant 0 : i32
    %run_scoped3A_451 = arith.constant 30 : i32
    "tpu.region"() ({
      %run_scoped3A_729 = tpu.sem_alloc : memref<!tpu.dma_semaphore, #tpu.memory_space<semaphore_mem>>
      %dma_start3A_730 = arith.constant 0 : i32
      %dma_start3A_731 = arith.constant 0 : i32
      %dma_start3A_732 = tpu.memref_slice %arg9[%run_scoped3A_449, %dma_start3A_730, %dma_start3A_731] : memref<2x128x64xf32, #tpu.memory_space<vmem>> -> memref<1x128x64xf32, #tpu.memory_space<vmem>>
      %dma_start3A_733 = tpu.memref_squeeze %dma_start3A_732 : memref<1x128x64xf32, #tpu.memory_space<vmem>> -> memref<128x64xf32, #tpu.memory_space<vmem>>
      %dma_start3A_734 = arith.constant 0 : i32
      %dma_start3A_735 = tpu.memref_slice %arg8[%run_scoped3A_450, %run_scoped3A_451, %dma_start3A_734] : memref<2x32x128xi32, #tpu.memory_space<vmem>> -> memref<1x1x128xi32, #tpu.memory_space<vmem>>
      %dma_start3A_736 = tpu.memref_squeeze %dma_start3A_735 : memref<1x1x128xi32, #tpu.memory_space<vmem>> -> memref<128xi32, #tpu.memory_space<vmem>>
      %dma_start3A_737 = arith.constant 0 : i32
      %dma_start3A_738 = arith.constant 0 : i32
      %dma_start3A_739 = tpu.memref_slice %arg12[%dma_start3A_737, %dma_start3A_738] : memref<10240x64xf32, #tpu.memory_space<vmem_shared>> -> memref<10240x64xf32, #tpu.memory_space<vmem_shared>>
      tpu.enqueue_indirect_dma source(%dma_start3A_733 : memref<128x64xf32, #tpu.memory_space<vmem>>) target(%dma_start3A_739 : memref<10240x64xf32, #tpu.memory_space<vmem_shared>>) offsets(%dma_start3A_736 : memref<128xi32, #tpu.memory_space<vmem>>) semaphore(%run_scoped3A_729 : memref<!tpu.dma_semaphore, #tpu.memory_space<semaphore_mem>>) {add = true}
      %dma_wait3A_740 = arith.constant 0 : i32
      %dma_wait3A_741 = arith.constant 0 : i32
      %dma_wait3A_742 = tpu.memref_slice %arg9[%run_scoped3A_449, %dma_wait3A_740, %dma_wait3A_741] : memref<2x128x64xf32, #tpu.memory_space<vmem>> -> memref<1x128x64xf32, #tpu.memory_space<vmem>>
      %dma_wait3A_743 = tpu.memref_squeeze %dma_wait3A_742 : memref<1x128x64xf32, #tpu.memory_space<vmem>> -> memref<128x64xf32, #tpu.memory_space<vmem>>
      %dma_wait3A_744 = arith.constant 0 : i32
      %dma_wait3A_745 = tpu.memref_slice %arg8[%run_scoped3A_450, %run_scoped3A_451, %dma_wait3A_744] : memref<2x32x128xi32, #tpu.memory_space<vmem>> -> memref<1x1x128xi32, #tpu.memory_space<vmem>>
      %dma_wait3A_746 = tpu.memref_squeeze %dma_wait3A_745 : memref<1x1x128xi32, #tpu.memory_space<vmem>> -> memref<128xi32, #tpu.memory_space<vmem>>
      %dma_wait3A_747 = arith.constant 0 : i32
      %dma_wait3A_748 = arith.constant 0 : i32
      %dma_wait3A_749 = tpu.memref_slice %arg12[%dma_wait3A_747, %dma_wait3A_748] : memref<10240x64xf32, #tpu.memory_space<vmem_shared>> -> memref<10240x64xf32, #tpu.memory_space<vmem_shared>>
      tpu.wait_indirect_dma semaphore(%run_scoped3A_729 : memref<!tpu.dma_semaphore, #tpu.memory_space<semaphore_mem>>) src(%dma_wait3A_743 : memref<128x64xf32, #tpu.memory_space<vmem>>) dst(%dma_wait3A_749 : memref<10240x64xf32, #tpu.memory_space<vmem_shared>>)
      tpu.yield
    }) : () -> ()
    %eq3A_452 = arith.constant 0 : i32
    %eq3A_453 = arith.cmpi eq, %arg0, %eq3A_452 : i32
    %convert_element_type3A_454 = arith.extui %eq3A_453 : i1 to i32
    %cond3A_455 = arith.constant 0 : i32
    %cond3A_456 = arith.cmpi ne, %convert_element_type3A_454, %cond3A_455 : i32
    scf.if %cond3A_456 {
      %run_scoped3A_729 = arith.constant 0 : i32
      %run_scoped3A_730 = arith.constant 30 : i32
      "tpu.region"() ({
        %run_scoped3A_731 = tpu.sem_alloc : memref<!tpu.dma_semaphore, #tpu.memory_space<semaphore_mem>>
        %dma_start3A_732 = arith.constant 0 : i32
        %dma_start3A_733 = tpu.memref_slice %arg8[%run_scoped3A_729, %run_scoped3A_730, %dma_start3A_732] : memref<2x32x128xi32, #tpu.memory_space<vmem>> -> memref<1x1x128xi32, #tpu.memory_space<vmem>>
        %dma_start3A_734 = tpu.memref_squeeze %dma_start3A_733 : memref<1x1x128xi32, #tpu.memory_space<vmem>> -> memref<128xi32, #tpu.memory_space<vmem>>
        %dma_start3A_735 = arith.constant 0 : i32
        %dma_start3A_736 = arith.constant 0 : i32
        %dma_start3A_737 = tpu.memref_slice %arg13[%dma_start3A_735, %dma_start3A_736] : memref<10240x16xf32, #tpu.memory_space<vmem_shared>> -> memref<10240x16xf32, #tpu.memory_space<vmem_shared>>
        tpu.enqueue_indirect_dma source(%arg10 : memref<128x16xf32, #tpu.memory_space<vmem>>) target(%dma_start3A_737 : memref<10240x16xf32, #tpu.memory_space<vmem_shared>>) offsets(%dma_start3A_734 : memref<128xi32, #tpu.memory_space<vmem>>) semaphore(%run_scoped3A_731 : memref<!tpu.dma_semaphore, #tpu.memory_space<semaphore_mem>>) {add = true}
        %dma_wait3A_738 = arith.constant 0 : i32
        %dma_wait3A_739 = tpu.memref_slice %arg8[%run_scoped3A_729, %run_scoped3A_730, %dma_wait3A_738] : memref<2x32x128xi32, #tpu.memory_space<vmem>> -> memref<1x1x128xi32, #tpu.memory_space<vmem>>
        %dma_wait3A_740 = tpu.memref_squeeze %dma_wait3A_739 : memref<1x1x128xi32, #tpu.memory_space<vmem>> -> memref<128xi32, #tpu.memory_space<vmem>>
        %dma_wait3A_741 = arith.constant 0 : i32
        %dma_wait3A_742 = arith.constant 0 : i32
        %dma_wait3A_743 = tpu.memref_slice %arg13[%dma_wait3A_741, %dma_wait3A_742] : memref<10240x16xf32, #tpu.memory_space<vmem_shared>> -> memref<10240x16xf32, #tpu.memory_space<vmem_shared>>
        tpu.wait_indirect_dma semaphore(%run_scoped3A_731 : memref<!tpu.dma_semaphore, #tpu.memory_space<semaphore_mem>>) src(%arg10 : memref<128x16xf32, #tpu.memory_space<vmem>>) dst(%dma_wait3A_743 : memref<10240x16xf32, #tpu.memory_space<vmem_shared>>)
        tpu.yield
      }) : () -> ()
    } else {
    }
    %dma_wait3A_457 = arith.constant 0 : i32
    %dma_wait3A_458 = arith.constant 31 : i32
    %dma_wait3A_459 = arith.constant 1 : i32
    %dma_wait3A_460 = arith.constant 0 : i32
    %dma_wait3A_461 = arith.constant 0 : i32
    %dma_wait3A_462 = tpu.memref_slice %arg9[%dma_wait3A_459, %dma_wait3A_460, %dma_wait3A_461] : memref<2x128x64xf32, #tpu.memory_space<vmem>> -> memref<1x128x64xf32, #tpu.memory_space<vmem>>
    %dma_wait3A_463 = tpu.memref_squeeze %dma_wait3A_462 : memref<1x128x64xf32, #tpu.memory_space<vmem>> -> memref<128x64xf32, #tpu.memory_space<vmem>>
    %dma_wait3A_464 = arith.constant 0 : i32
    %dma_wait3A_465 = tpu.memref_slice %arg7[%dma_wait3A_457, %dma_wait3A_458, %dma_wait3A_464] : memref<2x32x128xi32, #tpu.memory_space<vmem>> -> memref<1x1x128xi32, #tpu.memory_space<vmem>>
    %dma_wait3A_466 = tpu.memref_squeeze %dma_wait3A_465 : memref<1x1x128xi32, #tpu.memory_space<vmem>> -> memref<128xi32, #tpu.memory_space<vmem>>
    %dma_wait3A_467 = arith.constant 0 : i32
    %dma_wait3A_468 = arith.constant 0 : i32
    %dma_wait3A_469 = tpu.memref_slice %arg2[%dma_wait3A_467, %dma_wait3A_468] : memref<20480x64xf32, #tpu.memory_space<hbm>> -> memref<20480x64xf32, #tpu.memory_space<hbm>>
    tpu.wait_indirect_dma semaphore(%arg15 : memref<!tpu.dma_semaphore, #tpu.memory_space<semaphore_mem>>) src(%dma_wait3A_469 : memref<20480x64xf32, #tpu.memory_space<hbm>>) dst(%dma_wait3A_463 : memref<128x64xf32, #tpu.memory_space<vmem>>)
    %run_scoped3A_470 = arith.constant 1 : i32
    %run_scoped3A_471 = arith.constant 0 : i32
    %run_scoped3A_472 = arith.constant 31 : i32
    "tpu.region"() ({
      %run_scoped3A_729 = tpu.sem_alloc : memref<!tpu.dma_semaphore, #tpu.memory_space<semaphore_mem>>
      %dma_start3A_730 = arith.constant 0 : i32
      %dma_start3A_731 = arith.constant 0 : i32
      %dma_start3A_732 = tpu.memref_slice %arg9[%run_scoped3A_470, %dma_start3A_730, %dma_start3A_731] : memref<2x128x64xf32, #tpu.memory_space<vmem>> -> memref<1x128x64xf32, #tpu.memory_space<vmem>>
      %dma_start3A_733 = tpu.memref_squeeze %dma_start3A_732 : memref<1x128x64xf32, #tpu.memory_space<vmem>> -> memref<128x64xf32, #tpu.memory_space<vmem>>
      %dma_start3A_734 = arith.constant 0 : i32
      %dma_start3A_735 = tpu.memref_slice %arg8[%run_scoped3A_471, %run_scoped3A_472, %dma_start3A_734] : memref<2x32x128xi32, #tpu.memory_space<vmem>> -> memref<1x1x128xi32, #tpu.memory_space<vmem>>
      %dma_start3A_736 = tpu.memref_squeeze %dma_start3A_735 : memref<1x1x128xi32, #tpu.memory_space<vmem>> -> memref<128xi32, #tpu.memory_space<vmem>>
      %dma_start3A_737 = arith.constant 0 : i32
      %dma_start3A_738 = arith.constant 0 : i32
      %dma_start3A_739 = tpu.memref_slice %arg12[%dma_start3A_737, %dma_start3A_738] : memref<10240x64xf32, #tpu.memory_space<vmem_shared>> -> memref<10240x64xf32, #tpu.memory_space<vmem_shared>>
      tpu.enqueue_indirect_dma source(%dma_start3A_733 : memref<128x64xf32, #tpu.memory_space<vmem>>) target(%dma_start3A_739 : memref<10240x64xf32, #tpu.memory_space<vmem_shared>>) offsets(%dma_start3A_736 : memref<128xi32, #tpu.memory_space<vmem>>) semaphore(%run_scoped3A_729 : memref<!tpu.dma_semaphore, #tpu.memory_space<semaphore_mem>>) {add = true}
      %dma_wait3A_740 = arith.constant 0 : i32
      %dma_wait3A_741 = arith.constant 0 : i32
      %dma_wait3A_742 = tpu.memref_slice %arg9[%run_scoped3A_470, %dma_wait3A_740, %dma_wait3A_741] : memref<2x128x64xf32, #tpu.memory_space<vmem>> -> memref<1x128x64xf32, #tpu.memory_space<vmem>>
      %dma_wait3A_743 = tpu.memref_squeeze %dma_wait3A_742 : memref<1x128x64xf32, #tpu.memory_space<vmem>> -> memref<128x64xf32, #tpu.memory_space<vmem>>
      %dma_wait3A_744 = arith.constant 0 : i32
      %dma_wait3A_745 = tpu.memref_slice %arg8[%run_scoped3A_471, %run_scoped3A_472, %dma_wait3A_744] : memref<2x32x128xi32, #tpu.memory_space<vmem>> -> memref<1x1x128xi32, #tpu.memory_space<vmem>>
      %dma_wait3A_746 = tpu.memref_squeeze %dma_wait3A_745 : memref<1x1x128xi32, #tpu.memory_space<vmem>> -> memref<128xi32, #tpu.memory_space<vmem>>
      %dma_wait3A_747 = arith.constant 0 : i32
      %dma_wait3A_748 = arith.constant 0 : i32
      %dma_wait3A_749 = tpu.memref_slice %arg12[%dma_wait3A_747, %dma_wait3A_748] : memref<10240x64xf32, #tpu.memory_space<vmem_shared>> -> memref<10240x64xf32, #tpu.memory_space<vmem_shared>>
      tpu.wait_indirect_dma semaphore(%run_scoped3A_729 : memref<!tpu.dma_semaphore, #tpu.memory_space<semaphore_mem>>) src(%dma_wait3A_743 : memref<128x64xf32, #tpu.memory_space<vmem>>) dst(%dma_wait3A_749 : memref<10240x64xf32, #tpu.memory_space<vmem_shared>>)
      tpu.yield
    }) : () -> ()
    %eq3A_473 = arith.constant 1 : i32
    %eq3A_474 = arith.cmpi eq, %arg0, %eq3A_473 : i32
    %convert_element_type3A_475 = arith.extui %eq3A_474 : i1 to i32
    %cond3A_476 = arith.constant 0 : i32
    %cond3A_477 = arith.cmpi ne, %convert_element_type3A_475, %cond3A_476 : i32
    scf.if %cond3A_477 {
      %run_scoped3A_729 = arith.constant 0 : i32
      %run_scoped3A_730 = arith.constant 31 : i32
      "tpu.region"() ({
        %run_scoped3A_731 = tpu.sem_alloc : memref<!tpu.dma_semaphore, #tpu.memory_space<semaphore_mem>>
        %dma_start3A_732 = arith.constant 0 : i32
        %dma_start3A_733 = tpu.memref_slice %arg8[%run_scoped3A_729, %run_scoped3A_730, %dma_start3A_732] : memref<2x32x128xi32, #tpu.memory_space<vmem>> -> memref<1x1x128xi32, #tpu.memory_space<vmem>>
        %dma_start3A_734 = tpu.memref_squeeze %dma_start3A_733 : memref<1x1x128xi32, #tpu.memory_space<vmem>> -> memref<128xi32, #tpu.memory_space<vmem>>
        %dma_start3A_735 = arith.constant 0 : i32
        %dma_start3A_736 = arith.constant 0 : i32
        %dma_start3A_737 = tpu.memref_slice %arg13[%dma_start3A_735, %dma_start3A_736] : memref<10240x16xf32, #tpu.memory_space<vmem_shared>> -> memref<10240x16xf32, #tpu.memory_space<vmem_shared>>
        tpu.enqueue_indirect_dma source(%arg10 : memref<128x16xf32, #tpu.memory_space<vmem>>) target(%dma_start3A_737 : memref<10240x16xf32, #tpu.memory_space<vmem_shared>>) offsets(%dma_start3A_734 : memref<128xi32, #tpu.memory_space<vmem>>) semaphore(%run_scoped3A_731 : memref<!tpu.dma_semaphore, #tpu.memory_space<semaphore_mem>>) {add = true}
        %dma_wait3A_738 = arith.constant 0 : i32
        %dma_wait3A_739 = tpu.memref_slice %arg8[%run_scoped3A_729, %run_scoped3A_730, %dma_wait3A_738] : memref<2x32x128xi32, #tpu.memory_space<vmem>> -> memref<1x1x128xi32, #tpu.memory_space<vmem>>
        %dma_wait3A_740 = tpu.memref_squeeze %dma_wait3A_739 : memref<1x1x128xi32, #tpu.memory_space<vmem>> -> memref<128xi32, #tpu.memory_space<vmem>>
        %dma_wait3A_741 = arith.constant 0 : i32
        %dma_wait3A_742 = arith.constant 0 : i32
        %dma_wait3A_743 = tpu.memref_slice %arg13[%dma_wait3A_741, %dma_wait3A_742] : memref<10240x16xf32, #tpu.memory_space<vmem_shared>> -> memref<10240x16xf32, #tpu.memory_space<vmem_shared>>
        tpu.wait_indirect_dma semaphore(%run_scoped3A_731 : memref<!tpu.dma_semaphore, #tpu.memory_space<semaphore_mem>>) src(%arg10 : memref<128x16xf32, #tpu.memory_space<vmem>>) dst(%dma_wait3A_743 : memref<10240x16xf32, #tpu.memory_space<vmem_shared>>)
        tpu.yield
      }) : () -> ()
    } else {
    }
    %dma_wait3A_478 = arith.constant 1 : i32
    %dma_wait3A_479 = arith.constant 0 : i32
    %dma_wait3A_480 = arith.constant 0 : i32
    %dma_wait3A_481 = tpu.memref_slice %arg7[%dma_wait3A_478, %dma_wait3A_479, %dma_wait3A_480] : memref<2x32x128xi32, #tpu.memory_space<vmem>> -> memref<1x32x128xi32, #tpu.memory_space<vmem>>
    %dma_wait3A_482 = tpu.memref_squeeze %dma_wait3A_481 : memref<1x32x128xi32, #tpu.memory_space<vmem>> -> memref<32x128xi32, #tpu.memory_space<vmem>>
    %dma_wait3A_483 = arith.constant 96 : i32
    %dma_wait3A_484 = arith.constant 0 : i32
    %dma_wait3A_485 = tpu.memref_slice %arg3[%arg0, %arg1, %dma_wait3A_483, %dma_wait3A_484] : memref<2x16x160x128xi32, #tpu.memory_space<hbm>> -> memref<1x1x32x128xi32, #tpu.memory_space<hbm>>
    %dma_wait3A_486 = tpu.memref_squeeze %dma_wait3A_485 : memref<1x1x32x128xi32, #tpu.memory_space<hbm>> -> memref<32x128xi32, #tpu.memory_space<hbm>>
    %dma_wait3A_487 = arith.constant 0 : i32
    %dma_wait3A_488 = arith.constant 0 : i32
    %dma_wait3A_489 = tpu.memref_slice %arg7[%dma_wait3A_478, %dma_wait3A_487, %dma_wait3A_488] : memref<2x32x128xi32, #tpu.memory_space<vmem>> -> memref<1x32x128xi32, #tpu.memory_space<vmem>>
    %dma_wait3A_490 = tpu.memref_squeeze %dma_wait3A_489 : memref<1x32x128xi32, #tpu.memory_space<vmem>> -> memref<32x128xi32, #tpu.memory_space<vmem>>
    %dma_wait3A_491 = arith.constant 96 : i32
    %dma_wait3A_492 = arith.constant 0 : i32
    %dma_wait3A_493 = tpu.memref_slice %arg3[%arg0, %arg1, %dma_wait3A_491, %dma_wait3A_492] : memref<2x16x160x128xi32, #tpu.memory_space<hbm>> -> memref<1x1x32x128xi32, #tpu.memory_space<hbm>>
    %dma_wait3A_494 = tpu.memref_squeeze %dma_wait3A_493 : memref<1x1x32x128xi32, #tpu.memory_space<hbm>> -> memref<32x128xi32, #tpu.memory_space<hbm>>
    tpu.wait_dma2 semaphore(%arg16 : memref<!tpu.dma_semaphore, #tpu.memory_space<semaphore_mem>>) src(%dma_wait3A_494 : memref<32x128xi32, #tpu.memory_space<hbm>>) dst(%dma_wait3A_490 : memref<32x128xi32, #tpu.memory_space<vmem>>)
    %dma_wait3A_495 = arith.constant 1 : i32
    %dma_wait3A_496 = arith.constant 0 : i32
    %dma_wait3A_497 = arith.constant 0 : i32
    %dma_wait3A_498 = tpu.memref_slice %arg8[%dma_wait3A_495, %dma_wait3A_496, %dma_wait3A_497] : memref<2x32x128xi32, #tpu.memory_space<vmem>> -> memref<1x32x128xi32, #tpu.memory_space<vmem>>
    %dma_wait3A_499 = tpu.memref_squeeze %dma_wait3A_498 : memref<1x32x128xi32, #tpu.memory_space<vmem>> -> memref<32x128xi32, #tpu.memory_space<vmem>>
    %dma_wait3A_500 = arith.constant 96 : i32
    %dma_wait3A_501 = arith.constant 0 : i32
    %dma_wait3A_502 = tpu.memref_slice %arg4[%arg1, %dma_wait3A_500, %dma_wait3A_501] : memref<16x160x128xi32, #tpu.memory_space<hbm>> -> memref<1x32x128xi32, #tpu.memory_space<hbm>>
    %dma_wait3A_503 = tpu.memref_squeeze %dma_wait3A_502 : memref<1x32x128xi32, #tpu.memory_space<hbm>> -> memref<32x128xi32, #tpu.memory_space<hbm>>
    %dma_wait3A_504 = arith.constant 0 : i32
    %dma_wait3A_505 = arith.constant 0 : i32
    %dma_wait3A_506 = tpu.memref_slice %arg8[%dma_wait3A_495, %dma_wait3A_504, %dma_wait3A_505] : memref<2x32x128xi32, #tpu.memory_space<vmem>> -> memref<1x32x128xi32, #tpu.memory_space<vmem>>
    %dma_wait3A_507 = tpu.memref_squeeze %dma_wait3A_506 : memref<1x32x128xi32, #tpu.memory_space<vmem>> -> memref<32x128xi32, #tpu.memory_space<vmem>>
    %dma_wait3A_508 = arith.constant 96 : i32
    %dma_wait3A_509 = arith.constant 0 : i32
    %dma_wait3A_510 = tpu.memref_slice %arg4[%arg1, %dma_wait3A_508, %dma_wait3A_509] : memref<16x160x128xi32, #tpu.memory_space<hbm>> -> memref<1x32x128xi32, #tpu.memory_space<hbm>>
    %dma_wait3A_511 = tpu.memref_squeeze %dma_wait3A_510 : memref<1x32x128xi32, #tpu.memory_space<hbm>> -> memref<32x128xi32, #tpu.memory_space<hbm>>
    tpu.wait_dma2 semaphore(%arg17 : memref<!tpu.dma_semaphore, #tpu.memory_space<semaphore_mem>>) src(%dma_wait3A_511 : memref<32x128xi32, #tpu.memory_space<hbm>>) dst(%dma_wait3A_507 : memref<32x128xi32, #tpu.memory_space<vmem>>)
    %dma_start3A_512 = arith.constant 1 : i32
    %dma_start3A_513 = arith.constant 0 : i32
    %dma_start3A_514 = arith.constant 0 : i32
    %dma_start3A_515 = arith.constant 0 : i32
    %dma_start3A_516 = arith.constant 0 : i32
    %dma_start3A_517 = tpu.memref_slice %arg9[%dma_start3A_514, %dma_start3A_515, %dma_start3A_516] : memref<2x128x64xf32, #tpu.memory_space<vmem>> -> memref<1x128x64xf32, #tpu.memory_space<vmem>>
    %dma_start3A_518 = tpu.memref_squeeze %dma_start3A_517 : memref<1x128x64xf32, #tpu.memory_space<vmem>> -> memref<128x64xf32, #tpu.memory_space<vmem>>
    %dma_start3A_519 = arith.constant 0 : i32
    %dma_start3A_520 = tpu.memref_slice %arg7[%dma_start3A_512, %dma_start3A_513, %dma_start3A_519] : memref<2x32x128xi32, #tpu.memory_space<vmem>> -> memref<1x1x128xi32, #tpu.memory_space<vmem>>
    %dma_start3A_521 = tpu.memref_squeeze %dma_start3A_520 : memref<1x1x128xi32, #tpu.memory_space<vmem>> -> memref<128xi32, #tpu.memory_space<vmem>>
    %dma_start3A_522 = arith.constant 0 : i32
    %dma_start3A_523 = arith.constant 0 : i32
    %dma_start3A_524 = tpu.memref_slice %arg11[%dma_start3A_522, %dma_start3A_523] : memref<10240x64xf32, #tpu.memory_space<vmem_shared>> -> memref<10240x64xf32, #tpu.memory_space<vmem_shared>>
    tpu.enqueue_indirect_dma source(%dma_start3A_524 : memref<10240x64xf32, #tpu.memory_space<vmem_shared>>) target(%dma_start3A_518 : memref<128x64xf32, #tpu.memory_space<vmem>>) offsets(%dma_start3A_521 : memref<128xi32, #tpu.memory_space<vmem>>) semaphore(%arg14 : memref<!tpu.dma_semaphore, #tpu.memory_space<semaphore_mem>>)
    %dma_start3A_525 = arith.constant 1 : i32
    %dma_start3A_526 = arith.constant 1 : i32
    %dma_start3A_527 = arith.constant 1 : i32
    %dma_start3A_528 = arith.constant 0 : i32
    %dma_start3A_529 = arith.constant 0 : i32
    %dma_start3A_530 = tpu.memref_slice %arg9[%dma_start3A_527, %dma_start3A_528, %dma_start3A_529] : memref<2x128x64xf32, #tpu.memory_space<vmem>> -> memref<1x128x64xf32, #tpu.memory_space<vmem>>
    %dma_start3A_531 = tpu.memref_squeeze %dma_start3A_530 : memref<1x128x64xf32, #tpu.memory_space<vmem>> -> memref<128x64xf32, #tpu.memory_space<vmem>>
    %dma_start3A_532 = arith.constant 0 : i32
    %dma_start3A_533 = tpu.memref_slice %arg7[%dma_start3A_525, %dma_start3A_526, %dma_start3A_532] : memref<2x32x128xi32, #tpu.memory_space<vmem>> -> memref<1x1x128xi32, #tpu.memory_space<vmem>>
    %dma_start3A_534 = tpu.memref_squeeze %dma_start3A_533 : memref<1x1x128xi32, #tpu.memory_space<vmem>> -> memref<128xi32, #tpu.memory_space<vmem>>
    %dma_start3A_535 = arith.constant 0 : i32
    %dma_start3A_536 = arith.constant 0 : i32
    %dma_start3A_537 = tpu.memref_slice %arg2[%dma_start3A_535, %dma_start3A_536] : memref<20480x64xf32, #tpu.memory_space<hbm>> -> memref<20480x64xf32, #tpu.memory_space<hbm>>
    tpu.enqueue_indirect_dma source(%dma_start3A_537 : memref<20480x64xf32, #tpu.memory_space<hbm>>) target(%dma_start3A_531 : memref<128x64xf32, #tpu.memory_space<vmem>>) offsets(%dma_start3A_534 : memref<128xi32, #tpu.memory_space<vmem>>) semaphore(%arg15 : memref<!tpu.dma_semaphore, #tpu.memory_space<semaphore_mem>>)
    %dma_start3A_538 = arith.constant 0 : i32
    %dma_start3A_539 = arith.constant 0 : i32
    %dma_start3A_540 = arith.constant 0 : i32
    %dma_start3A_541 = tpu.memref_slice %arg7[%dma_start3A_538, %dma_start3A_539, %dma_start3A_540] : memref<2x32x128xi32, #tpu.memory_space<vmem>> -> memref<1x32x128xi32, #tpu.memory_space<vmem>>
    %dma_start3A_542 = tpu.memref_squeeze %dma_start3A_541 : memref<1x32x128xi32, #tpu.memory_space<vmem>> -> memref<32x128xi32, #tpu.memory_space<vmem>>
    %dma_start3A_543 = arith.constant 128 : i32
    %dma_start3A_544 = arith.constant 0 : i32
    %dma_start3A_545 = tpu.memref_slice %arg3[%arg0, %arg1, %dma_start3A_543, %dma_start3A_544] : memref<2x16x160x128xi32, #tpu.memory_space<hbm>> -> memref<1x1x32x128xi32, #tpu.memory_space<hbm>>
    %dma_start3A_546 = tpu.memref_squeeze %dma_start3A_545 : memref<1x1x32x128xi32, #tpu.memory_space<hbm>> -> memref<32x128xi32, #tpu.memory_space<hbm>>
    %dma_start3A_547 = arith.constant 0 : i32
    %dma_start3A_548 = arith.constant 0 : i32
    %dma_start3A_549 = tpu.memref_slice %arg7[%dma_start3A_538, %dma_start3A_547, %dma_start3A_548] : memref<2x32x128xi32, #tpu.memory_space<vmem>> -> memref<1x32x128xi32, #tpu.memory_space<vmem>>
    %dma_start3A_550 = tpu.memref_squeeze %dma_start3A_549 : memref<1x32x128xi32, #tpu.memory_space<vmem>> -> memref<32x128xi32, #tpu.memory_space<vmem>>
    %dma_start3A_551 = arith.constant 128 : i32
    %dma_start3A_552 = arith.constant 0 : i32
    %dma_start3A_553 = tpu.memref_slice %arg3[%arg0, %arg1, %dma_start3A_551, %dma_start3A_552] : memref<2x16x160x128xi32, #tpu.memory_space<hbm>> -> memref<1x1x32x128xi32, #tpu.memory_space<hbm>>
    %dma_start3A_554 = tpu.memref_squeeze %dma_start3A_553 : memref<1x1x32x128xi32, #tpu.memory_space<hbm>> -> memref<32x128xi32, #tpu.memory_space<hbm>>
    tpu.enqueue_dma source(%dma_start3A_554 : memref<32x128xi32, #tpu.memory_space<hbm>>) target(%dma_start3A_550 : memref<32x128xi32, #tpu.memory_space<vmem>>) target_semaphore(%arg16 : memref<!tpu.dma_semaphore, #tpu.memory_space<semaphore_mem>>)
    %dma_start3A_555 = arith.constant 0 : i32
    %dma_start3A_556 = arith.constant 0 : i32
    %dma_start3A_557 = arith.constant 0 : i32
    %dma_start3A_558 = tpu.memref_slice %arg8[%dma_start3A_555, %dma_start3A_556, %dma_start3A_557] : memref<2x32x128xi32, #tpu.memory_space<vmem>> -> memref<1x32x128xi32, #tpu.memory_space<vmem>>
    %dma_start3A_559 = tpu.memref_squeeze %dma_start3A_558 : memref<1x32x128xi32, #tpu.memory_space<vmem>> -> memref<32x128xi32, #tpu.memory_space<vmem>>
    %dma_start3A_560 = arith.constant 128 : i32
    %dma_start3A_561 = arith.constant 0 : i32
    %dma_start3A_562 = tpu.memref_slice %arg4[%arg1, %dma_start3A_560, %dma_start3A_561] : memref<16x160x128xi32, #tpu.memory_space<hbm>> -> memref<1x32x128xi32, #tpu.memory_space<hbm>>
    %dma_start3A_563 = tpu.memref_squeeze %dma_start3A_562 : memref<1x32x128xi32, #tpu.memory_space<hbm>> -> memref<32x128xi32, #tpu.memory_space<hbm>>
    %dma_start3A_564 = arith.constant 0 : i32
    %dma_start3A_565 = arith.constant 0 : i32
    %dma_start3A_566 = tpu.memref_slice %arg8[%dma_start3A_555, %dma_start3A_564, %dma_start3A_565] : memref<2x32x128xi32, #tpu.memory_space<vmem>> -> memref<1x32x128xi32, #tpu.memory_space<vmem>>
    %dma_start3A_567 = tpu.memref_squeeze %dma_start3A_566 : memref<1x32x128xi32, #tpu.memory_space<vmem>> -> memref<32x128xi32, #tpu.memory_space<vmem>>
    %dma_start3A_568 = arith.constant 128 : i32
    %dma_start3A_569 = arith.constant 0 : i32
    %dma_start3A_570 = tpu.memref_slice %arg4[%arg1, %dma_start3A_568, %dma_start3A_569] : memref<16x160x128xi32, #tpu.memory_space<hbm>> -> memref<1x32x128xi32, #tpu.memory_space<hbm>>
    %dma_start3A_571 = tpu.memref_squeeze %dma_start3A_570 : memref<1x32x128xi32, #tpu.memory_space<hbm>> -> memref<32x128xi32, #tpu.memory_space<hbm>>
    tpu.enqueue_dma source(%dma_start3A_571 : memref<32x128xi32, #tpu.memory_space<hbm>>) target(%dma_start3A_567 : memref<32x128xi32, #tpu.memory_space<vmem>>) target_semaphore(%arg17 : memref<!tpu.dma_semaphore, #tpu.memory_space<semaphore_mem>>)
    %scan3A_572 = arith.constant 0 : i32
    %scan3A_573 = arith.constant 0 : i32
    %scan3A_574 = arith.constant 15 : i32
    %scan3A_575 = arith.addi %scan3A_573, %scan3A_574 : i32
    %scan3A_576 = arith.constant 1 : i32
    scf.for %scan3A_729 = %scan3A_573 to %scan3A_575 step %scan3A_576  : i32 {
      %mul3A_730 = arith.constant 2 : i32
      %mul3A_731 = arith.muli %scan3A_729, %mul3A_730 : i32
      %add3A_732 = arith.constant 0 : i32
      %add3A_733 = arith.addi %mul3A_731, %add3A_732 : i32
      %dma_wait3A_734 = arith.constant 1 : i32
      %dma_wait3A_735 = arith.constant 0 : i32
      %dma_wait3A_736 = arith.constant 0 : i32
      %dma_wait3A_737 = arith.constant 0 : i32
      %dma_wait3A_738 = tpu.memref_slice %arg9[%dma_wait3A_735, %dma_wait3A_736, %dma_wait3A_737] : memref<2x128x64xf32, #tpu.memory_space<vmem>> -> memref<1x128x64xf32, #tpu.memory_space<vmem>>
      %dma_wait3A_739 = tpu.memref_squeeze %dma_wait3A_738 : memref<1x128x64xf32, #tpu.memory_space<vmem>> -> memref<128x64xf32, #tpu.memory_space<vmem>>
      %dma_wait3A_740 = arith.constant 0 : i32
      %dma_wait3A_741 = tpu.memref_slice %arg7[%dma_wait3A_734, %add3A_733, %dma_wait3A_740] : memref<2x32x128xi32, #tpu.memory_space<vmem>> -> memref<1x1x128xi32, #tpu.memory_space<vmem>>
      %dma_wait3A_742 = tpu.memref_squeeze %dma_wait3A_741 : memref<1x1x128xi32, #tpu.memory_space<vmem>> -> memref<128xi32, #tpu.memory_space<vmem>>
      %dma_wait3A_743 = arith.constant 0 : i32
      %dma_wait3A_744 = arith.constant 0 : i32
      %dma_wait3A_745 = tpu.memref_slice %arg11[%dma_wait3A_743, %dma_wait3A_744] : memref<10240x64xf32, #tpu.memory_space<vmem_shared>> -> memref<10240x64xf32, #tpu.memory_space<vmem_shared>>
      tpu.wait_indirect_dma semaphore(%arg14 : memref<!tpu.dma_semaphore, #tpu.memory_space<semaphore_mem>>) src(%dma_wait3A_745 : memref<10240x64xf32, #tpu.memory_space<vmem_shared>>) dst(%dma_wait3A_739 : memref<128x64xf32, #tpu.memory_space<vmem>>)
      %run_scoped3A_746 = arith.constant 0 : i32
      %run_scoped3A_747 = arith.constant 1 : i32
      "tpu.region"() ({
        %run_scoped3A_804 = tpu.sem_alloc : memref<!tpu.dma_semaphore, #tpu.memory_space<semaphore_mem>>
        %dma_start3A_805 = arith.constant 0 : i32
        %dma_start3A_806 = arith.constant 0 : i32
        %dma_start3A_807 = tpu.memref_slice %arg9[%run_scoped3A_746, %dma_start3A_805, %dma_start3A_806] : memref<2x128x64xf32, #tpu.memory_space<vmem>> -> memref<1x128x64xf32, #tpu.memory_space<vmem>>
        %dma_start3A_808 = tpu.memref_squeeze %dma_start3A_807 : memref<1x128x64xf32, #tpu.memory_space<vmem>> -> memref<128x64xf32, #tpu.memory_space<vmem>>
        %dma_start3A_809 = arith.constant 0 : i32
        %dma_start3A_810 = tpu.memref_slice %arg8[%run_scoped3A_747, %add3A_733, %dma_start3A_809] : memref<2x32x128xi32, #tpu.memory_space<vmem>> -> memref<1x1x128xi32, #tpu.memory_space<vmem>>
        %dma_start3A_811 = tpu.memref_squeeze %dma_start3A_810 : memref<1x1x128xi32, #tpu.memory_space<vmem>> -> memref<128xi32, #tpu.memory_space<vmem>>
        %dma_start3A_812 = arith.constant 0 : i32
        %dma_start3A_813 = arith.constant 0 : i32
        %dma_start3A_814 = tpu.memref_slice %arg12[%dma_start3A_812, %dma_start3A_813] : memref<10240x64xf32, #tpu.memory_space<vmem_shared>> -> memref<10240x64xf32, #tpu.memory_space<vmem_shared>>
        tpu.enqueue_indirect_dma source(%dma_start3A_808 : memref<128x64xf32, #tpu.memory_space<vmem>>) target(%dma_start3A_814 : memref<10240x64xf32, #tpu.memory_space<vmem_shared>>) offsets(%dma_start3A_811 : memref<128xi32, #tpu.memory_space<vmem>>) semaphore(%run_scoped3A_804 : memref<!tpu.dma_semaphore, #tpu.memory_space<semaphore_mem>>) {add = true}
        %dma_wait3A_815 = arith.constant 0 : i32
        %dma_wait3A_816 = arith.constant 0 : i32
        %dma_wait3A_817 = tpu.memref_slice %arg9[%run_scoped3A_746, %dma_wait3A_815, %dma_wait3A_816] : memref<2x128x64xf32, #tpu.memory_space<vmem>> -> memref<1x128x64xf32, #tpu.memory_space<vmem>>
        %dma_wait3A_818 = tpu.memref_squeeze %dma_wait3A_817 : memref<1x128x64xf32, #tpu.memory_space<vmem>> -> memref<128x64xf32, #tpu.memory_space<vmem>>
        %dma_wait3A_819 = arith.constant 0 : i32
        %dma_wait3A_820 = tpu.memref_slice %arg8[%run_scoped3A_747, %add3A_733, %dma_wait3A_819] : memref<2x32x128xi32, #tpu.memory_space<vmem>> -> memref<1x1x128xi32, #tpu.memory_space<vmem>>
        %dma_wait3A_821 = tpu.memref_squeeze %dma_wait3A_820 : memref<1x1x128xi32, #tpu.memory_space<vmem>> -> memref<128xi32, #tpu.memory_space<vmem>>
        %dma_wait3A_822 = arith.constant 0 : i32
        %dma_wait3A_823 = arith.constant 0 : i32
        %dma_wait3A_824 = tpu.memref_slice %arg12[%dma_wait3A_822, %dma_wait3A_823] : memref<10240x64xf32, #tpu.memory_space<vmem_shared>> -> memref<10240x64xf32, #tpu.memory_space<vmem_shared>>
        tpu.wait_indirect_dma semaphore(%run_scoped3A_804 : memref<!tpu.dma_semaphore, #tpu.memory_space<semaphore_mem>>) src(%dma_wait3A_818 : memref<128x64xf32, #tpu.memory_space<vmem>>) dst(%dma_wait3A_824 : memref<10240x64xf32, #tpu.memory_space<vmem_shared>>)
        tpu.yield
      }) : () -> ()
      %add3A_748 = arith.constant 2 : i32
      %add3A_749 = arith.addi %add3A_733, %add3A_748 : i32
      %dma_start3A_750 = arith.constant 1 : i32
      %dma_start3A_751 = arith.constant 0 : i32
      %dma_start3A_752 = arith.constant 0 : i32
      %dma_start3A_753 = arith.constant 0 : i32
      %dma_start3A_754 = tpu.memref_slice %arg9[%dma_start3A_751, %dma_start3A_752, %dma_start3A_753] : memref<2x128x64xf32, #tpu.memory_space<vmem>> -> memref<1x128x64xf32, #tpu.memory_space<vmem>>
      %dma_start3A_755 = tpu.memref_squeeze %dma_start3A_754 : memref<1x128x64xf32, #tpu.memory_space<vmem>> -> memref<128x64xf32, #tpu.memory_space<vmem>>
      %dma_start3A_756 = arith.constant 0 : i32
      %dma_start3A_757 = tpu.memref_slice %arg7[%dma_start3A_750, %add3A_749, %dma_start3A_756] : memref<2x32x128xi32, #tpu.memory_space<vmem>> -> memref<1x1x128xi32, #tpu.memory_space<vmem>>
      %dma_start3A_758 = tpu.memref_squeeze %dma_start3A_757 : memref<1x1x128xi32, #tpu.memory_space<vmem>> -> memref<128xi32, #tpu.memory_space<vmem>>
      %dma_start3A_759 = arith.constant 0 : i32
      %dma_start3A_760 = arith.constant 0 : i32
      %dma_start3A_761 = tpu.memref_slice %arg11[%dma_start3A_759, %dma_start3A_760] : memref<10240x64xf32, #tpu.memory_space<vmem_shared>> -> memref<10240x64xf32, #tpu.memory_space<vmem_shared>>
      tpu.enqueue_indirect_dma source(%dma_start3A_761 : memref<10240x64xf32, #tpu.memory_space<vmem_shared>>) target(%dma_start3A_755 : memref<128x64xf32, #tpu.memory_space<vmem>>) offsets(%dma_start3A_758 : memref<128xi32, #tpu.memory_space<vmem>>) semaphore(%arg14 : memref<!tpu.dma_semaphore, #tpu.memory_space<semaphore_mem>>)
      %eq3A_762 = arith.constant 0 : i32
      %eq3A_763 = arith.cmpi eq, %arg0, %eq3A_762 : i32
      %convert_element_type3A_764 = arith.extui %eq3A_763 : i1 to i32
      %cond3A_765 = arith.constant 0 : i32
      %cond3A_766 = arith.cmpi ne, %convert_element_type3A_764, %cond3A_765 : i32
      scf.if %cond3A_766 {
        %run_scoped3A_804 = arith.constant 1 : i32
        "tpu.region"() ({
          %run_scoped3A_805 = tpu.sem_alloc : memref<!tpu.dma_semaphore, #tpu.memory_space<semaphore_mem>>
          %dma_start3A_806 = arith.constant 0 : i32
          %dma_start3A_807 = tpu.memref_slice %arg8[%run_scoped3A_804, %add3A_733, %dma_start3A_806] : memref<2x32x128xi32, #tpu.memory_space<vmem>> -> memref<1x1x128xi32, #tpu.memory_space<vmem>>
          %dma_start3A_808 = tpu.memref_squeeze %dma_start3A_807 : memref<1x1x128xi32, #tpu.memory_space<vmem>> -> memref<128xi32, #tpu.memory_space<vmem>>
          %dma_start3A_809 = arith.constant 0 : i32
          %dma_start3A_810 = arith.constant 0 : i32
          %dma_start3A_811 = tpu.memref_slice %arg13[%dma_start3A_809, %dma_start3A_810] : memref<10240x16xf32, #tpu.memory_space<vmem_shared>> -> memref<10240x16xf32, #tpu.memory_space<vmem_shared>>
          tpu.enqueue_indirect_dma source(%arg10 : memref<128x16xf32, #tpu.memory_space<vmem>>) target(%dma_start3A_811 : memref<10240x16xf32, #tpu.memory_space<vmem_shared>>) offsets(%dma_start3A_808 : memref<128xi32, #tpu.memory_space<vmem>>) semaphore(%run_scoped3A_805 : memref<!tpu.dma_semaphore, #tpu.memory_space<semaphore_mem>>) {add = true}
          %dma_wait3A_812 = arith.constant 0 : i32
          %dma_wait3A_813 = tpu.memref_slice %arg8[%run_scoped3A_804, %add3A_733, %dma_wait3A_812] : memref<2x32x128xi32, #tpu.memory_space<vmem>> -> memref<1x1x128xi32, #tpu.memory_space<vmem>>
          %dma_wait3A_814 = tpu.memref_squeeze %dma_wait3A_813 : memref<1x1x128xi32, #tpu.memory_space<vmem>> -> memref<128xi32, #tpu.memory_space<vmem>>
          %dma_wait3A_815 = arith.constant 0 : i32
          %dma_wait3A_816 = arith.constant 0 : i32
          %dma_wait3A_817 = tpu.memref_slice %arg13[%dma_wait3A_815, %dma_wait3A_816] : memref<10240x16xf32, #tpu.memory_space<vmem_shared>> -> memref<10240x16xf32, #tpu.memory_space<vmem_shared>>
          tpu.wait_indirect_dma semaphore(%run_scoped3A_805 : memref<!tpu.dma_semaphore, #tpu.memory_space<semaphore_mem>>) src(%arg10 : memref<128x16xf32, #tpu.memory_space<vmem>>) dst(%dma_wait3A_817 : memref<10240x16xf32, #tpu.memory_space<vmem_shared>>)
          tpu.yield
        }) : () -> ()
      } else {
      }
      %mul3A_767 = arith.constant 2 : i32
      %mul3A_768 = arith.muli %scan3A_729, %mul3A_767 : i32
      %add3A_769 = arith.constant 1 : i32
      %add3A_770 = arith.addi %mul3A_768, %add3A_769 : i32
      %dma_wait3A_771 = arith.constant 1 : i32
      %dma_wait3A_772 = arith.constant 1 : i32
      %dma_wait3A_773 = arith.constant 0 : i32
      %dma_wait3A_774 = arith.constant 0 : i32
      %dma_wait3A_775 = tpu.memref_slice %arg9[%dma_wait3A_772, %dma_wait3A_773, %dma_wait3A_774] : memref<2x128x64xf32, #tpu.memory_space<vmem>> -> memref<1x128x64xf32, #tpu.memory_space<vmem>>
      %dma_wait3A_776 = tpu.memref_squeeze %dma_wait3A_775 : memref<1x128x64xf32, #tpu.memory_space<vmem>> -> memref<128x64xf32, #tpu.memory_space<vmem>>
      %dma_wait3A_777 = arith.constant 0 : i32
      %dma_wait3A_778 = tpu.memref_slice %arg7[%dma_wait3A_771, %add3A_770, %dma_wait3A_777] : memref<2x32x128xi32, #tpu.memory_space<vmem>> -> memref<1x1x128xi32, #tpu.memory_space<vmem>>
      %dma_wait3A_779 = tpu.memref_squeeze %dma_wait3A_778 : memref<1x1x128xi32, #tpu.memory_space<vmem>> -> memref<128xi32, #tpu.memory_space<vmem>>
      %dma_wait3A_780 = arith.constant 0 : i32
      %dma_wait3A_781 = arith.constant 0 : i32
      %dma_wait3A_782 = tpu.memref_slice %arg2[%dma_wait3A_780, %dma_wait3A_781] : memref<20480x64xf32, #tpu.memory_space<hbm>> -> memref<20480x64xf32, #tpu.memory_space<hbm>>
      tpu.wait_indirect_dma semaphore(%arg15 : memref<!tpu.dma_semaphore, #tpu.memory_space<semaphore_mem>>) src(%dma_wait3A_782 : memref<20480x64xf32, #tpu.memory_space<hbm>>) dst(%dma_wait3A_776 : memref<128x64xf32, #tpu.memory_space<vmem>>)
      %run_scoped3A_783 = arith.constant 1 : i32
      %run_scoped3A_784 = arith.constant 1 : i32
      "tpu.region"() ({
        %run_scoped3A_804 = tpu.sem_alloc : memref<!tpu.dma_semaphore, #tpu.memory_space<semaphore_mem>>
        %dma_start3A_805 = arith.constant 0 : i32
        %dma_start3A_806 = arith.constant 0 : i32
        %dma_start3A_807 = tpu.memref_slice %arg9[%run_scoped3A_783, %dma_start3A_805, %dma_start3A_806] : memref<2x128x64xf32, #tpu.memory_space<vmem>> -> memref<1x128x64xf32, #tpu.memory_space<vmem>>
        %dma_start3A_808 = tpu.memref_squeeze %dma_start3A_807 : memref<1x128x64xf32, #tpu.memory_space<vmem>> -> memref<128x64xf32, #tpu.memory_space<vmem>>
        %dma_start3A_809 = arith.constant 0 : i32
        %dma_start3A_810 = tpu.memref_slice %arg8[%run_scoped3A_784, %add3A_770, %dma_start3A_809] : memref<2x32x128xi32, #tpu.memory_space<vmem>> -> memref<1x1x128xi32, #tpu.memory_space<vmem>>
        %dma_start3A_811 = tpu.memref_squeeze %dma_start3A_810 : memref<1x1x128xi32, #tpu.memory_space<vmem>> -> memref<128xi32, #tpu.memory_space<vmem>>
        %dma_start3A_812 = arith.constant 0 : i32
        %dma_start3A_813 = arith.constant 0 : i32
        %dma_start3A_814 = tpu.memref_slice %arg12[%dma_start3A_812, %dma_start3A_813] : memref<10240x64xf32, #tpu.memory_space<vmem_shared>> -> memref<10240x64xf32, #tpu.memory_space<vmem_shared>>
        tpu.enqueue_indirect_dma source(%dma_start3A_808 : memref<128x64xf32, #tpu.memory_space<vmem>>) target(%dma_start3A_814 : memref<10240x64xf32, #tpu.memory_space<vmem_shared>>) offsets(%dma_start3A_811 : memref<128xi32, #tpu.memory_space<vmem>>) semaphore(%run_scoped3A_804 : memref<!tpu.dma_semaphore, #tpu.memory_space<semaphore_mem>>) {add = true}
        %dma_wait3A_815 = arith.constant 0 : i32
        %dma_wait3A_816 = arith.constant 0 : i32
        %dma_wait3A_817 = tpu.memref_slice %arg9[%run_scoped3A_783, %dma_wait3A_815, %dma_wait3A_816] : memref<2x128x64xf32, #tpu.memory_space<vmem>> -> memref<1x128x64xf32, #tpu.memory_space<vmem>>
        %dma_wait3A_818 = tpu.memref_squeeze %dma_wait3A_817 : memref<1x128x64xf32, #tpu.memory_space<vmem>> -> memref<128x64xf32, #tpu.memory_space<vmem>>
        %dma_wait3A_819 = arith.constant 0 : i32
        %dma_wait3A_820 = tpu.memref_slice %arg8[%run_scoped3A_784, %add3A_770, %dma_wait3A_819] : memref<2x32x128xi32, #tpu.memory_space<vmem>> -> memref<1x1x128xi32, #tpu.memory_space<vmem>>
        %dma_wait3A_821 = tpu.memref_squeeze %dma_wait3A_820 : memref<1x1x128xi32, #tpu.memory_space<vmem>> -> memref<128xi32, #tpu.memory_space<vmem>>
        %dma_wait3A_822 = arith.constant 0 : i32
        %dma_wait3A_823 = arith.constant 0 : i32
        %dma_wait3A_824 = tpu.memref_slice %arg12[%dma_wait3A_822, %dma_wait3A_823] : memref<10240x64xf32, #tpu.memory_space<vmem_shared>> -> memref<10240x64xf32, #tpu.memory_space<vmem_shared>>
        tpu.wait_indirect_dma semaphore(%run_scoped3A_804 : memref<!tpu.dma_semaphore, #tpu.memory_space<semaphore_mem>>) src(%dma_wait3A_818 : memref<128x64xf32, #tpu.memory_space<vmem>>) dst(%dma_wait3A_824 : memref<10240x64xf32, #tpu.memory_space<vmem_shared>>)
        tpu.yield
      }) : () -> ()
      %add3A_785 = arith.constant 2 : i32
      %add3A_786 = arith.addi %add3A_770, %add3A_785 : i32
      %dma_start3A_787 = arith.constant 1 : i32
      %dma_start3A_788 = arith.constant 1 : i32
      %dma_start3A_789 = arith.constant 0 : i32
      %dma_start3A_790 = arith.constant 0 : i32
      %dma_start3A_791 = tpu.memref_slice %arg9[%dma_start3A_788, %dma_start3A_789, %dma_start3A_790] : memref<2x128x64xf32, #tpu.memory_space<vmem>> -> memref<1x128x64xf32, #tpu.memory_space<vmem>>
      %dma_start3A_792 = tpu.memref_squeeze %dma_start3A_791 : memref<1x128x64xf32, #tpu.memory_space<vmem>> -> memref<128x64xf32, #tpu.memory_space<vmem>>
      %dma_start3A_793 = arith.constant 0 : i32
      %dma_start3A_794 = tpu.memref_slice %arg7[%dma_start3A_787, %add3A_786, %dma_start3A_793] : memref<2x32x128xi32, #tpu.memory_space<vmem>> -> memref<1x1x128xi32, #tpu.memory_space<vmem>>
      %dma_start3A_795 = tpu.memref_squeeze %dma_start3A_794 : memref<1x1x128xi32, #tpu.memory_space<vmem>> -> memref<128xi32, #tpu.memory_space<vmem>>
      %dma_start3A_796 = arith.constant 0 : i32
      %dma_start3A_797 = arith.constant 0 : i32
      %dma_start3A_798 = tpu.memref_slice %arg2[%dma_start3A_796, %dma_start3A_797] : memref<20480x64xf32, #tpu.memory_space<hbm>> -> memref<20480x64xf32, #tpu.memory_space<hbm>>
      tpu.enqueue_indirect_dma source(%dma_start3A_798 : memref<20480x64xf32, #tpu.memory_space<hbm>>) target(%dma_start3A_792 : memref<128x64xf32, #tpu.memory_space<vmem>>) offsets(%dma_start3A_795 : memref<128xi32, #tpu.memory_space<vmem>>) semaphore(%arg15 : memref<!tpu.dma_semaphore, #tpu.memory_space<semaphore_mem>>)
      %eq3A_799 = arith.constant 1 : i32
      %eq3A_800 = arith.cmpi eq, %arg0, %eq3A_799 : i32
      %convert_element_type3A_801 = arith.extui %eq3A_800 : i1 to i32
      %cond3A_802 = arith.constant 0 : i32
      %cond3A_803 = arith.cmpi ne, %convert_element_type3A_801, %cond3A_802 : i32
      scf.if %cond3A_803 {
        %run_scoped3A_804 = arith.constant 1 : i32
        "tpu.region"() ({
          %run_scoped3A_805 = tpu.sem_alloc : memref<!tpu.dma_semaphore, #tpu.memory_space<semaphore_mem>>
          %dma_start3A_806 = arith.constant 0 : i32
          %dma_start3A_807 = tpu.memref_slice %arg8[%run_scoped3A_804, %add3A_770, %dma_start3A_806] : memref<2x32x128xi32, #tpu.memory_space<vmem>> -> memref<1x1x128xi32, #tpu.memory_space<vmem>>
          %dma_start3A_808 = tpu.memref_squeeze %dma_start3A_807 : memref<1x1x128xi32, #tpu.memory_space<vmem>> -> memref<128xi32, #tpu.memory_space<vmem>>
          %dma_start3A_809 = arith.constant 0 : i32
          %dma_start3A_810 = arith.constant 0 : i32
          %dma_start3A_811 = tpu.memref_slice %arg13[%dma_start3A_809, %dma_start3A_810] : memref<10240x16xf32, #tpu.memory_space<vmem_shared>> -> memref<10240x16xf32, #tpu.memory_space<vmem_shared>>
          tpu.enqueue_indirect_dma source(%arg10 : memref<128x16xf32, #tpu.memory_space<vmem>>) target(%dma_start3A_811 : memref<10240x16xf32, #tpu.memory_space<vmem_shared>>) offsets(%dma_start3A_808 : memref<128xi32, #tpu.memory_space<vmem>>) semaphore(%run_scoped3A_805 : memref<!tpu.dma_semaphore, #tpu.memory_space<semaphore_mem>>) {add = true}
          %dma_wait3A_812 = arith.constant 0 : i32
          %dma_wait3A_813 = tpu.memref_slice %arg8[%run_scoped3A_804, %add3A_770, %dma_wait3A_812] : memref<2x32x128xi32, #tpu.memory_space<vmem>> -> memref<1x1x128xi32, #tpu.memory_space<vmem>>
          %dma_wait3A_814 = tpu.memref_squeeze %dma_wait3A_813 : memref<1x1x128xi32, #tpu.memory_space<vmem>> -> memref<128xi32, #tpu.memory_space<vmem>>
          %dma_wait3A_815 = arith.constant 0 : i32
          %dma_wait3A_816 = arith.constant 0 : i32
          %dma_wait3A_817 = tpu.memref_slice %arg13[%dma_wait3A_815, %dma_wait3A_816] : memref<10240x16xf32, #tpu.memory_space<vmem_shared>> -> memref<10240x16xf32, #tpu.memory_space<vmem_shared>>
          tpu.wait_indirect_dma semaphore(%run_scoped3A_805 : memref<!tpu.dma_semaphore, #tpu.memory_space<semaphore_mem>>) src(%arg10 : memref<128x16xf32, #tpu.memory_space<vmem>>) dst(%dma_wait3A_817 : memref<10240x16xf32, #tpu.memory_space<vmem_shared>>)
          tpu.yield
        }) : () -> ()
      } else {
      }
    }
    %scan3A_577 = arith.constant 15 : i32
    %dma_wait3A_578 = arith.constant 1 : i32
    %dma_wait3A_579 = arith.constant 30 : i32
    %dma_wait3A_580 = arith.constant 0 : i32
    %dma_wait3A_581 = arith.constant 0 : i32
    %dma_wait3A_582 = arith.constant 0 : i32
    %dma_wait3A_583 = tpu.memref_slice %arg9[%dma_wait3A_580, %dma_wait3A_581, %dma_wait3A_582] : memref<2x128x64xf32, #tpu.memory_space<vmem>> -> memref<1x128x64xf32, #tpu.memory_space<vmem>>
    %dma_wait3A_584 = tpu.memref_squeeze %dma_wait3A_583 : memref<1x128x64xf32, #tpu.memory_space<vmem>> -> memref<128x64xf32, #tpu.memory_space<vmem>>
    %dma_wait3A_585 = arith.constant 0 : i32
    %dma_wait3A_586 = tpu.memref_slice %arg7[%dma_wait3A_578, %dma_wait3A_579, %dma_wait3A_585] : memref<2x32x128xi32, #tpu.memory_space<vmem>> -> memref<1x1x128xi32, #tpu.memory_space<vmem>>
    %dma_wait3A_587 = tpu.memref_squeeze %dma_wait3A_586 : memref<1x1x128xi32, #tpu.memory_space<vmem>> -> memref<128xi32, #tpu.memory_space<vmem>>
    %dma_wait3A_588 = arith.constant 0 : i32
    %dma_wait3A_589 = arith.constant 0 : i32
    %dma_wait3A_590 = tpu.memref_slice %arg11[%dma_wait3A_588, %dma_wait3A_589] : memref<10240x64xf32, #tpu.memory_space<vmem_shared>> -> memref<10240x64xf32, #tpu.memory_space<vmem_shared>>
    tpu.wait_indirect_dma semaphore(%arg14 : memref<!tpu.dma_semaphore, #tpu.memory_space<semaphore_mem>>) src(%dma_wait3A_590 : memref<10240x64xf32, #tpu.memory_space<vmem_shared>>) dst(%dma_wait3A_584 : memref<128x64xf32, #tpu.memory_space<vmem>>)
    %run_scoped3A_591 = arith.constant 0 : i32
    %run_scoped3A_592 = arith.constant 1 : i32
    %run_scoped3A_593 = arith.constant 30 : i32
    "tpu.region"() ({
      %run_scoped3A_729 = tpu.sem_alloc : memref<!tpu.dma_semaphore, #tpu.memory_space<semaphore_mem>>
      %dma_start3A_730 = arith.constant 0 : i32
      %dma_start3A_731 = arith.constant 0 : i32
      %dma_start3A_732 = tpu.memref_slice %arg9[%run_scoped3A_591, %dma_start3A_730, %dma_start3A_731] : memref<2x128x64xf32, #tpu.memory_space<vmem>> -> memref<1x128x64xf32, #tpu.memory_space<vmem>>
      %dma_start3A_733 = tpu.memref_squeeze %dma_start3A_732 : memref<1x128x64xf32, #tpu.memory_space<vmem>> -> memref<128x64xf32, #tpu.memory_space<vmem>>
      %dma_start3A_734 = arith.constant 0 : i32
      %dma_start3A_735 = tpu.memref_slice %arg8[%run_scoped3A_592, %run_scoped3A_593, %dma_start3A_734] : memref<2x32x128xi32, #tpu.memory_space<vmem>> -> memref<1x1x128xi32, #tpu.memory_space<vmem>>
      %dma_start3A_736 = tpu.memref_squeeze %dma_start3A_735 : memref<1x1x128xi32, #tpu.memory_space<vmem>> -> memref<128xi32, #tpu.memory_space<vmem>>
      %dma_start3A_737 = arith.constant 0 : i32
      %dma_start3A_738 = arith.constant 0 : i32
      %dma_start3A_739 = tpu.memref_slice %arg12[%dma_start3A_737, %dma_start3A_738] : memref<10240x64xf32, #tpu.memory_space<vmem_shared>> -> memref<10240x64xf32, #tpu.memory_space<vmem_shared>>
      tpu.enqueue_indirect_dma source(%dma_start3A_733 : memref<128x64xf32, #tpu.memory_space<vmem>>) target(%dma_start3A_739 : memref<10240x64xf32, #tpu.memory_space<vmem_shared>>) offsets(%dma_start3A_736 : memref<128xi32, #tpu.memory_space<vmem>>) semaphore(%run_scoped3A_729 : memref<!tpu.dma_semaphore, #tpu.memory_space<semaphore_mem>>) {add = true}
      %dma_wait3A_740 = arith.constant 0 : i32
      %dma_wait3A_741 = arith.constant 0 : i32
      %dma_wait3A_742 = tpu.memref_slice %arg9[%run_scoped3A_591, %dma_wait3A_740, %dma_wait3A_741] : memref<2x128x64xf32, #tpu.memory_space<vmem>> -> memref<1x128x64xf32, #tpu.memory_space<vmem>>
      %dma_wait3A_743 = tpu.memref_squeeze %dma_wait3A_742 : memref<1x128x64xf32, #tpu.memory_space<vmem>> -> memref<128x64xf32, #tpu.memory_space<vmem>>
      %dma_wait3A_744 = arith.constant 0 : i32
      %dma_wait3A_745 = tpu.memref_slice %arg8[%run_scoped3A_592, %run_scoped3A_593, %dma_wait3A_744] : memref<2x32x128xi32, #tpu.memory_space<vmem>> -> memref<1x1x128xi32, #tpu.memory_space<vmem>>
      %dma_wait3A_746 = tpu.memref_squeeze %dma_wait3A_745 : memref<1x1x128xi32, #tpu.memory_space<vmem>> -> memref<128xi32, #tpu.memory_space<vmem>>
      %dma_wait3A_747 = arith.constant 0 : i32
      %dma_wait3A_748 = arith.constant 0 : i32
      %dma_wait3A_749 = tpu.memref_slice %arg12[%dma_wait3A_747, %dma_wait3A_748] : memref<10240x64xf32, #tpu.memory_space<vmem_shared>> -> memref<10240x64xf32, #tpu.memory_space<vmem_shared>>
      tpu.wait_indirect_dma semaphore(%run_scoped3A_729 : memref<!tpu.dma_semaphore, #tpu.memory_space<semaphore_mem>>) src(%dma_wait3A_743 : memref<128x64xf32, #tpu.memory_space<vmem>>) dst(%dma_wait3A_749 : memref<10240x64xf32, #tpu.memory_space<vmem_shared>>)
      tpu.yield
    }) : () -> ()
    %eq3A_594 = arith.constant 0 : i32
    %eq3A_595 = arith.cmpi eq, %arg0, %eq3A_594 : i32
    %convert_element_type3A_596 = arith.extui %eq3A_595 : i1 to i32
    %cond3A_597 = arith.constant 0 : i32
    %cond3A_598 = arith.cmpi ne, %convert_element_type3A_596, %cond3A_597 : i32
    scf.if %cond3A_598 {
      %run_scoped3A_729 = arith.constant 1 : i32
      %run_scoped3A_730 = arith.constant 30 : i32
      "tpu.region"() ({
        %run_scoped3A_731 = tpu.sem_alloc : memref<!tpu.dma_semaphore, #tpu.memory_space<semaphore_mem>>
        %dma_start3A_732 = arith.constant 0 : i32
        %dma_start3A_733 = tpu.memref_slice %arg8[%run_scoped3A_729, %run_scoped3A_730, %dma_start3A_732] : memref<2x32x128xi32, #tpu.memory_space<vmem>> -> memref<1x1x128xi32, #tpu.memory_space<vmem>>
        %dma_start3A_734 = tpu.memref_squeeze %dma_start3A_733 : memref<1x1x128xi32, #tpu.memory_space<vmem>> -> memref<128xi32, #tpu.memory_space<vmem>>
        %dma_start3A_735 = arith.constant 0 : i32
        %dma_start3A_736 = arith.constant 0 : i32
        %dma_start3A_737 = tpu.memref_slice %arg13[%dma_start3A_735, %dma_start3A_736] : memref<10240x16xf32, #tpu.memory_space<vmem_shared>> -> memref<10240x16xf32, #tpu.memory_space<vmem_shared>>
        tpu.enqueue_indirect_dma source(%arg10 : memref<128x16xf32, #tpu.memory_space<vmem>>) target(%dma_start3A_737 : memref<10240x16xf32, #tpu.memory_space<vmem_shared>>) offsets(%dma_start3A_734 : memref<128xi32, #tpu.memory_space<vmem>>) semaphore(%run_scoped3A_731 : memref<!tpu.dma_semaphore, #tpu.memory_space<semaphore_mem>>) {add = true}
        %dma_wait3A_738 = arith.constant 0 : i32
        %dma_wait3A_739 = tpu.memref_slice %arg8[%run_scoped3A_729, %run_scoped3A_730, %dma_wait3A_738] : memref<2x32x128xi32, #tpu.memory_space<vmem>> -> memref<1x1x128xi32, #tpu.memory_space<vmem>>
        %dma_wait3A_740 = tpu.memref_squeeze %dma_wait3A_739 : memref<1x1x128xi32, #tpu.memory_space<vmem>> -> memref<128xi32, #tpu.memory_space<vmem>>
        %dma_wait3A_741 = arith.constant 0 : i32
        %dma_wait3A_742 = arith.constant 0 : i32
        %dma_wait3A_743 = tpu.memref_slice %arg13[%dma_wait3A_741, %dma_wait3A_742] : memref<10240x16xf32, #tpu.memory_space<vmem_shared>> -> memref<10240x16xf32, #tpu.memory_space<vmem_shared>>
        tpu.wait_indirect_dma semaphore(%run_scoped3A_731 : memref<!tpu.dma_semaphore, #tpu.memory_space<semaphore_mem>>) src(%arg10 : memref<128x16xf32, #tpu.memory_space<vmem>>) dst(%dma_wait3A_743 : memref<10240x16xf32, #tpu.memory_space<vmem_shared>>)
        tpu.yield
      }) : () -> ()
    } else {
    }
    %dma_wait3A_599 = arith.constant 1 : i32
    %dma_wait3A_600 = arith.constant 31 : i32
    %dma_wait3A_601 = arith.constant 1 : i32
    %dma_wait3A_602 = arith.constant 0 : i32
    %dma_wait3A_603 = arith.constant 0 : i32
    %dma_wait3A_604 = tpu.memref_slice %arg9[%dma_wait3A_601, %dma_wait3A_602, %dma_wait3A_603] : memref<2x128x64xf32, #tpu.memory_space<vmem>> -> memref<1x128x64xf32, #tpu.memory_space<vmem>>
    %dma_wait3A_605 = tpu.memref_squeeze %dma_wait3A_604 : memref<1x128x64xf32, #tpu.memory_space<vmem>> -> memref<128x64xf32, #tpu.memory_space<vmem>>
    %dma_wait3A_606 = arith.constant 0 : i32
    %dma_wait3A_607 = tpu.memref_slice %arg7[%dma_wait3A_599, %dma_wait3A_600, %dma_wait3A_606] : memref<2x32x128xi32, #tpu.memory_space<vmem>> -> memref<1x1x128xi32, #tpu.memory_space<vmem>>
    %dma_wait3A_608 = tpu.memref_squeeze %dma_wait3A_607 : memref<1x1x128xi32, #tpu.memory_space<vmem>> -> memref<128xi32, #tpu.memory_space<vmem>>
    %dma_wait3A_609 = arith.constant 0 : i32
    %dma_wait3A_610 = arith.constant 0 : i32
    %dma_wait3A_611 = tpu.memref_slice %arg2[%dma_wait3A_609, %dma_wait3A_610] : memref<20480x64xf32, #tpu.memory_space<hbm>> -> memref<20480x64xf32, #tpu.memory_space<hbm>>
    tpu.wait_indirect_dma semaphore(%arg15 : memref<!tpu.dma_semaphore, #tpu.memory_space<semaphore_mem>>) src(%dma_wait3A_611 : memref<20480x64xf32, #tpu.memory_space<hbm>>) dst(%dma_wait3A_605 : memref<128x64xf32, #tpu.memory_space<vmem>>)
    %run_scoped3A_612 = arith.constant 1 : i32
    %run_scoped3A_613 = arith.constant 1 : i32
    %run_scoped3A_614 = arith.constant 31 : i32
    "tpu.region"() ({
      %run_scoped3A_729 = tpu.sem_alloc : memref<!tpu.dma_semaphore, #tpu.memory_space<semaphore_mem>>
      %dma_start3A_730 = arith.constant 0 : i32
      %dma_start3A_731 = arith.constant 0 : i32
      %dma_start3A_732 = tpu.memref_slice %arg9[%run_scoped3A_612, %dma_start3A_730, %dma_start3A_731] : memref<2x128x64xf32, #tpu.memory_space<vmem>> -> memref<1x128x64xf32, #tpu.memory_space<vmem>>
      %dma_start3A_733 = tpu.memref_squeeze %dma_start3A_732 : memref<1x128x64xf32, #tpu.memory_space<vmem>> -> memref<128x64xf32, #tpu.memory_space<vmem>>
      %dma_start3A_734 = arith.constant 0 : i32
      %dma_start3A_735 = tpu.memref_slice %arg8[%run_scoped3A_613, %run_scoped3A_614, %dma_start3A_734] : memref<2x32x128xi32, #tpu.memory_space<vmem>> -> memref<1x1x128xi32, #tpu.memory_space<vmem>>
      %dma_start3A_736 = tpu.memref_squeeze %dma_start3A_735 : memref<1x1x128xi32, #tpu.memory_space<vmem>> -> memref<128xi32, #tpu.memory_space<vmem>>
      %dma_start3A_737 = arith.constant 0 : i32
      %dma_start3A_738 = arith.constant 0 : i32
      %dma_start3A_739 = tpu.memref_slice %arg12[%dma_start3A_737, %dma_start3A_738] : memref<10240x64xf32, #tpu.memory_space<vmem_shared>> -> memref<10240x64xf32, #tpu.memory_space<vmem_shared>>
      tpu.enqueue_indirect_dma source(%dma_start3A_733 : memref<128x64xf32, #tpu.memory_space<vmem>>) target(%dma_start3A_739 : memref<10240x64xf32, #tpu.memory_space<vmem_shared>>) offsets(%dma_start3A_736 : memref<128xi32, #tpu.memory_space<vmem>>) semaphore(%run_scoped3A_729 : memref<!tpu.dma_semaphore, #tpu.memory_space<semaphore_mem>>) {add = true}
      %dma_wait3A_740 = arith.constant 0 : i32
      %dma_wait3A_741 = arith.constant 0 : i32
      %dma_wait3A_742 = tpu.memref_slice %arg9[%run_scoped3A_612, %dma_wait3A_740, %dma_wait3A_741] : memref<2x128x64xf32, #tpu.memory_space<vmem>> -> memref<1x128x64xf32, #tpu.memory_space<vmem>>
      %dma_wait3A_743 = tpu.memref_squeeze %dma_wait3A_742 : memref<1x128x64xf32, #tpu.memory_space<vmem>> -> memref<128x64xf32, #tpu.memory_space<vmem>>
      %dma_wait3A_744 = arith.constant 0 : i32
      %dma_wait3A_745 = tpu.memref_slice %arg8[%run_scoped3A_613, %run_scoped3A_614, %dma_wait3A_744] : memref<2x32x128xi32, #tpu.memory_space<vmem>> -> memref<1x1x128xi32, #tpu.memory_space<vmem>>
      %dma_wait3A_746 = tpu.memref_squeeze %dma_wait3A_745 : memref<1x1x128xi32, #tpu.memory_space<vmem>> -> memref<128xi32, #tpu.memory_space<vmem>>
      %dma_wait3A_747 = arith.constant 0 : i32
      %dma_wait3A_748 = arith.constant 0 : i32
      %dma_wait3A_749 = tpu.memref_slice %arg12[%dma_wait3A_747, %dma_wait3A_748] : memref<10240x64xf32, #tpu.memory_space<vmem_shared>> -> memref<10240x64xf32, #tpu.memory_space<vmem_shared>>
      tpu.wait_indirect_dma semaphore(%run_scoped3A_729 : memref<!tpu.dma_semaphore, #tpu.memory_space<semaphore_mem>>) src(%dma_wait3A_743 : memref<128x64xf32, #tpu.memory_space<vmem>>) dst(%dma_wait3A_749 : memref<10240x64xf32, #tpu.memory_space<vmem_shared>>)
      tpu.yield
    }) : () -> ()
    %eq3A_615 = arith.constant 1 : i32
    %eq3A_616 = arith.cmpi eq, %arg0, %eq3A_615 : i32
    %convert_element_type3A_617 = arith.extui %eq3A_616 : i1 to i32
    %cond3A_618 = arith.constant 0 : i32
    %cond3A_619 = arith.cmpi ne, %convert_element_type3A_617, %cond3A_618 : i32
    scf.if %cond3A_619 {
      %run_scoped3A_729 = arith.constant 1 : i32
      %run_scoped3A_730 = arith.constant 31 : i32
      "tpu.region"() ({
        %run_scoped3A_731 = tpu.sem_alloc : memref<!tpu.dma_semaphore, #tpu.memory_space<semaphore_mem>>
        %dma_start3A_732 = arith.constant 0 : i32
        %dma_start3A_733 = tpu.memref_slice %arg8[%run_scoped3A_729, %run_scoped3A_730, %dma_start3A_732] : memref<2x32x128xi32, #tpu.memory_space<vmem>> -> memref<1x1x128xi32, #tpu.memory_space<vmem>>
        %dma_start3A_734 = tpu.memref_squeeze %dma_start3A_733 : memref<1x1x128xi32, #tpu.memory_space<vmem>> -> memref<128xi32, #tpu.memory_space<vmem>>
        %dma_start3A_735 = arith.constant 0 : i32
        %dma_start3A_736 = arith.constant 0 : i32
        %dma_start3A_737 = tpu.memref_slice %arg13[%dma_start3A_735, %dma_start3A_736] : memref<10240x16xf32, #tpu.memory_space<vmem_shared>> -> memref<10240x16xf32, #tpu.memory_space<vmem_shared>>
        tpu.enqueue_indirect_dma source(%arg10 : memref<128x16xf32, #tpu.memory_space<vmem>>) target(%dma_start3A_737 : memref<10240x16xf32, #tpu.memory_space<vmem_shared>>) offsets(%dma_start3A_734 : memref<128xi32, #tpu.memory_space<vmem>>) semaphore(%run_scoped3A_731 : memref<!tpu.dma_semaphore, #tpu.memory_space<semaphore_mem>>) {add = true}
        %dma_wait3A_738 = arith.constant 0 : i32
        %dma_wait3A_739 = tpu.memref_slice %arg8[%run_scoped3A_729, %run_scoped3A_730, %dma_wait3A_738] : memref<2x32x128xi32, #tpu.memory_space<vmem>> -> memref<1x1x128xi32, #tpu.memory_space<vmem>>
        %dma_wait3A_740 = tpu.memref_squeeze %dma_wait3A_739 : memref<1x1x128xi32, #tpu.memory_space<vmem>> -> memref<128xi32, #tpu.memory_space<vmem>>
        %dma_wait3A_741 = arith.constant 0 : i32
        %dma_wait3A_742 = arith.constant 0 : i32
        %dma_wait3A_743 = tpu.memref_slice %arg13[%dma_wait3A_741, %dma_wait3A_742] : memref<10240x16xf32, #tpu.memory_space<vmem_shared>> -> memref<10240x16xf32, #tpu.memory_space<vmem_shared>>
        tpu.wait_indirect_dma semaphore(%run_scoped3A_731 : memref<!tpu.dma_semaphore, #tpu.memory_space<semaphore_mem>>) src(%arg10 : memref<128x16xf32, #tpu.memory_space<vmem>>) dst(%dma_wait3A_743 : memref<10240x16xf32, #tpu.memory_space<vmem_shared>>)
        tpu.yield
      }) : () -> ()
    } else {
    }
    %dma_wait3A_620 = arith.constant 0 : i32
    %dma_wait3A_621 = arith.constant 0 : i32
    %dma_wait3A_622 = arith.constant 0 : i32
    %dma_wait3A_623 = tpu.memref_slice %arg7[%dma_wait3A_620, %dma_wait3A_621, %dma_wait3A_622] : memref<2x32x128xi32, #tpu.memory_space<vmem>> -> memref<1x32x128xi32, #tpu.memory_space<vmem>>
    %dma_wait3A_624 = tpu.memref_squeeze %dma_wait3A_623 : memref<1x32x128xi32, #tpu.memory_space<vmem>> -> memref<32x128xi32, #tpu.memory_space<vmem>>
    %dma_wait3A_625 = arith.constant 128 : i32
    %dma_wait3A_626 = arith.constant 0 : i32
    %dma_wait3A_627 = tpu.memref_slice %arg3[%arg0, %arg1, %dma_wait3A_625, %dma_wait3A_626] : memref<2x16x160x128xi32, #tpu.memory_space<hbm>> -> memref<1x1x32x128xi32, #tpu.memory_space<hbm>>
    %dma_wait3A_628 = tpu.memref_squeeze %dma_wait3A_627 : memref<1x1x32x128xi32, #tpu.memory_space<hbm>> -> memref<32x128xi32, #tpu.memory_space<hbm>>
    %dma_wait3A_629 = arith.constant 0 : i32
    %dma_wait3A_630 = arith.constant 0 : i32
    %dma_wait3A_631 = tpu.memref_slice %arg7[%dma_wait3A_620, %dma_wait3A_629, %dma_wait3A_630] : memref<2x32x128xi32, #tpu.memory_space<vmem>> -> memref<1x32x128xi32, #tpu.memory_space<vmem>>
    %dma_wait3A_632 = tpu.memref_squeeze %dma_wait3A_631 : memref<1x32x128xi32, #tpu.memory_space<vmem>> -> memref<32x128xi32, #tpu.memory_space<vmem>>
    %dma_wait3A_633 = arith.constant 128 : i32
    %dma_wait3A_634 = arith.constant 0 : i32
    %dma_wait3A_635 = tpu.memref_slice %arg3[%arg0, %arg1, %dma_wait3A_633, %dma_wait3A_634] : memref<2x16x160x128xi32, #tpu.memory_space<hbm>> -> memref<1x1x32x128xi32, #tpu.memory_space<hbm>>
    %dma_wait3A_636 = tpu.memref_squeeze %dma_wait3A_635 : memref<1x1x32x128xi32, #tpu.memory_space<hbm>> -> memref<32x128xi32, #tpu.memory_space<hbm>>
    tpu.wait_dma2 semaphore(%arg16 : memref<!tpu.dma_semaphore, #tpu.memory_space<semaphore_mem>>) src(%dma_wait3A_636 : memref<32x128xi32, #tpu.memory_space<hbm>>) dst(%dma_wait3A_632 : memref<32x128xi32, #tpu.memory_space<vmem>>)
    %dma_wait3A_637 = arith.constant 0 : i32
    %dma_wait3A_638 = arith.constant 0 : i32
    %dma_wait3A_639 = arith.constant 0 : i32
    %dma_wait3A_640 = tpu.memref_slice %arg8[%dma_wait3A_637, %dma_wait3A_638, %dma_wait3A_639] : memref<2x32x128xi32, #tpu.memory_space<vmem>> -> memref<1x32x128xi32, #tpu.memory_space<vmem>>
    %dma_wait3A_641 = tpu.memref_squeeze %dma_wait3A_640 : memref<1x32x128xi32, #tpu.memory_space<vmem>> -> memref<32x128xi32, #tpu.memory_space<vmem>>
    %dma_wait3A_642 = arith.constant 128 : i32
    %dma_wait3A_643 = arith.constant 0 : i32
    %dma_wait3A_644 = tpu.memref_slice %arg4[%arg1, %dma_wait3A_642, %dma_wait3A_643] : memref<16x160x128xi32, #tpu.memory_space<hbm>> -> memref<1x32x128xi32, #tpu.memory_space<hbm>>
    %dma_wait3A_645 = tpu.memref_squeeze %dma_wait3A_644 : memref<1x32x128xi32, #tpu.memory_space<hbm>> -> memref<32x128xi32, #tpu.memory_space<hbm>>
    %dma_wait3A_646 = arith.constant 0 : i32
    %dma_wait3A_647 = arith.constant 0 : i32
    %dma_wait3A_648 = tpu.memref_slice %arg8[%dma_wait3A_637, %dma_wait3A_646, %dma_wait3A_647] : memref<2x32x128xi32, #tpu.memory_space<vmem>> -> memref<1x32x128xi32, #tpu.memory_space<vmem>>
    %dma_wait3A_649 = tpu.memref_squeeze %dma_wait3A_648 : memref<1x32x128xi32, #tpu.memory_space<vmem>> -> memref<32x128xi32, #tpu.memory_space<vmem>>
    %dma_wait3A_650 = arith.constant 128 : i32
    %dma_wait3A_651 = arith.constant 0 : i32
    %dma_wait3A_652 = tpu.memref_slice %arg4[%arg1, %dma_wait3A_650, %dma_wait3A_651] : memref<16x160x128xi32, #tpu.memory_space<hbm>> -> memref<1x32x128xi32, #tpu.memory_space<hbm>>
    %dma_wait3A_653 = tpu.memref_squeeze %dma_wait3A_652 : memref<1x32x128xi32, #tpu.memory_space<hbm>> -> memref<32x128xi32, #tpu.memory_space<hbm>>
    tpu.wait_dma2 semaphore(%arg17 : memref<!tpu.dma_semaphore, #tpu.memory_space<semaphore_mem>>) src(%dma_wait3A_653 : memref<32x128xi32, #tpu.memory_space<hbm>>) dst(%dma_wait3A_649 : memref<32x128xi32, #tpu.memory_space<vmem>>)
    %dma_start3A_654 = arith.constant 0 : i32
    %dma_start3A_655 = arith.constant 0 : i32
    %dma_start3A_656 = arith.constant 0 : i32
    %dma_start3A_657 = arith.constant 0 : i32
    %dma_start3A_658 = arith.constant 0 : i32
    %dma_start3A_659 = tpu.memref_slice %arg9[%dma_start3A_656, %dma_start3A_657, %dma_start3A_658] : memref<2x128x64xf32, #tpu.memory_space<vmem>> -> memref<1x128x64xf32, #tpu.memory_space<vmem>>
    %dma_start3A_660 = tpu.memref_squeeze %dma_start3A_659 : memref<1x128x64xf32, #tpu.memory_space<vmem>> -> memref<128x64xf32, #tpu.memory_space<vmem>>
    %dma_start3A_661 = arith.constant 0 : i32
    %dma_start3A_662 = tpu.memref_slice %arg7[%dma_start3A_654, %dma_start3A_655, %dma_start3A_661] : memref<2x32x128xi32, #tpu.memory_space<vmem>> -> memref<1x1x128xi32, #tpu.memory_space<vmem>>
    %dma_start3A_663 = tpu.memref_squeeze %dma_start3A_662 : memref<1x1x128xi32, #tpu.memory_space<vmem>> -> memref<128xi32, #tpu.memory_space<vmem>>
    %dma_start3A_664 = arith.constant 0 : i32
    %dma_start3A_665 = arith.constant 0 : i32
    %dma_start3A_666 = tpu.memref_slice %arg11[%dma_start3A_664, %dma_start3A_665] : memref<10240x64xf32, #tpu.memory_space<vmem_shared>> -> memref<10240x64xf32, #tpu.memory_space<vmem_shared>>
    tpu.enqueue_indirect_dma source(%dma_start3A_666 : memref<10240x64xf32, #tpu.memory_space<vmem_shared>>) target(%dma_start3A_660 : memref<128x64xf32, #tpu.memory_space<vmem>>) offsets(%dma_start3A_663 : memref<128xi32, #tpu.memory_space<vmem>>) semaphore(%arg14 : memref<!tpu.dma_semaphore, #tpu.memory_space<semaphore_mem>>)
    %dma_start3A_667 = arith.constant 0 : i32
    %dma_start3A_668 = arith.constant 1 : i32
    %dma_start3A_669 = arith.constant 1 : i32
    %dma_start3A_670 = arith.constant 0 : i32
    %dma_start3A_671 = arith.constant 0 : i32
    %dma_start3A_672 = tpu.memref_slice %arg9[%dma_start3A_669, %dma_start3A_670, %dma_start3A_671] : memref<2x128x64xf32, #tpu.memory_space<vmem>> -> memref<1x128x64xf32, #tpu.memory_space<vmem>>
    %dma_start3A_673 = tpu.memref_squeeze %dma_start3A_672 : memref<1x128x64xf32, #tpu.memory_space<vmem>> -> memref<128x64xf32, #tpu.memory_space<vmem>>
    %dma_start3A_674 = arith.constant 0 : i32
    %dma_start3A_675 = tpu.memref_slice %arg7[%dma_start3A_667, %dma_start3A_668, %dma_start3A_674] : memref<2x32x128xi32, #tpu.memory_space<vmem>> -> memref<1x1x128xi32, #tpu.memory_space<vmem>>
    %dma_start3A_676 = tpu.memref_squeeze %dma_start3A_675 : memref<1x1x128xi32, #tpu.memory_space<vmem>> -> memref<128xi32, #tpu.memory_space<vmem>>
    %dma_start3A_677 = arith.constant 0 : i32
    %dma_start3A_678 = arith.constant 0 : i32
    %dma_start3A_679 = tpu.memref_slice %arg2[%dma_start3A_677, %dma_start3A_678] : memref<20480x64xf32, #tpu.memory_space<hbm>> -> memref<20480x64xf32, #tpu.memory_space<hbm>>
    tpu.enqueue_indirect_dma source(%dma_start3A_679 : memref<20480x64xf32, #tpu.memory_space<hbm>>) target(%dma_start3A_673 : memref<128x64xf32, #tpu.memory_space<vmem>>) offsets(%dma_start3A_676 : memref<128xi32, #tpu.memory_space<vmem>>) semaphore(%arg15 : memref<!tpu.dma_semaphore, #tpu.memory_space<semaphore_mem>>)
    %scan3A_680 = arith.constant 0 : i32
    %scan3A_681 = arith.constant 0 : i32
    %scan3A_682 = arith.constant 15 : i32
    %scan3A_683 = arith.addi %scan3A_681, %scan3A_682 : i32
    %scan3A_684 = arith.constant 1 : i32
    scf.for %scan3A_729 = %scan3A_681 to %scan3A_683 step %scan3A_684  : i32 {
      %mul3A_730 = arith.constant 2 : i32
      %mul3A_731 = arith.muli %scan3A_729, %mul3A_730 : i32
      %add3A_732 = arith.constant 0 : i32
      %add3A_733 = arith.addi %mul3A_731, %add3A_732 : i32
      %dma_wait3A_734 = arith.constant 0 : i32
      %dma_wait3A_735 = arith.constant 0 : i32
      %dma_wait3A_736 = arith.constant 0 : i32
      %dma_wait3A_737 = arith.constant 0 : i32
      %dma_wait3A_738 = tpu.memref_slice %arg9[%dma_wait3A_735, %dma_wait3A_736, %dma_wait3A_737] : memref<2x128x64xf32, #tpu.memory_space<vmem>> -> memref<1x128x64xf32, #tpu.memory_space<vmem>>
      %dma_wait3A_739 = tpu.memref_squeeze %dma_wait3A_738 : memref<1x128x64xf32, #tpu.memory_space<vmem>> -> memref<128x64xf32, #tpu.memory_space<vmem>>
      %dma_wait3A_740 = arith.constant 0 : i32
      %dma_wait3A_741 = tpu.memref_slice %arg7[%dma_wait3A_734, %add3A_733, %dma_wait3A_740] : memref<2x32x128xi32, #tpu.memory_space<vmem>> -> memref<1x1x128xi32, #tpu.memory_space<vmem>>
      %dma_wait3A_742 = tpu.memref_squeeze %dma_wait3A_741 : memref<1x1x128xi32, #tpu.memory_space<vmem>> -> memref<128xi32, #tpu.memory_space<vmem>>
      %dma_wait3A_743 = arith.constant 0 : i32
      %dma_wait3A_744 = arith.constant 0 : i32
      %dma_wait3A_745 = tpu.memref_slice %arg11[%dma_wait3A_743, %dma_wait3A_744] : memref<10240x64xf32, #tpu.memory_space<vmem_shared>> -> memref<10240x64xf32, #tpu.memory_space<vmem_shared>>
      tpu.wait_indirect_dma semaphore(%arg14 : memref<!tpu.dma_semaphore, #tpu.memory_space<semaphore_mem>>) src(%dma_wait3A_745 : memref<10240x64xf32, #tpu.memory_space<vmem_shared>>) dst(%dma_wait3A_739 : memref<128x64xf32, #tpu.memory_space<vmem>>)
      %run_scoped3A_746 = arith.constant 0 : i32
      %run_scoped3A_747 = arith.constant 0 : i32
      "tpu.region"() ({
        %run_scoped3A_804 = tpu.sem_alloc : memref<!tpu.dma_semaphore, #tpu.memory_space<semaphore_mem>>
        %dma_start3A_805 = arith.constant 0 : i32
        %dma_start3A_806 = arith.constant 0 : i32
        %dma_start3A_807 = tpu.memref_slice %arg9[%run_scoped3A_746, %dma_start3A_805, %dma_start3A_806] : memref<2x128x64xf32, #tpu.memory_space<vmem>> -> memref<1x128x64xf32, #tpu.memory_space<vmem>>
        %dma_start3A_808 = tpu.memref_squeeze %dma_start3A_807 : memref<1x128x64xf32, #tpu.memory_space<vmem>> -> memref<128x64xf32, #tpu.memory_space<vmem>>
        %dma_start3A_809 = arith.constant 0 : i32
        %dma_start3A_810 = tpu.memref_slice %arg8[%run_scoped3A_747, %add3A_733, %dma_start3A_809] : memref<2x32x128xi32, #tpu.memory_space<vmem>> -> memref<1x1x128xi32, #tpu.memory_space<vmem>>
        %dma_start3A_811 = tpu.memref_squeeze %dma_start3A_810 : memref<1x1x128xi32, #tpu.memory_space<vmem>> -> memref<128xi32, #tpu.memory_space<vmem>>
        %dma_start3A_812 = arith.constant 0 : i32
        %dma_start3A_813 = arith.constant 0 : i32
        %dma_start3A_814 = tpu.memref_slice %arg12[%dma_start3A_812, %dma_start3A_813] : memref<10240x64xf32, #tpu.memory_space<vmem_shared>> -> memref<10240x64xf32, #tpu.memory_space<vmem_shared>>
        tpu.enqueue_indirect_dma source(%dma_start3A_808 : memref<128x64xf32, #tpu.memory_space<vmem>>) target(%dma_start3A_814 : memref<10240x64xf32, #tpu.memory_space<vmem_shared>>) offsets(%dma_start3A_811 : memref<128xi32, #tpu.memory_space<vmem>>) semaphore(%run_scoped3A_804 : memref<!tpu.dma_semaphore, #tpu.memory_space<semaphore_mem>>) {add = true}
        %dma_wait3A_815 = arith.constant 0 : i32
        %dma_wait3A_816 = arith.constant 0 : i32
        %dma_wait3A_817 = tpu.memref_slice %arg9[%run_scoped3A_746, %dma_wait3A_815, %dma_wait3A_816] : memref<2x128x64xf32, #tpu.memory_space<vmem>> -> memref<1x128x64xf32, #tpu.memory_space<vmem>>
        %dma_wait3A_818 = tpu.memref_squeeze %dma_wait3A_817 : memref<1x128x64xf32, #tpu.memory_space<vmem>> -> memref<128x64xf32, #tpu.memory_space<vmem>>
        %dma_wait3A_819 = arith.constant 0 : i32
        %dma_wait3A_820 = tpu.memref_slice %arg8[%run_scoped3A_747, %add3A_733, %dma_wait3A_819] : memref<2x32x128xi32, #tpu.memory_space<vmem>> -> memref<1x1x128xi32, #tpu.memory_space<vmem>>
        %dma_wait3A_821 = tpu.memref_squeeze %dma_wait3A_820 : memref<1x1x128xi32, #tpu.memory_space<vmem>> -> memref<128xi32, #tpu.memory_space<vmem>>
        %dma_wait3A_822 = arith.constant 0 : i32
        %dma_wait3A_823 = arith.constant 0 : i32
        %dma_wait3A_824 = tpu.memref_slice %arg12[%dma_wait3A_822, %dma_wait3A_823] : memref<10240x64xf32, #tpu.memory_space<vmem_shared>> -> memref<10240x64xf32, #tpu.memory_space<vmem_shared>>
        tpu.wait_indirect_dma semaphore(%run_scoped3A_804 : memref<!tpu.dma_semaphore, #tpu.memory_space<semaphore_mem>>) src(%dma_wait3A_818 : memref<128x64xf32, #tpu.memory_space<vmem>>) dst(%dma_wait3A_824 : memref<10240x64xf32, #tpu.memory_space<vmem_shared>>)
        tpu.yield
      }) : () -> ()
      %add3A_748 = arith.constant 2 : i32
      %add3A_749 = arith.addi %add3A_733, %add3A_748 : i32
      %dma_start3A_750 = arith.constant 0 : i32
      %dma_start3A_751 = arith.constant 0 : i32
      %dma_start3A_752 = arith.constant 0 : i32
      %dma_start3A_753 = arith.constant 0 : i32
      %dma_start3A_754 = tpu.memref_slice %arg9[%dma_start3A_751, %dma_start3A_752, %dma_start3A_753] : memref<2x128x64xf32, #tpu.memory_space<vmem>> -> memref<1x128x64xf32, #tpu.memory_space<vmem>>
      %dma_start3A_755 = tpu.memref_squeeze %dma_start3A_754 : memref<1x128x64xf32, #tpu.memory_space<vmem>> -> memref<128x64xf32, #tpu.memory_space<vmem>>
      %dma_start3A_756 = arith.constant 0 : i32
      %dma_start3A_757 = tpu.memref_slice %arg7[%dma_start3A_750, %add3A_749, %dma_start3A_756] : memref<2x32x128xi32, #tpu.memory_space<vmem>> -> memref<1x1x128xi32, #tpu.memory_space<vmem>>
      %dma_start3A_758 = tpu.memref_squeeze %dma_start3A_757 : memref<1x1x128xi32, #tpu.memory_space<vmem>> -> memref<128xi32, #tpu.memory_space<vmem>>
      %dma_start3A_759 = arith.constant 0 : i32
      %dma_start3A_760 = arith.constant 0 : i32
      %dma_start3A_761 = tpu.memref_slice %arg11[%dma_start3A_759, %dma_start3A_760] : memref<10240x64xf32, #tpu.memory_space<vmem_shared>> -> memref<10240x64xf32, #tpu.memory_space<vmem_shared>>
      tpu.enqueue_indirect_dma source(%dma_start3A_761 : memref<10240x64xf32, #tpu.memory_space<vmem_shared>>) target(%dma_start3A_755 : memref<128x64xf32, #tpu.memory_space<vmem>>) offsets(%dma_start3A_758 : memref<128xi32, #tpu.memory_space<vmem>>) semaphore(%arg14 : memref<!tpu.dma_semaphore, #tpu.memory_space<semaphore_mem>>)
      %eq3A_762 = arith.constant 0 : i32
      %eq3A_763 = arith.cmpi eq, %arg0, %eq3A_762 : i32
      %convert_element_type3A_764 = arith.extui %eq3A_763 : i1 to i32
      %cond3A_765 = arith.constant 0 : i32
      %cond3A_766 = arith.cmpi ne, %convert_element_type3A_764, %cond3A_765 : i32
      scf.if %cond3A_766 {
        %run_scoped3A_804 = arith.constant 0 : i32
        "tpu.region"() ({
          %run_scoped3A_805 = tpu.sem_alloc : memref<!tpu.dma_semaphore, #tpu.memory_space<semaphore_mem>>
          %dma_start3A_806 = arith.constant 0 : i32
          %dma_start3A_807 = tpu.memref_slice %arg8[%run_scoped3A_804, %add3A_733, %dma_start3A_806] : memref<2x32x128xi32, #tpu.memory_space<vmem>> -> memref<1x1x128xi32, #tpu.memory_space<vmem>>
          %dma_start3A_808 = tpu.memref_squeeze %dma_start3A_807 : memref<1x1x128xi32, #tpu.memory_space<vmem>> -> memref<128xi32, #tpu.memory_space<vmem>>
          %dma_start3A_809 = arith.constant 0 : i32
          %dma_start3A_810 = arith.constant 0 : i32
          %dma_start3A_811 = tpu.memref_slice %arg13[%dma_start3A_809, %dma_start3A_810] : memref<10240x16xf32, #tpu.memory_space<vmem_shared>> -> memref<10240x16xf32, #tpu.memory_space<vmem_shared>>
          tpu.enqueue_indirect_dma source(%arg10 : memref<128x16xf32, #tpu.memory_space<vmem>>) target(%dma_start3A_811 : memref<10240x16xf32, #tpu.memory_space<vmem_shared>>) offsets(%dma_start3A_808 : memref<128xi32, #tpu.memory_space<vmem>>) semaphore(%run_scoped3A_805 : memref<!tpu.dma_semaphore, #tpu.memory_space<semaphore_mem>>) {add = true}
          %dma_wait3A_812 = arith.constant 0 : i32
          %dma_wait3A_813 = tpu.memref_slice %arg8[%run_scoped3A_804, %add3A_733, %dma_wait3A_812] : memref<2x32x128xi32, #tpu.memory_space<vmem>> -> memref<1x1x128xi32, #tpu.memory_space<vmem>>
          %dma_wait3A_814 = tpu.memref_squeeze %dma_wait3A_813 : memref<1x1x128xi32, #tpu.memory_space<vmem>> -> memref<128xi32, #tpu.memory_space<vmem>>
          %dma_wait3A_815 = arith.constant 0 : i32
          %dma_wait3A_816 = arith.constant 0 : i32
          %dma_wait3A_817 = tpu.memref_slice %arg13[%dma_wait3A_815, %dma_wait3A_816] : memref<10240x16xf32, #tpu.memory_space<vmem_shared>> -> memref<10240x16xf32, #tpu.memory_space<vmem_shared>>
          tpu.wait_indirect_dma semaphore(%run_scoped3A_805 : memref<!tpu.dma_semaphore, #tpu.memory_space<semaphore_mem>>) src(%arg10 : memref<128x16xf32, #tpu.memory_space<vmem>>) dst(%dma_wait3A_817 : memref<10240x16xf32, #tpu.memory_space<vmem_shared>>)
          tpu.yield
        }) : () -> ()
      } else {
      }
      %mul3A_767 = arith.constant 2 : i32
      %mul3A_768 = arith.muli %scan3A_729, %mul3A_767 : i32
      %add3A_769 = arith.constant 1 : i32
      %add3A_770 = arith.addi %mul3A_768, %add3A_769 : i32
      %dma_wait3A_771 = arith.constant 0 : i32
      %dma_wait3A_772 = arith.constant 1 : i32
      %dma_wait3A_773 = arith.constant 0 : i32
      %dma_wait3A_774 = arith.constant 0 : i32
      %dma_wait3A_775 = tpu.memref_slice %arg9[%dma_wait3A_772, %dma_wait3A_773, %dma_wait3A_774] : memref<2x128x64xf32, #tpu.memory_space<vmem>> -> memref<1x128x64xf32, #tpu.memory_space<vmem>>
      %dma_wait3A_776 = tpu.memref_squeeze %dma_wait3A_775 : memref<1x128x64xf32, #tpu.memory_space<vmem>> -> memref<128x64xf32, #tpu.memory_space<vmem>>
      %dma_wait3A_777 = arith.constant 0 : i32
      %dma_wait3A_778 = tpu.memref_slice %arg7[%dma_wait3A_771, %add3A_770, %dma_wait3A_777] : memref<2x32x128xi32, #tpu.memory_space<vmem>> -> memref<1x1x128xi32, #tpu.memory_space<vmem>>
      %dma_wait3A_779 = tpu.memref_squeeze %dma_wait3A_778 : memref<1x1x128xi32, #tpu.memory_space<vmem>> -> memref<128xi32, #tpu.memory_space<vmem>>
      %dma_wait3A_780 = arith.constant 0 : i32
      %dma_wait3A_781 = arith.constant 0 : i32
      %dma_wait3A_782 = tpu.memref_slice %arg2[%dma_wait3A_780, %dma_wait3A_781] : memref<20480x64xf32, #tpu.memory_space<hbm>> -> memref<20480x64xf32, #tpu.memory_space<hbm>>
      tpu.wait_indirect_dma semaphore(%arg15 : memref<!tpu.dma_semaphore, #tpu.memory_space<semaphore_mem>>) src(%dma_wait3A_782 : memref<20480x64xf32, #tpu.memory_space<hbm>>) dst(%dma_wait3A_776 : memref<128x64xf32, #tpu.memory_space<vmem>>)
      %run_scoped3A_783 = arith.constant 1 : i32
      %run_scoped3A_784 = arith.constant 0 : i32
      "tpu.region"() ({
        %run_scoped3A_804 = tpu.sem_alloc : memref<!tpu.dma_semaphore, #tpu.memory_space<semaphore_mem>>
        %dma_start3A_805 = arith.constant 0 : i32
        %dma_start3A_806 = arith.constant 0 : i32
        %dma_start3A_807 = tpu.memref_slice %arg9[%run_scoped3A_783, %dma_start3A_805, %dma_start3A_806] : memref<2x128x64xf32, #tpu.memory_space<vmem>> -> memref<1x128x64xf32, #tpu.memory_space<vmem>>
        %dma_start3A_808 = tpu.memref_squeeze %dma_start3A_807 : memref<1x128x64xf32, #tpu.memory_space<vmem>> -> memref<128x64xf32, #tpu.memory_space<vmem>>
        %dma_start3A_809 = arith.constant 0 : i32
        %dma_start3A_810 = tpu.memref_slice %arg8[%run_scoped3A_784, %add3A_770, %dma_start3A_809] : memref<2x32x128xi32, #tpu.memory_space<vmem>> -> memref<1x1x128xi32, #tpu.memory_space<vmem>>
        %dma_start3A_811 = tpu.memref_squeeze %dma_start3A_810 : memref<1x1x128xi32, #tpu.memory_space<vmem>> -> memref<128xi32, #tpu.memory_space<vmem>>
        %dma_start3A_812 = arith.constant 0 : i32
        %dma_start3A_813 = arith.constant 0 : i32
        %dma_start3A_814 = tpu.memref_slice %arg12[%dma_start3A_812, %dma_start3A_813] : memref<10240x64xf32, #tpu.memory_space<vmem_shared>> -> memref<10240x64xf32, #tpu.memory_space<vmem_shared>>
        tpu.enqueue_indirect_dma source(%dma_start3A_808 : memref<128x64xf32, #tpu.memory_space<vmem>>) target(%dma_start3A_814 : memref<10240x64xf32, #tpu.memory_space<vmem_shared>>) offsets(%dma_start3A_811 : memref<128xi32, #tpu.memory_space<vmem>>) semaphore(%run_scoped3A_804 : memref<!tpu.dma_semaphore, #tpu.memory_space<semaphore_mem>>) {add = true}
        %dma_wait3A_815 = arith.constant 0 : i32
        %dma_wait3A_816 = arith.constant 0 : i32
        %dma_wait3A_817 = tpu.memref_slice %arg9[%run_scoped3A_783, %dma_wait3A_815, %dma_wait3A_816] : memref<2x128x64xf32, #tpu.memory_space<vmem>> -> memref<1x128x64xf32, #tpu.memory_space<vmem>>
        %dma_wait3A_818 = tpu.memref_squeeze %dma_wait3A_817 : memref<1x128x64xf32, #tpu.memory_space<vmem>> -> memref<128x64xf32, #tpu.memory_space<vmem>>
        %dma_wait3A_819 = arith.constant 0 : i32
        %dma_wait3A_820 = tpu.memref_slice %arg8[%run_scoped3A_784, %add3A_770, %dma_wait3A_819] : memref<2x32x128xi32, #tpu.memory_space<vmem>> -> memref<1x1x128xi32, #tpu.memory_space<vmem>>
        %dma_wait3A_821 = tpu.memref_squeeze %dma_wait3A_820 : memref<1x1x128xi32, #tpu.memory_space<vmem>> -> memref<128xi32, #tpu.memory_space<vmem>>
        %dma_wait3A_822 = arith.constant 0 : i32
        %dma_wait3A_823 = arith.constant 0 : i32
        %dma_wait3A_824 = tpu.memref_slice %arg12[%dma_wait3A_822, %dma_wait3A_823] : memref<10240x64xf32, #tpu.memory_space<vmem_shared>> -> memref<10240x64xf32, #tpu.memory_space<vmem_shared>>
        tpu.wait_indirect_dma semaphore(%run_scoped3A_804 : memref<!tpu.dma_semaphore, #tpu.memory_space<semaphore_mem>>) src(%dma_wait3A_818 : memref<128x64xf32, #tpu.memory_space<vmem>>) dst(%dma_wait3A_824 : memref<10240x64xf32, #tpu.memory_space<vmem_shared>>)
        tpu.yield
      }) : () -> ()
      %add3A_785 = arith.constant 2 : i32
      %add3A_786 = arith.addi %add3A_770, %add3A_785 : i32
      %dma_start3A_787 = arith.constant 0 : i32
      %dma_start3A_788 = arith.constant 1 : i32
      %dma_start3A_789 = arith.constant 0 : i32
      %dma_start3A_790 = arith.constant 0 : i32
      %dma_start3A_791 = tpu.memref_slice %arg9[%dma_start3A_788, %dma_start3A_789, %dma_start3A_790] : memref<2x128x64xf32, #tpu.memory_space<vmem>> -> memref<1x128x64xf32, #tpu.memory_space<vmem>>
      %dma_start3A_792 = tpu.memref_squeeze %dma_start3A_791 : memref<1x128x64xf32, #tpu.memory_space<vmem>> -> memref<128x64xf32, #tpu.memory_space<vmem>>
      %dma_start3A_793 = arith.constant 0 : i32
      %dma_start3A_794 = tpu.memref_slice %arg7[%dma_start3A_787, %add3A_786, %dma_start3A_793] : memref<2x32x128xi32, #tpu.memory_space<vmem>> -> memref<1x1x128xi32, #tpu.memory_space<vmem>>
      %dma_start3A_795 = tpu.memref_squeeze %dma_start3A_794 : memref<1x1x128xi32, #tpu.memory_space<vmem>> -> memref<128xi32, #tpu.memory_space<vmem>>
      %dma_start3A_796 = arith.constant 0 : i32
      %dma_start3A_797 = arith.constant 0 : i32
      %dma_start3A_798 = tpu.memref_slice %arg2[%dma_start3A_796, %dma_start3A_797] : memref<20480x64xf32, #tpu.memory_space<hbm>> -> memref<20480x64xf32, #tpu.memory_space<hbm>>
      tpu.enqueue_indirect_dma source(%dma_start3A_798 : memref<20480x64xf32, #tpu.memory_space<hbm>>) target(%dma_start3A_792 : memref<128x64xf32, #tpu.memory_space<vmem>>) offsets(%dma_start3A_795 : memref<128xi32, #tpu.memory_space<vmem>>) semaphore(%arg15 : memref<!tpu.dma_semaphore, #tpu.memory_space<semaphore_mem>>)
      %eq3A_799 = arith.constant 1 : i32
      %eq3A_800 = arith.cmpi eq, %arg0, %eq3A_799 : i32
      %convert_element_type3A_801 = arith.extui %eq3A_800 : i1 to i32
      %cond3A_802 = arith.constant 0 : i32
      %cond3A_803 = arith.cmpi ne, %convert_element_type3A_801, %cond3A_802 : i32
      scf.if %cond3A_803 {
        %run_scoped3A_804 = arith.constant 0 : i32
        "tpu.region"() ({
          %run_scoped3A_805 = tpu.sem_alloc : memref<!tpu.dma_semaphore, #tpu.memory_space<semaphore_mem>>
          %dma_start3A_806 = arith.constant 0 : i32
          %dma_start3A_807 = tpu.memref_slice %arg8[%run_scoped3A_804, %add3A_770, %dma_start3A_806] : memref<2x32x128xi32, #tpu.memory_space<vmem>> -> memref<1x1x128xi32, #tpu.memory_space<vmem>>
          %dma_start3A_808 = tpu.memref_squeeze %dma_start3A_807 : memref<1x1x128xi32, #tpu.memory_space<vmem>> -> memref<128xi32, #tpu.memory_space<vmem>>
          %dma_start3A_809 = arith.constant 0 : i32
          %dma_start3A_810 = arith.constant 0 : i32
          %dma_start3A_811 = tpu.memref_slice %arg13[%dma_start3A_809, %dma_start3A_810] : memref<10240x16xf32, #tpu.memory_space<vmem_shared>> -> memref<10240x16xf32, #tpu.memory_space<vmem_shared>>
          tpu.enqueue_indirect_dma source(%arg10 : memref<128x16xf32, #tpu.memory_space<vmem>>) target(%dma_start3A_811 : memref<10240x16xf32, #tpu.memory_space<vmem_shared>>) offsets(%dma_start3A_808 : memref<128xi32, #tpu.memory_space<vmem>>) semaphore(%run_scoped3A_805 : memref<!tpu.dma_semaphore, #tpu.memory_space<semaphore_mem>>) {add = true}
          %dma_wait3A_812 = arith.constant 0 : i32
          %dma_wait3A_813 = tpu.memref_slice %arg8[%run_scoped3A_804, %add3A_770, %dma_wait3A_812] : memref<2x32x128xi32, #tpu.memory_space<vmem>> -> memref<1x1x128xi32, #tpu.memory_space<vmem>>
          %dma_wait3A_814 = tpu.memref_squeeze %dma_wait3A_813 : memref<1x1x128xi32, #tpu.memory_space<vmem>> -> memref<128xi32, #tpu.memory_space<vmem>>
          %dma_wait3A_815 = arith.constant 0 : i32
          %dma_wait3A_816 = arith.constant 0 : i32
          %dma_wait3A_817 = tpu.memref_slice %arg13[%dma_wait3A_815, %dma_wait3A_816] : memref<10240x16xf32, #tpu.memory_space<vmem_shared>> -> memref<10240x16xf32, #tpu.memory_space<vmem_shared>>
          tpu.wait_indirect_dma semaphore(%run_scoped3A_805 : memref<!tpu.dma_semaphore, #tpu.memory_space<semaphore_mem>>) src(%arg10 : memref<128x16xf32, #tpu.memory_space<vmem>>) dst(%dma_wait3A_817 : memref<10240x16xf32, #tpu.memory_space<vmem_shared>>)
          tpu.yield
        }) : () -> ()
      } else {
      }
    }
    %scan3A_685 = arith.constant 15 : i32
    %dma_wait3A_686 = arith.constant 0 : i32
    %dma_wait3A_687 = arith.constant 30 : i32
    %dma_wait3A_688 = arith.constant 0 : i32
    %dma_wait3A_689 = arith.constant 0 : i32
    %dma_wait3A_690 = arith.constant 0 : i32
    %dma_wait3A_691 = tpu.memref_slice %arg9[%dma_wait3A_688, %dma_wait3A_689, %dma_wait3A_690] : memref<2x128x64xf32, #tpu.memory_space<vmem>> -> memref<1x128x64xf32, #tpu.memory_space<vmem>>
    %dma_wait3A_692 = tpu.memref_squeeze %dma_wait3A_691 : memref<1x128x64xf32, #tpu.memory_space<vmem>> -> memref<128x64xf32, #tpu.memory_space<vmem>>
    %dma_wait3A_693 = arith.constant 0 : i32
    %dma_wait3A_694 = tpu.memref_slice %arg7[%dma_wait3A_686, %dma_wait3A_687, %dma_wait3A_693] : memref<2x32x128xi32, #tpu.memory_space<vmem>> -> memref<1x1x128xi32, #tpu.memory_space<vmem>>
    %dma_wait3A_695 = tpu.memref_squeeze %dma_wait3A_694 : memref<1x1x128xi32, #tpu.memory_space<vmem>> -> memref<128xi32, #tpu.memory_space<vmem>>
    %dma_wait3A_696 = arith.constant 0 : i32
    %dma_wait3A_697 = arith.constant 0 : i32
    %dma_wait3A_698 = tpu.memref_slice %arg11[%dma_wait3A_696, %dma_wait3A_697] : memref<10240x64xf32, #tpu.memory_space<vmem_shared>> -> memref<10240x64xf32, #tpu.memory_space<vmem_shared>>
    tpu.wait_indirect_dma semaphore(%arg14 : memref<!tpu.dma_semaphore, #tpu.memory_space<semaphore_mem>>) src(%dma_wait3A_698 : memref<10240x64xf32, #tpu.memory_space<vmem_shared>>) dst(%dma_wait3A_692 : memref<128x64xf32, #tpu.memory_space<vmem>>)
    %run_scoped3A_699 = arith.constant 0 : i32
    %run_scoped3A_700 = arith.constant 0 : i32
    %run_scoped3A_701 = arith.constant 30 : i32
    "tpu.region"() ({
      %run_scoped3A_729 = tpu.sem_alloc : memref<!tpu.dma_semaphore, #tpu.memory_space<semaphore_mem>>
      %dma_start3A_730 = arith.constant 0 : i32
      %dma_start3A_731 = arith.constant 0 : i32
      %dma_start3A_732 = tpu.memref_slice %arg9[%run_scoped3A_699, %dma_start3A_730, %dma_start3A_731] : memref<2x128x64xf32, #tpu.memory_space<vmem>> -> memref<1x128x64xf32, #tpu.memory_space<vmem>>
      %dma_start3A_733 = tpu.memref_squeeze %dma_start3A_732 : memref<1x128x64xf32, #tpu.memory_space<vmem>> -> memref<128x64xf32, #tpu.memory_space<vmem>>
      %dma_start3A_734 = arith.constant 0 : i32
      %dma_start3A_735 = tpu.memref_slice %arg8[%run_scoped3A_700, %run_scoped3A_701, %dma_start3A_734] : memref<2x32x128xi32, #tpu.memory_space<vmem>> -> memref<1x1x128xi32, #tpu.memory_space<vmem>>
      %dma_start3A_736 = tpu.memref_squeeze %dma_start3A_735 : memref<1x1x128xi32, #tpu.memory_space<vmem>> -> memref<128xi32, #tpu.memory_space<vmem>>
      %dma_start3A_737 = arith.constant 0 : i32
      %dma_start3A_738 = arith.constant 0 : i32
      %dma_start3A_739 = tpu.memref_slice %arg12[%dma_start3A_737, %dma_start3A_738] : memref<10240x64xf32, #tpu.memory_space<vmem_shared>> -> memref<10240x64xf32, #tpu.memory_space<vmem_shared>>
      tpu.enqueue_indirect_dma source(%dma_start3A_733 : memref<128x64xf32, #tpu.memory_space<vmem>>) target(%dma_start3A_739 : memref<10240x64xf32, #tpu.memory_space<vmem_shared>>) offsets(%dma_start3A_736 : memref<128xi32, #tpu.memory_space<vmem>>) semaphore(%run_scoped3A_729 : memref<!tpu.dma_semaphore, #tpu.memory_space<semaphore_mem>>) {add = true}
      %dma_wait3A_740 = arith.constant 0 : i32
      %dma_wait3A_741 = arith.constant 0 : i32
      %dma_wait3A_742 = tpu.memref_slice %arg9[%run_scoped3A_699, %dma_wait3A_740, %dma_wait3A_741] : memref<2x128x64xf32, #tpu.memory_space<vmem>> -> memref<1x128x64xf32, #tpu.memory_space<vmem>>
      %dma_wait3A_743 = tpu.memref_squeeze %dma_wait3A_742 : memref<1x128x64xf32, #tpu.memory_space<vmem>> -> memref<128x64xf32, #tpu.memory_space<vmem>>
      %dma_wait3A_744 = arith.constant 0 : i32
      %dma_wait3A_745 = tpu.memref_slice %arg8[%run_scoped3A_700, %run_scoped3A_701, %dma_wait3A_744] : memref<2x32x128xi32, #tpu.memory_space<vmem>> -> memref<1x1x128xi32, #tpu.memory_space<vmem>>
      %dma_wait3A_746 = tpu.memref_squeeze %dma_wait3A_745 : memref<1x1x128xi32, #tpu.memory_space<vmem>> -> memref<128xi32, #tpu.memory_space<vmem>>
      %dma_wait3A_747 = arith.constant 0 : i32
      %dma_wait3A_748 = arith.constant 0 : i32
      %dma_wait3A_749 = tpu.memref_slice %arg12[%dma_wait3A_747, %dma_wait3A_748] : memref<10240x64xf32, #tpu.memory_space<vmem_shared>> -> memref<10240x64xf32, #tpu.memory_space<vmem_shared>>
      tpu.wait_indirect_dma semaphore(%run_scoped3A_729 : memref<!tpu.dma_semaphore, #tpu.memory_space<semaphore_mem>>) src(%dma_wait3A_743 : memref<128x64xf32, #tpu.memory_space<vmem>>) dst(%dma_wait3A_749 : memref<10240x64xf32, #tpu.memory_space<vmem_shared>>)
      tpu.yield
    }) : () -> ()
    %eq3A_702 = arith.constant 0 : i32
    %eq3A_703 = arith.cmpi eq, %arg0, %eq3A_702 : i32
    %convert_element_type3A_704 = arith.extui %eq3A_703 : i1 to i32
    %cond3A_705 = arith.constant 0 : i32
    %cond3A_706 = arith.cmpi ne, %convert_element_type3A_704, %cond3A_705 : i32
    scf.if %cond3A_706 {
      %run_scoped3A_729 = arith.constant 0 : i32
      %run_scoped3A_730 = arith.constant 30 : i32
      "tpu.region"() ({
        %run_scoped3A_731 = tpu.sem_alloc : memref<!tpu.dma_semaphore, #tpu.memory_space<semaphore_mem>>
        %dma_start3A_732 = arith.constant 0 : i32
        %dma_start3A_733 = tpu.memref_slice %arg8[%run_scoped3A_729, %run_scoped3A_730, %dma_start3A_732] : memref<2x32x128xi32, #tpu.memory_space<vmem>> -> memref<1x1x128xi32, #tpu.memory_space<vmem>>
        %dma_start3A_734 = tpu.memref_squeeze %dma_start3A_733 : memref<1x1x128xi32, #tpu.memory_space<vmem>> -> memref<128xi32, #tpu.memory_space<vmem>>
        %dma_start3A_735 = arith.constant 0 : i32
        %dma_start3A_736 = arith.constant 0 : i32
        %dma_start3A_737 = tpu.memref_slice %arg13[%dma_start3A_735, %dma_start3A_736] : memref<10240x16xf32, #tpu.memory_space<vmem_shared>> -> memref<10240x16xf32, #tpu.memory_space<vmem_shared>>
        tpu.enqueue_indirect_dma source(%arg10 : memref<128x16xf32, #tpu.memory_space<vmem>>) target(%dma_start3A_737 : memref<10240x16xf32, #tpu.memory_space<vmem_shared>>) offsets(%dma_start3A_734 : memref<128xi32, #tpu.memory_space<vmem>>) semaphore(%run_scoped3A_731 : memref<!tpu.dma_semaphore, #tpu.memory_space<semaphore_mem>>) {add = true}
        %dma_wait3A_738 = arith.constant 0 : i32
        %dma_wait3A_739 = tpu.memref_slice %arg8[%run_scoped3A_729, %run_scoped3A_730, %dma_wait3A_738] : memref<2x32x128xi32, #tpu.memory_space<vmem>> -> memref<1x1x128xi32, #tpu.memory_space<vmem>>
        %dma_wait3A_740 = tpu.memref_squeeze %dma_wait3A_739 : memref<1x1x128xi32, #tpu.memory_space<vmem>> -> memref<128xi32, #tpu.memory_space<vmem>>
        %dma_wait3A_741 = arith.constant 0 : i32
        %dma_wait3A_742 = arith.constant 0 : i32
        %dma_wait3A_743 = tpu.memref_slice %arg13[%dma_wait3A_741, %dma_wait3A_742] : memref<10240x16xf32, #tpu.memory_space<vmem_shared>> -> memref<10240x16xf32, #tpu.memory_space<vmem_shared>>
        tpu.wait_indirect_dma semaphore(%run_scoped3A_731 : memref<!tpu.dma_semaphore, #tpu.memory_space<semaphore_mem>>) src(%arg10 : memref<128x16xf32, #tpu.memory_space<vmem>>) dst(%dma_wait3A_743 : memref<10240x16xf32, #tpu.memory_space<vmem_shared>>)
        tpu.yield
      }) : () -> ()
    } else {
    }
    %dma_wait3A_707 = arith.constant 0 : i32
    %dma_wait3A_708 = arith.constant 31 : i32
    %dma_wait3A_709 = arith.constant 1 : i32
    %dma_wait3A_710 = arith.constant 0 : i32
    %dma_wait3A_711 = arith.constant 0 : i32
    %dma_wait3A_712 = tpu.memref_slice %arg9[%dma_wait3A_709, %dma_wait3A_710, %dma_wait3A_711] : memref<2x128x64xf32, #tpu.memory_space<vmem>> -> memref<1x128x64xf32, #tpu.memory_space<vmem>>
    %dma_wait3A_713 = tpu.memref_squeeze %dma_wait3A_712 : memref<1x128x64xf32, #tpu.memory_space<vmem>> -> memref<128x64xf32, #tpu.memory_space<vmem>>
    %dma_wait3A_714 = arith.constant 0 : i32
    %dma_wait3A_715 = tpu.memref_slice %arg7[%dma_wait3A_707, %dma_wait3A_708, %dma_wait3A_714] : memref<2x32x128xi32, #tpu.memory_space<vmem>> -> memref<1x1x128xi32, #tpu.memory_space<vmem>>
    %dma_wait3A_716 = tpu.memref_squeeze %dma_wait3A_715 : memref<1x1x128xi32, #tpu.memory_space<vmem>> -> memref<128xi32, #tpu.memory_space<vmem>>
    %dma_wait3A_717 = arith.constant 0 : i32
    %dma_wait3A_718 = arith.constant 0 : i32
    %dma_wait3A_719 = tpu.memref_slice %arg2[%dma_wait3A_717, %dma_wait3A_718] : memref<20480x64xf32, #tpu.memory_space<hbm>> -> memref<20480x64xf32, #tpu.memory_space<hbm>>
    tpu.wait_indirect_dma semaphore(%arg15 : memref<!tpu.dma_semaphore, #tpu.memory_space<semaphore_mem>>) src(%dma_wait3A_719 : memref<20480x64xf32, #tpu.memory_space<hbm>>) dst(%dma_wait3A_713 : memref<128x64xf32, #tpu.memory_space<vmem>>)
    %run_scoped3A_720 = arith.constant 1 : i32
    %run_scoped3A_721 = arith.constant 0 : i32
    %run_scoped3A_722 = arith.constant 31 : i32
    "tpu.region"() ({
      %run_scoped3A_729 = tpu.sem_alloc : memref<!tpu.dma_semaphore, #tpu.memory_space<semaphore_mem>>
      %dma_start3A_730 = arith.constant 0 : i32
      %dma_start3A_731 = arith.constant 0 : i32
      %dma_start3A_732 = tpu.memref_slice %arg9[%run_scoped3A_720, %dma_start3A_730, %dma_start3A_731] : memref<2x128x64xf32, #tpu.memory_space<vmem>> -> memref<1x128x64xf32, #tpu.memory_space<vmem>>
      %dma_start3A_733 = tpu.memref_squeeze %dma_start3A_732 : memref<1x128x64xf32, #tpu.memory_space<vmem>> -> memref<128x64xf32, #tpu.memory_space<vmem>>
      %dma_start3A_734 = arith.constant 0 : i32
      %dma_start3A_735 = tpu.memref_slice %arg8[%run_scoped3A_721, %run_scoped3A_722, %dma_start3A_734] : memref<2x32x128xi32, #tpu.memory_space<vmem>> -> memref<1x1x128xi32, #tpu.memory_space<vmem>>
      %dma_start3A_736 = tpu.memref_squeeze %dma_start3A_735 : memref<1x1x128xi32, #tpu.memory_space<vmem>> -> memref<128xi32, #tpu.memory_space<vmem>>
      %dma_start3A_737 = arith.constant 0 : i32
      %dma_start3A_738 = arith.constant 0 : i32
      %dma_start3A_739 = tpu.memref_slice %arg12[%dma_start3A_737, %dma_start3A_738] : memref<10240x64xf32, #tpu.memory_space<vmem_shared>> -> memref<10240x64xf32, #tpu.memory_space<vmem_shared>>
      tpu.enqueue_indirect_dma source(%dma_start3A_733 : memref<128x64xf32, #tpu.memory_space<vmem>>) target(%dma_start3A_739 : memref<10240x64xf32, #tpu.memory_space<vmem_shared>>) offsets(%dma_start3A_736 : memref<128xi32, #tpu.memory_space<vmem>>) semaphore(%run_scoped3A_729 : memref<!tpu.dma_semaphore, #tpu.memory_space<semaphore_mem>>) {add = true}
      %dma_wait3A_740 = arith.constant 0 : i32
      %dma_wait3A_741 = arith.constant 0 : i32
      %dma_wait3A_742 = tpu.memref_slice %arg9[%run_scoped3A_720, %dma_wait3A_740, %dma_wait3A_741] : memref<2x128x64xf32, #tpu.memory_space<vmem>> -> memref<1x128x64xf32, #tpu.memory_space<vmem>>
      %dma_wait3A_743 = tpu.memref_squeeze %dma_wait3A_742 : memref<1x128x64xf32, #tpu.memory_space<vmem>> -> memref<128x64xf32, #tpu.memory_space<vmem>>
      %dma_wait3A_744 = arith.constant 0 : i32
      %dma_wait3A_745 = tpu.memref_slice %arg8[%run_scoped3A_721, %run_scoped3A_722, %dma_wait3A_744] : memref<2x32x128xi32, #tpu.memory_space<vmem>> -> memref<1x1x128xi32, #tpu.memory_space<vmem>>
      %dma_wait3A_746 = tpu.memref_squeeze %dma_wait3A_745 : memref<1x1x128xi32, #tpu.memory_space<vmem>> -> memref<128xi32, #tpu.memory_space<vmem>>
      %dma_wait3A_747 = arith.constant 0 : i32
      %dma_wait3A_748 = arith.constant 0 : i32
      %dma_wait3A_749 = tpu.memref_slice %arg12[%dma_wait3A_747, %dma_wait3A_748] : memref<10240x64xf32, #tpu.memory_space<vmem_shared>> -> memref<10240x64xf32, #tpu.memory_space<vmem_shared>>
      tpu.wait_indirect_dma semaphore(%run_scoped3A_729 : memref<!tpu.dma_semaphore, #tpu.memory_space<semaphore_mem>>) src(%dma_wait3A_743 : memref<128x64xf32, #tpu.memory_space<vmem>>) dst(%dma_wait3A_749 : memref<10240x64xf32, #tpu.memory_space<vmem_shared>>)
      tpu.yield
    }) : () -> ()
    %eq3A_723 = arith.constant 1 : i32
    %eq3A_724 = arith.cmpi eq, %arg0, %eq3A_723 : i32
    %convert_element_type3A_725 = arith.extui %eq3A_724 : i1 to i32
    %cond3A_726 = arith.constant 0 : i32
    %cond3A_727 = arith.cmpi ne, %convert_element_type3A_725, %cond3A_726 : i32
    scf.if %cond3A_727 {
      %run_scoped3A_729 = arith.constant 0 : i32
      %run_scoped3A_730 = arith.constant 31 : i32
      "tpu.region"() ({
        %run_scoped3A_731 = tpu.sem_alloc : memref<!tpu.dma_semaphore, #tpu.memory_space<semaphore_mem>>
        %dma_start3A_732 = arith.constant 0 : i32
        %dma_start3A_733 = tpu.memref_slice %arg8[%run_scoped3A_729, %run_scoped3A_730, %dma_start3A_732] : memref<2x32x128xi32, #tpu.memory_space<vmem>> -> memref<1x1x128xi32, #tpu.memory_space<vmem>>
        %dma_start3A_734 = tpu.memref_squeeze %dma_start3A_733 : memref<1x1x128xi32, #tpu.memory_space<vmem>> -> memref<128xi32, #tpu.memory_space<vmem>>
        %dma_start3A_735 = arith.constant 0 : i32
        %dma_start3A_736 = arith.constant 0 : i32
        %dma_start3A_737 = tpu.memref_slice %arg13[%dma_start3A_735, %dma_start3A_736] : memref<10240x16xf32, #tpu.memory_space<vmem_shared>> -> memref<10240x16xf32, #tpu.memory_space<vmem_shared>>
        tpu.enqueue_indirect_dma source(%arg10 : memref<128x16xf32, #tpu.memory_space<vmem>>) target(%dma_start3A_737 : memref<10240x16xf32, #tpu.memory_space<vmem_shared>>) offsets(%dma_start3A_734 : memref<128xi32, #tpu.memory_space<vmem>>) semaphore(%run_scoped3A_731 : memref<!tpu.dma_semaphore, #tpu.memory_space<semaphore_mem>>) {add = true}
        %dma_wait3A_738 = arith.constant 0 : i32
        %dma_wait3A_739 = tpu.memref_slice %arg8[%run_scoped3A_729, %run_scoped3A_730, %dma_wait3A_738] : memref<2x32x128xi32, #tpu.memory_space<vmem>> -> memref<1x1x128xi32, #tpu.memory_space<vmem>>
        %dma_wait3A_740 = tpu.memref_squeeze %dma_wait3A_739 : memref<1x1x128xi32, #tpu.memory_space<vmem>> -> memref<128xi32, #tpu.memory_space<vmem>>
        %dma_wait3A_741 = arith.constant 0 : i32
        %dma_wait3A_742 = arith.constant 0 : i32
        %dma_wait3A_743 = tpu.memref_slice %arg13[%dma_wait3A_741, %dma_wait3A_742] : memref<10240x16xf32, #tpu.memory_space<vmem_shared>> -> memref<10240x16xf32, #tpu.memory_space<vmem_shared>>
        tpu.wait_indirect_dma semaphore(%run_scoped3A_731 : memref<!tpu.dma_semaphore, #tpu.memory_space<semaphore_mem>>) src(%arg10 : memref<128x16xf32, #tpu.memory_space<vmem>>) dst(%dma_wait3A_743 : memref<10240x16xf32, #tpu.memory_space<vmem_shared>>)
        tpu.yield
      }) : () -> ()
    } else {
    }
    %barrier3A_728 = arith.constant 0 : index
    tpu.barrier barrier_id(%barrier3A_728)
    "tpu.region"() ({
      %run_scoped3A_729 = tpu.sem_alloc : memref<!tpu.dma_semaphore, #tpu.memory_space<semaphore_mem>>
      %dma_start3A_730 = arith.constant 0 : i32
      %dma_start3A_731 = tpu.memref_slice %arg5[%arg0, %mul3A_0, %dma_start3A_730] : memref<2x10240x64xf32, #tpu.memory_space<hbm>> -> memref<1x640x64xf32, #tpu.memory_space<hbm>>
      %dma_start3A_732 = tpu.memref_squeeze %dma_start3A_731 : memref<1x640x64xf32, #tpu.memory_space<hbm>> -> memref<640x64xf32, #tpu.memory_space<hbm>>
      %dma_start3A_733 = arith.constant 0 : i32
      %dma_start3A_734 = tpu.memref_slice %arg12[%mul3A_0, %dma_start3A_733] : memref<10240x64xf32, #tpu.memory_space<vmem_shared>> -> memref<640x64xf32, #tpu.memory_space<vmem_shared>>
      tpu.enqueue_dma source(%dma_start3A_734 : memref<640x64xf32, #tpu.memory_space<vmem_shared>>) target(%dma_start3A_732 : memref<640x64xf32, #tpu.memory_space<hbm>>) target_semaphore(%run_scoped3A_729 : memref<!tpu.dma_semaphore, #tpu.memory_space<semaphore_mem>>)
      %dma_wait3A_735 = arith.constant 0 : i32
      %dma_wait3A_736 = tpu.memref_slice %arg5[%arg0, %mul3A_0, %dma_wait3A_735] : memref<2x10240x64xf32, #tpu.memory_space<hbm>> -> memref<1x640x64xf32, #tpu.memory_space<hbm>>
      %dma_wait3A_737 = tpu.memref_squeeze %dma_wait3A_736 : memref<1x640x64xf32, #tpu.memory_space<hbm>> -> memref<640x64xf32, #tpu.memory_space<hbm>>
      %dma_wait3A_738 = arith.constant 0 : i32
      %dma_wait3A_739 = tpu.memref_slice %arg12[%mul3A_0, %dma_wait3A_738] : memref<10240x64xf32, #tpu.memory_space<vmem_shared>> -> memref<640x64xf32, #tpu.memory_space<vmem_shared>>
      tpu.wait_dma2 semaphore(%run_scoped3A_729 : memref<!tpu.dma_semaphore, #tpu.memory_space<semaphore_mem>>) src(%dma_wait3A_739 : memref<640x64xf32, #tpu.memory_space<vmem_shared>>) dst(%dma_wait3A_737 : memref<640x64xf32, #tpu.memory_space<hbm>>)
      tpu.yield
    }) : () -> ()
    "tpu.region"() ({
      %run_scoped3A_729 = tpu.sem_alloc : memref<!tpu.dma_semaphore, #tpu.memory_space<semaphore_mem>>
      %dma_start3A_730 = arith.constant 0 : i32
      %dma_start3A_731 = tpu.memref_slice %arg6[%arg0, %mul3A_0, %dma_start3A_730] : memref<2x10240x16xf32, #tpu.memory_space<hbm>> -> memref<1x640x16xf32, #tpu.memory_space<hbm>>
      %dma_start3A_732 = tpu.memref_squeeze %dma_start3A_731 : memref<1x640x16xf32, #tpu.memory_space<hbm>> -> memref<640x16xf32, #tpu.memory_space<hbm>>
      %dma_start3A_733 = arith.constant 0 : i32
      %dma_start3A_734 = tpu.memref_slice %arg13[%mul3A_0, %dma_start3A_733] : memref<10240x16xf32, #tpu.memory_space<vmem_shared>> -> memref<640x16xf32, #tpu.memory_space<vmem_shared>>
      tpu.enqueue_dma source(%dma_start3A_734 : memref<640x16xf32, #tpu.memory_space<vmem_shared>>) target(%dma_start3A_732 : memref<640x16xf32, #tpu.memory_space<hbm>>) target_semaphore(%run_scoped3A_729 : memref<!tpu.dma_semaphore, #tpu.memory_space<semaphore_mem>>)
      %dma_wait3A_735 = arith.constant 0 : i32
      %dma_wait3A_736 = tpu.memref_slice %arg6[%arg0, %mul3A_0, %dma_wait3A_735] : memref<2x10240x16xf32, #tpu.memory_space<hbm>> -> memref<1x640x16xf32, #tpu.memory_space<hbm>>
      %dma_wait3A_737 = tpu.memref_squeeze %dma_wait3A_736 : memref<1x640x16xf32, #tpu.memory_space<hbm>> -> memref<640x16xf32, #tpu.memory_space<hbm>>
      %dma_wait3A_738 = arith.constant 0 : i32
      %dma_wait3A_739 = tpu.memref_slice %arg13[%mul3A_0, %dma_wait3A_738] : memref<10240x16xf32, #tpu.memory_space<vmem_shared>> -> memref<640x16xf32, #tpu.memory_space<vmem_shared>>
      tpu.wait_dma2 semaphore(%run_scoped3A_729 : memref<!tpu.dma_semaphore, #tpu.memory_space<semaphore_mem>>) src(%dma_wait3A_739 : memref<640x16xf32, #tpu.memory_space<vmem_shared>>) dst(%dma_wait3A_737 : memref<640x16xf32, #tpu.memory_space<hbm>>)
      tpu.yield
    }) : () -> ()
    return
  }
}

module attributes {stable_mosaic.version = 14 : i64} {
  func.func @_tc_body(%arg0: i32, %arg1: memref<2x512x64xf32, #tpu.memory_space<vmem>>, %arg2: memref<2x512x16xf32, #tpu.memory_space<vmem>>, %arg3: memref<512x128xf32, #tpu.memory_space<vmem>>, %arg4: memref<1x512x1xi32, #tpu.memory_space<vmem>>, %arg5: memref<128x128xf32, #tpu.memory_space<vmem>>, %arg6: memref<128x128xf32, #tpu.memory_space<vmem>>, %arg7: memref<1x128xf32, #tpu.memory_space<vmem>>, %arg8: memref<2x128xf32, #tpu.memory_space<vmem>>, %arg9: memref<1x2xf32, #tpu.memory_space<vmem>>, %arg10: memref<128x2xf32, #tpu.memory_space<vmem>>, %arg11: memref<128x128xf32, #tpu.memory_space<vmem>>) attributes {dimension_semantics = [#tpu.dimension_semantics<arbitrary>], iteration_bounds = array<i64: 20>, scalar_prefetch = 0 : i64, scratch_operands = 1 : i64, tpu.core_type = #tpu.core_type<tc>, window_params = [{transform_indices = @transform_0, window_bounds = array<i64: 2, 512, 64>}, {transform_indices = @transform_1, window_bounds = array<i64: 2, 512, 16>}, {transform_indices = @transform_2, window_bounds = array<i64: 512, 128>}, {transform_indices = @transform_3, window_bounds = array<i64: 1, 512, 1>}, {pipeline_mode = #tpu.pipeline_mode<synchronous>, transform_indices = @transform_4, window_bounds = array<i64: 128, 128>}, {pipeline_mode = #tpu.pipeline_mode<synchronous>, transform_indices = @transform_5, window_bounds = array<i64: 128, 128>}, {pipeline_mode = #tpu.pipeline_mode<synchronous>, transform_indices = @transform_6, window_bounds = array<i64: 1, 128>}, {pipeline_mode = #tpu.pipeline_mode<synchronous>, transform_indices = @transform_7, window_bounds = array<i64: 2, 128>}, {pipeline_mode = #tpu.pipeline_mode<synchronous>, transform_indices = @transform_8, window_bounds = array<i64: 1, 2>}, {pipeline_mode = #tpu.pipeline_mode<synchronous>, transform_indices = @transform_9, window_bounds = array<i64: 128, 2>}]} {
    %eq3A = arith.constant 0 : i32
    %eq3A_0 = arith.cmpi eq, %arg0, %eq3A : i32
    %convert_element_type3A = arith.extui %eq3A_0 : i1 to i32
    %cond3A = arith.constant 0 : i32
    %cond3A_1 = arith.cmpi ne, %convert_element_type3A, %cond3A : i32
    scf.if %cond3A_1 {
      %broadcast_in_dim3A_91 = arith.constant 0xFF800000 : f32
      %broadcast_in_dim3A_92 = vector.broadcast %broadcast_in_dim3A_91 : f32 to vector<128x128xf32>
      %swap3A = arith.constant 0 : index
      %swap3A_93 = arith.constant 0 : index
      %swap3A_94 = vector.load %arg11[%swap3A, %swap3A_93] : memref<128x128xf32, #tpu.memory_space<vmem>>, vector<128x128xf32>
      tpu.vector_store %arg11[%swap3A, %swap3A_93], %broadcast_in_dim3A_92 {strides = array<i32>} : memref<128x128xf32, #tpu.memory_space<vmem>>, vector<128x128xf32>,
    } else {
    }
    %get3A = arith.constant 0 : index
    %get3A_2 = arith.constant 0 : index
    %get3A_3 = arith.constant 0 : index
    %get3A_4 = vector.load %arg2[%get3A, %get3A_2, %get3A_3] : memref<2x512x16xf32, #tpu.memory_space<vmem>>, vector<1x512x16xf32>
    %get3A_5 = vector.shape_cast %get3A_4 : vector<1x512x16xf32> to vector<512x16xf32>
    %get3A_6 = arith.constant 1 : index
    %get3A_7 = arith.constant 0 : index
    %get3A_8 = arith.constant 0 : index
    %get3A_9 = vector.load %arg2[%get3A_6, %get3A_7, %get3A_8] : memref<2x512x16xf32, #tpu.memory_space<vmem>>, vector<1x512x16xf32>
    %get3A_10 = vector.shape_cast %get3A_9 : vector<1x512x16xf32> to vector<512x16xf32>
    %add3A = arith.addf %get3A_5, %get3A_10 : vector<512x16xf32>
    %reduce_sum3A = arith.constant dense<0.000000e+00> : vector<512xf32>
    %reduce_sum3A_11 = vector.multi_reduction <add>, %add3A, %reduce_sum3A [1] : vector<512x16xf32> to vector<512xf32>
    %broadcast_in_dim3A = vector.shape_cast %reduce_sum3A_11 : vector<512xf32> to vector<512x1xf32>
    %max3A = arith.constant 1.000000e+00 : f32
    %max3A_12 = vector.broadcast %max3A : f32 to vector<512x1xf32>
    %max3A_13 = arith.maximumf %broadcast_in_dim3A, %max3A_12 : vector<512x1xf32>
    %div3A = arith.constant 1.000000e+00 : f32
    %div3A_14 = vector.broadcast %div3A : f32 to vector<512x1xf32>
    %div3A_15 = arith.divf %div3A_14, %max3A_13 : vector<512x1xf32>
    %get3A_16 = arith.constant 0 : index
    %get3A_17 = arith.constant 0 : index
    %get3A_18 = arith.constant 0 : index
    %get3A_19 = vector.load %arg1[%get3A_16, %get3A_17, %get3A_18] : memref<2x512x64xf32, #tpu.memory_space<vmem>>, vector<1x512x64xf32>
    %get3A_20 = vector.shape_cast %get3A_19 : vector<1x512x64xf32> to vector<512x64xf32>
    %mul3A = vector.broadcast %div3A_15 : vector<512x1xf32> to vector<512x64xf32>
    %mul3A_21 = arith.mulf %get3A_20, %mul3A : vector<512x64xf32>
    %get3A_22 = arith.constant 1 : index
    %get3A_23 = arith.constant 0 : index
    %get3A_24 = arith.constant 0 : index
    %get3A_25 = vector.load %arg1[%get3A_22, %get3A_23, %get3A_24] : memref<2x512x64xf32, #tpu.memory_space<vmem>>, vector<1x512x64xf32>
    %get3A_26 = vector.shape_cast %get3A_25 : vector<1x512x64xf32> to vector<512x64xf32>
    %mul3A_27 = vector.broadcast %div3A_15 : vector<512x1xf32> to vector<512x64xf32>
    %mul3A_28 = arith.mulf %get3A_26, %mul3A_27 : vector<512x64xf32>
    %get3A_29 = arith.constant 0 : index
    %get3A_30 = arith.constant 0 : index
    %get3A_31 = vector.load %arg5[%get3A_29, %get3A_30] : memref<128x128xf32, #tpu.memory_space<vmem>>, vector<64x128xf32>
    %dot_general3A = arith.constant dense<0.000000e+00> : vector<512x128xf32>
    %dot_general3A_32 = tpu.matmul %mul3A_21, %get3A_31, %dot_general3A {dimension_numbers = #tpu.dot_dimension_numbers<[1], [0], [0], [1], [0, 0, 1, 1], [], []>, precision = #tpu.contract_precision<fp32>, transpose_lhs_hint = false} : vector<512x64xf32>, vector<64x128xf32>, vector<512x128xf32> -> vector<512x128xf32>
    %get3A_33 = arith.constant 64 : index
    %get3A_34 = arith.constant 0 : index
    %get3A_35 = vector.load %arg5[%get3A_33, %get3A_34] : memref<128x128xf32, #tpu.memory_space<vmem>>, vector<64x128xf32>
    %dot_general3A_36 = arith.constant dense<0.000000e+00> : vector<512x128xf32>
    %dot_general3A_37 = tpu.matmul %mul3A_28, %get3A_35, %dot_general3A_36 {dimension_numbers = #tpu.dot_dimension_numbers<[1], [0], [0], [1], [0, 0, 1, 1], [], []>, precision = #tpu.contract_precision<fp32>, transpose_lhs_hint = false} : vector<512x64xf32>, vector<64x128xf32>, vector<512x128xf32> -> vector<512x128xf32>
    %add3A_38 = arith.addf %dot_general3A_32, %dot_general3A_37 : vector<512x128xf32>
    %get3A_39 = arith.constant 0 : index
    %get3A_40 = arith.constant 0 : index
    %get3A_41 = vector.load %arg3[%get3A_39, %get3A_40] : memref<512x128xf32, #tpu.memory_space<vmem>>, vector<512x128xf32>
    %get3A_42 = arith.constant 0 : index
    %get3A_43 = arith.constant 0 : index
    %get3A_44 = vector.load %arg6[%get3A_42, %get3A_43] : memref<128x128xf32, #tpu.memory_space<vmem>>, vector<128x128xf32>
    %dot_general3A_45 = arith.constant dense<0.000000e+00> : vector<512x128xf32>
    %dot_general3A_46 = tpu.matmul %get3A_41, %get3A_44, %dot_general3A_45 {dimension_numbers = #tpu.dot_dimension_numbers<[1], [0], [0], [1], [0, 0, 1, 1], [], []>, precision = #tpu.contract_precision<fp32>, transpose_lhs_hint = false} : vector<512x128xf32>, vector<128x128xf32>, vector<512x128xf32> -> vector<512x128xf32>
    %add3A_47 = arith.addf %add3A_38, %dot_general3A_46 : vector<512x128xf32>
    %get3A_48 = arith.constant 0 : index
    %get3A_49 = arith.constant 0 : index
    %get3A_50 = vector.load %arg7[%get3A_48, %get3A_49] : memref<1x128xf32, #tpu.memory_space<vmem>>, vector<1x128xf32>
    %add3A_51 = vector.broadcast %get3A_50 : vector<1x128xf32> to vector<512x128xf32>
    %add3A_52 = arith.addf %add3A_47, %add3A_51 : vector<512x128xf32>
    %max3A_53 = arith.constant 0.000000e+00 : f32
    %max3A_54 = vector.broadcast %max3A_53 : f32 to vector<512x128xf32>
    %max3A_55 = arith.maximumf %add3A_52, %max3A_54 : vector<512x128xf32>
    %get3A_56 = arith.constant 0 : index
    %get3A_57 = arith.constant 0 : index
    %get3A_58 = arith.constant 0 : index
    %get3A_59 = vector.load %arg4[%get3A_56, %get3A_57, %get3A_58] : memref<1x512x1xi32, #tpu.memory_space<vmem>>, vector<1x512x1xi32>
    %get3A_60 = vector.shape_cast %get3A_59 : vector<1x512x1xi32> to vector<512x1xi32>
    %mul3A_61 = arith.constant 512 : i32
    %mul3A_62 = arith.muli %arg0, %mul3A_61 : i32
    %iota3A = tpu.iota {dimensions = array<i32: 0>} : vector<512x1xi32>
    %add3A_63 = vector.broadcast %mul3A_62 : i32 to vector<512x1xi32>
    %add3A_64 = arith.addi %add3A_63, %iota3A : vector<512x1xi32>
    %lt3A = arith.constant 10000 : i32
    %lt3A_65 = vector.broadcast %lt3A : i32 to vector<512x1xi32>
    %lt3A_66 = arith.cmpi slt, %add3A_64, %lt3A_65 : vector<512x1xi32>
    %reduce_min3A = vector.shape_cast %get3A_60 : vector<512x1xi32> to vector<1x512x1xi32>
    %reduce_min3A_67 = arith.constant dense<2147483647> : vector<1xi32>
    %reduce_min3A_68 = vector.multi_reduction <minsi>, %reduce_min3A, %reduce_min3A_67 [1, 2] : vector<1x512x1xi32> to vector<1xi32>
    %reduce_min3A_69 = vector.shape_cast %reduce_min3A_68 : vector<1xi32> to vector<1x1x1xi32>
    %reduce_min3A_70 = vector.extract %reduce_min3A_69[0, 0, 0] : i32 from vector<1x1x1xi32>
    %reduce_max3A = vector.shape_cast %get3A_60 : vector<512x1xi32> to vector<1x512x1xi32>
    %reduce_max3A_71 = arith.constant dense<-2147483648> : vector<1xi32>
    %reduce_max3A_72 = vector.multi_reduction <maxsi>, %reduce_max3A, %reduce_max3A_71 [1, 2] : vector<1x512x1xi32> to vector<1xi32>
    %reduce_max3A_73 = vector.shape_cast %reduce_max3A_72 : vector<1xi32> to vector<1x1x1xi32>
    %reduce_max3A_74 = vector.extract %reduce_max3A_73[0, 0, 0] : i32 from vector<1x1x1xi32>
    %add3A_75 = arith.constant 1 : i32
    %add3A_76 = arith.addi %reduce_max3A_74, %add3A_75 : i32
    %while3A = arith.constant 0 : i32
    %while3A_77 = arith.constant 0xFF800000 : f32
    %while3A_78 = arith.subi %add3A_76, %reduce_min3A_70 : i32
    %while3A_79 = arith.addi %reduce_min3A_70, %while3A_78 : i32
    %while3A_80 = arith.constant 1 : i32
    %while3A_81 = arith.divsi %while3A_78, %while3A_80 : i32
    %while3A_82 = arith.muli %while3A_81, %while3A_80 : i32
    %while3A_83 = arith.addi %reduce_min3A_70, %while3A_82 : i32
    %while3A_84 = arith.constant 1 : i32
    scf.for %while3A_91 = %reduce_min3A_70 to %while3A_83 step %while3A_84  : i32 {
      %eq3A_92 = vector.broadcast %while3A_91 : i32 to vector<512x1xi32>
      %eq3A_93 = arith.cmpi eq, %get3A_60, %eq3A_92 : vector<512x1xi32>
      %and3A = arith.andi %eq3A_93, %lt3A_66 : vector<512x1xi1>
      %broadcast_in_dim3A_94 = vector.shape_cast %and3A : vector<512x1xi1> to vector<512x1xi1>
      %broadcast_in_dim3A_95 = vector.broadcast %broadcast_in_dim3A_94 : vector<512x1xi1> to vector<512x128xi1>
      %broadcast_in_dim3A_96 = vector.broadcast %while3A_77 : f32 to vector<512x128xf32>
      %select_n3A = arith.select %broadcast_in_dim3A_95, %max3A_55, %broadcast_in_dim3A_96 : vector<512x128xi1>, vector<512x128xf32>
      %reduce_max3A_97 = arith.constant dense<0xFF800000> : vector<128xf32>
      %reduce_max3A_98 = vector.multi_reduction <maximumf>, %select_n3A, %reduce_max3A_97 [0] : vector<512x128xf32> to vector<128xf32>
      %broadcast_in_dim3A_99 = vector.shape_cast %reduce_max3A_98 : vector<128xf32> to vector<1x128xf32>
      %get3A_100 = arith.index_cast %while3A_91 : i32 to index
      %get3A_101 = arith.constant 0 : index
      %get3A_102 = vector.load %arg11[%get3A_100, %get3A_101] : memref<128x128xf32, #tpu.memory_space<vmem>>, vector<1x128xf32>
      %max3A_103 = arith.maximumf %get3A_102, %broadcast_in_dim3A_99 : vector<1x128xf32>
      %swap3A = arith.index_cast %while3A_91 : i32 to index
      %swap3A_104 = arith.constant 0 : index
      %swap3A_105 = vector.load %arg11[%swap3A, %swap3A_104] : memref<128x128xf32, #tpu.memory_space<vmem>>, vector<1x128xf32>
      tpu.vector_store %arg11[%swap3A, %swap3A_104], %max3A_103 {strides = array<i32>} : memref<128x128xf32, #tpu.memory_space<vmem>>, vector<1x128xf32>,
    }
    %while3A_85 = arith.constant 1 : i32
    scf.for %while3A_91 = %while3A_83 to %while3A_79 step %while3A_85  : i32 {
      %eq3A_92 = vector.broadcast %while3A_91 : i32 to vector<512x1xi32>
      %eq3A_93 = arith.cmpi eq, %get3A_60, %eq3A_92 : vector<512x1xi32>
      %and3A = arith.andi %eq3A_93, %lt3A_66 : vector<512x1xi1>
      %broadcast_in_dim3A_94 = vector.shape_cast %and3A : vector<512x1xi1> to vector<512x1xi1>
      %broadcast_in_dim3A_95 = vector.broadcast %broadcast_in_dim3A_94 : vector<512x1xi1> to vector<512x128xi1>
      %broadcast_in_dim3A_96 = vector.broadcast %while3A_77 : f32 to vector<512x128xf32>
      %select_n3A = arith.select %broadcast_in_dim3A_95, %max3A_55, %broadcast_in_dim3A_96 : vector<512x128xi1>, vector<512x128xf32>
      %reduce_max3A_97 = arith.constant dense<0xFF800000> : vector<128xf32>
      %reduce_max3A_98 = vector.multi_reduction <maximumf>, %select_n3A, %reduce_max3A_97 [0] : vector<512x128xf32> to vector<128xf32>
      %broadcast_in_dim3A_99 = vector.shape_cast %reduce_max3A_98 : vector<128xf32> to vector<1x128xf32>
      %get3A_100 = arith.index_cast %while3A_91 : i32 to index
      %get3A_101 = arith.constant 0 : index
      %get3A_102 = vector.load %arg11[%get3A_100, %get3A_101] : memref<128x128xf32, #tpu.memory_space<vmem>>, vector<1x128xf32>
      %max3A_103 = arith.maximumf %get3A_102, %broadcast_in_dim3A_99 : vector<1x128xf32>
      %swap3A = arith.index_cast %while3A_91 : i32 to index
      %swap3A_104 = arith.constant 0 : index
      %swap3A_105 = vector.load %arg11[%swap3A, %swap3A_104] : memref<128x128xf32, #tpu.memory_space<vmem>>, vector<1x128xf32>
      tpu.vector_store %arg11[%swap3A, %swap3A_104], %max3A_103 {strides = array<i32>} : memref<128x128xf32, #tpu.memory_space<vmem>>, vector<1x128xf32>,
    }
    %eq3A_86 = arith.constant 19 : i32
    %eq3A_87 = arith.cmpi eq, %arg0, %eq3A_86 : i32
    %convert_element_type3A_88 = arith.extui %eq3A_87 : i1 to i32
    %cond3A_89 = arith.constant 0 : i32
    %cond3A_90 = arith.cmpi ne, %convert_element_type3A_88, %cond3A_89 : i32
    scf.if %cond3A_90 {
      %get3A_91 = arith.constant 0 : index
      %get3A_92 = arith.constant 0 : index
      %get3A_93 = vector.load %arg11[%get3A_91, %get3A_92] : memref<128x128xf32, #tpu.memory_space<vmem>>, vector<128x128xf32>
      %get3A_94 = arith.constant 0 : index
      %get3A_95 = arith.constant 0 : index
      %get3A_96 = vector.load %arg8[%get3A_94, %get3A_95] : memref<2x128xf32, #tpu.memory_space<vmem>>, vector<2x128xf32>
      %dot_general3A_97 = arith.constant dense<0.000000e+00> : vector<128x2xf32>
      %dot_general3A_98 = tpu.matmul %get3A_93, %get3A_96, %dot_general3A_97 {dimension_numbers = #tpu.dot_dimension_numbers<[1], [1], [0], [0], [0, 0, 1, 0], [], []>, precision = #tpu.contract_precision<fp32>, transpose_lhs_hint = false} : vector<128x128xf32>, vector<2x128xf32>, vector<128x2xf32> -> vector<128x2xf32>
      %get3A_99 = arith.constant 0 : index
      %get3A_100 = arith.constant 0 : index
      %get3A_101 = vector.load %arg9[%get3A_99, %get3A_100] : memref<1x2xf32, #tpu.memory_space<vmem>>, vector<1x2xf32>
      %add3A_102 = vector.broadcast %get3A_101 : vector<1x2xf32> to vector<128x2xf32>
      %add3A_103 = arith.addf %dot_general3A_98, %add3A_102 : vector<128x2xf32>
      %reduce_max3A_104 = arith.constant dense<0xFF800000> : vector<128xf32>
      %reduce_max3A_105 = vector.multi_reduction <maximumf>, %add3A_103, %reduce_max3A_104 [1] : vector<128x2xf32> to vector<128xf32>
      %broadcast_in_dim3A_106 = vector.shape_cast %reduce_max3A_105 : vector<128xf32> to vector<128x1xf32>
      %sub3A = vector.broadcast %broadcast_in_dim3A_106 : vector<128x1xf32> to vector<128x2xf32>
      %sub3A_107 = arith.subf %add3A_103, %sub3A : vector<128x2xf32>
      %exp3A = math.exp %sub3A_107 : vector<128x2xf32>
      %reduce_sum3A_108 = arith.constant dense<0.000000e+00> : vector<128xf32>
      %reduce_sum3A_109 = vector.multi_reduction <add>, %exp3A, %reduce_sum3A_108 [1] : vector<128x2xf32> to vector<128xf32>
      %broadcast_in_dim3A_110 = vector.shape_cast %reduce_sum3A_109 : vector<128xf32> to vector<128x1xf32>
      %log3A = math.log %broadcast_in_dim3A_110 : vector<128x1xf32>
      %add3A_111 = arith.addf %log3A, %broadcast_in_dim3A_106 : vector<128x1xf32>
      %sub3A_112 = vector.broadcast %add3A_111 : vector<128x1xf32> to vector<128x2xf32>
      %sub3A_113 = arith.subf %add3A_103, %sub3A_112 : vector<128x2xf32>
      %swap3A = arith.constant 0 : index
      %swap3A_114 = arith.constant 0 : index
      %swap3A_115 = vector.load %arg10[%swap3A, %swap3A_114] : memref<128x2xf32, #tpu.memory_space<vmem>>, vector<128x2xf32>
      tpu.vector_store %arg10[%swap3A, %swap3A_114], %sub3A_113 {strides = array<i32>} : memref<128x2xf32, #tpu.memory_space<vmem>>, vector<128x2xf32>,
    } else {
    }
    return
  }
  func.func @transform_0(%arg0: i32) -> (i32, i32, i32) {
    %c0_i32 = arith.constant 0 : i32
    %c0_i32_0 = arith.constant 0 : i32
    %c0_i32_1 = arith.constant 0 : i32
    return %c0_i32, %arg0, %c0_i32_0 : i32, i32, i32
  }
  func.func @transform_1(%arg0: i32) -> (i32, i32, i32) {
    %c0_i32 = arith.constant 0 : i32
    %c0_i32_0 = arith.constant 0 : i32
    %c0_i32_1 = arith.constant 0 : i32
    return %c0_i32, %arg0, %c0_i32_0 : i32, i32, i32
  }
  func.func @transform_2(%arg0: i32) -> (i32, i32) {
    %c0_i32 = arith.constant 0 : i32
    %c0_i32_0 = arith.constant 0 : i32
    return %arg0, %c0_i32 : i32, i32
  }
  func.func @transform_3(%arg0: i32) -> (i32, i32, i32) {
    %c0_i32 = arith.constant 0 : i32
    %c0_i32_0 = arith.constant 0 : i32
    %c0_i32_1 = arith.constant 0 : i32
    return %arg0, %c0_i32, %c0_i32_0 : i32, i32, i32
  }
  func.func @transform_4(%arg0: i32) -> (i32, i32) {
    %c0_i32 = arith.constant 0 : i32
    %c0_i32_0 = arith.constant 0 : i32
    %c0_i32_1 = arith.constant 0 : i32
    return %c0_i32, %c0_i32_0 : i32, i32
  }
  func.func @transform_5(%arg0: i32) -> (i32, i32) {
    %c0_i32 = arith.constant 0 : i32
    %c0_i32_0 = arith.constant 0 : i32
    %c0_i32_1 = arith.constant 0 : i32
    return %c0_i32, %c0_i32_0 : i32, i32
  }
  func.func @transform_6(%arg0: i32) -> (i32, i32) {
    %c0_i32 = arith.constant 0 : i32
    %c0_i32_0 = arith.constant 0 : i32
    %c0_i32_1 = arith.constant 0 : i32
    return %c0_i32, %c0_i32_0 : i32, i32
  }
  func.func @transform_7(%arg0: i32) -> (i32, i32) {
    %c0_i32 = arith.constant 0 : i32
    %c0_i32_0 = arith.constant 0 : i32
    %c0_i32_1 = arith.constant 0 : i32
    return %c0_i32, %c0_i32_0 : i32, i32
  }
  func.func @transform_8(%arg0: i32) -> (i32, i32) {
    %c0_i32 = arith.constant 0 : i32
    %c0_i32_0 = arith.constant 0 : i32
    %c0_i32_1 = arith.constant 0 : i32
    return %c0_i32, %c0_i32_0 : i32, i32
  }
  func.func @transform_9(%arg0: i32) -> (i32, i32) {
    %c0_i32 = arith.constant 0 : i32
    %c0_i32_0 = arith.constant 0 : i32
    %c0_i32_1 = arith.constant 0 : i32
    return %c0_i32, %c0_i32_0 : i32, i32
  }
}

</mosaic_0001>

<sc_bundles>
// kernel: kernel.4.cloned.1.call-start
scs
__scs_entry_jumppad:
0x0: {  	(pc) =	sbr.rel $0x88, $3  }
0x1: {  	(tag) =	ssettag $0x0;
	lr =	simm.s32 $0x1  }
0x2: {  	[smem:$0x3F99] =	sst lr;
	_ =	strace $0xD0000000  }
0x3: {  	_ = 	snop  }
0x4: {  	_ = 	snop  }
0x5: {  	_ = 	snop  }
0x6: {  	_ = 	snop  }
0x7: {  	_ = 	snop  }
__scs_overlays_trampoline_lowered:
0x8: {  	[smem:$0x3FA8] =	sst s0  }
0x9: {  	[smem:$0x3FA9] =	sst s1  }
0xa: {  	[smem:$0x3FAA] =	sst s2  }
0xb: {  	[smem:$0x3FAB] =	sst s3  }
0xc: {  	[smem:$0x3FAC] =	sst s4  }
0xd: {  	[smem:$0x3FAD] =	sst s5  }
0xe: {  	[smem:$0x3FAE] =	sst s6  }
0xf: {  	[smem:$0x3FAF] =	sst s7  }
0x10: {  	[smem:$0x3FB0] =	sst s8  }
0x11: {  	[smem:$0x3FB1] =	sst s9;
	s0 =	simm.s32 @!p0 $0x0  }
0x12: {  	s1 =	sld [smem:$0x3F97];
	s0 =	simm.s32 @p0 $0x1  }
0x13: {  	[smem:$0x3FB2] =	sst s0;
	s0 =	simm.s32 @!p1 $0x0  }
0x14: {  	s2 =	sld [smem:$0x3F96];
	s0 =	simm.s32 @p1 $0x1  }
0x15: {  	[smem:$0x3FB3] =	sst s0;
	s0 =	simm.s32 @!p2 $0x0  }
0x16: {  	s3 =	sld [smem:$0x3FDB];
	s0 =	simm.s32 @p2 $0x1  }
0x17: {  	s4 =	simm.s32 $0x1BF5;
	[smem:$0x3FB5] =	sst s0  }
0x18: {  	s0 =	sld [smem:$0x3F98];
	_ =	swait.ge [sflag:s4], $0x0  }
0x19: {  	s7 =	sld [smem:$0x3F99]  }
0x1a: {  	s8 =	sadd.s32 $0xFFFFE003, lr  }
0x1b: {  	s9 =	sadd.s32 $0xFFFFFEF7, lr;
	s5 =	simm.s32 $0xFFFFFFFF;
	p2 =	slt.u32 s8, $0xFFFFF086  }
0x1c: {  	p1 =	slt.u32 s9, $0xF7A;
	s5 =	simm.s32 @!p2 $0x0  }
0x1d: {  	s5 =	simm.s32 @p1 $0x1;
	p0 =	seq.s32 s7, s2  }
0x1e: {  	s7 =	smul.u32 @!p0 $0xF7A, s2;
	p2 =	seq.s32 @!p0 s5, $0x0  }
0x1f: {  	s9 =	smul.u32 $0xF7A, s1;
	s8 =	simm.s32 @!p0 $0x1BF5;
	p2 =	por !p2, p0  }
0x20: {  	[sflag:s8] =	ssyncset.s32 @!p0 $0xFFFFF086;
	s6 =	sadd.s32 @!p0 s3, s7;
	s7 =	simm.s32 @!p0 $0x108  }
0x21: {  	s3 =	sadd.s32 s3, s9;
	s6 =	sadd.s32 @!p0 $0x88, s6;
	s7 =	simm.s32 @p2 $0x1082  }
0x22: {  	[simem:s7], [sflag:s8] =	dma.local @!p0 [hbm:s6], $0xF7A  }
0x23: {  	s9 =	sor.u32 $0xD0000000, s2;
	s6 =	simm.s32 $0x108;
	_ =	swait.ge @!p0 [sflag:s8], $0x0  }
0x24: {  	s3 =	sadd.s32 $0x88, s3;
	s6 =	simm.s32 @!p1 $0x1082;
	[sflag:s4] =	ssyncset.s32 $0xFFFFF086  }
0x25: {  	[simem:s6], [sflag:s4] =	dma.local [hbm:s3], $0xF7A  }
0x26: {  	[smem:$0x3F99] =	sst s1;
	(tag) =	ssettag s2;
	_ =	strace s9  }
0x27: {  	s1 =	sld [smem:$0x3FA9]  }
0x28: {  	s2 =	sld [smem:$0x3FAA]  }
0x29: {  	s4 =	sld [smem:$0x3FAC]  }
0x2a: {  	p0 =	seq.s32 s5, $0x0;
	s5 =	sld [smem:$0x3FAD]  }
0x2b: {  	s6 =	sld [smem:$0x3FAE]  }
0x2c: {  	s7 =	sld [smem:$0x3FAF]  }
0x2d: {  	s3 =	simm.s32 $0x108;
	s8 =	sld [smem:$0x3FB0]  }
0x2e: {  	s3 =	simm.s32 @!p0 $0x1082;
	s9 =	sld [smem:$0x3FB1]  }
0x2f: {  	lr =	sadd.s32 s0, s3;
	s0 =	sld [smem:$0x3FA8]  }
0x30: {  	s3 =	sld [smem:$0x3FAB]  }
0x31: {  	[smem:$0x3FB4] =	sst s10  }
0x32: {  	s10 =	sld [smem:$0x3FB2];
	_ =	sdelay $0x3  }
0x33: {  	p0 =	seq.s32 s10, $0x1;
	s10 =	sld [smem:$0x3FB4];
	_ =	sdelay $0x3  }
0x34: {  	[smem:$0x3FB4] =	sst s10  }
0x35: {  	s10 =	sld [smem:$0x3FB3];
	_ =	sdelay $0x3  }
0x36: {  	p1 =	seq.s32 s10, $0x1;
	s10 =	sld [smem:$0x3FB4];
	_ =	sdelay $0x3  }
0x37: {  	[smem:$0x3FB4] =	sst s10  }
0x38: {  	s10 =	sld [smem:$0x3FB5]  }
0x39: {  	_ = 	snop;
	(pc) =	sbr.ind lr, $3  }
0x3a: {  	_ = 	snop  }
0x3b: {  	_ = 	snop  }
0x3c: {  	p2 =	seq.s32 s10, $0x1;
	s10 =	sld [smem:$0x3FB4]  }
0x3d: {  	_ =	shalt  }
0x3e: {  	_ =	shalt  }
0x3f: {  	_ =	shalt  }
0x40: {  	_ =	shalt  }
0x41: {  	_ =	shalt  }
0x42: {  	_ =	shalt  }
0x43: {  	_ =	shalt  }
0x44: {  	_ =	shalt  }
0x45: {  	_ =	shalt  }
0x46: {  	_ =	shalt  }
0x47: {  	_ =	shalt  }
0x48: {  	_ =	shalt  }
0x49: {  	_ =	shalt  }
0x4a: {  	_ =	shalt  }
0x4b: {  	_ =	shalt  }
0x4c: {  	_ =	shalt  }
0x4d: {  	_ =	shalt  }
0x4e: {  	_ =	shalt  }
0x4f: {  	_ =	shalt  }
0x50: {  	_ =	shalt  }
0x51: {  	_ =	shalt  }
0x52: {  	_ =	shalt  }
0x53: {  	_ =	shalt  }
0x54: {  	_ =	shalt  }
0x55: {  	_ =	shalt  }
0x56: {  	_ =	shalt  }
0x57: {  	_ =	shalt  }
0x58: {  	_ =	shalt  }
0x59: {  	_ =	shalt  }
0x5a: {  	_ =	shalt  }
0x5b: {  	_ =	shalt  }
0x5c: {  	_ =	shalt  }
0x5d: {  	_ =	shalt  }
0x5e: {  	_ =	shalt  }
0x5f: {  	_ =	shalt  }
0x60: {  	_ =	shalt  }
0x61: {  	_ =	shalt  }
0x62: {  	_ =	shalt  }
0x63: {  	_ =	shalt  }
0x64: {  	_ =	shalt  }
0x65: {  	_ =	shalt  }
0x66: {  	_ =	shalt  }
0x67: {  	_ =	shalt  }
0x68: {  	_ =	shalt  }
0x69: {  	_ =	shalt  }
0x6a: {  	_ =	shalt  }
0x6b: {  	_ =	shalt  }
0x6c: {  	_ =	shalt  }
0x6d: {  	_ =	shalt  }
0x6e: {  	_ =	shalt  }
0x6f: {  	_ =	shalt  }
0x70: {  	_ =	shalt  }
0x71: {  	_ =	shalt  }
0x72: {  	_ =	shalt  }
0x73: {  	_ =	shalt  }
0x74: {  	_ =	shalt  }
0x75: {  	_ =	shalt  }
0x76: {  	_ =	shalt  }
0x77: {  	_ =	shalt  }
0x78: {  	_ =	shalt  }
0x79: {  	_ =	shalt  }
0x7a: {  	_ =	shalt  }
0x7b: {  	_ =	shalt  }
0x7c: {  	_ =	shalt  }
0x7d: {  	_ =	shalt  }
0x7e: {  	_ =	shalt  }
0x7f: {  	_ =	shalt  }
0x80: {  	_ =	shalt  }
0x81: {  	_ =	shalt  }
0x82: {  	_ =	shalt  }
0x83: {  	_ =	shalt  }
0x84: {  	_ =	shalt  }
0x85: {  	_ =	shalt  }
0x86: {  	_ =	shalt  }
0x87: {  	_ =	shalt  }
.Lfunc_end0:
.L_simem_size_0:
called_computation_lowered:
.L_overlay_start_0:
0x88: {  	s2 =	sld [smem:$0x3FD9]  }
0x89: {  	s3 =	sld [smem:$0x3FFE];
	_ =	sdelay $0x1  }
0x8a: {  	s1 =	srdreg.scid  }
0x8b: {  	s0 =	sand.u32 $0x1, s1  }
0x8c: {  	s16 =	sshll.u32 s0, $0xA;
	s2 =	sadd.s32 s3, s2  }
0x8d: {  	s2 =	sadd.s32 s2, s16  }
0x8e: {  	[smem:$0x3FC0] =	sst s2  }
0x8f: {  	_ = 	snop  }
0x90: {  	(tm) =	ssettm $0x1  }
0x91: {  	s17 =	sld [smem:$0x3FFB];
	_ =	sdelay $0x3  }
0x92: {  	_ =	strace s17  }
0x93: {  	s2 =	sld [smem:$0x3FFC];
	_ =	sdelay $0x3  }
0x94: {  	_ =	strace s2  }
0x95: {  	s2 =	sld [smem:$0x3FFD];
	_ =	sdelay $0x3  }
0x96: {  	_ =	strace s2  }
0x97: {  	_ =	strace $0x8FFFFFFF  }
0x98: {  	s18 =	sld [smem:$0x3FDB];
	_ =	sdelay $0x1  }
0x99: {  	s19 =	simm.s32 $_scs_section_size  }
0x9a: {  	s4 =	simm.s32 $_size__tile_overlayer_lowered;
	s5 =	simm.s32 $_tile_overlayer_lowered  }
0x9b: {  	s22 =	simm.s32 $0x1BFF;
	s21 =	sshll.u32 s5, $0x1;
	s2 =	sadd.s32 s19, s18  }
0x9c: {  	s6 =	simm.s32 $0x0;
	s20 =	sshll.u32 s4, $0x1;
	s4 =	sadd.s32 s21, s2  }
0x9d: {  	[timem:s6], [sflag:s22] =	dma.local [hbm:s4], s20  }
0x9e: {  	_ =	swait.ge [sflag:s22], s20  }
0x9f: {  	s3 =	ssub.s32 $0x0, s20;
	[sflag:s22] =	ssyncset.done $0x0  }
0xa0: {  	[sflag:s22] =	ssyncadd.s32 s3;
	_ =	sdelay $0x1  }
0xa1: {  	s23 =	simm.s32 $0x1B8B  }
0xa2: {  	_ =	swait.ge [sflag:s23], $0x1  }
0xa3: {  	[sflag:s23] =	ssyncset.done $0x0  }
0xa4: {  	s25 =	simm.s32 $0x1B8E;
	s24 =	sld [smem:$0x3FFE];
	[sflag:s23] =	ssyncadd.s32 $0xFFFFFFFF  }
0xa5: {  	s26 =	simm.s32 $execute0_lowered;
	[smem:$0x3FD2] =	sst s25  }
0xa6: {  	s4 =	sshll.u32 s26, $0x1;
	_ =	strace $0x80000046;
	[dreg:$0x1] =	wrdreg $0xFFFFFFFF  }
0xa7: {  	s28 =	simm.s32 $_size_execute0_lowered;
	s2 =	sadd.s32 s2, s4;
	[dreg:$0x0] =	wrdreg $0x0  }
0xa8: {  	s4 =	sshll.u32 s28, $0x1;
	[dreg:$0x2] =	wrdreg s2  }
0xa9: {  	[dreg:$0x3] =	wrdreg s4  }
0xaa: {  	[dreg:$0x4] =	wrdreg $0xC0  }
0xab: {  	_ =	task [dreg:s6], $0x5FFFF  }
0xac: {  	[dreg:$0x1] =	wrdreg $0xFFFFFFFF  }
0xad: {  	[dreg:$0x0] =	wrdreg $0x60  }
0xae: {  	[dreg:$0x2] =	wrdreg s24  }
0xaf: {  	[dreg:$0x3] =	wrdreg $0x88000  }
0xb0: {  	[dreg:$0x4] =	wrdreg $0x128000  }
0xb1: {  	[dreg:$0x5] =	wrdreg $0x1C8000  }
0xb2: {  	[dreg:$0x6] =	wrdreg $0x9  }
0xb3: {  	_ =	task.clear_ibuf [dreg:s6], $0x7FFFF;
	_ =	strace $0x90000046  }
0xb4: {  	s29 =	simm.s32 $0x9;
	_ =	strace $0x80000048  }
0xb5: {  	_ =	swait.ge [sflag:s29], $0x1  }
0xb6: {  	[sflag:s29] =	ssyncadd.s32 $0xFFFFFFFF  }
0xb7: {  	_ =	strace $0x90000048  }
0xb8: {  	_ =	sfence  }
0xb9: {  	s30 =	sld [smem:$0x0];
	_ =	sdelay $0x2  }
0xba: {  	s31 =	sshll.u32 s1, $0xD;
	s1 =	sshrl.u32 s1, $0x2  }
0xbb: {  	s3 =	sand.u32 $0x4000, s31;
	s1 =	sadd.s32 s1, s30  }
0xbc: {  	s0 =	sor.u32 s3, s0;
	s1 =	sshll.u32 s1, $0x11  }
0xbd: {  	s0 =	sor.u32 s1, s0  }
0xbe: {  	s0 =	sadd.s32 $0x8F2B, s0  }
0xbf: {  	[sflag:s0] =	ssyncadd.remote.s32 $0x1  }
0xc0: {  	_ =	sfence.sel $0xFFFF  }
0xc1: {  	[dreg:$0x0] =	wrdreg $0xFFFFFFFF;
	(pc) =	sbr.abs _section_cstart, $3  }
0xc2: {  	[dreg:$0x1] =	wrdreg $0xFFFFFFFF  }
0xc3: {  	_ =	task.clear_ibuf [dreg:s6], $0x2FFFF;
	_ =	strace $0x9FFFFFFF  }
0xc4: {  	(tm) =	ssettm $0x7FFFFFFF  }
0xc5: {  	_ =	shalt  }
tec
execute0_lowered:
.L_overlay_start_1:
0x0: {  	(tag) =	ssettag $0x1  }
0x1: {  	s13 =	stileid.u32  }
0x2: {  	s7 =	smul.u32 $0x5000, s13  }
0x3: {  	s0 =	rddreg [dreg:$0x0];
	s8 =	smul.u32 $0xA000, s13  }
0x4: {  	s2 =	srdreg.scid;
	s11 =	smul.u32 $0x2800, s13  }
0x5: {  	s1 =	rddreg [dreg:$0x1];
	s2 =	sand.u32 $0x1, s2;
	s13 =	smul.u32 $0x280, s13  }
0x6: {  	s3 =	rddreg [dreg:$0x2];
	s6 =	smul.u32 $0x50000, s2  }
0x7: {  	s4 =	rddreg [dreg:$0x3];
	s5 =	simm.s32 $0x0;
	s9 =	smul.u32 $0xA0000, s2  }
0x8: {  	[smem:$0x7FF] =	sst s5;
	s12 =	smul.u32 $0x28000, s2  }
0x9: {  	_ =	strace $0x80000047;
	s17 =	smul.u32 $0x2800, s2;
	s19 =	ssub.s32 $0x2, s2  }
0xa: {  	p0 =	sne.s32 s2, $0x0;
	s21 =	sadd.s32 s8, s1;
	s22 =	sadd.s32 $0x2000, s8  }
0xb: {  	s6 =	sadd.s32 s7, s6;
	s7 =	sshrl.u32 s7, $0x3;
	s9 =	sadd.s32 s8, s9  }
0xc: {  	s18 =	sadd.s32 s11, s12;
	[dreg:$0x6] =	wrdreg s21;
	s23 =	sadd.s32 s22, s1  }
0xd: {  	s12 =	sadd.s32 s8, s3;
	s26 =	sshrl.u32 s22, $0x2;
	s10 =	sshrl.u32 s6, $0x3  }
0xe: {  	s6 =	sadd.s32 $0x1C00, s0;
	s14 =	sadd.s32 s7, s0;
	s16 =	sshrl.u32 s9, $0x3  }
0xf: {  	s7 =	sshrl.u32 s18, $0x3;
	s9 =	sadd.s32 s13, s17;
	[dreg:$0x7] =	wrdreg s23  }
0x10: {  	s17 =	sadd.s32 $0x4000, s8;
	s18 =	sadd.s32 $0x6000, s8;
	s13 =	sadd.s32 s11, s4  }
0x11: {  	s10 =	sadd.s32 s10, s0;
	s15 =	sadd.s32 s16, s0;
	s16 =	sshrl.u32 s19, $0x1  }
0x12: {  	s0 =	sadd.s32 s7, s0;
	s20 =	sshll.u32 s9, $0x3;
	s24 =	sadd.s32 s17, s1  }
0x13: {  	s25 =	sadd.s32 s18, s1;
	s9 =	sadd.s32 s22, s3;
	[dreg:$0x8] =	wrdreg s24  }
0x14: {  	s11 =	sshrl.u32 s17, $0x2;
	s17 =	sadd.s32 s17, s3;
	[dreg:$0x9] =	wrdreg s25  }
0x15: {  	s21 =	sshrl.u32 s18, $0x2;
	s16 =	ssub.s32 s19, s16;
	[dreg:$0xa] =	wrdreg s9  }
0x16: {  	s19 =	sadd.s32 $0x8000, s8;
	s8 =	sadd.s32 s26, s4;
	[dreg:$0xc] =	wrdreg s17  }
0x17: {  	s7 =	sadd.s32 s6, s20;
	s20 =	sadd.s32 s18, s3;
	[dreg:$0xb] =	wrdreg s8  }
0x18: {  	p1 =	seq.s32 s2, $0x0;
	s2 =	sadd.s32 s21, s4;
	[dreg:$0xe] =	wrdreg s20  }
0x19: {  	s25 =	sadd.s32 $0x29C00, s10;
	[dreg:$0xf] =	wrdreg s2  }
0x1a: {  	s26 =	sadd.s32 $0x29E00, s10;
	[dreg:$0x13] =	wrdreg s25  }
0x1b: {  	s9 =	sadd.s32 $0x2A200, s10;
	[dreg:$0x14] =	wrdreg s26  }
0x1c: {  	s17 =	sadd.s32 $0x3DE00, s14;
	[dreg:$0x16] =	wrdreg s9  }
0x1d: {  	s18 =	sadd.s32 $0x3E000, s14;
	[dreg:$0x19] =	wrdreg s17  }
0x1e: {  	s21 =	sadd.s32 $0x51C00, s15;
	[dreg:$0x1a] =	wrdreg s18  }
0x1f: {  	s0 =	sadd.s32 $0x47C00, s0;
	[dreg:$0x1d] =	wrdreg s21  }
0x20: {  	[dreg:$0x1e] =	wrdreg s0  }
0x21: {  	s8 =	sadd.s32 s11, s4;
	[dreg:$0x5] =	wrdreg s7  }
0x22: {  	s22 =	sadd.s32 s19, s1;
	[dreg:$0xd] =	wrdreg s8  }
0x23: {  	s24 =	sadd.s32 s19, s3;
	[dreg:$0x10] =	wrdreg s22  }
0x24: {  	s11 =	sadd.s32 $0x3DC00, s14;
	[dreg:$0x11] =	wrdreg s24  }
0x25: {  	s23 =	sshrl.u32 s19, $0x2;
	s19 =	sadd.s32 $0x3E200, s14;
	[dreg:$0x18] =	wrdreg s11  }
0x26: {  	s28 =	simm.s32 $0x2;
	s20 =	sadd.s32 $0x3E400, s14;
	[dreg:$0x1b] =	wrdreg s19  }
0x27: {  	s29 =	simm.s32 $0x2F00;
	s25 =	sadd.s32 $0xC00, s7;
	[dreg:$0x1c] =	wrdreg s20  }
0x28: {  	s30 =	simm.s32 $0x3;
	s26 =	sadd.s32 $0x1000, s7;
	[smem:$0x7FC] =	sst s25  }
0x29: {  	s31 =	simm.s32 $0x4;
	s2 =	sadd.s32 s23, s4;
	[smem:$0x7FD] =	sst s26  }
0x2a: {  	s17 =	simm.s32 $0x4000;
	s8 =	sadd.s32 $0x2A000, s10;
	[dreg:$0x12] =	wrdreg s2  }
0x2b: {  	s18 =	simm.s32 $0x5;
	s10 =	sadd.s32 $0x2A400, s10;
	[dreg:$0x15] =	wrdreg s8  }
0x2c: {  	s21 =	simm.s32 $0x80;
	s22 =	smax.u32 s16, $0x1;
	[dreg:$0x17] =	wrdreg s10  }
0x2d: {  	s23 =	sadd.s32 $0x400, s7;
	s24 =	sadd.s32 $0x800, s7;
	[dreg:$0x1f] =	wrdreg s22  }
0x2e: {  	s19 =	simm.s32 $0x8000;
	s20 =	simm.s32 $0x2000;
	[smem:$0x7FA] =	sst s23  }
0x2f: {  	s25 =	simm.s32 $0x1;
	s26 =	simm.s32 $0x6;
	[smem:$0x7FB] =	sst s24  }
0x30: {  	v0 =	vimm.f32 $0.0e+00;
	v1 =	vimm.f32 $6.250000000e-02;
	s22 =	simm.s32 $0x6000;
	s23 =	simm.s32 $0x1000;
	s24 =	simm.s32 $0x0  }
.LBB2_1:
0x31: {  	s0 =	rddreg [dreg:$0x5]  }
0x32: {  	[tilespmem:s17], [sflag:$0x5] =	stream.linear.gather [hbm4b:s0+s5], $0x2000, $0x38;
	[tilespmem:$0x1F000] =	vst v63  }
0x33: {  	_ =	swait.ge [sflag:s18], $0x2000  }
0x34: {  	[sflag:s18] =	ssyncset.done $0x0  }
0x35: {  	s2 =	rddreg [dreg:$0x6];
	[sflag:s18] =	ssyncadd.s32 $0xFFFFE000  }
0x36: {  	[spmem:s2] =	stream.linear.scatter [tilespmem:s17], [sflag:$0x5], $0x2000, $0x38;
	[tilespmem:$0x1F000] =	vst v63  }
0x37: {  	_ =	swait.ge [sflag:s18], $0x2000  }
0x38: {  	s7 =	sld [smem:$0x7FA]  }
0x39: {  	[sflag:s18] =	ssyncset.done $0x0  }
0x3a: {  	[sflag:s18] =	ssyncadd.s32 $0xFFFFE000  }
0x3b: {  	[tilespmem:s17], [sflag:$0x5] =	stream.linear.gather [hbm4b:s7+s5], $0x2000, $0x38;
	[tilespmem:$0x1F000] =	vst v63  }
0x3c: {  	_ =	swait.ge [sflag:s18], $0x2000  }
0x3d: {  	[sflag:s18] =	ssyncset.done $0x0  }
0x3e: {  	s8 =	rddreg [dreg:$0x7];
	[sflag:s18] =	ssyncadd.s32 $0xFFFFE000  }
0x3f: {  	[spmem:s8] =	stream.linear.scatter [tilespmem:s17], [sflag:$0x5], $0x2000, $0x38;
	[tilespmem:$0x1F000] =	vst v63  }
0x40: {  	_ =	swait.ge [sflag:s18], $0x2000  }
0x41: {  	s9 =	sld [smem:$0x7FB]  }
0x42: {  	[sflag:s18] =	ssyncset.done $0x0  }
0x43: {  	[sflag:s18] =	ssyncadd.s32 $0xFFFFE000  }
0x44: {  	[tilespmem:s17], [sflag:$0x5] =	stream.linear.gather [hbm4b:s9+s5], $0x2000, $0x38;
	[tilespmem:$0x1F000] =	vst v63  }
0x45: {  	_ =	swait.ge [sflag:s18], $0x2000  }
0x46: {  	[sflag:s18] =	ssyncset.done $0x0  }
0x47: {  	s10 =	rddreg [dreg:$0x8];
	[sflag:s18] =	ssyncadd.s32 $0xFFFFE000  }
0x48: {  	[spmem:s10] =	stream.linear.scatter [tilespmem:s17], [sflag:$0x5], $0x2000, $0x38;
	[tilespmem:$0x1F000] =	vst v63  }
0x49: {  	_ =	swait.ge [sflag:s18], $0x2000  }
0x4a: {  	s11 =	sld [smem:$0x7FC]  }
0x4b: {  	[sflag:s18] =	ssyncset.done $0x0  }
0x4c: {  	[sflag:s18] =	ssyncadd.s32 $0xFFFFE000  }
0x4d: {  	[tilespmem:s17], [sflag:$0x5] =	stream.linear.gather [hbm4b:s11+s5], $0x2000, $0x38;
	[tilespmem:$0x1F000] =	vst v63  }
0x4e: {  	_ =	swait.ge [sflag:s18], $0x2000  }
0x4f: {  	[sflag:s18] =	ssyncset.done $0x0  }
0x50: {  	s14 =	rddreg [dreg:$0x9];
	[sflag:s18] =	ssyncadd.s32 $0xFFFFE000  }
0x51: {  	[spmem:s14] =	stream.linear.scatter [tilespmem:s17], [sflag:$0x5], $0x2000, $0x38;
	[tilespmem:$0x1F000] =	vst v63  }
0x52: {  	_ =	swait.ge [sflag:s18], $0x2000  }
0x53: {  	s15 =	sld [smem:$0x7FD]  }
0x54: {  	[sflag:s18] =	ssyncset.done $0x0  }
0x55: {  	[sflag:s18] =	ssyncadd.s32 $0xFFFFE000  }
0x56: {  	[tilespmem:s17], [sflag:$0x5] =	stream.linear.gather [hbm4b:s15+s5], $0x2000, $0x38;
	[tilespmem:$0x1F000] =	vst v63  }
0x57: {  	_ =	swait.ge [sflag:s18], $0x2000  }
0x58: {  	[sflag:s18] =	ssyncset.done $0x0  }
0x59: {  	s16 =	rddreg [dreg:$0x10];
	[sflag:s18] =	ssyncadd.s32 $0xFFFFE000  }
0x5a: {  	[spmem:s16] =	stream.linear.scatter [tilespmem:s17], [sflag:$0x5], $0x2000, $0x38;
	[tilespmem:$0x1F000] =	vst v63  }
0x5b: {  	_ =	swait.ge [sflag:s18], $0x2000  }
0x5c: {  	[sflag:s18] =	ssyncset.done $0x0  }
0x5d: {  	s8 =	simm.s32 $0x0;
	[sflag:s18] =	ssyncadd.s32 $0xFFFFE000  }
.LBB2_2:
0x5e: {  	p2 =	sne.s32 s8, $0x7F00  }
.Ltmp0:
0x5f: {  	s9 =	sshra.s32 s8, $0x2;
	(pc) =	sbr.rel @p2 .LBB2_2-.Ltmp0, $4  }
0x60: {  	[tilespmem:s9+$0x4000] =	vst v0  }
0x61: {  	[tilespmem:s9+$0x4010] =	vst v0  }
0x62: {  	[tilespmem:s9+$0x4020] =	vst v0  }
0x63: {  	s8 =	sadd.s32 $0x100, s8;
	[tilespmem:s9+$0x4030] =	vst v0  }
0x64: {  	s8 =	simm.s32 $0x40;
	s9 =	simm.s32 $0x0  }
.LBB2_4:
0x65: {  	p2 =	sne.s32 s8, $0x1FC0;
	[tilespmem:s9+$0x8000] =	vst v0;
	s9 =	smov.u32 s8;
	s8 =	sadd.s32 $0x40, s8  }
.Ltmp1:
0x66: {  	(pc) =	sbr.rel @p2 .LBB2_4-.Ltmp1, $2  }
0x67: {  	_ =	sdelay $0x2  }
0x68: {  	s9 =	sshra.s32 s9, $0x2  }
0x69: {  	[tilespmem:s9+$0x8000] =	vst v0  }
0x6a: {  	[spmem:s12] =	stream.linear.scatter [tilespmem:s17], [sflag:$0x5], $0x2000, $0x38;
	[tilespmem:$0x1F000] =	vst v63  }
0x6b: {  	_ =	swait.ge [sflag:s18], $0x2000  }
0x6c: {  	[sflag:s18] =	ssyncset.done $0x0  }
0x6d: {  	[sflag:s18] =	ssyncadd.s32 $0xFFFFE000  }
0x6e: {  	[spmem:s13] =	stream.linear.scatter [tilespmem:s19], [sflag:$0x5], $0x800, $0x38;
	[tilespmem:$0x1F000] =	vst v63  }
0x6f: {  	_ =	swait.ge [sflag:s18], $0x800  }
0x70: {  	[sflag:s18] =	ssyncset.done $0x0  }
0x71: {  	s0 =	rddreg [dreg:$0xa];
	[sflag:s18] =	ssyncadd.s32 $0xFFFFF800  }
0x72: {  	[spmem:s0] =	stream.linear.scatter [tilespmem:s17], [sflag:$0x5], $0x2000, $0x38;
	[tilespmem:$0x1F000] =	vst v63  }
0x73: {  	_ =	swait.ge [sflag:s18], $0x2000  }
0x74: {  	[sflag:s18] =	ssyncset.done $0x0  }
0x75: {  	s8 =	rddreg [dreg:$0xb];
	[sflag:s18] =	ssyncadd.s32 $0xFFFFE000  }
0x76: {  	[spmem:s8] =	stream.linear.scatter [tilespmem:s19], [sflag:$0x5], $0x800, $0x38;
	[tilespmem:$0x1F000] =	vst v63  }
0x77: {  	_ =	swait.ge [sflag:s18], $0x800  }
0x78: {  	[sflag:s18] =	ssyncset.done $0x0  }
0x79: {  	s9 =	rddreg [dreg:$0xc];
	[sflag:s18] =	ssyncadd.s32 $0xFFFFF800  }
0x7a: {  	[spmem:s9] =	stream.linear.scatter [tilespmem:s17], [sflag:$0x5], $0x2000, $0x38;
	[tilespmem:$0x1F000] =	vst v63  }
0x7b: {  	_ =	swait.ge [sflag:s18], $0x2000  }
0x7c: {  	[sflag:s18] =	ssyncset.done $0x0  }
0x7d: {  	s10 =	rddreg [dreg:$0xd];
	[sflag:s18] =	ssyncadd.s32 $0xFFFFE000  }
0x7e: {  	[spmem:s10] =	stream.linear.scatter [tilespmem:s19], [sflag:$0x5], $0x800, $0x38;
	[tilespmem:$0x1F000] =	vst v63  }
0x7f: {  	_ =	swait.ge [sflag:s18], $0x800  }
0x80: {  	[sflag:s18] =	ssyncset.done $0x0  }
0x81: {  	s11 =	rddreg [dreg:$0xe];
	[sflag:s18] =	ssyncadd.s32 $0xFFFFF800  }
0x82: {  	[spmem:s11] =	stream.linear.scatter [tilespmem:s17], [sflag:$0x5], $0x2000, $0x38;
	[tilespmem:$0x1F000] =	vst v63  }
0x83: {  	_ =	swait.ge [sflag:s18], $0x2000  }
0x84: {  	[sflag:s18] =	ssyncset.done $0x0  }
0x85: {  	s14 =	rddreg [dreg:$0xf];
	[sflag:s18] =	ssyncadd.s32 $0xFFFFE000  }
0x86: {  	[spmem:s14] =	stream.linear.scatter [tilespmem:s19], [sflag:$0x5], $0x800, $0x38;
	[tilespmem:$0x1F000] =	vst v63  }
0x87: {  	_ =	swait.ge [sflag:s18], $0x800  }
0x88: {  	[sflag:s18] =	ssyncset.done $0x0  }
0x89: {  	s15 =	rddreg [dreg:$0x11];
	[sflag:s18] =	ssyncadd.s32 $0xFFFFF800  }
0x8a: {  	[spmem:s15] =	stream.linear.scatter [tilespmem:s17], [sflag:$0x5], $0x2000, $0x38;
	[tilespmem:$0x1F000] =	vst v63  }
0x8b: {  	_ =	swait.ge [sflag:s18], $0x2000  }
0x8c: {  	[sflag:s18] =	ssyncset.done $0x0  }
0x8d: {  	s16 =	rddreg [dreg:$0x12];
	[sflag:s18] =	ssyncadd.s32 $0xFFFFE000  }
0x8e: {  	[spmem:s16] =	stream.linear.scatter [tilespmem:s19], [sflag:$0x5], $0x800, $0x38;
	[tilespmem:$0x1F000] =	vst v63  }
0x8f: {  	_ =	swait.ge [sflag:s18], $0x800  }
0x90: {  	[sflag:s18] =	ssyncset.done $0x0  }
0x91: {  	s8 =	simm.s32 $0x40;
	s9 =	simm.s32 $0x0;
	[sflag:s18] =	ssyncadd.s32 $0xFFFFF800  }
.LBB2_6:
0x92: {  	p2 =	sne.s32 s8, $0x1FC0;
	[tilespmem:s9+$0x8000] =	vst v1;
	s9 =	smov.u32 s8;
	s8 =	sadd.s32 $0x40, s8  }
.Ltmp2:
0x93: {  	(pc) =	sbr.rel @p2 .LBB2_6-.Ltmp2, $2  }
0x94: {  	_ =	sdelay $0x2  }
0x95: {  	s9 =	sshra.s32 s9, $0x2  }
0x96: {  	[tilespmem:s9+$0x8000] =	vst v1;
	s8 =	simm.s32 $0x0;
	s0 =	rddreg [dreg:$0x13]  }
0x97: {  	[tilespmem:s8], [sflag:$0x5] =	stream.linear.gather [hbm4b:s0+s8], $0x1000, $0x38;
	[tilespmem:$0x1F000] =	vst v63  }
0x98: {  	_ =	swait.ge [sflag:s18], $0x1000  }
0x99: {  	[sflag:s18] =	ssyncset.done $0x0  }
0x9a: {  	s9 =	rddreg [dreg:$0x18];
	[sflag:s18] =	ssyncadd.s32 $0xFFFFF000  }
0x9b: {  	[tilespmem:s20], [sflag:$0x5] =	stream.linear.gather [hbm4b:s9+s8], $0x1000, $0x38;
	[tilespmem:$0x1F000] =	vst v63  }
0x9c: {  	_ =	swait.ge [sflag:s18], $0x1000  }
0x9d: {  	[sflag:s18] =	ssyncset.done $0x0  }
0x9e: {  	[sflag:s18] =	ssyncadd.s32 $0xFFFFF000  }
0x9f: {  	[bflag:$0x0] =	sbarrier.arrive $0xFFFF  }
0xa0: {  	[tilespmem:s17], [sflag:$0x1] =	stream.indirect.gather [spmem:s1], $0x40, s8, s21, $0xb8;
	[tilespmem:$0x1F000] =	vst v63  }
0xa1: {  	_ = 	snop  }
0xa2: {  	[tilespmem:s22], [sflag:$0x2] =	stream.indirect.gather [hbm4b:s6+s21], $0x40, s21, s21, $0xb8;
	[tilespmem:$0x1F000] =	vst v63  }
0xa3: {  	s10 =	rddreg [dreg:$0x14]  }
0xa4: {  	[tilespmem:s23], [sflag:$0x3] =	stream.linear.gather [hbm4b:s10+s8], $0x1000, $0x38;
	[tilespmem:$0x1F000] =	vst v63  }
0xa5: {  	s2 =	simm.s32 $0x3000;
	s11 =	rddreg [dreg:$0x19]  }
0xa6: {  	[tilespmem:s2], [sflag:$0x4] =	stream.linear.gather [hbm4b:s11+s8], $0x1000, $0x38;
	[tilespmem:$0x1F000] =	vst v63  }
0xa7: {  	_ =	swait.ge [sflag:s25], $0x2000  }
0xa8: {  	[sflag:s25] =	ssyncset.done $0x0  }
0xa9: {  	s11 =	simm.s32 $0x2000;
	[sflag:s25] =	ssyncadd.s32 $0xFFFFE000  }
0xaa: {  	[spmem:s3] =	stream.indirect.scatter.add.f32 [tilespmem:s17], [sflag:$0x6], $0x40, s11, s21, $0xb8;
	[tilespmem:$0x1F000] =	vst v63  }
0xab: {  	_ =	swait.ge [sflag:s26], $0x2000  }
0xac: {  	[sflag:s26] =	ssyncset.done $0x0  }
0xad: {  	s14 =	simm.s32 $0x100;
	[sflag:s26] =	ssyncadd.s32 $0xFFFFE000  }
0xae: {  	[tilespmem:s17], [sflag:$0x1] =	stream.indirect.gather [spmem:s1], $0x40, s14, s21, $0xb8;
	[tilespmem:$0x1F000] =	vst v63  }
0xaf: {  	s9 =	simm.s32 @!p0 $0x8000;
	s10 =	simm.s32 @!p0 $0x6;
	s8 =	simm.s32 @!p0 $0x80  }
0xb0: {  	[spmem:s4] =	stream.indirect.scatter.add.f32 @!p0 [tilespmem:s9], [sflag:$0x6], $0x10, s11, s8, $0xb8;
	[tilespmem:$0x1F000] =	vst v63  }
0xb1: {  	_ =	swait.ge @!p0 [sflag:s10], $0x800  }
0xb2: {  	[sflag:s10] =	ssyncset.done @!p0 $0x0  }
0xb3: {  	[sflag:s10] =	ssyncadd.s32 @!p0 $0xFFFFF800  }
0xb4: {  	_ =	swait.ge [sflag:s28], $0x2000  }
0xb5: {  	[sflag:s28] =	ssyncset.done $0x0  }
0xb6: {  	s16 =	simm.s32 $0x2080;
	[sflag:s28] =	ssyncadd.s32 $0xFFFFE000  }
0xb7: {  	[spmem:s3] =	stream.indirect.scatter.add.f32 [tilespmem:s22], [sflag:$0x6], $0x40, s16, s21, $0xb8;
	[tilespmem:$0x1F000] =	vst v63  }
0xb8: {  	_ =	swait.ge [sflag:s26], $0x2000  }
0xb9: {  	[sflag:s26] =	ssyncset.done $0x0  }
0xba: {  	s15 =	simm.s32 $0x180;
	[sflag:s26] =	ssyncadd.s32 $0xFFFFE000  }
0xbb: {  	[tilespmem:s22], [sflag:$0x2] =	stream.indirect.gather [hbm4b:s6+s21], $0x40, s15, s21, $0xb8;
	[tilespmem:$0x1F000] =	vst v63  }
0xbc: {  	s14 =	simm.s32 @!p1 $0x5;
	s11 =	simm.s32 @!p1 $0x80;
	s15 =	simm.s32 @!p1 $0x8000  }
0xbd: {  	[spmem:s4] =	stream.indirect.scatter.add.f32 @!p1 [tilespmem:s15], [sflag:$0x5], $0x10, s16, s11, $0xb8;
	[tilespmem:$0x1F000] =	vst v63  }
0xbe: {  	_ =	swait.ge @!p1 [sflag:s14], $0x800  }
0xbf: {  	s16 =	simm.s32 $0x400;
	[sflag:s14] =	ssyncset.done @!p1 $0x0  }
.LBB2_8:
0xc0: {  	[sflag:s14] =	ssyncadd.s32 @!p1 $0xFFFFF800;
	s2 =	smov.u32 s16;
	s16 =	sadd.s32 $0x400, s16  }
0xc1: {  	p2 =	sne.s32 s16, $0x3C00  }
0xc2: {  	_ =	swait.ge [sflag:s25], $0x2000  }
0xc3: {  	s2 =	sshra.s32 s2, $0x2;
	[sflag:s25] =	ssyncset.done $0x0  }
0xc4: {  	s0 =	sadd.s32 $0x2000, s2;
	[sflag:s25] =	ssyncadd.s32 $0xFFFFE000  }
0xc5: {  	[spmem:s3] =	stream.indirect.scatter.add.f32 [tilespmem:s17], [sflag:$0x6], $0x40, s0, s21, $0xb8;
	[tilespmem:$0x1F000] =	vst v63  }
0xc6: {  	_ =	swait.ge [sflag:s26], $0x2000  }
0xc7: {  	[sflag:s26] =	ssyncset.done $0x0  }
0xc8: {  	s7 =	sadd.s32 $0x100, s2;
	[sflag:s26] =	ssyncadd.s32 $0xFFFFE000  }
0xc9: {  	[tilespmem:s17], [sflag:$0x1] =	stream.indirect.gather [spmem:s1], $0x40, s7, s21, $0xb8;
	[tilespmem:$0x1F000] =	vst v63  }
0xca: {  	_ = 	snop  }
0xcb: {  	[spmem:s4] =	stream.indirect.scatter.add.f32 @!p0 [tilespmem:s9], [sflag:$0x6], $0x10, s0, s8, $0xb8;
	[tilespmem:$0x1F000] =	vst v63  }
0xcc: {  	_ =	swait.ge @!p0 [sflag:s10], $0x800  }
0xcd: {  	[sflag:s10] =	ssyncset.done @!p0 $0x0  }
0xce: {  	[sflag:s10] =	ssyncadd.s32 @!p0 $0xFFFFF800  }
0xcf: {  	_ =	swait.ge [sflag:s28], $0x2000  }
0xd0: {  	[sflag:s28] =	ssyncset.done $0x0  }
0xd1: {  	s0 =	sadd.s32 $0x2080, s2;
	[sflag:s28] =	ssyncadd.s32 $0xFFFFE000  }
0xd2: {  	[spmem:s3] =	stream.indirect.scatter.add.f32 [tilespmem:s22], [sflag:$0x6], $0x40, s0, s21, $0xb8;
	[tilespmem:$0x1F000] =	vst v63  }
0xd3: {  	_ =	swait.ge [sflag:s26], $0x2000  }
0xd4: {  	[sflag:s26] =	ssyncset.done $0x0  }
0xd5: {  	s2 =	sadd.s32 $0x180, s2;
	[sflag:s26] =	ssyncadd.s32 $0xFFFFE000  }
0xd6: {  	[tilespmem:s22], [sflag:$0x2] =	stream.indirect.gather [hbm4b:s6+s21], $0x40, s2, s21, $0xb8;
	[tilespmem:$0x1F000] =	vst v63  }
.Ltmp3:
0xd7: {  	_ = 	snop;
	(pc) =	sbr.rel @p2 .LBB2_8-.Ltmp3, $4  }
0xd8: {  	_ = 	snop  }
0xd9: {  	[spmem:s4] =	stream.indirect.scatter.add.f32 @!p1 [tilespmem:s15], [sflag:$0x5], $0x10, s0, s11, $0xb8;
	[tilespmem:$0x1F000] =	vst v63  }
0xda: {  	_ =	swait.ge @!p1 [sflag:s14], $0x800  }
0xdb: {  	[sflag:s14] =	ssyncset.done @!p1 $0x0  }
0xdc: {  	[sflag:s14] =	ssyncadd.s32 @!p1 $0xFFFFF800  }
0xdd: {  	_ =	swait.ge [sflag:s25], $0x2000  }
0xde: {  	[sflag:s25] =	ssyncset.done $0x0  }
0xdf: {  	[sflag:s25] =	ssyncadd.s32 $0xFFFFE000  }
0xe0: {  	[spmem:s3] =	stream.indirect.scatter.add.f32 [tilespmem:s17], [sflag:$0x5], $0x40, s29, s21, $0xb8;
	[tilespmem:$0x1F000] =	vst v63  }
0xe1: {  	_ =	swait.ge [sflag:s18], $0x2000  }
0xe2: {  	[sflag:s18] =	ssyncset.done $0x0  }
0xe3: {  	s0 =	simm.s32 @p0 $0x2;
	[sflag:s18] =	ssyncadd.s32 $0xFFFFE000  }
0xe4: {  	_ =	swait.ge @p0 [sflag:s0], $0x2000  }
0xe5: {  	s2 =	simm.s32 @p0 $0x2F80;
	[sflag:s0] =	ssyncset.done @p0 $0x0  }
0xe6: {  	s7 =	simm.s32 @p0 $0x6000;
	[sflag:s0] =	ssyncadd.s32 @p0 $0xFFFFE000;
	s0 =	simm.s32 @p0 $0x80  }
0xe7: {  	[spmem:s3] =	stream.indirect.scatter.add.f32 @p0 [tilespmem:s7], [sflag:$0x5], $0x40, s2, s0, $0xb8;
	[tilespmem:$0x1F000] =	vst v63  }
0xe8: {  	s7 =	simm.s32 @p0 $0x5  }
0xe9: {  	_ =	swait.ge @p0 [sflag:s7], $0x2000  }
0xea: {  	[sflag:s7] =	ssyncset.done @p0 $0x0  }
0xeb: {  	s10 =	simm.s32 @p0 $0x8000;
	[sflag:s7] =	ssyncadd.s32 @p0 $0xFFFFE000  }
0xec: {  	[spmem:s4] =	stream.indirect.scatter.add.f32 @p0 [tilespmem:s10], [sflag:$0x5], $0x10, s2, s0, $0xb8;
	[tilespmem:$0x1F000] =	vst v63  }
0xed: {  	_ =	swait.ge @p0 [sflag:s7], $0x800  }
0xee: {  	[sflag:s7] =	ssyncset.done @p0 $0x0  }
0xef: {  	s0 =	simm.s32 @!p0 $0x2F00;
	[sflag:s7] =	ssyncadd.s32 @p0 $0xFFFFF800  }
0xf0: {  	[spmem:s4] =	stream.indirect.scatter.add.f32 @!p0 [tilespmem:s9], [sflag:$0x5], $0x10, s0, s8, $0xb8;
	[tilespmem:$0x1F000] =	vst v63  }
0xf1: {  	s0 =	simm.s32 @!p0 $0x5  }
0xf2: {  	_ =	swait.ge @!p0 [sflag:s0], $0x800  }
0xf3: {  	[sflag:s0] =	ssyncset.done @!p0 $0x0  }
0xf4: {  	s2 =	simm.s32 @!p0 $0x2;
	[sflag:s0] =	ssyncadd.s32 @!p0 $0xFFFFF800  }
0xf5: {  	_ =	swait.ge @!p0 [sflag:s2], $0x2000  }
0xf6: {  	[sflag:s2] =	ssyncset.done @!p0 $0x0  }
0xf7: {  	s7 =	simm.s32 @!p0 $0x6000;
	[sflag:s2] =	ssyncadd.s32 @!p0 $0xFFFFE000;
	s2 =	simm.s32 @!p0 $0x2F80  }
0xf8: {  	[spmem:s3] =	stream.indirect.scatter.add.f32 @!p0 [tilespmem:s7], [sflag:$0x5], $0x40, s2, s8, $0xb8;
	[tilespmem:$0x1F000] =	vst v63  }
0xf9: {  	_ =	swait.ge @!p0 [sflag:s0], $0x2000  }
0xfa: {  	[sflag:s0] =	ssyncset.done @!p0 $0x0  }
0xfb: {  	[sflag:s0] =	ssyncadd.s32 @!p0 $0xFFFFE000  }
0xfc: {  	_ =	swait.ge [sflag:s30], $0x1000  }
0xfd: {  	[sflag:s30] =	ssyncset.done $0x0  }
0xfe: {  	[sflag:s30] =	ssyncadd.s32 $0xFFFFF000  }
0xff: {  	_ =	swait.ge [sflag:s31], $0x1000  }
0x100: {  	[sflag:s31] =	ssyncset.done $0x0  }
0x101: {  	[sflag:s31] =	ssyncadd.s32 $0xFFFFF000  }
0x102: {  	[tilespmem:s17], [sflag:$0x1] =	stream.indirect.gather [spmem:s1], $0x40, s23, s21, $0xb8;
	[tilespmem:$0x1F000] =	vst v63  }
0x103: {  	s10 =	simm.s32 $0x1080  }
0x104: {  	[tilespmem:s22], [sflag:$0x2] =	stream.indirect.gather [hbm4b:s6+s21], $0x40, s10, s21, $0xb8;
	[tilespmem:$0x1F000] =	vst v63  }
0x105: {  	s11 =	rddreg [dreg:$0x15]  }
0x106: {  	[tilespmem:s5], [sflag:$0x3] =	stream.linear.gather [hbm4b:s11+s5], $0x1000, $0x38;
	[tilespmem:$0x1F000] =	vst v63  }
0x107: {  	s14 =	rddreg [dreg:$0x1a]  }
0x108: {  	[tilespmem:s20], [sflag:$0x4] =	stream.linear.gather [hbm4b:s14+s5], $0x1000, $0x38;
	[tilespmem:$0x1F000] =	vst v63  }
0x109: {  	_ =	swait.ge [sflag:s25], $0x2000  }
0x10a: {  	[sflag:s25] =	ssyncset.done $0x0  }
0x10b: {  	s0 =	simm.s32 $0x3000;
	[sflag:s25] =	ssyncadd.s32 $0xFFFFE000  }
0x10c: {  	[spmem:s3] =	stream.indirect.scatter.add.f32 [tilespmem:s17], [sflag:$0x6], $0x40, s0, s21, $0xb8;
	[tilespmem:$0x1F000] =	vst v63  }
0x10d: {  	_ =	swait.ge [sflag:s26], $0x2000  }
0x10e: {  	[sflag:s26] =	ssyncset.done $0x0  }
0x10f: {  	s15 =	simm.s32 $0x1100;
	[sflag:s26] =	ssyncadd.s32 $0xFFFFE000  }
0x110: {  	[tilespmem:s17], [sflag:$0x1] =	stream.indirect.gather [spmem:s1], $0x40, s15, s21, $0xb8;
	[tilespmem:$0x1F000] =	vst v63  }
0x111: {  	s9 =	simm.s32 @!p0 $0x8000;
	s8 =	simm.s32 @!p0 $0x80;
	s10 =	simm.s32 @!p0 $0x6  }
0x112: {  	[spmem:s4] =	stream.indirect.scatter.add.f32 @!p0 [tilespmem:s9], [sflag:$0x6], $0x10, s0, s8, $0xb8;
	[tilespmem:$0x1F000] =	vst v63  }
0x113: {  	_ =	swait.ge @!p0 [sflag:s10], $0x800  }
0x114: {  	[sflag:s10] =	ssyncset.done @!p0 $0x0  }
0x115: {  	[sflag:s10] =	ssyncadd.s32 @!p0 $0xFFFFF800  }
0x116: {  	_ =	swait.ge [sflag:s28], $0x2000  }
0x117: {  	[sflag:s28] =	ssyncset.done $0x0  }
0x118: {  	s0 =	simm.s32 $0x3080;
	[sflag:s28] =	ssyncadd.s32 $0xFFFFE000  }
0x119: {  	[spmem:s3] =	stream.indirect.scatter.add.f32 [tilespmem:s22], [sflag:$0x6], $0x40, s0, s21, $0xb8;
	[tilespmem:$0x1F000] =	vst v63  }
0x11a: {  	_ =	swait.ge [sflag:s26], $0x2000  }
0x11b: {  	[sflag:s26] =	ssyncset.done $0x0  }
0x11c: {  	s16 =	simm.s32 $0x1180;
	[sflag:s26] =	ssyncadd.s32 $0xFFFFE000  }
0x11d: {  	[tilespmem:s22], [sflag:$0x2] =	stream.indirect.gather [hbm4b:s6+s21], $0x40, s16, s21, $0xb8;
	[tilespmem:$0x1F000] =	vst v63  }
0x11e: {  	s11 =	simm.s32 @!p1 $0x80;
	s14 =	simm.s32 @!p1 $0x5;
	s15 =	simm.s32 @!p1 $0x8000  }
0x11f: {  	[spmem:s4] =	stream.indirect.scatter.add.f32 @!p1 [tilespmem:s15], [sflag:$0x5], $0x10, s0, s11, $0xb8;
	[tilespmem:$0x1F000] =	vst v63  }
0x120: {  	_ =	swait.ge @!p1 [sflag:s14], $0x800  }
0x121: {  	s16 =	simm.s32 $0xFFFFC800;
	[sflag:s14] =	ssyncset.done @!p1 $0x0  }
.LBB2_10:
0x122: {  	[sflag:s14] =	ssyncadd.s32 @!p1 $0xFFFFF800;
	s0 =	smov.u32 s16;
	s16 =	sadd.s32 $0x400, s16  }
0x123: {  	p2 =	sne.s32 s16, $0x0  }
0x124: {  	_ =	swait.ge [sflag:s25], $0x2000  }
0x125: {  	s0 =	sshra.s32 s0, $0x2;
	[sflag:s25] =	ssyncset.done $0x0  }
0x126: {  	s2 =	sadd.s32 $0x3F00, s0;
	[sflag:s25] =	ssyncadd.s32 $0xFFFFE000  }
0x127: {  	[spmem:s3] =	stream.indirect.scatter.add.f32 [tilespmem:s17], [sflag:$0x6], $0x40, s2, s21, $0xb8;
	[tilespmem:$0x1F000] =	vst v63  }
0x128: {  	_ =	swait.ge [sflag:s26], $0x2000  }
0x129: {  	[sflag:s26] =	ssyncset.done $0x0  }
0x12a: {  	s7 =	sadd.s32 $0x2000, s0;
	[sflag:s26] =	ssyncadd.s32 $0xFFFFE000  }
0x12b: {  	[tilespmem:s17], [sflag:$0x1] =	stream.indirect.gather [spmem:s1], $0x40, s7, s21, $0xb8;
	[tilespmem:$0x1F000] =	vst v63  }
0x12c: {  	_ = 	snop  }
0x12d: {  	[spmem:s4] =	stream.indirect.scatter.add.f32 @!p0 [tilespmem:s9], [sflag:$0x6], $0x10, s2, s8, $0xb8;
	[tilespmem:$0x1F000] =	vst v63  }
0x12e: {  	_ =	swait.ge @!p0 [sflag:s10], $0x800  }
0x12f: {  	[sflag:s10] =	ssyncset.done @!p0 $0x0  }
0x130: {  	[sflag:s10] =	ssyncadd.s32 @!p0 $0xFFFFF800  }
0x131: {  	_ =	swait.ge [sflag:s28], $0x2000  }
0x132: {  	[sflag:s28] =	ssyncset.done $0x0  }
0x133: {  	s2 =	sadd.s32 $0x3F80, s0;
	[sflag:s28] =	ssyncadd.s32 $0xFFFFE000  }
0x134: {  	[spmem:s3] =	stream.indirect.scatter.add.f32 [tilespmem:s22], [sflag:$0x6], $0x40, s2, s21, $0xb8;
	[tilespmem:$0x1F000] =	vst v63  }
0x135: {  	_ =	swait.ge [sflag:s26], $0x2000  }
0x136: {  	[sflag:s26] =	ssyncset.done $0x0  }
0x137: {  	s0 =	sadd.s32 $0x2080, s0;
	[sflag:s26] =	ssyncadd.s32 $0xFFFFE000  }
0x138: {  	[tilespmem:s22], [sflag:$0x2] =	stream.indirect.gather [hbm4b:s6+s21], $0x40, s0, s21, $0xb8;
	[tilespmem:$0x1F000] =	vst v63  }
.Ltmp4:
0x139: {  	_ = 	snop;
	(pc) =	sbr.rel @p2 .LBB2_10-.Ltmp4, $4  }
0x13a: {  	_ = 	snop  }
0x13b: {  	[spmem:s4] =	stream.indirect.scatter.add.f32 @!p1 [tilespmem:s15], [sflag:$0x5], $0x10, s2, s11, $0xb8;
	[tilespmem:$0x1F000] =	vst v63  }
0x13c: {  	_ =	swait.ge @!p1 [sflag:s14], $0x800  }
0x13d: {  	[sflag:s14] =	ssyncset.done @!p1 $0x0  }
0x13e: {  	[sflag:s14] =	ssyncadd.s32 @!p1 $0xFFFFF800  }
0x13f: {  	_ =	swait.ge [sflag:s25], $0x2000  }
0x140: {  	[sflag:s25] =	ssyncset.done $0x0  }
0x141: {  	s0 =	simm.s32 $0x3F00;
	[sflag:s25] =	ssyncadd.s32 $0xFFFFE000  }
0x142: {  	[spmem:s3] =	stream.indirect.scatter.add.f32 [tilespmem:s17], [sflag:$0x5], $0x40, s0, s21, $0xb8;
	[tilespmem:$0x1F000] =	vst v63  }
0x143: {  	_ =	swait.ge [sflag:s18], $0x2000  }
0x144: {  	[sflag:s18] =	ssyncset.done $0x0  }
0x145: {  	s0 =	simm.s32 @p0 $0x2;
	[sflag:s18] =	ssyncadd.s32 $0xFFFFE000  }
0x146: {  	_ =	swait.ge @p0 [sflag:s0], $0x2000  }
0x147: {  	s2 =	simm.s32 @p0 $0x3F80;
	[sflag:s0] =	ssyncset.done @p0 $0x0  }
0x148: {  	s7 =	simm.s32 @p0 $0x6000;
	[sflag:s0] =	ssyncadd.s32 @p0 $0xFFFFE000;
	s0 =	simm.s32 @p0 $0x80  }
0x149: {  	[spmem:s3] =	stream.indirect.scatter.add.f32 @p0 [tilespmem:s7], [sflag:$0x5], $0x40, s2, s0, $0xb8;
	[tilespmem:$0x1F000] =	vst v63  }
0x14a: {  	s7 =	simm.s32 @p0 $0x5  }
0x14b: {  	_ =	swait.ge @p0 [sflag:s7], $0x2000  }
0x14c: {  	[sflag:s7] =	ssyncset.done @p0 $0x0  }
0x14d: {  	s10 =	simm.s32 @p0 $0x8000;
	[sflag:s7] =	ssyncadd.s32 @p0 $0xFFFFE000  }
0x14e: {  	[spmem:s4] =	stream.indirect.scatter.add.f32 @p0 [tilespmem:s10], [sflag:$0x5], $0x10, s2, s0, $0xb8;
	[tilespmem:$0x1F000] =	vst v63  }
0x14f: {  	_ =	swait.ge @p0 [sflag:s7], $0x800  }
0x150: {  	[sflag:s7] =	ssyncset.done @p0 $0x0  }
0x151: {  	s0 =	simm.s32 @!p0 $0x3F00;
	[sflag:s7] =	ssyncadd.s32 @p0 $0xFFFFF800  }
0x152: {  	[spmem:s4] =	stream.indirect.scatter.add.f32 @!p0 [tilespmem:s9], [sflag:$0x5], $0x10, s0, s8, $0xb8;
	[tilespmem:$0x1F000] =	vst v63  }
0x153: {  	s0 =	simm.s32 @!p0 $0x5  }
0x154: {  	_ =	swait.ge @!p0 [sflag:s0], $0x800  }
0x155: {  	[sflag:s0] =	ssyncset.done @!p0 $0x0  }
0x156: {  	s2 =	simm.s32 @!p0 $0x2;
	[sflag:s0] =	ssyncadd.s32 @!p0 $0xFFFFF800  }
0x157: {  	_ =	swait.ge @!p0 [sflag:s2], $0x2000  }
0x158: {  	[sflag:s2] =	ssyncset.done @!p0 $0x0  }
0x159: {  	s7 =	simm.s32 @!p0 $0x6000;
	[sflag:s2] =	ssyncadd.s32 @!p0 $0xFFFFE000;
	s2 =	simm.s32 @!p0 $0x3F80  }
0x15a: {  	[spmem:s3] =	stream.indirect.scatter.add.f32 @!p0 [tilespmem:s7], [sflag:$0x5], $0x40, s2, s8, $0xb8;
	[tilespmem:$0x1F000] =	vst v63  }
0x15b: {  	_ =	swait.ge @!p0 [sflag:s0], $0x2000  }
0x15c: {  	[sflag:s0] =	ssyncset.done @!p0 $0x0  }
0x15d: {  	[sflag:s0] =	ssyncadd.s32 @!p0 $0xFFFFE000  }
0x15e: {  	_ =	swait.ge [sflag:s30], $0x1000  }
0x15f: {  	[sflag:s30] =	ssyncset.done $0x0  }
0x160: {  	[sflag:s30] =	ssyncadd.s32 $0xFFFFF000  }
0x161: {  	_ =	swait.ge [sflag:s31], $0x1000  }
0x162: {  	[sflag:s31] =	ssyncset.done $0x0  }
0x163: {  	s9 =	simm.s32 $0x0;
	[sflag:s31] =	ssyncadd.s32 $0xFFFFF000  }
0x164: {  	[tilespmem:s17], [sflag:$0x1] =	stream.indirect.gather [hbm4b:s6+s21], $0x40, s9, s21, $0xb8;
	[tilespmem:$0x1F000] =	vst v63  }
0x165: {  	_ = 	snop  }
0x166: {  	[tilespmem:s22], [sflag:$0x2] =	stream.indirect.gather [hbm4b:s6+s21], $0x40, s21, s21, $0xb8;
	[tilespmem:$0x1F000] =	vst v63  }
0x167: {  	s10 =	rddreg [dreg:$0x16]  }
0x168: {  	[tilespmem:s23], [sflag:$0x3] =	stream.linear.gather [hbm4b:s10+s9], $0x1000, $0x38;
	[tilespmem:$0x1F000] =	vst v63  }
0x169: {  	s14 =	simm.s32 $0x3000;
	s11 =	rddreg [dreg:$0x1b]  }
0x16a: {  	[tilespmem:s14], [sflag:$0x4] =	stream.linear.gather [hbm4b:s11+s9], $0x1000, $0x38;
	[tilespmem:$0x1F000] =	vst v63  }
0x16b: {  	_ =	swait.ge [sflag:s25], $0x2000  }
0x16c: {  	[sflag:s25] =	ssyncset.done $0x0  }
0x16d: {  	s0 =	simm.s32 $0x2000;
	[sflag:s25] =	ssyncadd.s32 $0xFFFFE000  }
0x16e: {  	[spmem:s3] =	stream.indirect.scatter.add.f32 [tilespmem:s17], [sflag:$0x6], $0x40, s0, s21, $0xb8;
	[tilespmem:$0x1F000] =	vst v63  }
0x16f: {  	_ =	swait.ge [sflag:s26], $0x2000  }
0x170: {  	[sflag:s26] =	ssyncset.done $0x0  }
0x171: {  	s15 =	simm.s32 $0x100;
	[sflag:s26] =	ssyncadd.s32 $0xFFFFE000  }
0x172: {  	[tilespmem:s17], [sflag:$0x1] =	stream.indirect.gather [hbm4b:s6+s21], $0x40, s15, s21, $0xb8;
	[tilespmem:$0x1F000] =	vst v63  }
0x173: {  	s8 =	simm.s32 @!p0 $0x80;
	s10 =	simm.s32 @!p0 $0x6;
	s9 =	simm.s32 @!p0 $0x8000  }
0x174: {  	[spmem:s4] =	stream.indirect.scatter.add.f32 @!p0 [tilespmem:s9], [sflag:$0x6], $0x10, s0, s8, $0xb8;
	[tilespmem:$0x1F000] =	vst v63  }
0x175: {  	_ =	swait.ge @!p0 [sflag:s10], $0x800  }
0x176: {  	[sflag:s10] =	ssyncset.done @!p0 $0x0  }
0x177: {  	[sflag:s10] =	ssyncadd.s32 @!p0 $0xFFFFF800  }
0x178: {  	_ =	swait.ge [sflag:s28], $0x2000  }
0x179: {  	[sflag:s28] =	ssyncset.done $0x0  }
0x17a: {  	s0 =	simm.s32 $0x2080;
	[sflag:s28] =	ssyncadd.s32 $0xFFFFE000  }
0x17b: {  	[spmem:s3] =	stream.indirect.scatter.add.f32 [tilespmem:s22], [sflag:$0x6], $0x40, s0, s21, $0xb8;
	[tilespmem:$0x1F000] =	vst v63  }
0x17c: {  	_ =	swait.ge [sflag:s26], $0x2000  }
0x17d: {  	[sflag:s26] =	ssyncset.done $0x0  }
0x17e: {  	s16 =	simm.s32 $0x180;
	[sflag:s26] =	ssyncadd.s32 $0xFFFFE000  }
0x17f: {  	[tilespmem:s22], [sflag:$0x2] =	stream.indirect.gather [hbm4b:s6+s21], $0x40, s16, s21, $0xb8;
	[tilespmem:$0x1F000] =	vst v63  }
0x180: {  	s11 =	simm.s32 @!p1 $0x80;
	s14 =	simm.s32 @!p1 $0x5;
	s15 =	simm.s32 @!p1 $0x8000  }
0x181: {  	[spmem:s4] =	stream.indirect.scatter.add.f32 @!p1 [tilespmem:s15], [sflag:$0x5], $0x10, s0, s11, $0xb8;
	[tilespmem:$0x1F000] =	vst v63  }
0x182: {  	_ =	swait.ge @!p1 [sflag:s14], $0x800  }
0x183: {  	s16 =	simm.s32 $0x400;
	[sflag:s14] =	ssyncset.done @!p1 $0x0  }
.LBB2_12:
0x184: {  	[sflag:s14] =	ssyncadd.s32 @!p1 $0xFFFFF800;
	s0 =	smov.u32 s16;
	s16 =	sadd.s32 $0x400, s16  }
0x185: {  	p2 =	sne.s32 s16, $0x3C00  }
0x186: {  	_ =	swait.ge [sflag:s25], $0x2000  }
0x187: {  	s0 =	sshra.s32 s0, $0x2;
	[sflag:s25] =	ssyncset.done $0x0  }
0x188: {  	s2 =	sadd.s32 $0x2000, s0;
	[sflag:s25] =	ssyncadd.s32 $0xFFFFE000  }
0x189: {  	[spmem:s3] =	stream.indirect.scatter.add.f32 [tilespmem:s17], [sflag:$0x6], $0x40, s2, s21, $0xb8;
	[tilespmem:$0x1F000] =	vst v63  }
0x18a: {  	_ =	swait.ge [sflag:s26], $0x2000  }
0x18b: {  	[sflag:s26] =	ssyncset.done $0x0  }
0x18c: {  	s7 =	sadd.s32 $0x100, s0;
	[sflag:s26] =	ssyncadd.s32 $0xFFFFE000  }
0x18d: {  	[tilespmem:s17], [sflag:$0x1] =	stream.indirect.gather [hbm4b:s6+s21], $0x40, s7, s21, $0xb8;
	[tilespmem:$0x1F000] =	vst v63  }
0x18e: {  	_ = 	snop  }
0x18f: {  	[spmem:s4] =	stream.indirect.scatter.add.f32 @!p0 [tilespmem:s9], [sflag:$0x6], $0x10, s2, s8, $0xb8;
	[tilespmem:$0x1F000] =	vst v63  }
0x190: {  	_ =	swait.ge @!p0 [sflag:s10], $0x800  }
0x191: {  	[sflag:s10] =	ssyncset.done @!p0 $0x0  }
0x192: {  	[sflag:s10] =	ssyncadd.s32 @!p0 $0xFFFFF800  }
0x193: {  	_ =	swait.ge [sflag:s28], $0x2000  }
0x194: {  	[sflag:s28] =	ssyncset.done $0x0  }
0x195: {  	s2 =	sadd.s32 $0x2080, s0;
	[sflag:s28] =	ssyncadd.s32 $0xFFFFE000  }
0x196: {  	[spmem:s3] =	stream.indirect.scatter.add.f32 [tilespmem:s22], [sflag:$0x6], $0x40, s2, s21, $0xb8;
	[tilespmem:$0x1F000] =	vst v63  }
0x197: {  	_ =	swait.ge [sflag:s26], $0x2000  }
0x198: {  	[sflag:s26] =	ssyncset.done $0x0  }
0x199: {  	s0 =	sadd.s32 $0x180, s0;
	[sflag:s26] =	ssyncadd.s32 $0xFFFFE000  }
0x19a: {  	[tilespmem:s22], [sflag:$0x2] =	stream.indirect.gather [hbm4b:s6+s21], $0x40, s0, s21, $0xb8;
	[tilespmem:$0x1F000] =	vst v63  }
.Ltmp5:
0x19b: {  	_ = 	snop;
	(pc) =	sbr.rel @p2 .LBB2_12-.Ltmp5, $4  }
0x19c: {  	_ = 	snop  }
0x19d: {  	[spmem:s4] =	stream.indirect.scatter.add.f32 @!p1 [tilespmem:s15], [sflag:$0x5], $0x10, s2, s11, $0xb8;
	[tilespmem:$0x1F000] =	vst v63  }
0x19e: {  	_ =	swait.ge @!p1 [sflag:s14], $0x800  }
0x19f: {  	[sflag:s14] =	ssyncset.done @!p1 $0x0  }
0x1a0: {  	[sflag:s14] =	ssyncadd.s32 @!p1 $0xFFFFF800  }
0x1a1: {  	_ =	swait.ge [sflag:s25], $0x2000  }
0x1a2: {  	[sflag:s25] =	ssyncset.done $0x0  }
0x1a3: {  	[sflag:s25] =	ssyncadd.s32 $0xFFFFE000  }
0x1a4: {  	[spmem:s3] =	stream.indirect.scatter.add.f32 [tilespmem:s17], [sflag:$0x5], $0x40, s29, s21, $0xb8;
	[tilespmem:$0x1F000] =	vst v63  }
0x1a5: {  	_ =	swait.ge [sflag:s18], $0x2000  }
0x1a6: {  	[sflag:s18] =	ssyncset.done $0x0  }
0x1a7: {  	s0 =	simm.s32 @p0 $0x2;
	[sflag:s18] =	ssyncadd.s32 $0xFFFFE000  }
0x1a8: {  	_ =	swait.ge @p0 [sflag:s0], $0x2000  }
0x1a9: {  	s2 =	simm.s32 @p0 $0x2F80;
	[sflag:s0] =	ssyncset.done @p0 $0x0  }
0x1aa: {  	s7 =	simm.s32 @p0 $0x6000;
	[sflag:s0] =	ssyncadd.s32 @p0 $0xFFFFE000;
	s0 =	simm.s32 @p0 $0x80  }
0x1ab: {  	[spmem:s3] =	stream.indirect.scatter.add.f32 @p0 [tilespmem:s7], [sflag:$0x5], $0x40, s2, s0, $0xb8;
	[tilespmem:$0x1F000] =	vst v63  }
0x1ac: {  	s7 =	simm.s32 @p0 $0x5  }
0x1ad: {  	_ =	swait.ge @p0 [sflag:s7], $0x2000  }
0x1ae: {  	[sflag:s7] =	ssyncset.done @p0 $0x0  }
0x1af: {  	s10 =	simm.s32 @p0 $0x8000;
	[sflag:s7] =	ssyncadd.s32 @p0 $0xFFFFE000  }
0x1b0: {  	[spmem:s4] =	stream.indirect.scatter.add.f32 @p0 [tilespmem:s10], [sflag:$0x5], $0x10, s2, s0, $0xb8;
	[tilespmem:$0x1F000] =	vst v63  }
0x1b1: {  	_ =	swait.ge @p0 [sflag:s7], $0x800  }
0x1b2: {  	[sflag:s7] =	ssyncset.done @p0 $0x0  }
0x1b3: {  	s0 =	simm.s32 @!p0 $0x2F00;
	[sflag:s7] =	ssyncadd.s32 @p0 $0xFFFFF800  }
0x1b4: {  	[spmem:s4] =	stream.indirect.scatter.add.f32 @!p0 [tilespmem:s9], [sflag:$0x5], $0x10, s0, s8, $0xb8;
	[tilespmem:$0x1F000] =	vst v63  }
0x1b5: {  	s0 =	simm.s32 @!p0 $0x5  }
0x1b6: {  	_ =	swait.ge @!p0 [sflag:s0], $0x800  }
0x1b7: {  	[sflag:s0] =	ssyncset.done @!p0 $0x0  }
0x1b8: {  	s2 =	simm.s32 @!p0 $0x2;
	[sflag:s0] =	ssyncadd.s32 @!p0 $0xFFFFF800  }
0x1b9: {  	_ =	swait.ge @!p0 [sflag:s2], $0x2000  }
0x1ba: {  	[sflag:s2] =	ssyncset.done @!p0 $0x0  }
0x1bb: {  	s7 =	simm.s32 @!p0 $0x6000;
	[sflag:s2] =	ssyncadd.s32 @!p0 $0xFFFFE000;
	s2 =	simm.s32 @!p0 $0x2F80  }
0x1bc: {  	[spmem:s3] =	stream.indirect.scatter.add.f32 @!p0 [tilespmem:s7], [sflag:$0x5], $0x40, s2, s8, $0xb8;
	[tilespmem:$0x1F000] =	vst v63  }
0x1bd: {  	_ =	swait.ge @!p0 [sflag:s0], $0x2000  }
0x1be: {  	[sflag:s0] =	ssyncset.done @!p0 $0x0  }
0x1bf: {  	[sflag:s0] =	ssyncadd.s32 @!p0 $0xFFFFE000  }
0x1c0: {  	_ =	swait.ge [sflag:s30], $0x1000  }
0x1c1: {  	[sflag:s30] =	ssyncset.done $0x0  }
0x1c2: {  	[sflag:s30] =	ssyncadd.s32 $0xFFFFF000  }
0x1c3: {  	_ =	swait.ge [sflag:s31], $0x1000  }
0x1c4: {  	[sflag:s31] =	ssyncset.done $0x0  }
0x1c5: {  	[sflag:s31] =	ssyncadd.s32 $0xFFFFF000  }
0x1c6: {  	[tilespmem:s17], [sflag:$0x1] =	stream.indirect.gather [spmem:s1], $0x40, s23, s21, $0xb8;
	[tilespmem:$0x1F000] =	vst v63  }
0x1c7: {  	s10 =	simm.s32 $0x1080  }
0x1c8: {  	[tilespmem:s22], [sflag:$0x2] =	stream.indirect.gather [hbm4b:s6+s21], $0x40, s10, s21, $0xb8;
	[tilespmem:$0x1F000] =	vst v63  }
0x1c9: {  	s11 =	rddreg [dreg:$0x17]  }
0x1ca: {  	[tilespmem:s5], [sflag:$0x3] =	stream.linear.gather [hbm4b:s11+s5], $0x1000, $0x38;
	[tilespmem:$0x1F000] =	vst v63  }
0x1cb: {  	s14 =	rddreg [dreg:$0x1c]  }
0x1cc: {  	[tilespmem:s20], [sflag:$0x4] =	stream.linear.gather [hbm4b:s14+s5], $0x1000, $0x38;
	[tilespmem:$0x1F000] =	vst v63  }
0x1cd: {  	_ =	swait.ge [sflag:s25], $0x2000  }
0x1ce: {  	[sflag:s25] =	ssyncset.done $0x0  }
0x1cf: {  	s0 =	simm.s32 $0x3000;
	[sflag:s25] =	ssyncadd.s32 $0xFFFFE000  }
0x1d0: {  	[spmem:s3] =	stream.indirect.scatter.add.f32 [tilespmem:s17], [sflag:$0x6], $0x40, s0, s21, $0xb8;
	[tilespmem:$0x1F000] =	vst v63  }
0x1d1: {  	_ =	swait.ge [sflag:s26], $0x2000  }
0x1d2: {  	[sflag:s26] =	ssyncset.done $0x0  }
0x1d3: {  	s15 =	simm.s32 $0x1100;
	[sflag:s26] =	ssyncadd.s32 $0xFFFFE000  }
0x1d4: {  	[tilespmem:s17], [sflag:$0x1] =	stream.indirect.gather [spmem:s1], $0x40, s15, s21, $0xb8;
	[tilespmem:$0x1F000] =	vst v63  }
0x1d5: {  	s9 =	simm.s32 @!p0 $0x8000;
	s8 =	simm.s32 @!p0 $0x80;
	s10 =	simm.s32 @!p0 $0x6  }
0x1d6: {  	[spmem:s4] =	stream.indirect.scatter.add.f32 @!p0 [tilespmem:s9], [sflag:$0x6], $0x10, s0, s8, $0xb8;
	[tilespmem:$0x1F000] =	vst v63  }
0x1d7: {  	_ =	swait.ge @!p0 [sflag:s10], $0x800  }
0x1d8: {  	[sflag:s10] =	ssyncset.done @!p0 $0x0  }
0x1d9: {  	[sflag:s10] =	ssyncadd.s32 @!p0 $0xFFFFF800  }
0x1da: {  	_ =	swait.ge [sflag:s28], $0x2000  }
0x1db: {  	[sflag:s28] =	ssyncset.done $0x0  }
0x1dc: {  	s0 =	simm.s32 $0x3080;
	[sflag:s28] =	ssyncadd.s32 $0xFFFFE000  }
0x1dd: {  	[spmem:s3] =	stream.indirect.scatter.add.f32 [tilespmem:s22], [sflag:$0x6], $0x40, s0, s21, $0xb8;
	[tilespmem:$0x1F000] =	vst v63  }
0x1de: {  	_ =	swait.ge [sflag:s26], $0x2000  }
0x1df: {  	[sflag:s26] =	ssyncset.done $0x0  }
0x1e0: {  	s16 =	simm.s32 $0x1180;
	[sflag:s26] =	ssyncadd.s32 $0xFFFFE000  }
0x1e1: {  	[tilespmem:s22], [sflag:$0x2] =	stream.indirect.gather [hbm4b:s6+s21], $0x40, s16, s21, $0xb8;
	[tilespmem:$0x1F000] =	vst v63  }
0x1e2: {  	s11 =	simm.s32 @!p1 $0x80;
	s14 =	simm.s32 @!p1 $0x5;
	s15 =	simm.s32 @!p1 $0x8000  }
0x1e3: {  	[spmem:s4] =	stream.indirect.scatter.add.f32 @!p1 [tilespmem:s15], [sflag:$0x5], $0x10, s0, s11, $0xb8;
	[tilespmem:$0x1F000] =	vst v63  }
0x1e4: {  	_ =	swait.ge @!p1 [sflag:s14], $0x800  }
0x1e5: {  	s16 =	simm.s32 $0xFFFFC800;
	[sflag:s14] =	ssyncset.done @!p1 $0x0  }
.LBB2_14:
0x1e6: {  	[sflag:s14] =	ssyncadd.s32 @!p1 $0xFFFFF800;
	s0 =	smov.u32 s16;
	s16 =	sadd.s32 $0x400, s16  }
0x1e7: {  	p2 =	sne.s32 s16, $0x0  }
0x1e8: {  	_ =	swait.ge [sflag:s25], $0x2000  }
0x1e9: {  	s0 =	sshra.s32 s0, $0x2;
	[sflag:s25] =	ssyncset.done $0x0  }
0x1ea: {  	s2 =	sadd.s32 $0x3F00, s0;
	[sflag:s25] =	ssyncadd.s32 $0xFFFFE000  }
0x1eb: {  	[spmem:s3] =	stream.indirect.scatter.add.f32 [tilespmem:s17], [sflag:$0x6], $0x40, s2, s21, $0xb8;
	[tilespmem:$0x1F000] =	vst v63  }
0x1ec: {  	_ =	swait.ge [sflag:s26], $0x2000  }
0x1ed: {  	[sflag:s26] =	ssyncset.done $0x0  }
0x1ee: {  	s7 =	sadd.s32 $0x2000, s0;
	[sflag:s26] =	ssyncadd.s32 $0xFFFFE000  }
0x1ef: {  	[tilespmem:s17], [sflag:$0x1] =	stream.indirect.gather [spmem:s1], $0x40, s7, s21, $0xb8;
	[tilespmem:$0x1F000] =	vst v63  }
0x1f0: {  	_ = 	snop  }
0x1f1: {  	[spmem:s4] =	stream.indirect.scatter.add.f32 @!p0 [tilespmem:s9], [sflag:$0x6], $0x10, s2, s8, $0xb8;
	[tilespmem:$0x1F000] =	vst v63  }
0x1f2: {  	_ =	swait.ge @!p0 [sflag:s10], $0x800  }
0x1f3: {  	[sflag:s10] =	ssyncset.done @!p0 $0x0  }
0x1f4: {  	[sflag:s10] =	ssyncadd.s32 @!p0 $0xFFFFF800  }
0x1f5: {  	_ =	swait.ge [sflag:s28], $0x2000  }
0x1f6: {  	[sflag:s28] =	ssyncset.done $0x0  }
0x1f7: {  	s2 =	sadd.s32 $0x3F80, s0;
	[sflag:s28] =	ssyncadd.s32 $0xFFFFE000  }
0x1f8: {  	[spmem:s3] =	stream.indirect.scatter.add.f32 [tilespmem:s22], [sflag:$0x6], $0x40, s2, s21, $0xb8;
	[tilespmem:$0x1F000] =	vst v63  }
0x1f9: {  	_ =	swait.ge [sflag:s26], $0x2000  }
0x1fa: {  	[sflag:s26] =	ssyncset.done $0x0  }
0x1fb: {  	s0 =	sadd.s32 $0x2080, s0;
	[sflag:s26] =	ssyncadd.s32 $0xFFFFE000  }
0x1fc: {  	[tilespmem:s22], [sflag:$0x2] =	stream.indirect.gather [hbm4b:s6+s21], $0x40, s0, s21, $0xb8;
	[tilespmem:$0x1F000] =	vst v63  }
.Ltmp6:
0x1fd: {  	_ = 	snop;
	(pc) =	sbr.rel @p2 .LBB2_14-.Ltmp6, $4  }
0x1fe: {  	_ = 	snop  }
0x1ff: {  	[spmem:s4] =	stream.indirect.scatter.add.f32 @!p1 [tilespmem:s15], [sflag:$0x5], $0x10, s2, s11, $0xb8;
	[tilespmem:$0x1F000] =	vst v63  }
0x200: {  	_ =	swait.ge @!p1 [sflag:s14], $0x800  }
0x201: {  	[sflag:s14] =	ssyncset.done @!p1 $0x0  }
0x202: {  	[sflag:s14] =	ssyncadd.s32 @!p1 $0xFFFFF800  }
0x203: {  	_ =	swait.ge [sflag:s25], $0x2000  }
0x204: {  	[sflag:s25] =	ssyncset.done $0x0  }
0x205: {  	s0 =	simm.s32 $0x3F00;
	[sflag:s25] =	ssyncadd.s32 $0xFFFFE000  }
0x206: {  	[spmem:s3] =	stream.indirect.scatter.add.f32 [tilespmem:s17], [sflag:$0x5], $0x40, s0, s21, $0xb8;
	[tilespmem:$0x1F000] =	vst v63  }
0x207: {  	_ =	swait.ge [sflag:s18], $0x2000  }
0x208: {  	[sflag:s18] =	ssyncset.done $0x0  }
0x209: {  	s0 =	simm.s32 @p0 $0x2;
	[sflag:s18] =	ssyncadd.s32 $0xFFFFE000  }
0x20a: {  	_ =	swait.ge @p0 [sflag:s0], $0x2000  }
0x20b: {  	s2 =	simm.s32 @p0 $0x3F80;
	[sflag:s0] =	ssyncset.done @p0 $0x0  }
0x20c: {  	s7 =	simm.s32 @p0 $0x6000;
	[sflag:s0] =	ssyncadd.s32 @p0 $0xFFFFE000;
	s0 =	simm.s32 @p0 $0x80  }
0x20d: {  	[spmem:s3] =	stream.indirect.scatter.add.f32 @p0 [tilespmem:s7], [sflag:$0x5], $0x40, s2, s0, $0xb8;
	[tilespmem:$0x1F000] =	vst v63  }
0x20e: {  	s7 =	simm.s32 @p0 $0x5  }
0x20f: {  	_ =	swait.ge @p0 [sflag:s7], $0x2000  }
0x210: {  	[sflag:s7] =	ssyncset.done @p0 $0x0  }
0x211: {  	s10 =	simm.s32 @p0 $0x8000;
	[sflag:s7] =	ssyncadd.s32 @p0 $0xFFFFE000  }
0x212: {  	[spmem:s4] =	stream.indirect.scatter.add.f32 @p0 [tilespmem:s10], [sflag:$0x5], $0x10, s2, s0, $0xb8;
	[tilespmem:$0x1F000] =	vst v63  }
0x213: {  	_ =	swait.ge @p0 [sflag:s7], $0x800  }
0x214: {  	[sflag:s7] =	ssyncset.done @p0 $0x0  }
0x215: {  	s0 =	simm.s32 @!p0 $0x3F00;
	[sflag:s7] =	ssyncadd.s32 @p0 $0xFFFFF800  }
0x216: {  	[spmem:s4] =	stream.indirect.scatter.add.f32 @!p0 [tilespmem:s9], [sflag:$0x5], $0x10, s0, s8, $0xb8;
	[tilespmem:$0x1F000] =	vst v63  }
0x217: {  	s0 =	simm.s32 @!p0 $0x5  }
0x218: {  	_ =	swait.ge @!p0 [sflag:s0], $0x800  }
0x219: {  	[sflag:s0] =	ssyncset.done @!p0 $0x0  }
0x21a: {  	s2 =	simm.s32 @!p0 $0x2;
	[sflag:s0] =	ssyncadd.s32 @!p0 $0xFFFFF800  }
0x21b: {  	_ =	swait.ge @!p0 [sflag:s2], $0x2000  }
0x21c: {  	[sflag:s2] =	ssyncset.done @!p0 $0x0  }
0x21d: {  	s7 =	simm.s32 @!p0 $0x6000;
	[sflag:s2] =	ssyncadd.s32 @!p0 $0xFFFFE000;
	s2 =	simm.s32 @!p0 $0x3F80  }
0x21e: {  	[spmem:s3] =	stream.indirect.scatter.add.f32 @!p0 [tilespmem:s7], [sflag:$0x5], $0x40, s2, s8, $0xb8;
	[tilespmem:$0x1F000] =	vst v63  }
0x21f: {  	_ =	swait.ge @!p0 [sflag:s0], $0x2000  }
0x220: {  	[sflag:s0] =	ssyncset.done @!p0 $0x0  }
0x221: {  	[sflag:s0] =	ssyncadd.s32 @!p0 $0xFFFFE000  }
0x222: {  	_ =	swait.ge [sflag:s30], $0x1000  }
0x223: {  	[sflag:s30] =	ssyncset.done $0x0  }
0x224: {  	[sflag:s30] =	ssyncadd.s32 $0xFFFFF000  }
0x225: {  	_ =	swait.ge [sflag:s31], $0x1000  }
0x226: {  	[sflag:s31] =	ssyncset.done $0x0  }
0x227: {  	s14 =	simm.s32 $0x0;
	[sflag:s31] =	ssyncadd.s32 $0xFFFFF000  }
0x228: {  	[tilespmem:s17], [sflag:$0x1] =	stream.indirect.gather [spmem:s1], $0x40, s14, s21, $0xb8;
	[tilespmem:$0x1F000] =	vst v63  }
0x229: {  	_ = 	snop  }
0x22a: {  	[tilespmem:s22], [sflag:$0x2] =	stream.indirect.gather [hbm4b:s6+s21], $0x40, s21, s21, $0xb8;
	[tilespmem:$0x1F000] =	vst v63  }
0x22b: {  	_ =	swait.ge [sflag:s25], $0x2000  }
0x22c: {  	[sflag:s25] =	ssyncset.done $0x0  }
0x22d: {  	s0 =	simm.s32 $0x2000;
	[sflag:s25] =	ssyncadd.s32 $0xFFFFE000  }
0x22e: {  	[spmem:s3] =	stream.indirect.scatter.add.f32 [tilespmem:s17], [sflag:$0x6], $0x40, s0, s21, $0xb8;
	[tilespmem:$0x1F000] =	vst v63  }
0x22f: {  	_ =	swait.ge [sflag:s26], $0x2000  }
0x230: {  	[sflag:s26] =	ssyncset.done $0x0  }
0x231: {  	s15 =	simm.s32 $0x100;
	[sflag:s26] =	ssyncadd.s32 $0xFFFFE000  }
0x232: {  	[tilespmem:s17], [sflag:$0x1] =	stream.indirect.gather [spmem:s1], $0x40, s15, s21, $0xb8;
	[tilespmem:$0x1F000] =	vst v63  }
0x233: {  	s10 =	simm.s32 @!p0 $0x6;
	s9 =	simm.s32 @!p0 $0x8000;
	s8 =	simm.s32 @!p0 $0x80  }
0x234: {  	[spmem:s4] =	stream.indirect.scatter.add.f32 @!p0 [tilespmem:s9], [sflag:$0x6], $0x10, s0, s8, $0xb8;
	[tilespmem:$0x1F000] =	vst v63  }
0x235: {  	_ =	swait.ge @!p0 [sflag:s10], $0x800  }
0x236: {  	[sflag:s10] =	ssyncset.done @!p0 $0x0  }
0x237: {  	[sflag:s10] =	ssyncadd.s32 @!p0 $0xFFFFF800  }
0x238: {  	_ =	swait.ge [sflag:s28], $0x2000  }
0x239: {  	[sflag:s28] =	ssyncset.done $0x0  }
0x23a: {  	s0 =	simm.s32 $0x2080;
	[sflag:s28] =	ssyncadd.s32 $0xFFFFE000  }
0x23b: {  	[spmem:s3] =	stream.indirect.scatter.add.f32 [tilespmem:s22], [sflag:$0x6], $0x40, s0, s21, $0xb8;
	[tilespmem:$0x1F000] =	vst v63  }
0x23c: {  	_ =	swait.ge [sflag:s26], $0x2000  }
0x23d: {  	[sflag:s26] =	ssyncset.done $0x0  }
0x23e: {  	s16 =	simm.s32 $0x180;
	[sflag:s26] =	ssyncadd.s32 $0xFFFFE000  }
0x23f: {  	[tilespmem:s22], [sflag:$0x2] =	stream.indirect.gather [hbm4b:s6+s21], $0x40, s16, s21, $0xb8;
	[tilespmem:$0x1F000] =	vst v63  }
0x240: {  	s11 =	simm.s32 @!p1 $0x80;
	s14 =	simm.s32 @!p1 $0x5;
	s15 =	simm.s32 @!p1 $0x8000  }
0x241: {  	[spmem:s4] =	stream.indirect.scatter.add.f32 @!p1 [tilespmem:s15], [sflag:$0x5], $0x10, s0, s11, $0xb8;
	[tilespmem:$0x1F000] =	vst v63  }
0x242: {  	_ =	swait.ge @!p1 [sflag:s14], $0x800  }
0x243: {  	s16 =	simm.s32 $0x400;
	[sflag:s14] =	ssyncset.done @!p1 $0x0  }
.LBB2_16:
0x244: {  	[sflag:s14] =	ssyncadd.s32 @!p1 $0xFFFFF800;
	s0 =	smov.u32 s16;
	s16 =	sadd.s32 $0x400, s16  }
0x245: {  	p2 =	sne.s32 s16, $0x3C00  }
0x246: {  	_ =	swait.ge [sflag:s25], $0x2000  }
0x247: {  	s0 =	sshra.s32 s0, $0x2;
	[sflag:s25] =	ssyncset.done $0x0  }
0x248: {  	s2 =	sadd.s32 $0x2000, s0;
	[sflag:s25] =	ssyncadd.s32 $0xFFFFE000  }
0x249: {  	[spmem:s3] =	stream.indirect.scatter.add.f32 [tilespmem:s17], [sflag:$0x6], $0x40, s2, s21, $0xb8;
	[tilespmem:$0x1F000] =	vst v63  }
0x24a: {  	_ =	swait.ge [sflag:s26], $0x2000  }
0x24b: {  	[sflag:s26] =	ssyncset.done $0x0  }
0x24c: {  	s7 =	sadd.s32 $0x100, s0;
	[sflag:s26] =	ssyncadd.s32 $0xFFFFE000  }
0x24d: {  	[tilespmem:s17], [sflag:$0x1] =	stream.indirect.gather [spmem:s1], $0x40, s7, s21, $0xb8;
	[tilespmem:$0x1F000] =	vst v63  }
0x24e: {  	_ = 	snop  }
0x24f: {  	[spmem:s4] =	stream.indirect.scatter.add.f32 @!p0 [tilespmem:s9], [sflag:$0x6], $0x10, s2, s8, $0xb8;
	[tilespmem:$0x1F000] =	vst v63  }
0x250: {  	_ =	swait.ge @!p0 [sflag:s10], $0x800  }
0x251: {  	[sflag:s10] =	ssyncset.done @!p0 $0x0  }
0x252: {  	[sflag:s10] =	ssyncadd.s32 @!p0 $0xFFFFF800  }
0x253: {  	_ =	swait.ge [sflag:s28], $0x2000  }
0x254: {  	[sflag:s28] =	ssyncset.done $0x0  }
0x255: {  	s2 =	sadd.s32 $0x2080, s0;
	[sflag:s28] =	ssyncadd.s32 $0xFFFFE000  }
0x256: {  	[spmem:s3] =	stream.indirect.scatter.add.f32 [tilespmem:s22], [sflag:$0x6], $0x40, s2, s21, $0xb8;
	[tilespmem:$0x1F000] =	vst v63  }
0x257: {  	_ =	swait.ge [sflag:s26], $0x2000  }
0x258: {  	[sflag:s26] =	ssyncset.done $0x0  }
0x259: {  	s0 =	sadd.s32 $0x180, s0;
	[sflag:s26] =	ssyncadd.s32 $0xFFFFE000  }
0x25a: {  	[tilespmem:s22], [sflag:$0x2] =	stream.indirect.gather [hbm4b:s6+s21], $0x40, s0, s21, $0xb8;
	[tilespmem:$0x1F000] =	vst v63  }
.Ltmp7:
0x25b: {  	_ = 	snop;
	(pc) =	sbr.rel @p2 .LBB2_16-.Ltmp7, $4  }
0x25c: {  	_ = 	snop  }
0x25d: {  	[spmem:s4] =	stream.indirect.scatter.add.f32 @!p1 [tilespmem:s15], [sflag:$0x5], $0x10, s2, s11, $0xb8;
	[tilespmem:$0x1F000] =	vst v63  }
0x25e: {  	_ =	swait.ge @!p1 [sflag:s14], $0x800  }
0x25f: {  	[sflag:s14] =	ssyncset.done @!p1 $0x0  }
0x260: {  	[sflag:s14] =	ssyncadd.s32 @!p1 $0xFFFFF800  }
0x261: {  	_ =	swait.ge [sflag:s25], $0x2000  }
0x262: {  	[sflag:s25] =	ssyncset.done $0x0  }
0x263: {  	[sflag:s25] =	ssyncadd.s32 $0xFFFFE000  }
0x264: {  	[spmem:s3] =	stream.indirect.scatter.add.f32 [tilespmem:s17], [sflag:$0x5], $0x40, s29, s21, $0xb8;
	[tilespmem:$0x1F000] =	vst v63  }
0x265: {  	_ =	swait.ge [sflag:s18], $0x2000  }
0x266: {  	[sflag:s18] =	ssyncset.done $0x0  }
0x267: {  	s0 =	simm.s32 @p0 $0x2;
	[sflag:s18] =	ssyncadd.s32 $0xFFFFE000  }
0x268: {  	_ =	swait.ge @p0 [sflag:s0], $0x2000  }
0x269: {  	s2 =	simm.s32 @p0 $0x2F80;
	[sflag:s0] =	ssyncset.done @p0 $0x0  }
0x26a: {  	s7 =	simm.s32 @p0 $0x6000;
	[sflag:s0] =	ssyncadd.s32 @p0 $0xFFFFE000;
	s0 =	simm.s32 @p0 $0x80  }
0x26b: {  	[spmem:s3] =	stream.indirect.scatter.add.f32 @p0 [tilespmem:s7], [sflag:$0x5], $0x40, s2, s0, $0xb8;
	[tilespmem:$0x1F000] =	vst v63  }
0x26c: {  	s7 =	simm.s32 @p0 $0x5  }
0x26d: {  	_ =	swait.ge @p0 [sflag:s7], $0x2000  }
0x26e: {  	[sflag:s7] =	ssyncset.done @p0 $0x0  }
0x26f: {  	s10 =	simm.s32 @p0 $0x8000;
	[sflag:s7] =	ssyncadd.s32 @p0 $0xFFFFE000  }
0x270: {  	[spmem:s4] =	stream.indirect.scatter.add.f32 @p0 [tilespmem:s10], [sflag:$0x5], $0x10, s2, s0, $0xb8;
	[tilespmem:$0x1F000] =	vst v63  }
0x271: {  	_ =	swait.ge @p0 [sflag:s7], $0x800  }
0x272: {  	[sflag:s7] =	ssyncset.done @p0 $0x0  }
0x273: {  	s0 =	simm.s32 @!p0 $0x2F00;
	[sflag:s7] =	ssyncadd.s32 @p0 $0xFFFFF800  }
0x274: {  	[spmem:s4] =	stream.indirect.scatter.add.f32 @!p0 [tilespmem:s9], [sflag:$0x5], $0x10, s0, s8, $0xb8;
	[tilespmem:$0x1F000] =	vst v63  }
0x275: {  	s0 =	simm.s32 @!p0 $0x5  }
0x276: {  	_ =	swait.ge @!p0 [sflag:s0], $0x800  }
0x277: {  	[sflag:s0] =	ssyncset.done @!p0 $0x0  }
0x278: {  	s2 =	simm.s32 @!p0 $0x2;
	[sflag:s0] =	ssyncadd.s32 @!p0 $0xFFFFF800  }
0x279: {  	_ =	swait.ge @!p0 [sflag:s2], $0x2000  }
0x27a: {  	[sflag:s2] =	ssyncset.done @!p0 $0x0  }
0x27b: {  	s7 =	simm.s32 @!p0 $0x6000;
	[sflag:s2] =	ssyncadd.s32 @!p0 $0xFFFFE000;
	s2 =	simm.s32 @!p0 $0x2F80  }
0x27c: {  	[spmem:s3] =	stream.indirect.scatter.add.f32 @!p0 [tilespmem:s7], [sflag:$0x5], $0x40, s2, s8, $0xb8;
	[tilespmem:$0x1F000] =	vst v63  }
0x27d: {  	_ =	swait.ge @!p0 [sflag:s0], $0x2000  }
0x27e: {  	[sflag:s0] =	ssyncset.done @!p0 $0x0  }
0x27f: {  	s9 =	stileid.u32;
	[sflag:s0] =	ssyncadd.s32 @!p0 $0xFFFFE000  }
0x280: {  	s0 =	sshll.u32 s9, $0x6;
	[bflag:$0x0] =	sbarrier.arrive $0xFFFF  }
0x281: {  	s10 =	sshrl.u32 s12, $0x3;
	s0 =	sor.u32 $0x1C05, s0;
	s11 =	rddreg [dreg:$0x1d]  }
0x282: {  	[hbm:s11], [sflag:s0] =	dma.local [spmem:s10], $0x1400  }
0x283: {  	_ =	swait.ge [sflag:s18], $0x1400  }
0x284: {  	[sflag:s18] =	ssyncset.done $0x0  }
0x285: {  	s14 =	sshrl.u32 s13, $0x3;
	s15 =	rddreg [dreg:$0x1e];
	[sflag:s18] =	ssyncadd.s32 $0xFFFFEC00  }
0x286: {  	[hbm:s15], [sflag:s0] =	dma.local [spmem:s14], $0x500  }
0x287: {  	_ =	swait.ge [sflag:s18], $0x500  }
0x288: {  	s24 =	sadd.s32 $0x1, s24;
	s16 =	rddreg [dreg:$0x1f]  }
0x289: {  	p2 =	sne.s32 s24, s16  }
.Ltmp8:
0x28a: {  	_ = 	snop;
	(pc) =	sbr.rel @p2 .LBB2_1-.Ltmp8, $3  }
0x28b: {  	_ =	sdelay $0x1  }
0x28c: {  	[sflag:s18] =	ssyncset.done $0x0  }
0x28d: {  	[sflag:s18] =	ssyncadd.s32 $0xFFFFFB00  }
0x28e: {  	_ =	sfence.sel $0x180000  }
0x28f: {  	[bflag:$0x0] =	sbarrier.arrive $0xFFFF  }
0x290: {  	_ =	strace $0x90000047  }
0x291: {  	s0 =	stileid.u32;
	[bflag:$0x2] =	sbarrier.arrive $0xFFFF  }
0x292: {  	p0 =	sne.s32 s0, $0x0;
	s0 =	rddreg [dreg:$0x4]  }
0x293: {  	s0 =	sadd.s32 @!p0 $0x100000, s0  }
0x294: {  	[sflag:s0] =	ssyncadd.tile.s32 @!p0 $0x1;
	_ =	shalt  }
.Lfunc_end2:
_tile_overlayer_lowered:
.L_overlay_start_2:
0x295: {  	(tag) =	ssettag $0x2  }
0x296: {  	s0 =	rddreg [dreg:$0x0];
	s2 =	stileid.u32  }
0x297: {  	s1 =	rddreg [dreg:$0x1];
	p0 =	sne.s32 s2, $0x0  }
0x298: {  	s3 =	rddreg [dreg:$0x2];
	[bflag:$0x3] =	sbarrier.arrive $0xFFFF;
	s2 =	simm.s32 @!p0 $0x1C05  }
0x299: {  	[timem:s3], [sflag:s2] =	dma.local @!p0 [hbm:s0], s1  }
0x29a: {  	s0 =	simm.s32 @!p0 $0x5  }
0x29b: {  	_ =	swait.ge @!p0 [sflag:s0], s1  }
0x29c: {  	s1 =	ssub.s32 @!p0 $0x0, s1;
	[sflag:s0] =	ssyncset.done @!p0 $0x0  }
0x29d: {  	[sflag:s0] =	ssyncadd.s32 @!p0 s1  }
0x29e: {  	[bflag:$0x3] =	sbarrier.arrive $0xFFFF  }
0x29f: {  	_ =	shalt  }

</sc_bundles>
